<compile_context>
chip_gen: v7x
topology: tpu7x:2x2x1
jax: 0.10.2.dev20260603
libtpu: 0.0.44.dev20260713+nightly
codegen_flags: <defaults>
</compile_context>

<pallas_src>
import functools

import jax
import jax.numpy as jnp
from jax import lax
from jax.experimental import pallas as pl
from jax.experimental.pallas import tpu as pltpu
from jax.experimental.pallas import tpu_sc as plsc

NUM_USER = 1000000
NUM_ITEM = 1000000
EMB_DIM = 64
HIDDEN_DIM = 128
BATCH = 16384

NC = 2
NS = 16
NW = NC * NS
B_PER_W = BATCH // NW
S = 8
NGRP = B_PER_W // S
HB = B_PER_W // 2
HGRP = NGRP // 2
IDX_PAD = B_PER_W + 16


def _sc_gather_body(u_hbm, v_hbm, U_hbm, V_hbm, ue_hbm, ve_hbm,
                    uidx, vidx, ubuf, vbuf, sems_u, sems_v, sem_i):
    wid = lax.axis_index("s") * NC + lax.axis_index("c")
    base = wid * B_PER_W
    cp_u = pltpu.async_copy(u_hbm.at[pl.ds(base, B_PER_W)],
                            uidx.at[pl.ds(0, B_PER_W)], sem_i)
    cp_v = pltpu.async_copy(v_hbm.at[pl.ds(base, B_PER_W)],
                            vidx.at[pl.ds(0, B_PER_W)], sem_i)
    cp_u.wait()
    cp_v.wait()

    def enqueue(g):
        uvec = uidx[pl.ds(g * S, 16)]
        vvec = vidx[pl.ds(g * S, 16)]
        for k in range(S):
            i = (g % HGRP) * S + k
            pltpu.async_copy(U_hbm.at[pl.ds(uvec[k], 1)],
                             ubuf.at[pl.ds(i, 1)], sems_u.at[k])
            pltpu.async_copy(V_hbm.at[pl.ds(vvec[k], 1)],
                             vbuf.at[pl.ds(i, 1)], sems_v.at[k])

    def drain_one():
        for k in range(S):
            pltpu.make_async_copy(U_hbm.at[pl.ds(0, 1)],
                                  ubuf.at[pl.ds(0, 1)],
                                  sems_u.at[k]).wait()
            pltpu.make_async_copy(V_hbm.at[pl.ds(0, 1)],
                                  vbuf.at[pl.ds(0, 1)],
                                  sems_v.at[k]).wait()

    for h in range(2):
        enqueue(h * HGRP)

        def step(g, carry):
            drain_one()
            enqueue(g)
            return carry

        lax.fori_loop(h * HGRP + 1, (h + 1) * HGRP, step, 0)
        drain_one()
        pltpu.sync_copy(ubuf, ue_hbm.at[pl.ds(base + h * HB, HB)])
        pltpu.sync_copy(vbuf, ve_hbm.at[pl.ds(base + h * HB, HB)])


_sc_gather = functools.partial(
    pl.kernel,
    out_type=(
        jax.ShapeDtypeStruct((BATCH, EMB_DIM), jnp.float32),
        jax.ShapeDtypeStruct((BATCH, EMB_DIM), jnp.float32),
    ),
    mesh=plsc.VectorSubcoreMesh(
        core_axis_name="c", subcore_axis_name="s",
        num_cores=NC, num_subcores=NS,
    ),
    scratch_types=[
        pltpu.VMEM((IDX_PAD,), jnp.int32),
        pltpu.VMEM((IDX_PAD,), jnp.int32),
        pltpu.VMEM((HB, EMB_DIM), jnp.float32),
        pltpu.VMEM((HB, EMB_DIM), jnp.float32),
        pltpu.SemaphoreType.DMA((S,)),
        pltpu.SemaphoreType.DMA((S,)),
        pltpu.SemaphoreType.DMA,
    ],
)(_sc_gather_body)


def _mlp_body(ue_ref, ve_ref, w1a_ref, w1b_ref, b1_ref, w2_ref, b2_ref, out_ref):
    h = jnp.dot(ue_ref[...], w1a_ref[...], preferred_element_type=jnp.float32)
    h = h + jnp.dot(ve_ref[...], w1b_ref[...], preferred_element_type=jnp.float32)
    h = jnp.maximum(h + b1_ref[...], 0.0)
    o = jnp.dot(h, w2_ref[...], preferred_element_type=jnp.float32) + b2_ref[...]
    out_ref[...] = jax.nn.sigmoid(o) * 4.0 + 1.0


BM = 2048


def _mlp(ue, ve, w1a, w1b, b1, w2, b2):
    grid = BATCH // BM
    return pl.pallas_call(
        _mlp_body,
        grid=(grid,),
        in_specs=[
            pl.BlockSpec((BM, EMB_DIM), lambda i: (i, 0)),
            pl.BlockSpec((BM, EMB_DIM), lambda i: (i, 0)),
            pl.BlockSpec((EMB_DIM, HIDDEN_DIM), lambda i: (0, 0)),
            pl.BlockSpec((EMB_DIM, HIDDEN_DIM), lambda i: (0, 0)),
            pl.BlockSpec((1, HIDDEN_DIM), lambda i: (0, 0)),
            pl.BlockSpec((HIDDEN_DIM, 1), lambda i: (0, 0)),
            pl.BlockSpec((1, 1), lambda i: (0, 0)),
        ],
        out_specs=pl.BlockSpec((BM, 1), lambda i: (i, 0)),
        out_shape=jax.ShapeDtypeStruct((BATCH, 1), jnp.float32),
    )(ue, ve, w1a, w1b, b1, w2, b2)


def kernel(u, v, U_emb, V_emb, W1, b1, W2, b2):
    ue, ve = _sc_gather(u.astype(jnp.int32), v.astype(jnp.int32),
                        U_emb, V_emb)
    return _mlp(ue, ve, W1[:EMB_DIM], W1[EMB_DIM:], b1.reshape(1, HIDDEN_DIM),
                W2, b2.reshape(1, 1))

# --- scband reference (transcript-rebuilt; emitter-appended) ---
"""Pipeline reference for scband-nmf-38482906972824 (READ-ONLY COPY).

The authoritative reference and input builder live on the scoring server;
editing this copy changes nothing except your own understanding.
"""

import jax, jax.numpy as jnp
import numpy as np

NUM_USER = 1000000
NUM_ITEM = 1000000
EMB_DIM = 64
HIDDEN_DIM = 128
BATCH = 16384


def setup_inputs(seed: int = 0) -> dict:
    key = jax.random.key(seed)
    k1, k2, k3, k4, k5, k6, k7, k8 = jax.random.split(key, 8)
    u = jax.random.randint(k1, (BATCH,), 0, NUM_USER, dtype=jnp.int64 if jax.config.jax_enable_x64 else jnp.int32)
    v = jax.random.randint(k2, (BATCH,), 0, NUM_ITEM, dtype=jnp.int64 if jax.config.jax_enable_x64 else jnp.int32)
    U_emb = jax.random.normal(k3, (NUM_USER, EMB_DIM), dtype=jnp.float32) * 0.05
    V_emb = jax.random.normal(k4, (NUM_ITEM, EMB_DIM), dtype=jnp.float32) * 0.05
    lim1 = 1.0 / np.sqrt(2 * EMB_DIM)
    W1 = jax.random.uniform(k5, (2 * EMB_DIM, HIDDEN_DIM), minval=-lim1, maxval=lim1, dtype=jnp.float32)
    b1 = jax.random.uniform(k6, (HIDDEN_DIM,), minval=-lim1, maxval=lim1, dtype=jnp.float32)
    lim2 = 1.0 / np.sqrt(HIDDEN_DIM)
    W2 = jax.random.uniform(k7, (HIDDEN_DIM, 1), minval=-lim2, maxval=lim2, dtype=jnp.float32)
    b2 = jax.random.uniform(k8, (1,), minval=-lim2, maxval=lim2, dtype=jnp.float32)
    return {"u": u, "v": v, "U_emb": U_emb, "V_emb": V_emb, "W1": W1, "b1": b1, "W2": W2, "b2": b2}


def reference(u, v, U_emb, V_emb, W1, b1, W2, b2):
    ue = jnp.take(U_emb, u, axis=0)          # [B, emb_dim] embedding lookup
    ve = jnp.take(V_emb, v, axis=0)          # [B, emb_dim] embedding lookup
    x = jnp.concatenate((ue, ve), axis=1)    # [B, 2*emb_dim]
    h = jax.nn.relu(x @ W1 + b1)             # [B, hidden_dim]
    h = h @ W2 + b2                          # [B, 1]
    return jax.nn.sigmoid(h) * 4.0 + 1.0

if __name__ == "__main__":
    import jax
    _d = setup_inputs()
    print(jax.jit(kernel)(*tuple(_d.values())))

</pallas_src>

<mosaic_0001>
#map = affine_map<(d0, d1) -> (0)>
#map1 = affine_map<(d0, d1) -> (0, 0)>
module attributes {stable_mosaic.version = 14 : i64} {
  func.func @_sc_gather_body(%arg0: i32, %arg1: i32, %arg2: memref<16384xi32, #tpu.memory_space<hbm>>, %arg3: memref<16384xi32, #tpu.memory_space<hbm>>, %arg4: memref<1000000x64xf32, #tpu.memory_space<hbm>>, %arg5: memref<1000000x64xf32, #tpu.memory_space<hbm>>, %arg6: memref<16384x64xf32, #tpu.memory_space<hbm>>, %arg7: memref<16384x64xf32, #tpu.memory_space<hbm>>, %arg8: memref<528xi32, #tpu.memory_space<vmem>>, %arg9: memref<528xi32, #tpu.memory_space<vmem>>, %arg10: memref<256x64xf32, #tpu.memory_space<vmem>>, %arg11: memref<256x64xf32, #tpu.memory_space<vmem>>, %arg12: memref<8x!tpu.dma_semaphore, #tpu.memory_space<semaphore_mem>>, %arg13: memref<8x!tpu.dma_semaphore, #tpu.memory_space<semaphore_mem>>, %arg14: memref<!tpu.dma_semaphore, #tpu.memory_space<semaphore_mem>>) attributes {dimension_semantics = [#tpu.dimension_semantics<core_parallel>, #tpu.dimension_semantics<subcore_parallel>], iteration_bounds = array<i64: 2, 16>, scalar_prefetch = 0 : i64, scratch_operands = 7 : i64, tpu.core_type = #tpu.core_type<sc_vector_subcore>, window_params = [{transform_indices = #map}, {transform_indices = #map}, {transform_indices = #map1}, {transform_indices = #map1}, {transform_indices = #map1}, {transform_indices = #map1}]} {
    %mul3A = arith.constant 2 : i32
    %mul3A_0 = arith.muli %arg1, %mul3A : i32
    %add3A = arith.addi %mul3A_0, %arg0 : i32
    %mul3A_1 = arith.constant 512 : i32
    %mul3A_2 = arith.muli %add3A, %mul3A_1 : i32
    %dma_start3A = arith.constant 0 : i32
    %dma_start3A_3 = tpu.memref_slice %arg8[%dma_start3A] : memref<528xi32, #tpu.memory_space<vmem>> -> memref<512xi32, #tpu.memory_space<vmem>>
    %dma_start3A_4 = tpu.memref_slice %arg2[%mul3A_2] : memref<16384xi32, #tpu.memory_space<hbm>> -> memref<512xi32, #tpu.memory_space<hbm>>
    %dma_start3A_5 = arith.constant 0 : i32
    %dma_start3A_6 = tpu.memref_slice %arg8[%dma_start3A_5] : memref<528xi32, #tpu.memory_space<vmem>> -> memref<512xi32, #tpu.memory_space<vmem>>
    %dma_start3A_7 = tpu.memref_slice %arg2[%mul3A_2] : memref<16384xi32, #tpu.memory_space<hbm>> -> memref<512xi32, #tpu.memory_space<hbm>>
    tpu.enqueue_dma source(%dma_start3A_7 : memref<512xi32, #tpu.memory_space<hbm>>) target(%dma_start3A_6 : memref<512xi32, #tpu.memory_space<vmem>>) target_semaphore(%arg14 : memref<!tpu.dma_semaphore, #tpu.memory_space<semaphore_mem>>)
    %dma_start3A_8 = arith.constant 0 : i32
    %dma_start3A_9 = tpu.memref_slice %arg9[%dma_start3A_8] : memref<528xi32, #tpu.memory_space<vmem>> -> memref<512xi32, #tpu.memory_space<vmem>>
    %dma_start3A_10 = tpu.memref_slice %arg3[%mul3A_2] : memref<16384xi32, #tpu.memory_space<hbm>> -> memref<512xi32, #tpu.memory_space<hbm>>
    %dma_start3A_11 = arith.constant 0 : i32
    %dma_start3A_12 = tpu.memref_slice %arg9[%dma_start3A_11] : memref<528xi32, #tpu.memory_space<vmem>> -> memref<512xi32, #tpu.memory_space<vmem>>
    %dma_start3A_13 = tpu.memref_slice %arg3[%mul3A_2] : memref<16384xi32, #tpu.memory_space<hbm>> -> memref<512xi32, #tpu.memory_space<hbm>>
    tpu.enqueue_dma source(%dma_start3A_13 : memref<512xi32, #tpu.memory_space<hbm>>) target(%dma_start3A_12 : memref<512xi32, #tpu.memory_space<vmem>>) target_semaphore(%arg14 : memref<!tpu.dma_semaphore, #tpu.memory_space<semaphore_mem>>)
    %dma_wait3A = arith.constant 0 : i32
    %dma_wait3A_14 = tpu.memref_slice %arg8[%dma_wait3A] : memref<528xi32, #tpu.memory_space<vmem>> -> memref<512xi32, #tpu.memory_space<vmem>>
    %dma_wait3A_15 = tpu.memref_slice %arg2[%mul3A_2] : memref<16384xi32, #tpu.memory_space<hbm>> -> memref<512xi32, #tpu.memory_space<hbm>>
    %dma_wait3A_16 = arith.constant 0 : i32
    %dma_wait3A_17 = tpu.memref_slice %arg8[%dma_wait3A_16] : memref<528xi32, #tpu.memory_space<vmem>> -> memref<512xi32, #tpu.memory_space<vmem>>
    %dma_wait3A_18 = tpu.memref_slice %arg2[%mul3A_2] : memref<16384xi32, #tpu.memory_space<hbm>> -> memref<512xi32, #tpu.memory_space<hbm>>
    tpu.wait_dma2 semaphore(%arg14 : memref<!tpu.dma_semaphore, #tpu.memory_space<semaphore_mem>>) src(%dma_wait3A_18 : memref<512xi32, #tpu.memory_space<hbm>>) dst(%dma_wait3A_17 : memref<512xi32, #tpu.memory_space<vmem>>)
    %dma_wait3A_19 = arith.constant 0 : i32
    %dma_wait3A_20 = tpu.memref_slice %arg9[%dma_wait3A_19] : memref<528xi32, #tpu.memory_space<vmem>> -> memref<512xi32, #tpu.memory_space<vmem>>
    %dma_wait3A_21 = tpu.memref_slice %arg3[%mul3A_2] : memref<16384xi32, #tpu.memory_space<hbm>> -> memref<512xi32, #tpu.memory_space<hbm>>
    %dma_wait3A_22 = arith.constant 0 : i32
    %dma_wait3A_23 = tpu.memref_slice %arg9[%dma_wait3A_22] : memref<528xi32, #tpu.memory_space<vmem>> -> memref<512xi32, #tpu.memory_space<vmem>>
    %dma_wait3A_24 = tpu.memref_slice %arg3[%mul3A_2] : memref<16384xi32, #tpu.memory_space<hbm>> -> memref<512xi32, #tpu.memory_space<hbm>>
    tpu.wait_dma2 semaphore(%arg14 : memref<!tpu.dma_semaphore, #tpu.memory_space<semaphore_mem>>) src(%dma_wait3A_24 : memref<512xi32, #tpu.memory_space<hbm>>) dst(%dma_wait3A_23 : memref<512xi32, #tpu.memory_space<vmem>>)
    %get3A = arith.constant 0 : index
    %get3A_25 = tpu.vector_load %arg8[%get3A] {strides = array<i32>} : memref<528xi32, #tpu.memory_space<vmem>>, vector<16xi32>,
    %get3A_26 = vector.shape_cast %get3A_25 : vector<16xi32> to vector<16xi32>
    %get3A_27 = arith.constant 0 : index
    %get3A_28 = tpu.vector_load %arg9[%get3A_27] {strides = array<i32>} : memref<528xi32, #tpu.memory_space<vmem>>, vector<16xi32>,
    %get3A_29 = vector.shape_cast %get3A_28 : vector<16xi32> to vector<16xi32>
    %slice3A = vector.extract_strided_slice %get3A_26 {offsets = [0], sizes = [1], strides = [1]} : vector<16xi32> to vector<1xi32>
    %squeeze3A = vector.extract %slice3A[0] : i32 from vector<1xi32>
    %dma_start3A_30 = arith.constant 0 : i32
    %dma_start3A_31 = arith.constant 0 : i32
    %dma_start3A_32 = arith.constant 0 : i32
    %dma_start3A_33 = tpu.memref_slice %arg10[%dma_start3A_31, %dma_start3A_32] : memref<256x64xf32, #tpu.memory_space<vmem>> -> memref<1x64xf32, #tpu.memory_space<vmem>>
    %dma_start3A_34 = arith.constant 0 : i32
    %dma_start3A_35 = tpu.memref_slice %arg4[%squeeze3A, %dma_start3A_34] : memref<1000000x64xf32, #tpu.memory_space<hbm>> -> memref<1x64xf32, #tpu.memory_space<hbm>>
    %dma_start3A_36 = tpu.memref_slice %arg12[%dma_start3A_30] : memref<8x!tpu.dma_semaphore, #tpu.memory_space<semaphore_mem>> -> memref<1x!tpu.dma_semaphore, #tpu.memory_space<semaphore_mem>>
    %dma_start3A_37 = tpu.memref_squeeze %dma_start3A_36 : memref<1x!tpu.dma_semaphore, #tpu.memory_space<semaphore_mem>> -> memref<!tpu.dma_semaphore, #tpu.memory_space<semaphore_mem>>
    %dma_start3A_38 = arith.constant 0 : i32
    %dma_start3A_39 = arith.constant 0 : i32
    %dma_start3A_40 = tpu.memref_slice %arg10[%dma_start3A_38, %dma_start3A_39] : memref<256x64xf32, #tpu.memory_space<vmem>> -> memref<1x64xf32, #tpu.memory_space<vmem>>
    %dma_start3A_41 = arith.constant 0 : i32
    %dma_start3A_42 = tpu.memref_slice %arg4[%squeeze3A, %dma_start3A_41] : memref<1000000x64xf32, #tpu.memory_space<hbm>> -> memref<1x64xf32, #tpu.memory_space<hbm>>
    tpu.enqueue_dma source(%dma_start3A_42 : memref<1x64xf32, #tpu.memory_space<hbm>>) target(%dma_start3A_40 : memref<1x64xf32, #tpu.memory_space<vmem>>) target_semaphore(%dma_start3A_37 : memref<!tpu.dma_semaphore, #tpu.memory_space<semaphore_mem>>)
    %slice3A_43 = vector.extract_strided_slice %get3A_29 {offsets = [0], sizes = [1], strides = [1]} : vector<16xi32> to vector<1xi32>
    %squeeze3A_44 = vector.extract %slice3A_43[0] : i32 from vector<1xi32>
    %dma_start3A_45 = arith.constant 0 : i32
    %dma_start3A_46 = arith.constant 0 : i32
    %dma_start3A_47 = arith.constant 0 : i32
    %dma_start3A_48 = tpu.memref_slice %arg11[%dma_start3A_46, %dma_start3A_47] : memref<256x64xf32, #tpu.memory_space<vmem>> -> memref<1x64xf32, #tpu.memory_space<vmem>>
    %dma_start3A_49 = arith.constant 0 : i32
    %dma_start3A_50 = tpu.memref_slice %arg5[%squeeze3A_44, %dma_start3A_49] : memref<1000000x64xf32, #tpu.memory_space<hbm>> -> memref<1x64xf32, #tpu.memory_space<hbm>>
    %dma_start3A_51 = tpu.memref_slice %arg13[%dma_start3A_45] : memref<8x!tpu.dma_semaphore, #tpu.memory_space<semaphore_mem>> -> memref<1x!tpu.dma_semaphore, #tpu.memory_space<semaphore_mem>>
    %dma_start3A_52 = tpu.memref_squeeze %dma_start3A_51 : memref<1x!tpu.dma_semaphore, #tpu.memory_space<semaphore_mem>> -> memref<!tpu.dma_semaphore, #tpu.memory_space<semaphore_mem>>
    %dma_start3A_53 = arith.constant 0 : i32
    %dma_start3A_54 = arith.constant 0 : i32
    %dma_start3A_55 = tpu.memref_slice %arg11[%dma_start3A_53, %dma_start3A_54] : memref<256x64xf32, #tpu.memory_space<vmem>> -> memref<1x64xf32, #tpu.memory_space<vmem>>
    %dma_start3A_56 = arith.constant 0 : i32
    %dma_start3A_57 = tpu.memref_slice %arg5[%squeeze3A_44, %dma_start3A_56] : memref<1000000x64xf32, #tpu.memory_space<hbm>> -> memref<1x64xf32, #tpu.memory_space<hbm>>
    tpu.enqueue_dma source(%dma_start3A_57 : memref<1x64xf32, #tpu.memory_space<hbm>>) target(%dma_start3A_55 : memref<1x64xf32, #tpu.memory_space<vmem>>) target_semaphore(%dma_start3A_52 : memref<!tpu.dma_semaphore, #tpu.memory_space<semaphore_mem>>)
    %slice3A_58 = vector.extract_strided_slice %get3A_26 {offsets = [1], sizes = [1], strides = [1]} : vector<16xi32> to vector<1xi32>
    %squeeze3A_59 = vector.extract %slice3A_58[0] : i32 from vector<1xi32>
    %dma_start3A_60 = arith.constant 1 : i32
    %dma_start3A_61 = arith.constant 1 : i32
    %dma_start3A_62 = arith.constant 0 : i32
    %dma_start3A_63 = tpu.memref_slice %arg10[%dma_start3A_61, %dma_start3A_62] : memref<256x64xf32, #tpu.memory_space<vmem>> -> memref<1x64xf32, #tpu.memory_space<vmem>>
    %dma_start3A_64 = arith.constant 0 : i32
    %dma_start3A_65 = tpu.memref_slice %arg4[%squeeze3A_59, %dma_start3A_64] : memref<1000000x64xf32, #tpu.memory_space<hbm>> -> memref<1x64xf32, #tpu.memory_space<hbm>>
    %dma_start3A_66 = tpu.memref_slice %arg12[%dma_start3A_60] : memref<8x!tpu.dma_semaphore, #tpu.memory_space<semaphore_mem>> -> memref<1x!tpu.dma_semaphore, #tpu.memory_space<semaphore_mem>>
    %dma_start3A_67 = tpu.memref_squeeze %dma_start3A_66 : memref<1x!tpu.dma_semaphore, #tpu.memory_space<semaphore_mem>> -> memref<!tpu.dma_semaphore, #tpu.memory_space<semaphore_mem>>
    %dma_start3A_68 = arith.constant 1 : i32
    %dma_start3A_69 = arith.constant 0 : i32
    %dma_start3A_70 = tpu.memref_slice %arg10[%dma_start3A_68, %dma_start3A_69] : memref<256x64xf32, #tpu.memory_space<vmem>> -> memref<1x64xf32, #tpu.memory_space<vmem>>
    %dma_start3A_71 = arith.constant 0 : i32
    %dma_start3A_72 = tpu.memref_slice %arg4[%squeeze3A_59, %dma_start3A_71] : memref<1000000x64xf32, #tpu.memory_space<hbm>> -> memref<1x64xf32, #tpu.memory_space<hbm>>
    tpu.enqueue_dma source(%dma_start3A_72 : memref<1x64xf32, #tpu.memory_space<hbm>>) target(%dma_start3A_70 : memref<1x64xf32, #tpu.memory_space<vmem>>) target_semaphore(%dma_start3A_67 : memref<!tpu.dma_semaphore, #tpu.memory_space<semaphore_mem>>)
    %slice3A_73 = vector.extract_strided_slice %get3A_29 {offsets = [1], sizes = [1], strides = [1]} : vector<16xi32> to vector<1xi32>
    %squeeze3A_74 = vector.extract %slice3A_73[0] : i32 from vector<1xi32>
    %dma_start3A_75 = arith.constant 1 : i32
    %dma_start3A_76 = arith.constant 1 : i32
    %dma_start3A_77 = arith.constant 0 : i32
    %dma_start3A_78 = tpu.memref_slice %arg11[%dma_start3A_76, %dma_start3A_77] : memref<256x64xf32, #tpu.memory_space<vmem>> -> memref<1x64xf32, #tpu.memory_space<vmem>>
    %dma_start3A_79 = arith.constant 0 : i32
    %dma_start3A_80 = tpu.memref_slice %arg5[%squeeze3A_74, %dma_start3A_79] : memref<1000000x64xf32, #tpu.memory_space<hbm>> -> memref<1x64xf32, #tpu.memory_space<hbm>>
    %dma_start3A_81 = tpu.memref_slice %arg13[%dma_start3A_75] : memref<8x!tpu.dma_semaphore, #tpu.memory_space<semaphore_mem>> -> memref<1x!tpu.dma_semaphore, #tpu.memory_space<semaphore_mem>>
    %dma_start3A_82 = tpu.memref_squeeze %dma_start3A_81 : memref<1x!tpu.dma_semaphore, #tpu.memory_space<semaphore_mem>> -> memref<!tpu.dma_semaphore, #tpu.memory_space<semaphore_mem>>
    %dma_start3A_83 = arith.constant 1 : i32
    %dma_start3A_84 = arith.constant 0 : i32
    %dma_start3A_85 = tpu.memref_slice %arg11[%dma_start3A_83, %dma_start3A_84] : memref<256x64xf32, #tpu.memory_space<vmem>> -> memref<1x64xf32, #tpu.memory_space<vmem>>
    %dma_start3A_86 = arith.constant 0 : i32
    %dma_start3A_87 = tpu.memref_slice %arg5[%squeeze3A_74, %dma_start3A_86] : memref<1000000x64xf32, #tpu.memory_space<hbm>> -> memref<1x64xf32, #tpu.memory_space<hbm>>
    tpu.enqueue_dma source(%dma_start3A_87 : memref<1x64xf32, #tpu.memory_space<hbm>>) target(%dma_start3A_85 : memref<1x64xf32, #tpu.memory_space<vmem>>) target_semaphore(%dma_start3A_82 : memref<!tpu.dma_semaphore, #tpu.memory_space<semaphore_mem>>)
    %slice3A_88 = vector.extract_strided_slice %get3A_26 {offsets = [2], sizes = [1], strides = [1]} : vector<16xi32> to vector<1xi32>
    %squeeze3A_89 = vector.extract %slice3A_88[0] : i32 from vector<1xi32>
    %dma_start3A_90 = arith.constant 2 : i32
    %dma_start3A_91 = arith.constant 2 : i32
    %dma_start3A_92 = arith.constant 0 : i32
    %dma_start3A_93 = tpu.memref_slice %arg10[%dma_start3A_91, %dma_start3A_92] : memref<256x64xf32, #tpu.memory_space<vmem>> -> memref<1x64xf32, #tpu.memory_space<vmem>>
    %dma_start3A_94 = arith.constant 0 : i32
    %dma_start3A_95 = tpu.memref_slice %arg4[%squeeze3A_89, %dma_start3A_94] : memref<1000000x64xf32, #tpu.memory_space<hbm>> -> memref<1x64xf32, #tpu.memory_space<hbm>>
    %dma_start3A_96 = tpu.memref_slice %arg12[%dma_start3A_90] : memref<8x!tpu.dma_semaphore, #tpu.memory_space<semaphore_mem>> -> memref<1x!tpu.dma_semaphore, #tpu.memory_space<semaphore_mem>>
    %dma_start3A_97 = tpu.memref_squeeze %dma_start3A_96 : memref<1x!tpu.dma_semaphore, #tpu.memory_space<semaphore_mem>> -> memref<!tpu.dma_semaphore, #tpu.memory_space<semaphore_mem>>
    %dma_start3A_98 = arith.constant 2 : i32
    %dma_start3A_99 = arith.constant 0 : i32
    %dma_start3A_100 = tpu.memref_slice %arg10[%dma_start3A_98, %dma_start3A_99] : memref<256x64xf32, #tpu.memory_space<vmem>> -> memref<1x64xf32, #tpu.memory_space<vmem>>
    %dma_start3A_101 = arith.constant 0 : i32
    %dma_start3A_102 = tpu.memref_slice %arg4[%squeeze3A_89, %dma_start3A_101] : memref<1000000x64xf32, #tpu.memory_space<hbm>> -> memref<1x64xf32, #tpu.memory_space<hbm>>
    tpu.enqueue_dma source(%dma_start3A_102 : memref<1x64xf32, #tpu.memory_space<hbm>>) target(%dma_start3A_100 : memref<1x64xf32, #tpu.memory_space<vmem>>) target_semaphore(%dma_start3A_97 : memref<!tpu.dma_semaphore, #tpu.memory_space<semaphore_mem>>)
    %slice3A_103 = vector.extract_strided_slice %get3A_29 {offsets = [2], sizes = [1], strides = [1]} : vector<16xi32> to vector<1xi32>
    %squeeze3A_104 = vector.extract %slice3A_103[0] : i32 from vector<1xi32>
    %dma_start3A_105 = arith.constant 2 : i32
    %dma_start3A_106 = arith.constant 2 : i32
    %dma_start3A_107 = arith.constant 0 : i32
    %dma_start3A_108 = tpu.memref_slice %arg11[%dma_start3A_106, %dma_start3A_107] : memref<256x64xf32, #tpu.memory_space<vmem>> -> memref<1x64xf32, #tpu.memory_space<vmem>>
    %dma_start3A_109 = arith.constant 0 : i32
    %dma_start3A_110 = tpu.memref_slice %arg5[%squeeze3A_104, %dma_start3A_109] : memref<1000000x64xf32, #tpu.memory_space<hbm>> -> memref<1x64xf32, #tpu.memory_space<hbm>>
    %dma_start3A_111 = tpu.memref_slice %arg13[%dma_start3A_105] : memref<8x!tpu.dma_semaphore, #tpu.memory_space<semaphore_mem>> -> memref<1x!tpu.dma_semaphore, #tpu.memory_space<semaphore_mem>>
    %dma_start3A_112 = tpu.memref_squeeze %dma_start3A_111 : memref<1x!tpu.dma_semaphore, #tpu.memory_space<semaphore_mem>> -> memref<!tpu.dma_semaphore, #tpu.memory_space<semaphore_mem>>
    %dma_start3A_113 = arith.constant 2 : i32
    %dma_start3A_114 = arith.constant 0 : i32
    %dma_start3A_115 = tpu.memref_slice %arg11[%dma_start3A_113, %dma_start3A_114] : memref<256x64xf32, #tpu.memory_space<vmem>> -> memref<1x64xf32, #tpu.memory_space<vmem>>
    %dma_start3A_116 = arith.constant 0 : i32
    %dma_start3A_117 = tpu.memref_slice %arg5[%squeeze3A_104, %dma_start3A_116] : memref<1000000x64xf32, #tpu.memory_space<hbm>> -> memref<1x64xf32, #tpu.memory_space<hbm>>
    tpu.enqueue_dma source(%dma_start3A_117 : memref<1x64xf32, #tpu.memory_space<hbm>>) target(%dma_start3A_115 : memref<1x64xf32, #tpu.memory_space<vmem>>) target_semaphore(%dma_start3A_112 : memref<!tpu.dma_semaphore, #tpu.memory_space<semaphore_mem>>)
    %slice3A_118 = vector.extract_strided_slice %get3A_26 {offsets = [3], sizes = [1], strides = [1]} : vector<16xi32> to vector<1xi32>
    %squeeze3A_119 = vector.extract %slice3A_118[0] : i32 from vector<1xi32>
    %dma_start3A_120 = arith.constant 3 : i32
    %dma_start3A_121 = arith.constant 3 : i32
    %dma_start3A_122 = arith.constant 0 : i32
    %dma_start3A_123 = tpu.memref_slice %arg10[%dma_start3A_121, %dma_start3A_122] : memref<256x64xf32, #tpu.memory_space<vmem>> -> memref<1x64xf32, #tpu.memory_space<vmem>>
    %dma_start3A_124 = arith.constant 0 : i32
    %dma_start3A_125 = tpu.memref_slice %arg4[%squeeze3A_119, %dma_start3A_124] : memref<1000000x64xf32, #tpu.memory_space<hbm>> -> memref<1x64xf32, #tpu.memory_space<hbm>>
    %dma_start3A_126 = tpu.memref_slice %arg12[%dma_start3A_120] : memref<8x!tpu.dma_semaphore, #tpu.memory_space<semaphore_mem>> -> memref<1x!tpu.dma_semaphore, #tpu.memory_space<semaphore_mem>>
    %dma_start3A_127 = tpu.memref_squeeze %dma_start3A_126 : memref<1x!tpu.dma_semaphore, #tpu.memory_space<semaphore_mem>> -> memref<!tpu.dma_semaphore, #tpu.memory_space<semaphore_mem>>
    %dma_start3A_128 = arith.constant 3 : i32
    %dma_start3A_129 = arith.constant 0 : i32
    %dma_start3A_130 = tpu.memref_slice %arg10[%dma_start3A_128, %dma_start3A_129] : memref<256x64xf32, #tpu.memory_space<vmem>> -> memref<1x64xf32, #tpu.memory_space<vmem>>
    %dma_start3A_131 = arith.constant 0 : i32
    %dma_start3A_132 = tpu.memref_slice %arg4[%squeeze3A_119, %dma_start3A_131] : memref<1000000x64xf32, #tpu.memory_space<hbm>> -> memref<1x64xf32, #tpu.memory_space<hbm>>
    tpu.enqueue_dma source(%dma_start3A_132 : memref<1x64xf32, #tpu.memory_space<hbm>>) target(%dma_start3A_130 : memref<1x64xf32, #tpu.memory_space<vmem>>) target_semaphore(%dma_start3A_127 : memref<!tpu.dma_semaphore, #tpu.memory_space<semaphore_mem>>)
    %slice3A_133 = vector.extract_strided_slice %get3A_29 {offsets = [3], sizes = [1], strides = [1]} : vector<16xi32> to vector<1xi32>
    %squeeze3A_134 = vector.extract %slice3A_133[0] : i32 from vector<1xi32>
    %dma_start3A_135 = arith.constant 3 : i32
    %dma_start3A_136 = arith.constant 3 : i32
    %dma_start3A_137 = arith.constant 0 : i32
    %dma_start3A_138 = tpu.memref_slice %arg11[%dma_start3A_136, %dma_start3A_137] : memref<256x64xf32, #tpu.memory_space<vmem>> -> memref<1x64xf32, #tpu.memory_space<vmem>>
    %dma_start3A_139 = arith.constant 0 : i32
    %dma_start3A_140 = tpu.memref_slice %arg5[%squeeze3A_134, %dma_start3A_139] : memref<1000000x64xf32, #tpu.memory_space<hbm>> -> memref<1x64xf32, #tpu.memory_space<hbm>>
    %dma_start3A_141 = tpu.memref_slice %arg13[%dma_start3A_135] : memref<8x!tpu.dma_semaphore, #tpu.memory_space<semaphore_mem>> -> memref<1x!tpu.dma_semaphore, #tpu.memory_space<semaphore_mem>>
    %dma_start3A_142 = tpu.memref_squeeze %dma_start3A_141 : memref<1x!tpu.dma_semaphore, #tpu.memory_space<semaphore_mem>> -> memref<!tpu.dma_semaphore, #tpu.memory_space<semaphore_mem>>
    %dma_start3A_143 = arith.constant 3 : i32
    %dma_start3A_144 = arith.constant 0 : i32
    %dma_start3A_145 = tpu.memref_slice %arg11[%dma_start3A_143, %dma_start3A_144] : memref<256x64xf32, #tpu.memory_space<vmem>> -> memref<1x64xf32, #tpu.memory_space<vmem>>
    %dma_start3A_146 = arith.constant 0 : i32
    %dma_start3A_147 = tpu.memref_slice %arg5[%squeeze3A_134, %dma_start3A_146] : memref<1000000x64xf32, #tpu.memory_space<hbm>> -> memref<1x64xf32, #tpu.memory_space<hbm>>
    tpu.enqueue_dma source(%dma_start3A_147 : memref<1x64xf32, #tpu.memory_space<hbm>>) target(%dma_start3A_145 : memref<1x64xf32, #tpu.memory_space<vmem>>) target_semaphore(%dma_start3A_142 : memref<!tpu.dma_semaphore, #tpu.memory_space<semaphore_mem>>)
    %slice3A_148 = vector.extract_strided_slice %get3A_26 {offsets = [4], sizes = [1], strides = [1]} : vector<16xi32> to vector<1xi32>
    %squeeze3A_149 = vector.extract %slice3A_148[0] : i32 from vector<1xi32>
    %dma_start3A_150 = arith.constant 4 : i32
    %dma_start3A_151 = arith.constant 4 : i32
    %dma_start3A_152 = arith.constant 0 : i32
    %dma_start3A_153 = tpu.memref_slice %arg10[%dma_start3A_151, %dma_start3A_152] : memref<256x64xf32, #tpu.memory_space<vmem>> -> memref<1x64xf32, #tpu.memory_space<vmem>>
    %dma_start3A_154 = arith.constant 0 : i32
    %dma_start3A_155 = tpu.memref_slice %arg4[%squeeze3A_149, %dma_start3A_154] : memref<1000000x64xf32, #tpu.memory_space<hbm>> -> memref<1x64xf32, #tpu.memory_space<hbm>>
    %dma_start3A_156 = tpu.memref_slice %arg12[%dma_start3A_150] : memref<8x!tpu.dma_semaphore, #tpu.memory_space<semaphore_mem>> -> memref<1x!tpu.dma_semaphore, #tpu.memory_space<semaphore_mem>>
    %dma_start3A_157 = tpu.memref_squeeze %dma_start3A_156 : memref<1x!tpu.dma_semaphore, #tpu.memory_space<semaphore_mem>> -> memref<!tpu.dma_semaphore, #tpu.memory_space<semaphore_mem>>
    %dma_start3A_158 = arith.constant 4 : i32
    %dma_start3A_159 = arith.constant 0 : i32
    %dma_start3A_160 = tpu.memref_slice %arg10[%dma_start3A_158, %dma_start3A_159] : memref<256x64xf32, #tpu.memory_space<vmem>> -> memref<1x64xf32, #tpu.memory_space<vmem>>
    %dma_start3A_161 = arith.constant 0 : i32
    %dma_start3A_162 = tpu.memref_slice %arg4[%squeeze3A_149, %dma_start3A_161] : memref<1000000x64xf32, #tpu.memory_space<hbm>> -> memref<1x64xf32, #tpu.memory_space<hbm>>
    tpu.enqueue_dma source(%dma_start3A_162 : memref<1x64xf32, #tpu.memory_space<hbm>>) target(%dma_start3A_160 : memref<1x64xf32, #tpu.memory_space<vmem>>) target_semaphore(%dma_start3A_157 : memref<!tpu.dma_semaphore, #tpu.memory_space<semaphore_mem>>)
    %slice3A_163 = vector.extract_strided_slice %get3A_29 {offsets = [4], sizes = [1], strides = [1]} : vector<16xi32> to vector<1xi32>
    %squeeze3A_164 = vector.extract %slice3A_163[0] : i32 from vector<1xi32>
    %dma_start3A_165 = arith.constant 4 : i32
    %dma_start3A_166 = arith.constant 4 : i32
    %dma_start3A_167 = arith.constant 0 : i32
    %dma_start3A_168 = tpu.memref_slice %arg11[%dma_start3A_166, %dma_start3A_167] : memref<256x64xf32, #tpu.memory_space<vmem>> -> memref<1x64xf32, #tpu.memory_space<vmem>>
    %dma_start3A_169 = arith.constant 0 : i32
    %dma_start3A_170 = tpu.memref_slice %arg5[%squeeze3A_164, %dma_start3A_169] : memref<1000000x64xf32, #tpu.memory_space<hbm>> -> memref<1x64xf32, #tpu.memory_space<hbm>>
    %dma_start3A_171 = tpu.memref_slice %arg13[%dma_start3A_165] : memref<8x!tpu.dma_semaphore, #tpu.memory_space<semaphore_mem>> -> memref<1x!tpu.dma_semaphore, #tpu.memory_space<semaphore_mem>>
    %dma_start3A_172 = tpu.memref_squeeze %dma_start3A_171 : memref<1x!tpu.dma_semaphore, #tpu.memory_space<semaphore_mem>> -> memref<!tpu.dma_semaphore, #tpu.memory_space<semaphore_mem>>
    %dma_start3A_173 = arith.constant 4 : i32
    %dma_start3A_174 = arith.constant 0 : i32
    %dma_start3A_175 = tpu.memref_slice %arg11[%dma_start3A_173, %dma_start3A_174] : memref<256x64xf32, #tpu.memory_space<vmem>> -> memref<1x64xf32, #tpu.memory_space<vmem>>
    %dma_start3A_176 = arith.constant 0 : i32
    %dma_start3A_177 = tpu.memref_slice %arg5[%squeeze3A_164, %dma_start3A_176] : memref<1000000x64xf32, #tpu.memory_space<hbm>> -> memref<1x64xf32, #tpu.memory_space<hbm>>
    tpu.enqueue_dma source(%dma_start3A_177 : memref<1x64xf32, #tpu.memory_space<hbm>>) target(%dma_start3A_175 : memref<1x64xf32, #tpu.memory_space<vmem>>) target_semaphore(%dma_start3A_172 : memref<!tpu.dma_semaphore, #tpu.memory_space<semaphore_mem>>)
    %slice3A_178 = vector.extract_strided_slice %get3A_26 {offsets = [5], sizes = [1], strides = [1]} : vector<16xi32> to vector<1xi32>
    %squeeze3A_179 = vector.extract %slice3A_178[0] : i32 from vector<1xi32>
    %dma_start3A_180 = arith.constant 5 : i32
    %dma_start3A_181 = arith.constant 5 : i32
    %dma_start3A_182 = arith.constant 0 : i32
    %dma_start3A_183 = tpu.memref_slice %arg10[%dma_start3A_181, %dma_start3A_182] : memref<256x64xf32, #tpu.memory_space<vmem>> -> memref<1x64xf32, #tpu.memory_space<vmem>>
    %dma_start3A_184 = arith.constant 0 : i32
    %dma_start3A_185 = tpu.memref_slice %arg4[%squeeze3A_179, %dma_start3A_184] : memref<1000000x64xf32, #tpu.memory_space<hbm>> -> memref<1x64xf32, #tpu.memory_space<hbm>>
    %dma_start3A_186 = tpu.memref_slice %arg12[%dma_start3A_180] : memref<8x!tpu.dma_semaphore, #tpu.memory_space<semaphore_mem>> -> memref<1x!tpu.dma_semaphore, #tpu.memory_space<semaphore_mem>>
    %dma_start3A_187 = tpu.memref_squeeze %dma_start3A_186 : memref<1x!tpu.dma_semaphore, #tpu.memory_space<semaphore_mem>> -> memref<!tpu.dma_semaphore, #tpu.memory_space<semaphore_mem>>
    %dma_start3A_188 = arith.constant 5 : i32
    %dma_start3A_189 = arith.constant 0 : i32
    %dma_start3A_190 = tpu.memref_slice %arg10[%dma_start3A_188, %dma_start3A_189] : memref<256x64xf32, #tpu.memory_space<vmem>> -> memref<1x64xf32, #tpu.memory_space<vmem>>
    %dma_start3A_191 = arith.constant 0 : i32
    %dma_start3A_192 = tpu.memref_slice %arg4[%squeeze3A_179, %dma_start3A_191] : memref<1000000x64xf32, #tpu.memory_space<hbm>> -> memref<1x64xf32, #tpu.memory_space<hbm>>
    tpu.enqueue_dma source(%dma_start3A_192 : memref<1x64xf32, #tpu.memory_space<hbm>>) target(%dma_start3A_190 : memref<1x64xf32, #tpu.memory_space<vmem>>) target_semaphore(%dma_start3A_187 : memref<!tpu.dma_semaphore, #tpu.memory_space<semaphore_mem>>)
    %slice3A_193 = vector.extract_strided_slice %get3A_29 {offsets = [5], sizes = [1], strides = [1]} : vector<16xi32> to vector<1xi32>
    %squeeze3A_194 = vector.extract %slice3A_193[0] : i32 from vector<1xi32>
    %dma_start3A_195 = arith.constant 5 : i32
    %dma_start3A_196 = arith.constant 5 : i32
    %dma_start3A_197 = arith.constant 0 : i32
    %dma_start3A_198 = tpu.memref_slice %arg11[%dma_start3A_196, %dma_start3A_197] : memref<256x64xf32, #tpu.memory_space<vmem>> -> memref<1x64xf32, #tpu.memory_space<vmem>>
    %dma_start3A_199 = arith.constant 0 : i32
    %dma_start3A_200 = tpu.memref_slice %arg5[%squeeze3A_194, %dma_start3A_199] : memref<1000000x64xf32, #tpu.memory_space<hbm>> -> memref<1x64xf32, #tpu.memory_space<hbm>>
    %dma_start3A_201 = tpu.memref_slice %arg13[%dma_start3A_195] : memref<8x!tpu.dma_semaphore, #tpu.memory_space<semaphore_mem>> -> memref<1x!tpu.dma_semaphore, #tpu.memory_space<semaphore_mem>>
    %dma_start3A_202 = tpu.memref_squeeze %dma_start3A_201 : memref<1x!tpu.dma_semaphore, #tpu.memory_space<semaphore_mem>> -> memref<!tpu.dma_semaphore, #tpu.memory_space<semaphore_mem>>
    %dma_start3A_203 = arith.constant 5 : i32
    %dma_start3A_204 = arith.constant 0 : i32
    %dma_start3A_205 = tpu.memref_slice %arg11[%dma_start3A_203, %dma_start3A_204] : memref<256x64xf32, #tpu.memory_space<vmem>> -> memref<1x64xf32, #tpu.memory_space<vmem>>
    %dma_start3A_206 = arith.constant 0 : i32
    %dma_start3A_207 = tpu.memref_slice %arg5[%squeeze3A_194, %dma_start3A_206] : memref<1000000x64xf32, #tpu.memory_space<hbm>> -> memref<1x64xf32, #tpu.memory_space<hbm>>
    tpu.enqueue_dma source(%dma_start3A_207 : memref<1x64xf32, #tpu.memory_space<hbm>>) target(%dma_start3A_205 : memref<1x64xf32, #tpu.memory_space<vmem>>) target_semaphore(%dma_start3A_202 : memref<!tpu.dma_semaphore, #tpu.memory_space<semaphore_mem>>)
    %slice3A_208 = vector.extract_strided_slice %get3A_26 {offsets = [6], sizes = [1], strides = [1]} : vector<16xi32> to vector<1xi32>
    %squeeze3A_209 = vector.extract %slice3A_208[0] : i32 from vector<1xi32>
    %dma_start3A_210 = arith.constant 6 : i32
    %dma_start3A_211 = arith.constant 6 : i32
    %dma_start3A_212 = arith.constant 0 : i32
    %dma_start3A_213 = tpu.memref_slice %arg10[%dma_start3A_211, %dma_start3A_212] : memref<256x64xf32, #tpu.memory_space<vmem>> -> memref<1x64xf32, #tpu.memory_space<vmem>>
    %dma_start3A_214 = arith.constant 0 : i32
    %dma_start3A_215 = tpu.memref_slice %arg4[%squeeze3A_209, %dma_start3A_214] : memref<1000000x64xf32, #tpu.memory_space<hbm>> -> memref<1x64xf32, #tpu.memory_space<hbm>>
    %dma_start3A_216 = tpu.memref_slice %arg12[%dma_start3A_210] : memref<8x!tpu.dma_semaphore, #tpu.memory_space<semaphore_mem>> -> memref<1x!tpu.dma_semaphore, #tpu.memory_space<semaphore_mem>>
    %dma_start3A_217 = tpu.memref_squeeze %dma_start3A_216 : memref<1x!tpu.dma_semaphore, #tpu.memory_space<semaphore_mem>> -> memref<!tpu.dma_semaphore, #tpu.memory_space<semaphore_mem>>
    %dma_start3A_218 = arith.constant 6 : i32
    %dma_start3A_219 = arith.constant 0 : i32
    %dma_start3A_220 = tpu.memref_slice %arg10[%dma_start3A_218, %dma_start3A_219] : memref<256x64xf32, #tpu.memory_space<vmem>> -> memref<1x64xf32, #tpu.memory_space<vmem>>
    %dma_start3A_221 = arith.constant 0 : i32
    %dma_start3A_222 = tpu.memref_slice %arg4[%squeeze3A_209, %dma_start3A_221] : memref<1000000x64xf32, #tpu.memory_space<hbm>> -> memref<1x64xf32, #tpu.memory_space<hbm>>
    tpu.enqueue_dma source(%dma_start3A_222 : memref<1x64xf32, #tpu.memory_space<hbm>>) target(%dma_start3A_220 : memref<1x64xf32, #tpu.memory_space<vmem>>) target_semaphore(%dma_start3A_217 : memref<!tpu.dma_semaphore, #tpu.memory_space<semaphore_mem>>)
    %slice3A_223 = vector.extract_strided_slice %get3A_29 {offsets = [6], sizes = [1], strides = [1]} : vector<16xi32> to vector<1xi32>
    %squeeze3A_224 = vector.extract %slice3A_223[0] : i32 from vector<1xi32>
    %dma_start3A_225 = arith.constant 6 : i32
    %dma_start3A_226 = arith.constant 6 : i32
    %dma_start3A_227 = arith.constant 0 : i32
    %dma_start3A_228 = tpu.memref_slice %arg11[%dma_start3A_226, %dma_start3A_227] : memref<256x64xf32, #tpu.memory_space<vmem>> -> memref<1x64xf32, #tpu.memory_space<vmem>>
    %dma_start3A_229 = arith.constant 0 : i32
    %dma_start3A_230 = tpu.memref_slice %arg5[%squeeze3A_224, %dma_start3A_229] : memref<1000000x64xf32, #tpu.memory_space<hbm>> -> memref<1x64xf32, #tpu.memory_space<hbm>>
    %dma_start3A_231 = tpu.memref_slice %arg13[%dma_start3A_225] : memref<8x!tpu.dma_semaphore, #tpu.memory_space<semaphore_mem>> -> memref<1x!tpu.dma_semaphore, #tpu.memory_space<semaphore_mem>>
    %dma_start3A_232 = tpu.memref_squeeze %dma_start3A_231 : memref<1x!tpu.dma_semaphore, #tpu.memory_space<semaphore_mem>> -> memref<!tpu.dma_semaphore, #tpu.memory_space<semaphore_mem>>
    %dma_start3A_233 = arith.constant 6 : i32
    %dma_start3A_234 = arith.constant 0 : i32
    %dma_start3A_235 = tpu.memref_slice %arg11[%dma_start3A_233, %dma_start3A_234] : memref<256x64xf32, #tpu.memory_space<vmem>> -> memref<1x64xf32, #tpu.memory_space<vmem>>
    %dma_start3A_236 = arith.constant 0 : i32
    %dma_start3A_237 = tpu.memref_slice %arg5[%squeeze3A_224, %dma_start3A_236] : memref<1000000x64xf32, #tpu.memory_space<hbm>> -> memref<1x64xf32, #tpu.memory_space<hbm>>
    tpu.enqueue_dma source(%dma_start3A_237 : memref<1x64xf32, #tpu.memory_space<hbm>>) target(%dma_start3A_235 : memref<1x64xf32, #tpu.memory_space<vmem>>) target_semaphore(%dma_start3A_232 : memref<!tpu.dma_semaphore, #tpu.memory_space<semaphore_mem>>)
    %slice3A_238 = vector.extract_strided_slice %get3A_26 {offsets = [7], sizes = [1], strides = [1]} : vector<16xi32> to vector<1xi32>
    %squeeze3A_239 = vector.extract %slice3A_238[0] : i32 from vector<1xi32>
    %dma_start3A_240 = arith.constant 7 : i32
    %dma_start3A_241 = arith.constant 7 : i32
    %dma_start3A_242 = arith.constant 0 : i32
    %dma_start3A_243 = tpu.memref_slice %arg10[%dma_start3A_241, %dma_start3A_242] : memref<256x64xf32, #tpu.memory_space<vmem>> -> memref<1x64xf32, #tpu.memory_space<vmem>>
    %dma_start3A_244 = arith.constant 0 : i32
    %dma_start3A_245 = tpu.memref_slice %arg4[%squeeze3A_239, %dma_start3A_244] : memref<1000000x64xf32, #tpu.memory_space<hbm>> -> memref<1x64xf32, #tpu.memory_space<hbm>>
    %dma_start3A_246 = tpu.memref_slice %arg12[%dma_start3A_240] : memref<8x!tpu.dma_semaphore, #tpu.memory_space<semaphore_mem>> -> memref<1x!tpu.dma_semaphore, #tpu.memory_space<semaphore_mem>>
    %dma_start3A_247 = tpu.memref_squeeze %dma_start3A_246 : memref<1x!tpu.dma_semaphore, #tpu.memory_space<semaphore_mem>> -> memref<!tpu.dma_semaphore, #tpu.memory_space<semaphore_mem>>
    %dma_start3A_248 = arith.constant 7 : i32
    %dma_start3A_249 = arith.constant 0 : i32
    %dma_start3A_250 = tpu.memref_slice %arg10[%dma_start3A_248, %dma_start3A_249] : memref<256x64xf32, #tpu.memory_space<vmem>> -> memref<1x64xf32, #tpu.memory_space<vmem>>
    %dma_start3A_251 = arith.constant 0 : i32
    %dma_start3A_252 = tpu.memref_slice %arg4[%squeeze3A_239, %dma_start3A_251] : memref<1000000x64xf32, #tpu.memory_space<hbm>> -> memref<1x64xf32, #tpu.memory_space<hbm>>
    tpu.enqueue_dma source(%dma_start3A_252 : memref<1x64xf32, #tpu.memory_space<hbm>>) target(%dma_start3A_250 : memref<1x64xf32, #tpu.memory_space<vmem>>) target_semaphore(%dma_start3A_247 : memref<!tpu.dma_semaphore, #tpu.memory_space<semaphore_mem>>)
    %slice3A_253 = vector.extract_strided_slice %get3A_29 {offsets = [7], sizes = [1], strides = [1]} : vector<16xi32> to vector<1xi32>
    %squeeze3A_254 = vector.extract %slice3A_253[0] : i32 from vector<1xi32>
    %dma_start3A_255 = arith.constant 7 : i32
    %dma_start3A_256 = arith.constant 7 : i32
    %dma_start3A_257 = arith.constant 0 : i32
    %dma_start3A_258 = tpu.memref_slice %arg11[%dma_start3A_256, %dma_start3A_257] : memref<256x64xf32, #tpu.memory_space<vmem>> -> memref<1x64xf32, #tpu.memory_space<vmem>>
    %dma_start3A_259 = arith.constant 0 : i32
    %dma_start3A_260 = tpu.memref_slice %arg5[%squeeze3A_254, %dma_start3A_259] : memref<1000000x64xf32, #tpu.memory_space<hbm>> -> memref<1x64xf32, #tpu.memory_space<hbm>>
    %dma_start3A_261 = tpu.memref_slice %arg13[%dma_start3A_255] : memref<8x!tpu.dma_semaphore, #tpu.memory_space<semaphore_mem>> -> memref<1x!tpu.dma_semaphore, #tpu.memory_space<semaphore_mem>>
    %dma_start3A_262 = tpu.memref_squeeze %dma_start3A_261 : memref<1x!tpu.dma_semaphore, #tpu.memory_space<semaphore_mem>> -> memref<!tpu.dma_semaphore, #tpu.memory_space<semaphore_mem>>
    %dma_start3A_263 = arith.constant 7 : i32
    %dma_start3A_264 = arith.constant 0 : i32
    %dma_start3A_265 = tpu.memref_slice %arg11[%dma_start3A_263, %dma_start3A_264] : memref<256x64xf32, #tpu.memory_space<vmem>> -> memref<1x64xf32, #tpu.memory_space<vmem>>
    %dma_start3A_266 = arith.constant 0 : i32
    %dma_start3A_267 = tpu.memref_slice %arg5[%squeeze3A_254, %dma_start3A_266] : memref<1000000x64xf32, #tpu.memory_space<hbm>> -> memref<1x64xf32, #tpu.memory_space<hbm>>
    tpu.enqueue_dma source(%dma_start3A_267 : memref<1x64xf32, #tpu.memory_space<hbm>>) target(%dma_start3A_265 : memref<1x64xf32, #tpu.memory_space<vmem>>) target_semaphore(%dma_start3A_262 : memref<!tpu.dma_semaphore, #tpu.memory_space<semaphore_mem>>)
    %scan3A = arith.constant 0 : i32
    %scan3A_268 = arith.constant 1 : i32
    %scan3A_269 = arith.constant 31 : i32
    %scan3A_270 = arith.addi %scan3A_268, %scan3A_269 : i32
    %scan3A_271 = arith.constant 1 : i32
    scf.for %scan3A_1013 = %scan3A_268 to %scan3A_270 step %scan3A_271  : i32 {
      %dma_wait3A_1014 = arith.constant 0 : i32
      %dma_wait3A_1015 = arith.constant 0 : i32
      %dma_wait3A_1016 = arith.constant 0 : i32
      %dma_wait3A_1017 = tpu.memref_slice %arg10[%dma_wait3A_1015, %dma_wait3A_1016] : memref<256x64xf32, #tpu.memory_space<vmem>> -> memref<1x64xf32, #tpu.memory_space<vmem>>
      %dma_wait3A_1018 = arith.constant 0 : i32
      %dma_wait3A_1019 = arith.constant 0 : i32
      %dma_wait3A_1020 = tpu.memref_slice %arg4[%dma_wait3A_1018, %dma_wait3A_1019] : memref<1000000x64xf32, #tpu.memory_space<hbm>> -> memref<1x64xf32, #tpu.memory_space<hbm>>
      %dma_wait3A_1021 = tpu.memref_slice %arg12[%dma_wait3A_1014] : memref<8x!tpu.dma_semaphore, #tpu.memory_space<semaphore_mem>> -> memref<1x!tpu.dma_semaphore, #tpu.memory_space<semaphore_mem>>
      %dma_wait3A_1022 = tpu.memref_squeeze %dma_wait3A_1021 : memref<1x!tpu.dma_semaphore, #tpu.memory_space<semaphore_mem>> -> memref<!tpu.dma_semaphore, #tpu.memory_space<semaphore_mem>>
      %dma_wait3A_1023 = arith.constant 0 : i32
      %dma_wait3A_1024 = arith.constant 0 : i32
      %dma_wait3A_1025 = tpu.memref_slice %arg10[%dma_wait3A_1023, %dma_wait3A_1024] : memref<256x64xf32, #tpu.memory_space<vmem>> -> memref<1x64xf32, #tpu.memory_space<vmem>>
      %dma_wait3A_1026 = arith.constant 0 : i32
      %dma_wait3A_1027 = arith.constant 0 : i32
      %dma_wait3A_1028 = tpu.memref_slice %arg4[%dma_wait3A_1026, %dma_wait3A_1027] : memref<1000000x64xf32, #tpu.memory_space<hbm>> -> memref<1x64xf32, #tpu.memory_space<hbm>>
      tpu.wait_dma2 semaphore(%dma_wait3A_1022 : memref<!tpu.dma_semaphore, #tpu.memory_space<semaphore_mem>>) src(%dma_wait3A_1028 : memref<1x64xf32, #tpu.memory_space<hbm>>) dst(%dma_wait3A_1025 : memref<1x64xf32, #tpu.memory_space<vmem>>)
      %dma_wait3A_1029 = arith.constant 0 : i32
      %dma_wait3A_1030 = arith.constant 0 : i32
      %dma_wait3A_1031 = arith.constant 0 : i32
      %dma_wait3A_1032 = tpu.memref_slice %arg11[%dma_wait3A_1030, %dma_wait3A_1031] : memref<256x64xf32, #tpu.memory_space<vmem>> -> memref<1x64xf32, #tpu.memory_space<vmem>>
      %dma_wait3A_1033 = arith.constant 0 : i32
      %dma_wait3A_1034 = arith.constant 0 : i32
      %dma_wait3A_1035 = tpu.memref_slice %arg5[%dma_wait3A_1033, %dma_wait3A_1034] : memref<1000000x64xf32, #tpu.memory_space<hbm>> -> memref<1x64xf32, #tpu.memory_space<hbm>>
      %dma_wait3A_1036 = tpu.memref_slice %arg13[%dma_wait3A_1029] : memref<8x!tpu.dma_semaphore, #tpu.memory_space<semaphore_mem>> -> memref<1x!tpu.dma_semaphore, #tpu.memory_space<semaphore_mem>>
      %dma_wait3A_1037 = tpu.memref_squeeze %dma_wait3A_1036 : memref<1x!tpu.dma_semaphore, #tpu.memory_space<semaphore_mem>> -> memref<!tpu.dma_semaphore, #tpu.memory_space<semaphore_mem>>
      %dma_wait3A_1038 = arith.constant 0 : i32
      %dma_wait3A_1039 = arith.constant 0 : i32
      %dma_wait3A_1040 = tpu.memref_slice %arg11[%dma_wait3A_1038, %dma_wait3A_1039] : memref<256x64xf32, #tpu.memory_space<vmem>> -> memref<1x64xf32, #tpu.memory_space<vmem>>
      %dma_wait3A_1041 = arith.constant 0 : i32
      %dma_wait3A_1042 = arith.constant 0 : i32
      %dma_wait3A_1043 = tpu.memref_slice %arg5[%dma_wait3A_1041, %dma_wait3A_1042] : memref<1000000x64xf32, #tpu.memory_space<hbm>> -> memref<1x64xf32, #tpu.memory_space<hbm>>
      tpu.wait_dma2 semaphore(%dma_wait3A_1037 : memref<!tpu.dma_semaphore, #tpu.memory_space<semaphore_mem>>) src(%dma_wait3A_1043 : memref<1x64xf32, #tpu.memory_space<hbm>>) dst(%dma_wait3A_1040 : memref<1x64xf32, #tpu.memory_space<vmem>>)
      %dma_wait3A_1044 = arith.constant 1 : i32
      %dma_wait3A_1045 = arith.constant 0 : i32
      %dma_wait3A_1046 = arith.constant 0 : i32
      %dma_wait3A_1047 = tpu.memref_slice %arg10[%dma_wait3A_1045, %dma_wait3A_1046] : memref<256x64xf32, #tpu.memory_space<vmem>> -> memref<1x64xf32, #tpu.memory_space<vmem>>
      %dma_wait3A_1048 = arith.constant 0 : i32
      %dma_wait3A_1049 = arith.constant 0 : i32
      %dma_wait3A_1050 = tpu.memref_slice %arg4[%dma_wait3A_1048, %dma_wait3A_1049] : memref<1000000x64xf32, #tpu.memory_space<hbm>> -> memref<1x64xf32, #tpu.memory_space<hbm>>
      %dma_wait3A_1051 = tpu.memref_slice %arg12[%dma_wait3A_1044] : memref<8x!tpu.dma_semaphore, #tpu.memory_space<semaphore_mem>> -> memref<1x!tpu.dma_semaphore, #tpu.memory_space<semaphore_mem>>
      %dma_wait3A_1052 = tpu.memref_squeeze %dma_wait3A_1051 : memref<1x!tpu.dma_semaphore, #tpu.memory_space<semaphore_mem>> -> memref<!tpu.dma_semaphore, #tpu.memory_space<semaphore_mem>>
      %dma_wait3A_1053 = arith.constant 0 : i32
      %dma_wait3A_1054 = arith.constant 0 : i32
      %dma_wait3A_1055 = tpu.memref_slice %arg10[%dma_wait3A_1053, %dma_wait3A_1054] : memref<256x64xf32, #tpu.memory_space<vmem>> -> memref<1x64xf32, #tpu.memory_space<vmem>>
      %dma_wait3A_1056 = arith.constant 0 : i32
      %dma_wait3A_1057 = arith.constant 0 : i32
      %dma_wait3A_1058 = tpu.memref_slice %arg4[%dma_wait3A_1056, %dma_wait3A_1057] : memref<1000000x64xf32, #tpu.memory_space<hbm>> -> memref<1x64xf32, #tpu.memory_space<hbm>>
      tpu.wait_dma2 semaphore(%dma_wait3A_1052 : memref<!tpu.dma_semaphore, #tpu.memory_space<semaphore_mem>>) src(%dma_wait3A_1058 : memref<1x64xf32, #tpu.memory_space<hbm>>) dst(%dma_wait3A_1055 : memref<1x64xf32, #tpu.memory_space<vmem>>)
      %dma_wait3A_1059 = arith.constant 1 : i32
      %dma_wait3A_1060 = arith.constant 0 : i32
      %dma_wait3A_1061 = arith.constant 0 : i32
      %dma_wait3A_1062 = tpu.memref_slice %arg11[%dma_wait3A_1060, %dma_wait3A_1061] : memref<256x64xf32, #tpu.memory_space<vmem>> -> memref<1x64xf32, #tpu.memory_space<vmem>>
      %dma_wait3A_1063 = arith.constant 0 : i32
      %dma_wait3A_1064 = arith.constant 0 : i32
      %dma_wait3A_1065 = tpu.memref_slice %arg5[%dma_wait3A_1063, %dma_wait3A_1064] : memref<1000000x64xf32, #tpu.memory_space<hbm>> -> memref<1x64xf32, #tpu.memory_space<hbm>>
      %dma_wait3A_1066 = tpu.memref_slice %arg13[%dma_wait3A_1059] : memref<8x!tpu.dma_semaphore, #tpu.memory_space<semaphore_mem>> -> memref<1x!tpu.dma_semaphore, #tpu.memory_space<semaphore_mem>>
      %dma_wait3A_1067 = tpu.memref_squeeze %dma_wait3A_1066 : memref<1x!tpu.dma_semaphore, #tpu.memory_space<semaphore_mem>> -> memref<!tpu.dma_semaphore, #tpu.memory_space<semaphore_mem>>
      %dma_wait3A_1068 = arith.constant 0 : i32
      %dma_wait3A_1069 = arith.constant 0 : i32
      %dma_wait3A_1070 = tpu.memref_slice %arg11[%dma_wait3A_1068, %dma_wait3A_1069] : memref<256x64xf32, #tpu.memory_space<vmem>> -> memref<1x64xf32, #tpu.memory_space<vmem>>
      %dma_wait3A_1071 = arith.constant 0 : i32
      %dma_wait3A_1072 = arith.constant 0 : i32
      %dma_wait3A_1073 = tpu.memref_slice %arg5[%dma_wait3A_1071, %dma_wait3A_1072] : memref<1000000x64xf32, #tpu.memory_space<hbm>> -> memref<1x64xf32, #tpu.memory_space<hbm>>
      tpu.wait_dma2 semaphore(%dma_wait3A_1067 : memref<!tpu.dma_semaphore, #tpu.memory_space<semaphore_mem>>) src(%dma_wait3A_1073 : memref<1x64xf32, #tpu.memory_space<hbm>>) dst(%dma_wait3A_1070 : memref<1x64xf32, #tpu.memory_space<vmem>>)
      %dma_wait3A_1074 = arith.constant 2 : i32
      %dma_wait3A_1075 = arith.constant 0 : i32
      %dma_wait3A_1076 = arith.constant 0 : i32
      %dma_wait3A_1077 = tpu.memref_slice %arg10[%dma_wait3A_1075, %dma_wait3A_1076] : memref<256x64xf32, #tpu.memory_space<vmem>> -> memref<1x64xf32, #tpu.memory_space<vmem>>
      %dma_wait3A_1078 = arith.constant 0 : i32
      %dma_wait3A_1079 = arith.constant 0 : i32
      %dma_wait3A_1080 = tpu.memref_slice %arg4[%dma_wait3A_1078, %dma_wait3A_1079] : memref<1000000x64xf32, #tpu.memory_space<hbm>> -> memref<1x64xf32, #tpu.memory_space<hbm>>
      %dma_wait3A_1081 = tpu.memref_slice %arg12[%dma_wait3A_1074] : memref<8x!tpu.dma_semaphore, #tpu.memory_space<semaphore_mem>> -> memref<1x!tpu.dma_semaphore, #tpu.memory_space<semaphore_mem>>
      %dma_wait3A_1082 = tpu.memref_squeeze %dma_wait3A_1081 : memref<1x!tpu.dma_semaphore, #tpu.memory_space<semaphore_mem>> -> memref<!tpu.dma_semaphore, #tpu.memory_space<semaphore_mem>>
      %dma_wait3A_1083 = arith.constant 0 : i32
      %dma_wait3A_1084 = arith.constant 0 : i32
      %dma_wait3A_1085 = tpu.memref_slice %arg10[%dma_wait3A_1083, %dma_wait3A_1084] : memref<256x64xf32, #tpu.memory_space<vmem>> -> memref<1x64xf32, #tpu.memory_space<vmem>>
      %dma_wait3A_1086 = arith.constant 0 : i32
      %dma_wait3A_1087 = arith.constant 0 : i32
      %dma_wait3A_1088 = tpu.memref_slice %arg4[%dma_wait3A_1086, %dma_wait3A_1087] : memref<1000000x64xf32, #tpu.memory_space<hbm>> -> memref<1x64xf32, #tpu.memory_space<hbm>>
      tpu.wait_dma2 semaphore(%dma_wait3A_1082 : memref<!tpu.dma_semaphore, #tpu.memory_space<semaphore_mem>>) src(%dma_wait3A_1088 : memref<1x64xf32, #tpu.memory_space<hbm>>) dst(%dma_wait3A_1085 : memref<1x64xf32, #tpu.memory_space<vmem>>)
      %dma_wait3A_1089 = arith.constant 2 : i32
      %dma_wait3A_1090 = arith.constant 0 : i32
      %dma_wait3A_1091 = arith.constant 0 : i32
      %dma_wait3A_1092 = tpu.memref_slice %arg11[%dma_wait3A_1090, %dma_wait3A_1091] : memref<256x64xf32, #tpu.memory_space<vmem>> -> memref<1x64xf32, #tpu.memory_space<vmem>>
      %dma_wait3A_1093 = arith.constant 0 : i32
      %dma_wait3A_1094 = arith.constant 0 : i32
      %dma_wait3A_1095 = tpu.memref_slice %arg5[%dma_wait3A_1093, %dma_wait3A_1094] : memref<1000000x64xf32, #tpu.memory_space<hbm>> -> memref<1x64xf32, #tpu.memory_space<hbm>>
      %dma_wait3A_1096 = tpu.memref_slice %arg13[%dma_wait3A_1089] : memref<8x!tpu.dma_semaphore, #tpu.memory_space<semaphore_mem>> -> memref<1x!tpu.dma_semaphore, #tpu.memory_space<semaphore_mem>>
      %dma_wait3A_1097 = tpu.memref_squeeze %dma_wait3A_1096 : memref<1x!tpu.dma_semaphore, #tpu.memory_space<semaphore_mem>> -> memref<!tpu.dma_semaphore, #tpu.memory_space<semaphore_mem>>
      %dma_wait3A_1098 = arith.constant 0 : i32
      %dma_wait3A_1099 = arith.constant 0 : i32
      %dma_wait3A_1100 = tpu.memref_slice %arg11[%dma_wait3A_1098, %dma_wait3A_1099] : memref<256x64xf32, #tpu.memory_space<vmem>> -> memref<1x64xf32, #tpu.memory_space<vmem>>
      %dma_wait3A_1101 = arith.constant 0 : i32
      %dma_wait3A_1102 = arith.constant 0 : i32
      %dma_wait3A_1103 = tpu.memref_slice %arg5[%dma_wait3A_1101, %dma_wait3A_1102] : memref<1000000x64xf32, #tpu.memory_space<hbm>> -> memref<1x64xf32, #tpu.memory_space<hbm>>
      tpu.wait_dma2 semaphore(%dma_wait3A_1097 : memref<!tpu.dma_semaphore, #tpu.memory_space<semaphore_mem>>) src(%dma_wait3A_1103 : memref<1x64xf32, #tpu.memory_space<hbm>>) dst(%dma_wait3A_1100 : memref<1x64xf32, #tpu.memory_space<vmem>>)
      %dma_wait3A_1104 = arith.constant 3 : i32
      %dma_wait3A_1105 = arith.constant 0 : i32
      %dma_wait3A_1106 = arith.constant 0 : i32
      %dma_wait3A_1107 = tpu.memref_slice %arg10[%dma_wait3A_1105, %dma_wait3A_1106] : memref<256x64xf32, #tpu.memory_space<vmem>> -> memref<1x64xf32, #tpu.memory_space<vmem>>
      %dma_wait3A_1108 = arith.constant 0 : i32
      %dma_wait3A_1109 = arith.constant 0 : i32
      %dma_wait3A_1110 = tpu.memref_slice %arg4[%dma_wait3A_1108, %dma_wait3A_1109] : memref<1000000x64xf32, #tpu.memory_space<hbm>> -> memref<1x64xf32, #tpu.memory_space<hbm>>
      %dma_wait3A_1111 = tpu.memref_slice %arg12[%dma_wait3A_1104] : memref<8x!tpu.dma_semaphore, #tpu.memory_space<semaphore_mem>> -> memref<1x!tpu.dma_semaphore, #tpu.memory_space<semaphore_mem>>
      %dma_wait3A_1112 = tpu.memref_squeeze %dma_wait3A_1111 : memref<1x!tpu.dma_semaphore, #tpu.memory_space<semaphore_mem>> -> memref<!tpu.dma_semaphore, #tpu.memory_space<semaphore_mem>>
      %dma_wait3A_1113 = arith.constant 0 : i32
      %dma_wait3A_1114 = arith.constant 0 : i32
      %dma_wait3A_1115 = tpu.memref_slice %arg10[%dma_wait3A_1113, %dma_wait3A_1114] : memref<256x64xf32, #tpu.memory_space<vmem>> -> memref<1x64xf32, #tpu.memory_space<vmem>>
      %dma_wait3A_1116 = arith.constant 0 : i32
      %dma_wait3A_1117 = arith.constant 0 : i32
      %dma_wait3A_1118 = tpu.memref_slice %arg4[%dma_wait3A_1116, %dma_wait3A_1117] : memref<1000000x64xf32, #tpu.memory_space<hbm>> -> memref<1x64xf32, #tpu.memory_space<hbm>>
      tpu.wait_dma2 semaphore(%dma_wait3A_1112 : memref<!tpu.dma_semaphore, #tpu.memory_space<semaphore_mem>>) src(%dma_wait3A_1118 : memref<1x64xf32, #tpu.memory_space<hbm>>) dst(%dma_wait3A_1115 : memref<1x64xf32, #tpu.memory_space<vmem>>)
      %dma_wait3A_1119 = arith.constant 3 : i32
      %dma_wait3A_1120 = arith.constant 0 : i32
      %dma_wait3A_1121 = arith.constant 0 : i32
      %dma_wait3A_1122 = tpu.memref_slice %arg11[%dma_wait3A_1120, %dma_wait3A_1121] : memref<256x64xf32, #tpu.memory_space<vmem>> -> memref<1x64xf32, #tpu.memory_space<vmem>>
      %dma_wait3A_1123 = arith.constant 0 : i32
      %dma_wait3A_1124 = arith.constant 0 : i32
      %dma_wait3A_1125 = tpu.memref_slice %arg5[%dma_wait3A_1123, %dma_wait3A_1124] : memref<1000000x64xf32, #tpu.memory_space<hbm>> -> memref<1x64xf32, #tpu.memory_space<hbm>>
      %dma_wait3A_1126 = tpu.memref_slice %arg13[%dma_wait3A_1119] : memref<8x!tpu.dma_semaphore, #tpu.memory_space<semaphore_mem>> -> memref<1x!tpu.dma_semaphore, #tpu.memory_space<semaphore_mem>>
      %dma_wait3A_1127 = tpu.memref_squeeze %dma_wait3A_1126 : memref<1x!tpu.dma_semaphore, #tpu.memory_space<semaphore_mem>> -> memref<!tpu.dma_semaphore, #tpu.memory_space<semaphore_mem>>
      %dma_wait3A_1128 = arith.constant 0 : i32
      %dma_wait3A_1129 = arith.constant 0 : i32
      %dma_wait3A_1130 = tpu.memref_slice %arg11[%dma_wait3A_1128, %dma_wait3A_1129] : memref<256x64xf32, #tpu.memory_space<vmem>> -> memref<1x64xf32, #tpu.memory_space<vmem>>
      %dma_wait3A_1131 = arith.constant 0 : i32
      %dma_wait3A_1132 = arith.constant 0 : i32
      %dma_wait3A_1133 = tpu.memref_slice %arg5[%dma_wait3A_1131, %dma_wait3A_1132] : memref<1000000x64xf32, #tpu.memory_space<hbm>> -> memref<1x64xf32, #tpu.memory_space<hbm>>
      tpu.wait_dma2 semaphore(%dma_wait3A_1127 : memref<!tpu.dma_semaphore, #tpu.memory_space<semaphore_mem>>) src(%dma_wait3A_1133 : memref<1x64xf32, #tpu.memory_space<hbm>>) dst(%dma_wait3A_1130 : memref<1x64xf32, #tpu.memory_space<vmem>>)
      %dma_wait3A_1134 = arith.constant 4 : i32
      %dma_wait3A_1135 = arith.constant 0 : i32
      %dma_wait3A_1136 = arith.constant 0 : i32
      %dma_wait3A_1137 = tpu.memref_slice %arg10[%dma_wait3A_1135, %dma_wait3A_1136] : memref<256x64xf32, #tpu.memory_space<vmem>> -> memref<1x64xf32, #tpu.memory_space<vmem>>
      %dma_wait3A_1138 = arith.constant 0 : i32
      %dma_wait3A_1139 = arith.constant 0 : i32
      %dma_wait3A_1140 = tpu.memref_slice %arg4[%dma_wait3A_1138, %dma_wait3A_1139] : memref<1000000x64xf32, #tpu.memory_space<hbm>> -> memref<1x64xf32, #tpu.memory_space<hbm>>
      %dma_wait3A_1141 = tpu.memref_slice %arg12[%dma_wait3A_1134] : memref<8x!tpu.dma_semaphore, #tpu.memory_space<semaphore_mem>> -> memref<1x!tpu.dma_semaphore, #tpu.memory_space<semaphore_mem>>
      %dma_wait3A_1142 = tpu.memref_squeeze %dma_wait3A_1141 : memref<1x!tpu.dma_semaphore, #tpu.memory_space<semaphore_mem>> -> memref<!tpu.dma_semaphore, #tpu.memory_space<semaphore_mem>>
      %dma_wait3A_1143 = arith.constant 0 : i32
      %dma_wait3A_1144 = arith.constant 0 : i32
      %dma_wait3A_1145 = tpu.memref_slice %arg10[%dma_wait3A_1143, %dma_wait3A_1144] : memref<256x64xf32, #tpu.memory_space<vmem>> -> memref<1x64xf32, #tpu.memory_space<vmem>>
      %dma_wait3A_1146 = arith.constant 0 : i32
      %dma_wait3A_1147 = arith.constant 0 : i32
      %dma_wait3A_1148 = tpu.memref_slice %arg4[%dma_wait3A_1146, %dma_wait3A_1147] : memref<1000000x64xf32, #tpu.memory_space<hbm>> -> memref<1x64xf32, #tpu.memory_space<hbm>>
      tpu.wait_dma2 semaphore(%dma_wait3A_1142 : memref<!tpu.dma_semaphore, #tpu.memory_space<semaphore_mem>>) src(%dma_wait3A_1148 : memref<1x64xf32, #tpu.memory_space<hbm>>) dst(%dma_wait3A_1145 : memref<1x64xf32, #tpu.memory_space<vmem>>)
      %dma_wait3A_1149 = arith.constant 4 : i32
      %dma_wait3A_1150 = arith.constant 0 : i32
      %dma_wait3A_1151 = arith.constant 0 : i32
      %dma_wait3A_1152 = tpu.memref_slice %arg11[%dma_wait3A_1150, %dma_wait3A_1151] : memref<256x64xf32, #tpu.memory_space<vmem>> -> memref<1x64xf32, #tpu.memory_space<vmem>>
      %dma_wait3A_1153 = arith.constant 0 : i32
      %dma_wait3A_1154 = arith.constant 0 : i32
      %dma_wait3A_1155 = tpu.memref_slice %arg5[%dma_wait3A_1153, %dma_wait3A_1154] : memref<1000000x64xf32, #tpu.memory_space<hbm>> -> memref<1x64xf32, #tpu.memory_space<hbm>>
      %dma_wait3A_1156 = tpu.memref_slice %arg13[%dma_wait3A_1149] : memref<8x!tpu.dma_semaphore, #tpu.memory_space<semaphore_mem>> -> memref<1x!tpu.dma_semaphore, #tpu.memory_space<semaphore_mem>>
      %dma_wait3A_1157 = tpu.memref_squeeze %dma_wait3A_1156 : memref<1x!tpu.dma_semaphore, #tpu.memory_space<semaphore_mem>> -> memref<!tpu.dma_semaphore, #tpu.memory_space<semaphore_mem>>
      %dma_wait3A_1158 = arith.constant 0 : i32
      %dma_wait3A_1159 = arith.constant 0 : i32
      %dma_wait3A_1160 = tpu.memref_slice %arg11[%dma_wait3A_1158, %dma_wait3A_1159] : memref<256x64xf32, #tpu.memory_space<vmem>> -> memref<1x64xf32, #tpu.memory_space<vmem>>
      %dma_wait3A_1161 = arith.constant 0 : i32
      %dma_wait3A_1162 = arith.constant 0 : i32
      %dma_wait3A_1163 = tpu.memref_slice %arg5[%dma_wait3A_1161, %dma_wait3A_1162] : memref<1000000x64xf32, #tpu.memory_space<hbm>> -> memref<1x64xf32, #tpu.memory_space<hbm>>
      tpu.wait_dma2 semaphore(%dma_wait3A_1157 : memref<!tpu.dma_semaphore, #tpu.memory_space<semaphore_mem>>) src(%dma_wait3A_1163 : memref<1x64xf32, #tpu.memory_space<hbm>>) dst(%dma_wait3A_1160 : memref<1x64xf32, #tpu.memory_space<vmem>>)
      %dma_wait3A_1164 = arith.constant 5 : i32
      %dma_wait3A_1165 = arith.constant 0 : i32
      %dma_wait3A_1166 = arith.constant 0 : i32
      %dma_wait3A_1167 = tpu.memref_slice %arg10[%dma_wait3A_1165, %dma_wait3A_1166] : memref<256x64xf32, #tpu.memory_space<vmem>> -> memref<1x64xf32, #tpu.memory_space<vmem>>
      %dma_wait3A_1168 = arith.constant 0 : i32
      %dma_wait3A_1169 = arith.constant 0 : i32
      %dma_wait3A_1170 = tpu.memref_slice %arg4[%dma_wait3A_1168, %dma_wait3A_1169] : memref<1000000x64xf32, #tpu.memory_space<hbm>> -> memref<1x64xf32, #tpu.memory_space<hbm>>
      %dma_wait3A_1171 = tpu.memref_slice %arg12[%dma_wait3A_1164] : memref<8x!tpu.dma_semaphore, #tpu.memory_space<semaphore_mem>> -> memref<1x!tpu.dma_semaphore, #tpu.memory_space<semaphore_mem>>
      %dma_wait3A_1172 = tpu.memref_squeeze %dma_wait3A_1171 : memref<1x!tpu.dma_semaphore, #tpu.memory_space<semaphore_mem>> -> memref<!tpu.dma_semaphore, #tpu.memory_space<semaphore_mem>>
      %dma_wait3A_1173 = arith.constant 0 : i32
      %dma_wait3A_1174 = arith.constant 0 : i32
      %dma_wait3A_1175 = tpu.memref_slice %arg10[%dma_wait3A_1173, %dma_wait3A_1174] : memref<256x64xf32, #tpu.memory_space<vmem>> -> memref<1x64xf32, #tpu.memory_space<vmem>>
      %dma_wait3A_1176 = arith.constant 0 : i32
      %dma_wait3A_1177 = arith.constant 0 : i32
      %dma_wait3A_1178 = tpu.memref_slice %arg4[%dma_wait3A_1176, %dma_wait3A_1177] : memref<1000000x64xf32, #tpu.memory_space<hbm>> -> memref<1x64xf32, #tpu.memory_space<hbm>>
      tpu.wait_dma2 semaphore(%dma_wait3A_1172 : memref<!tpu.dma_semaphore, #tpu.memory_space<semaphore_mem>>) src(%dma_wait3A_1178 : memref<1x64xf32, #tpu.memory_space<hbm>>) dst(%dma_wait3A_1175 : memref<1x64xf32, #tpu.memory_space<vmem>>)
      %dma_wait3A_1179 = arith.constant 5 : i32
      %dma_wait3A_1180 = arith.constant 0 : i32
      %dma_wait3A_1181 = arith.constant 0 : i32
      %dma_wait3A_1182 = tpu.memref_slice %arg11[%dma_wait3A_1180, %dma_wait3A_1181] : memref<256x64xf32, #tpu.memory_space<vmem>> -> memref<1x64xf32, #tpu.memory_space<vmem>>
      %dma_wait3A_1183 = arith.constant 0 : i32
      %dma_wait3A_1184 = arith.constant 0 : i32
      %dma_wait3A_1185 = tpu.memref_slice %arg5[%dma_wait3A_1183, %dma_wait3A_1184] : memref<1000000x64xf32, #tpu.memory_space<hbm>> -> memref<1x64xf32, #tpu.memory_space<hbm>>
      %dma_wait3A_1186 = tpu.memref_slice %arg13[%dma_wait3A_1179] : memref<8x!tpu.dma_semaphore, #tpu.memory_space<semaphore_mem>> -> memref<1x!tpu.dma_semaphore, #tpu.memory_space<semaphore_mem>>
      %dma_wait3A_1187 = tpu.memref_squeeze %dma_wait3A_1186 : memref<1x!tpu.dma_semaphore, #tpu.memory_space<semaphore_mem>> -> memref<!tpu.dma_semaphore, #tpu.memory_space<semaphore_mem>>
      %dma_wait3A_1188 = arith.constant 0 : i32
      %dma_wait3A_1189 = arith.constant 0 : i32
      %dma_wait3A_1190 = tpu.memref_slice %arg11[%dma_wait3A_1188, %dma_wait3A_1189] : memref<256x64xf32, #tpu.memory_space<vmem>> -> memref<1x64xf32, #tpu.memory_space<vmem>>
      %dma_wait3A_1191 = arith.constant 0 : i32
      %dma_wait3A_1192 = arith.constant 0 : i32
      %dma_wait3A_1193 = tpu.memref_slice %arg5[%dma_wait3A_1191, %dma_wait3A_1192] : memref<1000000x64xf32, #tpu.memory_space<hbm>> -> memref<1x64xf32, #tpu.memory_space<hbm>>
      tpu.wait_dma2 semaphore(%dma_wait3A_1187 : memref<!tpu.dma_semaphore, #tpu.memory_space<semaphore_mem>>) src(%dma_wait3A_1193 : memref<1x64xf32, #tpu.memory_space<hbm>>) dst(%dma_wait3A_1190 : memref<1x64xf32, #tpu.memory_space<vmem>>)
      %dma_wait3A_1194 = arith.constant 6 : i32
      %dma_wait3A_1195 = arith.constant 0 : i32
      %dma_wait3A_1196 = arith.constant 0 : i32
      %dma_wait3A_1197 = tpu.memref_slice %arg10[%dma_wait3A_1195, %dma_wait3A_1196] : memref<256x64xf32, #tpu.memory_space<vmem>> -> memref<1x64xf32, #tpu.memory_space<vmem>>
      %dma_wait3A_1198 = arith.constant 0 : i32
      %dma_wait3A_1199 = arith.constant 0 : i32
      %dma_wait3A_1200 = tpu.memref_slice %arg4[%dma_wait3A_1198, %dma_wait3A_1199] : memref<1000000x64xf32, #tpu.memory_space<hbm>> -> memref<1x64xf32, #tpu.memory_space<hbm>>
      %dma_wait3A_1201 = tpu.memref_slice %arg12[%dma_wait3A_1194] : memref<8x!tpu.dma_semaphore, #tpu.memory_space<semaphore_mem>> -> memref<1x!tpu.dma_semaphore, #tpu.memory_space<semaphore_mem>>
      %dma_wait3A_1202 = tpu.memref_squeeze %dma_wait3A_1201 : memref<1x!tpu.dma_semaphore, #tpu.memory_space<semaphore_mem>> -> memref<!tpu.dma_semaphore, #tpu.memory_space<semaphore_mem>>
      %dma_wait3A_1203 = arith.constant 0 : i32
      %dma_wait3A_1204 = arith.constant 0 : i32
      %dma_wait3A_1205 = tpu.memref_slice %arg10[%dma_wait3A_1203, %dma_wait3A_1204] : memref<256x64xf32, #tpu.memory_space<vmem>> -> memref<1x64xf32, #tpu.memory_space<vmem>>
      %dma_wait3A_1206 = arith.constant 0 : i32
      %dma_wait3A_1207 = arith.constant 0 : i32
      %dma_wait3A_1208 = tpu.memref_slice %arg4[%dma_wait3A_1206, %dma_wait3A_1207] : memref<1000000x64xf32, #tpu.memory_space<hbm>> -> memref<1x64xf32, #tpu.memory_space<hbm>>
      tpu.wait_dma2 semaphore(%dma_wait3A_1202 : memref<!tpu.dma_semaphore, #tpu.memory_space<semaphore_mem>>) src(%dma_wait3A_1208 : memref<1x64xf32, #tpu.memory_space<hbm>>) dst(%dma_wait3A_1205 : memref<1x64xf32, #tpu.memory_space<vmem>>)
      %dma_wait3A_1209 = arith.constant 6 : i32
      %dma_wait3A_1210 = arith.constant 0 : i32
      %dma_wait3A_1211 = arith.constant 0 : i32
      %dma_wait3A_1212 = tpu.memref_slice %arg11[%dma_wait3A_1210, %dma_wait3A_1211] : memref<256x64xf32, #tpu.memory_space<vmem>> -> memref<1x64xf32, #tpu.memory_space<vmem>>
      %dma_wait3A_1213 = arith.constant 0 : i32
      %dma_wait3A_1214 = arith.constant 0 : i32
      %dma_wait3A_1215 = tpu.memref_slice %arg5[%dma_wait3A_1213, %dma_wait3A_1214] : memref<1000000x64xf32, #tpu.memory_space<hbm>> -> memref<1x64xf32, #tpu.memory_space<hbm>>
      %dma_wait3A_1216 = tpu.memref_slice %arg13[%dma_wait3A_1209] : memref<8x!tpu.dma_semaphore, #tpu.memory_space<semaphore_mem>> -> memref<1x!tpu.dma_semaphore, #tpu.memory_space<semaphore_mem>>
      %dma_wait3A_1217 = tpu.memref_squeeze %dma_wait3A_1216 : memref<1x!tpu.dma_semaphore, #tpu.memory_space<semaphore_mem>> -> memref<!tpu.dma_semaphore, #tpu.memory_space<semaphore_mem>>
      %dma_wait3A_1218 = arith.constant 0 : i32
      %dma_wait3A_1219 = arith.constant 0 : i32
      %dma_wait3A_1220 = tpu.memref_slice %arg11[%dma_wait3A_1218, %dma_wait3A_1219] : memref<256x64xf32, #tpu.memory_space<vmem>> -> memref<1x64xf32, #tpu.memory_space<vmem>>
      %dma_wait3A_1221 = arith.constant 0 : i32
      %dma_wait3A_1222 = arith.constant 0 : i32
      %dma_wait3A_1223 = tpu.memref_slice %arg5[%dma_wait3A_1221, %dma_wait3A_1222] : memref<1000000x64xf32, #tpu.memory_space<hbm>> -> memref<1x64xf32, #tpu.memory_space<hbm>>
      tpu.wait_dma2 semaphore(%dma_wait3A_1217 : memref<!tpu.dma_semaphore, #tpu.memory_space<semaphore_mem>>) src(%dma_wait3A_1223 : memref<1x64xf32, #tpu.memory_space<hbm>>) dst(%dma_wait3A_1220 : memref<1x64xf32, #tpu.memory_space<vmem>>)
      %dma_wait3A_1224 = arith.constant 7 : i32
      %dma_wait3A_1225 = arith.constant 0 : i32
      %dma_wait3A_1226 = arith.constant 0 : i32
      %dma_wait3A_1227 = tpu.memref_slice %arg10[%dma_wait3A_1225, %dma_wait3A_1226] : memref<256x64xf32, #tpu.memory_space<vmem>> -> memref<1x64xf32, #tpu.memory_space<vmem>>
      %dma_wait3A_1228 = arith.constant 0 : i32
      %dma_wait3A_1229 = arith.constant 0 : i32
      %dma_wait3A_1230 = tpu.memref_slice %arg4[%dma_wait3A_1228, %dma_wait3A_1229] : memref<1000000x64xf32, #tpu.memory_space<hbm>> -> memref<1x64xf32, #tpu.memory_space<hbm>>
      %dma_wait3A_1231 = tpu.memref_slice %arg12[%dma_wait3A_1224] : memref<8x!tpu.dma_semaphore, #tpu.memory_space<semaphore_mem>> -> memref<1x!tpu.dma_semaphore, #tpu.memory_space<semaphore_mem>>
      %dma_wait3A_1232 = tpu.memref_squeeze %dma_wait3A_1231 : memref<1x!tpu.dma_semaphore, #tpu.memory_space<semaphore_mem>> -> memref<!tpu.dma_semaphore, #tpu.memory_space<semaphore_mem>>
      %dma_wait3A_1233 = arith.constant 0 : i32
      %dma_wait3A_1234 = arith.constant 0 : i32
      %dma_wait3A_1235 = tpu.memref_slice %arg10[%dma_wait3A_1233, %dma_wait3A_1234] : memref<256x64xf32, #tpu.memory_space<vmem>> -> memref<1x64xf32, #tpu.memory_space<vmem>>
      %dma_wait3A_1236 = arith.constant 0 : i32
      %dma_wait3A_1237 = arith.constant 0 : i32
      %dma_wait3A_1238 = tpu.memref_slice %arg4[%dma_wait3A_1236, %dma_wait3A_1237] : memref<1000000x64xf32, #tpu.memory_space<hbm>> -> memref<1x64xf32, #tpu.memory_space<hbm>>
      tpu.wait_dma2 semaphore(%dma_wait3A_1232 : memref<!tpu.dma_semaphore, #tpu.memory_space<semaphore_mem>>) src(%dma_wait3A_1238 : memref<1x64xf32, #tpu.memory_space<hbm>>) dst(%dma_wait3A_1235 : memref<1x64xf32, #tpu.memory_space<vmem>>)
      %dma_wait3A_1239 = arith.constant 7 : i32
      %dma_wait3A_1240 = arith.constant 0 : i32
      %dma_wait3A_1241 = arith.constant 0 : i32
      %dma_wait3A_1242 = tpu.memref_slice %arg11[%dma_wait3A_1240, %dma_wait3A_1241] : memref<256x64xf32, #tpu.memory_space<vmem>> -> memref<1x64xf32, #tpu.memory_space<vmem>>
      %dma_wait3A_1243 = arith.constant 0 : i32
      %dma_wait3A_1244 = arith.constant 0 : i32
      %dma_wait3A_1245 = tpu.memref_slice %arg5[%dma_wait3A_1243, %dma_wait3A_1244] : memref<1000000x64xf32, #tpu.memory_space<hbm>> -> memref<1x64xf32, #tpu.memory_space<hbm>>
      %dma_wait3A_1246 = tpu.memref_slice %arg13[%dma_wait3A_1239] : memref<8x!tpu.dma_semaphore, #tpu.memory_space<semaphore_mem>> -> memref<1x!tpu.dma_semaphore, #tpu.memory_space<semaphore_mem>>
      %dma_wait3A_1247 = tpu.memref_squeeze %dma_wait3A_1246 : memref<1x!tpu.dma_semaphore, #tpu.memory_space<semaphore_mem>> -> memref<!tpu.dma_semaphore, #tpu.memory_space<semaphore_mem>>
      %dma_wait3A_1248 = arith.constant 0 : i32
      %dma_wait3A_1249 = arith.constant 0 : i32
      %dma_wait3A_1250 = tpu.memref_slice %arg11[%dma_wait3A_1248, %dma_wait3A_1249] : memref<256x64xf32, #tpu.memory_space<vmem>> -> memref<1x64xf32, #tpu.memory_space<vmem>>
      %dma_wait3A_1251 = arith.constant 0 : i32
      %dma_wait3A_1252 = arith.constant 0 : i32
      %dma_wait3A_1253 = tpu.memref_slice %arg5[%dma_wait3A_1251, %dma_wait3A_1252] : memref<1000000x64xf32, #tpu.memory_space<hbm>> -> memref<1x64xf32, #tpu.memory_space<hbm>>
      tpu.wait_dma2 semaphore(%dma_wait3A_1247 : memref<!tpu.dma_semaphore, #tpu.memory_space<semaphore_mem>>) src(%dma_wait3A_1253 : memref<1x64xf32, #tpu.memory_space<hbm>>) dst(%dma_wait3A_1250 : memref<1x64xf32, #tpu.memory_space<vmem>>)
      %mul3A_1254 = arith.constant 8 : i32
      %mul3A_1255 = arith.muli %scan3A_1013, %mul3A_1254 : i32
      %get3A_1256 = arith.index_cast %mul3A_1255 : i32 to index
      %get3A_1257 = tpu.vector_load %arg8[%get3A_1256] {strides = array<i32>} : memref<528xi32, #tpu.memory_space<vmem>>, vector<16xi32>,
      %get3A_1258 = vector.shape_cast %get3A_1257 : vector<16xi32> to vector<16xi32>
      %mul3A_1259 = arith.constant 8 : i32
      %mul3A_1260 = arith.muli %scan3A_1013, %mul3A_1259 : i32
      %get3A_1261 = arith.index_cast %mul3A_1260 : i32 to index
      %get3A_1262 = tpu.vector_load %arg9[%get3A_1261] {strides = array<i32>} : memref<528xi32, #tpu.memory_space<vmem>>, vector<16xi32>,
      %get3A_1263 = vector.shape_cast %get3A_1262 : vector<16xi32> to vector<16xi32>
      %jit3A = arith.constant 32 : i32
      %eq3A = arith.constant 0 : i32
      %eq3A_1264 = arith.cmpi eq, %jit3A, %eq3A : i32
      %jit3A_1265 = arith.constant 1 : i32
      %select_n3A = arith.select %eq3A_1264, %jit3A_1265, %jit3A : i32
      %rem3A = arith.remsi %scan3A_1013, %select_n3A : i32
      %ne3A = arith.constant 0 : i32
      %ne3A_1266 = arith.cmpi ne, %rem3A, %ne3A : i32
      %lt3A = arith.constant 0 : i32
      %lt3A_1267 = arith.cmpi slt, %rem3A, %lt3A : i32
      %lt3A_1268 = arith.constant 0 : i32
      %lt3A_1269 = arith.cmpi slt, %select_n3A, %lt3A_1268 : i32
      %ne3A_1270 = arith.xori %lt3A_1267, %lt3A_1269 : i1
      %and3A = arith.andi %ne3A_1270, %ne3A_1266 : i1
      %add3A_1271 = arith.addi %rem3A, %select_n3A : i32
      %select_n3A_1272 = arith.select %and3A, %add3A_1271, %rem3A : i32
      %mul3A_1273 = arith.constant 8 : i32
      %mul3A_1274 = arith.muli %select_n3A_1272, %mul3A_1273 : i32
      %add3A_1275 = arith.constant 0 : i32
      %add3A_1276 = arith.addi %mul3A_1274, %add3A_1275 : i32
      %slice3A_1277 = vector.extract_strided_slice %get3A_1258 {offsets = [0], sizes = [1], strides = [1]} : vector<16xi32> to vector<1xi32>
      %squeeze3A_1278 = vector.extract %slice3A_1277[0] : i32 from vector<1xi32>
      %dma_start3A_1279 = arith.constant 0 : i32
      %dma_start3A_1280 = arith.constant 0 : i32
      %dma_start3A_1281 = tpu.memref_slice %arg10[%add3A_1276, %dma_start3A_1280] : memref<256x64xf32, #tpu.memory_space<vmem>> -> memref<1x64xf32, #tpu.memory_space<vmem>>
      %dma_start3A_1282 = arith.constant 0 : i32
      %dma_start3A_1283 = tpu.memref_slice %arg4[%squeeze3A_1278, %dma_start3A_1282] : memref<1000000x64xf32, #tpu.memory_space<hbm>> -> memref<1x64xf32, #tpu.memory_space<hbm>>
      %dma_start3A_1284 = tpu.memref_slice %arg12[%dma_start3A_1279] : memref<8x!tpu.dma_semaphore, #tpu.memory_space<semaphore_mem>> -> memref<1x!tpu.dma_semaphore, #tpu.memory_space<semaphore_mem>>
      %dma_start3A_1285 = tpu.memref_squeeze %dma_start3A_1284 : memref<1x!tpu.dma_semaphore, #tpu.memory_space<semaphore_mem>> -> memref<!tpu.dma_semaphore, #tpu.memory_space<semaphore_mem>>
      %dma_start3A_1286 = arith.constant 0 : i32
      %dma_start3A_1287 = tpu.memref_slice %arg10[%add3A_1276, %dma_start3A_1286] : memref<256x64xf32, #tpu.memory_space<vmem>> -> memref<1x64xf32, #tpu.memory_space<vmem>>
      %dma_start3A_1288 = arith.constant 0 : i32
      %dma_start3A_1289 = tpu.memref_slice %arg4[%squeeze3A_1278, %dma_start3A_1288] : memref<1000000x64xf32, #tpu.memory_space<hbm>> -> memref<1x64xf32, #tpu.memory_space<hbm>>
      tpu.enqueue_dma source(%dma_start3A_1289 : memref<1x64xf32, #tpu.memory_space<hbm>>) target(%dma_start3A_1287 : memref<1x64xf32, #tpu.memory_space<vmem>>) target_semaphore(%dma_start3A_1285 : memref<!tpu.dma_semaphore, #tpu.memory_space<semaphore_mem>>)
      %slice3A_1290 = vector.extract_strided_slice %get3A_1263 {offsets = [0], sizes = [1], strides = [1]} : vector<16xi32> to vector<1xi32>
      %squeeze3A_1291 = vector.extract %slice3A_1290[0] : i32 from vector<1xi32>
      %dma_start3A_1292 = arith.constant 0 : i32
      %dma_start3A_1293 = arith.constant 0 : i32
      %dma_start3A_1294 = tpu.memref_slice %arg11[%add3A_1276, %dma_start3A_1293] : memref<256x64xf32, #tpu.memory_space<vmem>> -> memref<1x64xf32, #tpu.memory_space<vmem>>
      %dma_start3A_1295 = arith.constant 0 : i32
      %dma_start3A_1296 = tpu.memref_slice %arg5[%squeeze3A_1291, %dma_start3A_1295] : memref<1000000x64xf32, #tpu.memory_space<hbm>> -> memref<1x64xf32, #tpu.memory_space<hbm>>
      %dma_start3A_1297 = tpu.memref_slice %arg13[%dma_start3A_1292] : memref<8x!tpu.dma_semaphore, #tpu.memory_space<semaphore_mem>> -> memref<1x!tpu.dma_semaphore, #tpu.memory_space<semaphore_mem>>
      %dma_start3A_1298 = tpu.memref_squeeze %dma_start3A_1297 : memref<1x!tpu.dma_semaphore, #tpu.memory_space<semaphore_mem>> -> memref<!tpu.dma_semaphore, #tpu.memory_space<semaphore_mem>>
      %dma_start3A_1299 = arith.constant 0 : i32
      %dma_start3A_1300 = tpu.memref_slice %arg11[%add3A_1276, %dma_start3A_1299] : memref<256x64xf32, #tpu.memory_space<vmem>> -> memref<1x64xf32, #tpu.memory_space<vmem>>
      %dma_start3A_1301 = arith.constant 0 : i32
      %dma_start3A_1302 = tpu.memref_slice %arg5[%squeeze3A_1291, %dma_start3A_1301] : memref<1000000x64xf32, #tpu.memory_space<hbm>> -> memref<1x64xf32, #tpu.memory_space<hbm>>
      tpu.enqueue_dma source(%dma_start3A_1302 : memref<1x64xf32, #tpu.memory_space<hbm>>) target(%dma_start3A_1300 : memref<1x64xf32, #tpu.memory_space<vmem>>) target_semaphore(%dma_start3A_1298 : memref<!tpu.dma_semaphore, #tpu.memory_space<semaphore_mem>>)
      %jit3A_1303 = arith.constant 32 : i32
      %eq3A_1304 = arith.constant 0 : i32
      %eq3A_1305 = arith.cmpi eq, %jit3A_1303, %eq3A_1304 : i32
      %jit3A_1306 = arith.constant 1 : i32
      %select_n3A_1307 = arith.select %eq3A_1305, %jit3A_1306, %jit3A_1303 : i32
      %rem3A_1308 = arith.remsi %scan3A_1013, %select_n3A_1307 : i32
      %ne3A_1309 = arith.constant 0 : i32
      %ne3A_1310 = arith.cmpi ne, %rem3A_1308, %ne3A_1309 : i32
      %lt3A_1311 = arith.constant 0 : i32
      %lt3A_1312 = arith.cmpi slt, %rem3A_1308, %lt3A_1311 : i32
      %lt3A_1313 = arith.constant 0 : i32
      %lt3A_1314 = arith.cmpi slt, %select_n3A_1307, %lt3A_1313 : i32
      %ne3A_1315 = arith.xori %lt3A_1312, %lt3A_1314 : i1
      %and3A_1316 = arith.andi %ne3A_1315, %ne3A_1310 : i1
      %add3A_1317 = arith.addi %rem3A_1308, %select_n3A_1307 : i32
      %select_n3A_1318 = arith.select %and3A_1316, %add3A_1317, %rem3A_1308 : i32
      %mul3A_1319 = arith.constant 8 : i32
      %mul3A_1320 = arith.muli %select_n3A_1318, %mul3A_1319 : i32
      %add3A_1321 = arith.constant 1 : i32
      %add3A_1322 = arith.addi %mul3A_1320, %add3A_1321 : i32
      %slice3A_1323 = vector.extract_strided_slice %get3A_1258 {offsets = [1], sizes = [1], strides = [1]} : vector<16xi32> to vector<1xi32>
      %squeeze3A_1324 = vector.extract %slice3A_1323[0] : i32 from vector<1xi32>
      %dma_start3A_1325 = arith.constant 1 : i32
      %dma_start3A_1326 = arith.constant 0 : i32
      %dma_start3A_1327 = tpu.memref_slice %arg10[%add3A_1322, %dma_start3A_1326] : memref<256x64xf32, #tpu.memory_space<vmem>> -> memref<1x64xf32, #tpu.memory_space<vmem>>
      %dma_start3A_1328 = arith.constant 0 : i32
      %dma_start3A_1329 = tpu.memref_slice %arg4[%squeeze3A_1324, %dma_start3A_1328] : memref<1000000x64xf32, #tpu.memory_space<hbm>> -> memref<1x64xf32, #tpu.memory_space<hbm>>
      %dma_start3A_1330 = tpu.memref_slice %arg12[%dma_start3A_1325] : memref<8x!tpu.dma_semaphore, #tpu.memory_space<semaphore_mem>> -> memref<1x!tpu.dma_semaphore, #tpu.memory_space<semaphore_mem>>
      %dma_start3A_1331 = tpu.memref_squeeze %dma_start3A_1330 : memref<1x!tpu.dma_semaphore, #tpu.memory_space<semaphore_mem>> -> memref<!tpu.dma_semaphore, #tpu.memory_space<semaphore_mem>>
      %dma_start3A_1332 = arith.constant 0 : i32
      %dma_start3A_1333 = tpu.memref_slice %arg10[%add3A_1322, %dma_start3A_1332] : memref<256x64xf32, #tpu.memory_space<vmem>> -> memref<1x64xf32, #tpu.memory_space<vmem>>
      %dma_start3A_1334 = arith.constant 0 : i32
      %dma_start3A_1335 = tpu.memref_slice %arg4[%squeeze3A_1324, %dma_start3A_1334] : memref<1000000x64xf32, #tpu.memory_space<hbm>> -> memref<1x64xf32, #tpu.memory_space<hbm>>
      tpu.enqueue_dma source(%dma_start3A_1335 : memref<1x64xf32, #tpu.memory_space<hbm>>) target(%dma_start3A_1333 : memref<1x64xf32, #tpu.memory_space<vmem>>) target_semaphore(%dma_start3A_1331 : memref<!tpu.dma_semaphore, #tpu.memory_space<semaphore_mem>>)
      %slice3A_1336 = vector.extract_strided_slice %get3A_1263 {offsets = [1], sizes = [1], strides = [1]} : vector<16xi32> to vector<1xi32>
      %squeeze3A_1337 = vector.extract %slice3A_1336[0] : i32 from vector<1xi32>
      %dma_start3A_1338 = arith.constant 1 : i32
      %dma_start3A_1339 = arith.constant 0 : i32
      %dma_start3A_1340 = tpu.memref_slice %arg11[%add3A_1322, %dma_start3A_1339] : memref<256x64xf32, #tpu.memory_space<vmem>> -> memref<1x64xf32, #tpu.memory_space<vmem>>
      %dma_start3A_1341 = arith.constant 0 : i32
      %dma_start3A_1342 = tpu.memref_slice %arg5[%squeeze3A_1337, %dma_start3A_1341] : memref<1000000x64xf32, #tpu.memory_space<hbm>> -> memref<1x64xf32, #tpu.memory_space<hbm>>
      %dma_start3A_1343 = tpu.memref_slice %arg13[%dma_start3A_1338] : memref<8x!tpu.dma_semaphore, #tpu.memory_space<semaphore_mem>> -> memref<1x!tpu.dma_semaphore, #tpu.memory_space<semaphore_mem>>
      %dma_start3A_1344 = tpu.memref_squeeze %dma_start3A_1343 : memref<1x!tpu.dma_semaphore, #tpu.memory_space<semaphore_mem>> -> memref<!tpu.dma_semaphore, #tpu.memory_space<semaphore_mem>>
      %dma_start3A_1345 = arith.constant 0 : i32
      %dma_start3A_1346 = tpu.memref_slice %arg11[%add3A_1322, %dma_start3A_1345] : memref<256x64xf32, #tpu.memory_space<vmem>> -> memref<1x64xf32, #tpu.memory_space<vmem>>
      %dma_start3A_1347 = arith.constant 0 : i32
      %dma_start3A_1348 = tpu.memref_slice %arg5[%squeeze3A_1337, %dma_start3A_1347] : memref<1000000x64xf32, #tpu.memory_space<hbm>> -> memref<1x64xf32, #tpu.memory_space<hbm>>
      tpu.enqueue_dma source(%dma_start3A_1348 : memref<1x64xf32, #tpu.memory_space<hbm>>) target(%dma_start3A_1346 : memref<1x64xf32, #tpu.memory_space<vmem>>) target_semaphore(%dma_start3A_1344 : memref<!tpu.dma_semaphore, #tpu.memory_space<semaphore_mem>>)
      %jit3A_1349 = arith.constant 32 : i32
      %eq3A_1350 = arith.constant 0 : i32
      %eq3A_1351 = arith.cmpi eq, %jit3A_1349, %eq3A_1350 : i32
      %jit3A_1352 = arith.constant 1 : i32
      %select_n3A_1353 = arith.select %eq3A_1351, %jit3A_1352, %jit3A_1349 : i32
      %rem3A_1354 = arith.remsi %scan3A_1013, %select_n3A_1353 : i32
      %ne3A_1355 = arith.constant 0 : i32
      %ne3A_1356 = arith.cmpi ne, %rem3A_1354, %ne3A_1355 : i32
      %lt3A_1357 = arith.constant 0 : i32
      %lt3A_1358 = arith.cmpi slt, %rem3A_1354, %lt3A_1357 : i32
      %lt3A_1359 = arith.constant 0 : i32
      %lt3A_1360 = arith.cmpi slt, %select_n3A_1353, %lt3A_1359 : i32
      %ne3A_1361 = arith.xori %lt3A_1358, %lt3A_1360 : i1
      %and3A_1362 = arith.andi %ne3A_1361, %ne3A_1356 : i1
      %add3A_1363 = arith.addi %rem3A_1354, %select_n3A_1353 : i32
      %select_n3A_1364 = arith.select %and3A_1362, %add3A_1363, %rem3A_1354 : i32
      %mul3A_1365 = arith.constant 8 : i32
      %mul3A_1366 = arith.muli %select_n3A_1364, %mul3A_1365 : i32
      %add3A_1367 = arith.constant 2 : i32
      %add3A_1368 = arith.addi %mul3A_1366, %add3A_1367 : i32
      %slice3A_1369 = vector.extract_strided_slice %get3A_1258 {offsets = [2], sizes = [1], strides = [1]} : vector<16xi32> to vector<1xi32>
      %squeeze3A_1370 = vector.extract %slice3A_1369[0] : i32 from vector<1xi32>
      %dma_start3A_1371 = arith.constant 2 : i32
      %dma_start3A_1372 = arith.constant 0 : i32
      %dma_start3A_1373 = tpu.memref_slice %arg10[%add3A_1368, %dma_start3A_1372] : memref<256x64xf32, #tpu.memory_space<vmem>> -> memref<1x64xf32, #tpu.memory_space<vmem>>
      %dma_start3A_1374 = arith.constant 0 : i32
      %dma_start3A_1375 = tpu.memref_slice %arg4[%squeeze3A_1370, %dma_start3A_1374] : memref<1000000x64xf32, #tpu.memory_space<hbm>> -> memref<1x64xf32, #tpu.memory_space<hbm>>
      %dma_start3A_1376 = tpu.memref_slice %arg12[%dma_start3A_1371] : memref<8x!tpu.dma_semaphore, #tpu.memory_space<semaphore_mem>> -> memref<1x!tpu.dma_semaphore, #tpu.memory_space<semaphore_mem>>
      %dma_start3A_1377 = tpu.memref_squeeze %dma_start3A_1376 : memref<1x!tpu.dma_semaphore, #tpu.memory_space<semaphore_mem>> -> memref<!tpu.dma_semaphore, #tpu.memory_space<semaphore_mem>>
      %dma_start3A_1378 = arith.constant 0 : i32
      %dma_start3A_1379 = tpu.memref_slice %arg10[%add3A_1368, %dma_start3A_1378] : memref<256x64xf32, #tpu.memory_space<vmem>> -> memref<1x64xf32, #tpu.memory_space<vmem>>
      %dma_start3A_1380 = arith.constant 0 : i32
      %dma_start3A_1381 = tpu.memref_slice %arg4[%squeeze3A_1370, %dma_start3A_1380] : memref<1000000x64xf32, #tpu.memory_space<hbm>> -> memref<1x64xf32, #tpu.memory_space<hbm>>
      tpu.enqueue_dma source(%dma_start3A_1381 : memref<1x64xf32, #tpu.memory_space<hbm>>) target(%dma_start3A_1379 : memref<1x64xf32, #tpu.memory_space<vmem>>) target_semaphore(%dma_start3A_1377 : memref<!tpu.dma_semaphore, #tpu.memory_space<semaphore_mem>>)
      %slice3A_1382 = vector.extract_strided_slice %get3A_1263 {offsets = [2], sizes = [1], strides = [1]} : vector<16xi32> to vector<1xi32>
      %squeeze3A_1383 = vector.extract %slice3A_1382[0] : i32 from vector<1xi32>
      %dma_start3A_1384 = arith.constant 2 : i32
      %dma_start3A_1385 = arith.constant 0 : i32
      %dma_start3A_1386 = tpu.memref_slice %arg11[%add3A_1368, %dma_start3A_1385] : memref<256x64xf32, #tpu.memory_space<vmem>> -> memref<1x64xf32, #tpu.memory_space<vmem>>
      %dma_start3A_1387 = arith.constant 0 : i32
      %dma_start3A_1388 = tpu.memref_slice %arg5[%squeeze3A_1383, %dma_start3A_1387] : memref<1000000x64xf32, #tpu.memory_space<hbm>> -> memref<1x64xf32, #tpu.memory_space<hbm>>
      %dma_start3A_1389 = tpu.memref_slice %arg13[%dma_start3A_1384] : memref<8x!tpu.dma_semaphore, #tpu.memory_space<semaphore_mem>> -> memref<1x!tpu.dma_semaphore, #tpu.memory_space<semaphore_mem>>
      %dma_start3A_1390 = tpu.memref_squeeze %dma_start3A_1389 : memref<1x!tpu.dma_semaphore, #tpu.memory_space<semaphore_mem>> -> memref<!tpu.dma_semaphore, #tpu.memory_space<semaphore_mem>>
      %dma_start3A_1391 = arith.constant 0 : i32
      %dma_start3A_1392 = tpu.memref_slice %arg11[%add3A_1368, %dma_start3A_1391] : memref<256x64xf32, #tpu.memory_space<vmem>> -> memref<1x64xf32, #tpu.memory_space<vmem>>
      %dma_start3A_1393 = arith.constant 0 : i32
      %dma_start3A_1394 = tpu.memref_slice %arg5[%squeeze3A_1383, %dma_start3A_1393] : memref<1000000x64xf32, #tpu.memory_space<hbm>> -> memref<1x64xf32, #tpu.memory_space<hbm>>
      tpu.enqueue_dma source(%dma_start3A_1394 : memref<1x64xf32, #tpu.memory_space<hbm>>) target(%dma_start3A_1392 : memref<1x64xf32, #tpu.memory_space<vmem>>) target_semaphore(%dma_start3A_1390 : memref<!tpu.dma_semaphore, #tpu.memory_space<semaphore_mem>>)
      %jit3A_1395 = arith.constant 32 : i32
      %eq3A_1396 = arith.constant 0 : i32
      %eq3A_1397 = arith.cmpi eq, %jit3A_1395, %eq3A_1396 : i32
      %jit3A_1398 = arith.constant 1 : i32
      %select_n3A_1399 = arith.select %eq3A_1397, %jit3A_1398, %jit3A_1395 : i32
      %rem3A_1400 = arith.remsi %scan3A_1013, %select_n3A_1399 : i32
      %ne3A_1401 = arith.constant 0 : i32
      %ne3A_1402 = arith.cmpi ne, %rem3A_1400, %ne3A_1401 : i32
      %lt3A_1403 = arith.constant 0 : i32
      %lt3A_1404 = arith.cmpi slt, %rem3A_1400, %lt3A_1403 : i32
      %lt3A_1405 = arith.constant 0 : i32
      %lt3A_1406 = arith.cmpi slt, %select_n3A_1399, %lt3A_1405 : i32
      %ne3A_1407 = arith.xori %lt3A_1404, %lt3A_1406 : i1
      %and3A_1408 = arith.andi %ne3A_1407, %ne3A_1402 : i1
      %add3A_1409 = arith.addi %rem3A_1400, %select_n3A_1399 : i32
      %select_n3A_1410 = arith.select %and3A_1408, %add3A_1409, %rem3A_1400 : i32
      %mul3A_1411 = arith.constant 8 : i32
      %mul3A_1412 = arith.muli %select_n3A_1410, %mul3A_1411 : i32
      %add3A_1413 = arith.constant 3 : i32
      %add3A_1414 = arith.addi %mul3A_1412, %add3A_1413 : i32
      %slice3A_1415 = vector.extract_strided_slice %get3A_1258 {offsets = [3], sizes = [1], strides = [1]} : vector<16xi32> to vector<1xi32>
      %squeeze3A_1416 = vector.extract %slice3A_1415[0] : i32 from vector<1xi32>
      %dma_start3A_1417 = arith.constant 3 : i32
      %dma_start3A_1418 = arith.constant 0 : i32
      %dma_start3A_1419 = tpu.memref_slice %arg10[%add3A_1414, %dma_start3A_1418] : memref<256x64xf32, #tpu.memory_space<vmem>> -> memref<1x64xf32, #tpu.memory_space<vmem>>
      %dma_start3A_1420 = arith.constant 0 : i32
      %dma_start3A_1421 = tpu.memref_slice %arg4[%squeeze3A_1416, %dma_start3A_1420] : memref<1000000x64xf32, #tpu.memory_space<hbm>> -> memref<1x64xf32, #tpu.memory_space<hbm>>
      %dma_start3A_1422 = tpu.memref_slice %arg12[%dma_start3A_1417] : memref<8x!tpu.dma_semaphore, #tpu.memory_space<semaphore_mem>> -> memref<1x!tpu.dma_semaphore, #tpu.memory_space<semaphore_mem>>
      %dma_start3A_1423 = tpu.memref_squeeze %dma_start3A_1422 : memref<1x!tpu.dma_semaphore, #tpu.memory_space<semaphore_mem>> -> memref<!tpu.dma_semaphore, #tpu.memory_space<semaphore_mem>>
      %dma_start3A_1424 = arith.constant 0 : i32
      %dma_start3A_1425 = tpu.memref_slice %arg10[%add3A_1414, %dma_start3A_1424] : memref<256x64xf32, #tpu.memory_space<vmem>> -> memref<1x64xf32, #tpu.memory_space<vmem>>
      %dma_start3A_1426 = arith.constant 0 : i32
      %dma_start3A_1427 = tpu.memref_slice %arg4[%squeeze3A_1416, %dma_start3A_1426] : memref<1000000x64xf32, #tpu.memory_space<hbm>> -> memref<1x64xf32, #tpu.memory_space<hbm>>
      tpu.enqueue_dma source(%dma_start3A_1427 : memref<1x64xf32, #tpu.memory_space<hbm>>) target(%dma_start3A_1425 : memref<1x64xf32, #tpu.memory_space<vmem>>) target_semaphore(%dma_start3A_1423 : memref<!tpu.dma_semaphore, #tpu.memory_space<semaphore_mem>>)
      %slice3A_1428 = vector.extract_strided_slice %get3A_1263 {offsets = [3], sizes = [1], strides = [1]} : vector<16xi32> to vector<1xi32>
      %squeeze3A_1429 = vector.extract %slice3A_1428[0] : i32 from vector<1xi32>
      %dma_start3A_1430 = arith.constant 3 : i32
      %dma_start3A_1431 = arith.constant 0 : i32
      %dma_start3A_1432 = tpu.memref_slice %arg11[%add3A_1414, %dma_start3A_1431] : memref<256x64xf32, #tpu.memory_space<vmem>> -> memref<1x64xf32, #tpu.memory_space<vmem>>
      %dma_start3A_1433 = arith.constant 0 : i32
      %dma_start3A_1434 = tpu.memref_slice %arg5[%squeeze3A_1429, %dma_start3A_1433] : memref<1000000x64xf32, #tpu.memory_space<hbm>> -> memref<1x64xf32, #tpu.memory_space<hbm>>
      %dma_start3A_1435 = tpu.memref_slice %arg13[%dma_start3A_1430] : memref<8x!tpu.dma_semaphore, #tpu.memory_space<semaphore_mem>> -> memref<1x!tpu.dma_semaphore, #tpu.memory_space<semaphore_mem>>
      %dma_start3A_1436 = tpu.memref_squeeze %dma_start3A_1435 : memref<1x!tpu.dma_semaphore, #tpu.memory_space<semaphore_mem>> -> memref<!tpu.dma_semaphore, #tpu.memory_space<semaphore_mem>>
      %dma_start3A_1437 = arith.constant 0 : i32
      %dma_start3A_1438 = tpu.memref_slice %arg11[%add3A_1414, %dma_start3A_1437] : memref<256x64xf32, #tpu.memory_space<vmem>> -> memref<1x64xf32, #tpu.memory_space<vmem>>
      %dma_start3A_1439 = arith.constant 0 : i32
      %dma_start3A_1440 = tpu.memref_slice %arg5[%squeeze3A_1429, %dma_start3A_1439] : memref<1000000x64xf32, #tpu.memory_space<hbm>> -> memref<1x64xf32, #tpu.memory_space<hbm>>
      tpu.enqueue_dma source(%dma_start3A_1440 : memref<1x64xf32, #tpu.memory_space<hbm>>) target(%dma_start3A_1438 : memref<1x64xf32, #tpu.memory_space<vmem>>) target_semaphore(%dma_start3A_1436 : memref<!tpu.dma_semaphore, #tpu.memory_space<semaphore_mem>>)
      %jit3A_1441 = arith.constant 32 : i32
      %eq3A_1442 = arith.constant 0 : i32
      %eq3A_1443 = arith.cmpi eq, %jit3A_1441, %eq3A_1442 : i32
      %jit3A_1444 = arith.constant 1 : i32
      %select_n3A_1445 = arith.select %eq3A_1443, %jit3A_1444, %jit3A_1441 : i32
      %rem3A_1446 = arith.remsi %scan3A_1013, %select_n3A_1445 : i32
      %ne3A_1447 = arith.constant 0 : i32
      %ne3A_1448 = arith.cmpi ne, %rem3A_1446, %ne3A_1447 : i32
      %lt3A_1449 = arith.constant 0 : i32
      %lt3A_1450 = arith.cmpi slt, %rem3A_1446, %lt3A_1449 : i32
      %lt3A_1451 = arith.constant 0 : i32
      %lt3A_1452 = arith.cmpi slt, %select_n3A_1445, %lt3A_1451 : i32
      %ne3A_1453 = arith.xori %lt3A_1450, %lt3A_1452 : i1
      %and3A_1454 = arith.andi %ne3A_1453, %ne3A_1448 : i1
      %add3A_1455 = arith.addi %rem3A_1446, %select_n3A_1445 : i32
      %select_n3A_1456 = arith.select %and3A_1454, %add3A_1455, %rem3A_1446 : i32
      %mul3A_1457 = arith.constant 8 : i32
      %mul3A_1458 = arith.muli %select_n3A_1456, %mul3A_1457 : i32
      %add3A_1459 = arith.constant 4 : i32
      %add3A_1460 = arith.addi %mul3A_1458, %add3A_1459 : i32
      %slice3A_1461 = vector.extract_strided_slice %get3A_1258 {offsets = [4], sizes = [1], strides = [1]} : vector<16xi32> to vector<1xi32>
      %squeeze3A_1462 = vector.extract %slice3A_1461[0] : i32 from vector<1xi32>
      %dma_start3A_1463 = arith.constant 4 : i32
      %dma_start3A_1464 = arith.constant 0 : i32
      %dma_start3A_1465 = tpu.memref_slice %arg10[%add3A_1460, %dma_start3A_1464] : memref<256x64xf32, #tpu.memory_space<vmem>> -> memref<1x64xf32, #tpu.memory_space<vmem>>
      %dma_start3A_1466 = arith.constant 0 : i32
      %dma_start3A_1467 = tpu.memref_slice %arg4[%squeeze3A_1462, %dma_start3A_1466] : memref<1000000x64xf32, #tpu.memory_space<hbm>> -> memref<1x64xf32, #tpu.memory_space<hbm>>
      %dma_start3A_1468 = tpu.memref_slice %arg12[%dma_start3A_1463] : memref<8x!tpu.dma_semaphore, #tpu.memory_space<semaphore_mem>> -> memref<1x!tpu.dma_semaphore, #tpu.memory_space<semaphore_mem>>
      %dma_start3A_1469 = tpu.memref_squeeze %dma_start3A_1468 : memref<1x!tpu.dma_semaphore, #tpu.memory_space<semaphore_mem>> -> memref<!tpu.dma_semaphore, #tpu.memory_space<semaphore_mem>>
      %dma_start3A_1470 = arith.constant 0 : i32
      %dma_start3A_1471 = tpu.memref_slice %arg10[%add3A_1460, %dma_start3A_1470] : memref<256x64xf32, #tpu.memory_space<vmem>> -> memref<1x64xf32, #tpu.memory_space<vmem>>
      %dma_start3A_1472 = arith.constant 0 : i32
      %dma_start3A_1473 = tpu.memref_slice %arg4[%squeeze3A_1462, %dma_start3A_1472] : memref<1000000x64xf32, #tpu.memory_space<hbm>> -> memref<1x64xf32, #tpu.memory_space<hbm>>
      tpu.enqueue_dma source(%dma_start3A_1473 : memref<1x64xf32, #tpu.memory_space<hbm>>) target(%dma_start3A_1471 : memref<1x64xf32, #tpu.memory_space<vmem>>) target_semaphore(%dma_start3A_1469 : memref<!tpu.dma_semaphore, #tpu.memory_space<semaphore_mem>>)
      %slice3A_1474 = vector.extract_strided_slice %get3A_1263 {offsets = [4], sizes = [1], strides = [1]} : vector<16xi32> to vector<1xi32>
      %squeeze3A_1475 = vector.extract %slice3A_1474[0] : i32 from vector<1xi32>
      %dma_start3A_1476 = arith.constant 4 : i32
      %dma_start3A_1477 = arith.constant 0 : i32
      %dma_start3A_1478 = tpu.memref_slice %arg11[%add3A_1460, %dma_start3A_1477] : memref<256x64xf32, #tpu.memory_space<vmem>> -> memref<1x64xf32, #tpu.memory_space<vmem>>
      %dma_start3A_1479 = arith.constant 0 : i32
      %dma_start3A_1480 = tpu.memref_slice %arg5[%squeeze3A_1475, %dma_start3A_1479] : memref<1000000x64xf32, #tpu.memory_space<hbm>> -> memref<1x64xf32, #tpu.memory_space<hbm>>
      %dma_start3A_1481 = tpu.memref_slice %arg13[%dma_start3A_1476] : memref<8x!tpu.dma_semaphore, #tpu.memory_space<semaphore_mem>> -> memref<1x!tpu.dma_semaphore, #tpu.memory_space<semaphore_mem>>
      %dma_start3A_1482 = tpu.memref_squeeze %dma_start3A_1481 : memref<1x!tpu.dma_semaphore, #tpu.memory_space<semaphore_mem>> -> memref<!tpu.dma_semaphore, #tpu.memory_space<semaphore_mem>>
      %dma_start3A_1483 = arith.constant 0 : i32
      %dma_start3A_1484 = tpu.memref_slice %arg11[%add3A_1460, %dma_start3A_1483] : memref<256x64xf32, #tpu.memory_space<vmem>> -> memref<1x64xf32, #tpu.memory_space<vmem>>
      %dma_start3A_1485 = arith.constant 0 : i32
      %dma_start3A_1486 = tpu.memref_slice %arg5[%squeeze3A_1475, %dma_start3A_1485] : memref<1000000x64xf32, #tpu.memory_space<hbm>> -> memref<1x64xf32, #tpu.memory_space<hbm>>
      tpu.enqueue_dma source(%dma_start3A_1486 : memref<1x64xf32, #tpu.memory_space<hbm>>) target(%dma_start3A_1484 : memref<1x64xf32, #tpu.memory_space<vmem>>) target_semaphore(%dma_start3A_1482 : memref<!tpu.dma_semaphore, #tpu.memory_space<semaphore_mem>>)
      %jit3A_1487 = arith.constant 32 : i32
      %eq3A_1488 = arith.constant 0 : i32
      %eq3A_1489 = arith.cmpi eq, %jit3A_1487, %eq3A_1488 : i32
      %jit3A_1490 = arith.constant 1 : i32
      %select_n3A_1491 = arith.select %eq3A_1489, %jit3A_1490, %jit3A_1487 : i32
      %rem3A_1492 = arith.remsi %scan3A_1013, %select_n3A_1491 : i32
      %ne3A_1493 = arith.constant 0 : i32
      %ne3A_1494 = arith.cmpi ne, %rem3A_1492, %ne3A_1493 : i32
      %lt3A_1495 = arith.constant 0 : i32
      %lt3A_1496 = arith.cmpi slt, %rem3A_1492, %lt3A_1495 : i32
      %lt3A_1497 = arith.constant 0 : i32
      %lt3A_1498 = arith.cmpi slt, %select_n3A_1491, %lt3A_1497 : i32
      %ne3A_1499 = arith.xori %lt3A_1496, %lt3A_1498 : i1
      %and3A_1500 = arith.andi %ne3A_1499, %ne3A_1494 : i1
      %add3A_1501 = arith.addi %rem3A_1492, %select_n3A_1491 : i32
      %select_n3A_1502 = arith.select %and3A_1500, %add3A_1501, %rem3A_1492 : i32
      %mul3A_1503 = arith.constant 8 : i32
      %mul3A_1504 = arith.muli %select_n3A_1502, %mul3A_1503 : i32
      %add3A_1505 = arith.constant 5 : i32
      %add3A_1506 = arith.addi %mul3A_1504, %add3A_1505 : i32
      %slice3A_1507 = vector.extract_strided_slice %get3A_1258 {offsets = [5], sizes = [1], strides = [1]} : vector<16xi32> to vector<1xi32>
      %squeeze3A_1508 = vector.extract %slice3A_1507[0] : i32 from vector<1xi32>
      %dma_start3A_1509 = arith.constant 5 : i32
      %dma_start3A_1510 = arith.constant 0 : i32
      %dma_start3A_1511 = tpu.memref_slice %arg10[%add3A_1506, %dma_start3A_1510] : memref<256x64xf32, #tpu.memory_space<vmem>> -> memref<1x64xf32, #tpu.memory_space<vmem>>
      %dma_start3A_1512 = arith.constant 0 : i32
      %dma_start3A_1513 = tpu.memref_slice %arg4[%squeeze3A_1508, %dma_start3A_1512] : memref<1000000x64xf32, #tpu.memory_space<hbm>> -> memref<1x64xf32, #tpu.memory_space<hbm>>
      %dma_start3A_1514 = tpu.memref_slice %arg12[%dma_start3A_1509] : memref<8x!tpu.dma_semaphore, #tpu.memory_space<semaphore_mem>> -> memref<1x!tpu.dma_semaphore, #tpu.memory_space<semaphore_mem>>
      %dma_start3A_1515 = tpu.memref_squeeze %dma_start3A_1514 : memref<1x!tpu.dma_semaphore, #tpu.memory_space<semaphore_mem>> -> memref<!tpu.dma_semaphore, #tpu.memory_space<semaphore_mem>>
      %dma_start3A_1516 = arith.constant 0 : i32
      %dma_start3A_1517 = tpu.memref_slice %arg10[%add3A_1506, %dma_start3A_1516] : memref<256x64xf32, #tpu.memory_space<vmem>> -> memref<1x64xf32, #tpu.memory_space<vmem>>
      %dma_start3A_1518 = arith.constant 0 : i32
      %dma_start3A_1519 = tpu.memref_slice %arg4[%squeeze3A_1508, %dma_start3A_1518] : memref<1000000x64xf32, #tpu.memory_space<hbm>> -> memref<1x64xf32, #tpu.memory_space<hbm>>
      tpu.enqueue_dma source(%dma_start3A_1519 : memref<1x64xf32, #tpu.memory_space<hbm>>) target(%dma_start3A_1517 : memref<1x64xf32, #tpu.memory_space<vmem>>) target_semaphore(%dma_start3A_1515 : memref<!tpu.dma_semaphore, #tpu.memory_space<semaphore_mem>>)
      %slice3A_1520 = vector.extract_strided_slice %get3A_1263 {offsets = [5], sizes = [1], strides = [1]} : vector<16xi32> to vector<1xi32>
      %squeeze3A_1521 = vector.extract %slice3A_1520[0] : i32 from vector<1xi32>
      %dma_start3A_1522 = arith.constant 5 : i32
      %dma_start3A_1523 = arith.constant 0 : i32
      %dma_start3A_1524 = tpu.memref_slice %arg11[%add3A_1506, %dma_start3A_1523] : memref<256x64xf32, #tpu.memory_space<vmem>> -> memref<1x64xf32, #tpu.memory_space<vmem>>
      %dma_start3A_1525 = arith.constant 0 : i32
      %dma_start3A_1526 = tpu.memref_slice %arg5[%squeeze3A_1521, %dma_start3A_1525] : memref<1000000x64xf32, #tpu.memory_space<hbm>> -> memref<1x64xf32, #tpu.memory_space<hbm>>
      %dma_start3A_1527 = tpu.memref_slice %arg13[%dma_start3A_1522] : memref<8x!tpu.dma_semaphore, #tpu.memory_space<semaphore_mem>> -> memref<1x!tpu.dma_semaphore, #tpu.memory_space<semaphore_mem>>
      %dma_start3A_1528 = tpu.memref_squeeze %dma_start3A_1527 : memref<1x!tpu.dma_semaphore, #tpu.memory_space<semaphore_mem>> -> memref<!tpu.dma_semaphore, #tpu.memory_space<semaphore_mem>>
      %dma_start3A_1529 = arith.constant 0 : i32
      %dma_start3A_1530 = tpu.memref_slice %arg11[%add3A_1506, %dma_start3A_1529] : memref<256x64xf32, #tpu.memory_space<vmem>> -> memref<1x64xf32, #tpu.memory_space<vmem>>
      %dma_start3A_1531 = arith.constant 0 : i32
      %dma_start3A_1532 = tpu.memref_slice %arg5[%squeeze3A_1521, %dma_start3A_1531] : memref<1000000x64xf32, #tpu.memory_space<hbm>> -> memref<1x64xf32, #tpu.memory_space<hbm>>
      tpu.enqueue_dma source(%dma_start3A_1532 : memref<1x64xf32, #tpu.memory_space<hbm>>) target(%dma_start3A_1530 : memref<1x64xf32, #tpu.memory_space<vmem>>) target_semaphore(%dma_start3A_1528 : memref<!tpu.dma_semaphore, #tpu.memory_space<semaphore_mem>>)
      %jit3A_1533 = arith.constant 32 : i32
      %eq3A_1534 = arith.constant 0 : i32
      %eq3A_1535 = arith.cmpi eq, %jit3A_1533, %eq3A_1534 : i32
      %jit3A_1536 = arith.constant 1 : i32
      %select_n3A_1537 = arith.select %eq3A_1535, %jit3A_1536, %jit3A_1533 : i32
      %rem3A_1538 = arith.remsi %scan3A_1013, %select_n3A_1537 : i32
      %ne3A_1539 = arith.constant 0 : i32
      %ne3A_1540 = arith.cmpi ne, %rem3A_1538, %ne3A_1539 : i32
      %lt3A_1541 = arith.constant 0 : i32
      %lt3A_1542 = arith.cmpi slt, %rem3A_1538, %lt3A_1541 : i32
      %lt3A_1543 = arith.constant 0 : i32
      %lt3A_1544 = arith.cmpi slt, %select_n3A_1537, %lt3A_1543 : i32
      %ne3A_1545 = arith.xori %lt3A_1542, %lt3A_1544 : i1
      %and3A_1546 = arith.andi %ne3A_1545, %ne3A_1540 : i1
      %add3A_1547 = arith.addi %rem3A_1538, %select_n3A_1537 : i32
      %select_n3A_1548 = arith.select %and3A_1546, %add3A_1547, %rem3A_1538 : i32
      %mul3A_1549 = arith.constant 8 : i32
      %mul3A_1550 = arith.muli %select_n3A_1548, %mul3A_1549 : i32
      %add3A_1551 = arith.constant 6 : i32
      %add3A_1552 = arith.addi %mul3A_1550, %add3A_1551 : i32
      %slice3A_1553 = vector.extract_strided_slice %get3A_1258 {offsets = [6], sizes = [1], strides = [1]} : vector<16xi32> to vector<1xi32>
      %squeeze3A_1554 = vector.extract %slice3A_1553[0] : i32 from vector<1xi32>
      %dma_start3A_1555 = arith.constant 6 : i32
      %dma_start3A_1556 = arith.constant 0 : i32
      %dma_start3A_1557 = tpu.memref_slice %arg10[%add3A_1552, %dma_start3A_1556] : memref<256x64xf32, #tpu.memory_space<vmem>> -> memref<1x64xf32, #tpu.memory_space<vmem>>
      %dma_start3A_1558 = arith.constant 0 : i32
      %dma_start3A_1559 = tpu.memref_slice %arg4[%squeeze3A_1554, %dma_start3A_1558] : memref<1000000x64xf32, #tpu.memory_space<hbm>> -> memref<1x64xf32, #tpu.memory_space<hbm>>
      %dma_start3A_1560 = tpu.memref_slice %arg12[%dma_start3A_1555] : memref<8x!tpu.dma_semaphore, #tpu.memory_space<semaphore_mem>> -> memref<1x!tpu.dma_semaphore, #tpu.memory_space<semaphore_mem>>
      %dma_start3A_1561 = tpu.memref_squeeze %dma_start3A_1560 : memref<1x!tpu.dma_semaphore, #tpu.memory_space<semaphore_mem>> -> memref<!tpu.dma_semaphore, #tpu.memory_space<semaphore_mem>>
      %dma_start3A_1562 = arith.constant 0 : i32
      %dma_start3A_1563 = tpu.memref_slice %arg10[%add3A_1552, %dma_start3A_1562] : memref<256x64xf32, #tpu.memory_space<vmem>> -> memref<1x64xf32, #tpu.memory_space<vmem>>
      %dma_start3A_1564 = arith.constant 0 : i32
      %dma_start3A_1565 = tpu.memref_slice %arg4[%squeeze3A_1554, %dma_start3A_1564] : memref<1000000x64xf32, #tpu.memory_space<hbm>> -> memref<1x64xf32, #tpu.memory_space<hbm>>
      tpu.enqueue_dma source(%dma_start3A_1565 : memref<1x64xf32, #tpu.memory_space<hbm>>) target(%dma_start3A_1563 : memref<1x64xf32, #tpu.memory_space<vmem>>) target_semaphore(%dma_start3A_1561 : memref<!tpu.dma_semaphore, #tpu.memory_space<semaphore_mem>>)
      %slice3A_1566 = vector.extract_strided_slice %get3A_1263 {offsets = [6], sizes = [1], strides = [1]} : vector<16xi32> to vector<1xi32>
      %squeeze3A_1567 = vector.extract %slice3A_1566[0] : i32 from vector<1xi32>
      %dma_start3A_1568 = arith.constant 6 : i32
      %dma_start3A_1569 = arith.constant 0 : i32
      %dma_start3A_1570 = tpu.memref_slice %arg11[%add3A_1552, %dma_start3A_1569] : memref<256x64xf32, #tpu.memory_space<vmem>> -> memref<1x64xf32, #tpu.memory_space<vmem>>
      %dma_start3A_1571 = arith.constant 0 : i32
      %dma_start3A_1572 = tpu.memref_slice %arg5[%squeeze3A_1567, %dma_start3A_1571] : memref<1000000x64xf32, #tpu.memory_space<hbm>> -> memref<1x64xf32, #tpu.memory_space<hbm>>
      %dma_start3A_1573 = tpu.memref_slice %arg13[%dma_start3A_1568] : memref<8x!tpu.dma_semaphore, #tpu.memory_space<semaphore_mem>> -> memref<1x!tpu.dma_semaphore, #tpu.memory_space<semaphore_mem>>
      %dma_start3A_1574 = tpu.memref_squeeze %dma_start3A_1573 : memref<1x!tpu.dma_semaphore, #tpu.memory_space<semaphore_mem>> -> memref<!tpu.dma_semaphore, #tpu.memory_space<semaphore_mem>>
      %dma_start3A_1575 = arith.constant 0 : i32
      %dma_start3A_1576 = tpu.memref_slice %arg11[%add3A_1552, %dma_start3A_1575] : memref<256x64xf32, #tpu.memory_space<vmem>> -> memref<1x64xf32, #tpu.memory_space<vmem>>
      %dma_start3A_1577 = arith.constant 0 : i32
      %dma_start3A_1578 = tpu.memref_slice %arg5[%squeeze3A_1567, %dma_start3A_1577] : memref<1000000x64xf32, #tpu.memory_space<hbm>> -> memref<1x64xf32, #tpu.memory_space<hbm>>
      tpu.enqueue_dma source(%dma_start3A_1578 : memref<1x64xf32, #tpu.memory_space<hbm>>) target(%dma_start3A_1576 : memref<1x64xf32, #tpu.memory_space<vmem>>) target_semaphore(%dma_start3A_1574 : memref<!tpu.dma_semaphore, #tpu.memory_space<semaphore_mem>>)
      %jit3A_1579 = arith.constant 32 : i32
      %eq3A_1580 = arith.constant 0 : i32
      %eq3A_1581 = arith.cmpi eq, %jit3A_1579, %eq3A_1580 : i32
      %jit3A_1582 = arith.constant 1 : i32
      %select_n3A_1583 = arith.select %eq3A_1581, %jit3A_1582, %jit3A_1579 : i32
      %rem3A_1584 = arith.remsi %scan3A_1013, %select_n3A_1583 : i32
      %ne3A_1585 = arith.constant 0 : i32
      %ne3A_1586 = arith.cmpi ne, %rem3A_1584, %ne3A_1585 : i32
      %lt3A_1587 = arith.constant 0 : i32
      %lt3A_1588 = arith.cmpi slt, %rem3A_1584, %lt3A_1587 : i32
      %lt3A_1589 = arith.constant 0 : i32
      %lt3A_1590 = arith.cmpi slt, %select_n3A_1583, %lt3A_1589 : i32
      %ne3A_1591 = arith.xori %lt3A_1588, %lt3A_1590 : i1
      %and3A_1592 = arith.andi %ne3A_1591, %ne3A_1586 : i1
      %add3A_1593 = arith.addi %rem3A_1584, %select_n3A_1583 : i32
      %select_n3A_1594 = arith.select %and3A_1592, %add3A_1593, %rem3A_1584 : i32
      %mul3A_1595 = arith.constant 8 : i32
      %mul3A_1596 = arith.muli %select_n3A_1594, %mul3A_1595 : i32
      %add3A_1597 = arith.constant 7 : i32
      %add3A_1598 = arith.addi %mul3A_1596, %add3A_1597 : i32
      %slice3A_1599 = vector.extract_strided_slice %get3A_1258 {offsets = [7], sizes = [1], strides = [1]} : vector<16xi32> to vector<1xi32>
      %squeeze3A_1600 = vector.extract %slice3A_1599[0] : i32 from vector<1xi32>
      %dma_start3A_1601 = arith.constant 7 : i32
      %dma_start3A_1602 = arith.constant 0 : i32
      %dma_start3A_1603 = tpu.memref_slice %arg10[%add3A_1598, %dma_start3A_1602] : memref<256x64xf32, #tpu.memory_space<vmem>> -> memref<1x64xf32, #tpu.memory_space<vmem>>
      %dma_start3A_1604 = arith.constant 0 : i32
      %dma_start3A_1605 = tpu.memref_slice %arg4[%squeeze3A_1600, %dma_start3A_1604] : memref<1000000x64xf32, #tpu.memory_space<hbm>> -> memref<1x64xf32, #tpu.memory_space<hbm>>
      %dma_start3A_1606 = tpu.memref_slice %arg12[%dma_start3A_1601] : memref<8x!tpu.dma_semaphore, #tpu.memory_space<semaphore_mem>> -> memref<1x!tpu.dma_semaphore, #tpu.memory_space<semaphore_mem>>
      %dma_start3A_1607 = tpu.memref_squeeze %dma_start3A_1606 : memref<1x!tpu.dma_semaphore, #tpu.memory_space<semaphore_mem>> -> memref<!tpu.dma_semaphore, #tpu.memory_space<semaphore_mem>>
      %dma_start3A_1608 = arith.constant 0 : i32
      %dma_start3A_1609 = tpu.memref_slice %arg10[%add3A_1598, %dma_start3A_1608] : memref<256x64xf32, #tpu.memory_space<vmem>> -> memref<1x64xf32, #tpu.memory_space<vmem>>
      %dma_start3A_1610 = arith.constant 0 : i32
      %dma_start3A_1611 = tpu.memref_slice %arg4[%squeeze3A_1600, %dma_start3A_1610] : memref<1000000x64xf32, #tpu.memory_space<hbm>> -> memref<1x64xf32, #tpu.memory_space<hbm>>
      tpu.enqueue_dma source(%dma_start3A_1611 : memref<1x64xf32, #tpu.memory_space<hbm>>) target(%dma_start3A_1609 : memref<1x64xf32, #tpu.memory_space<vmem>>) target_semaphore(%dma_start3A_1607 : memref<!tpu.dma_semaphore, #tpu.memory_space<semaphore_mem>>)
      %slice3A_1612 = vector.extract_strided_slice %get3A_1263 {offsets = [7], sizes = [1], strides = [1]} : vector<16xi32> to vector<1xi32>
      %squeeze3A_1613 = vector.extract %slice3A_1612[0] : i32 from vector<1xi32>
      %dma_start3A_1614 = arith.constant 7 : i32
      %dma_start3A_1615 = arith.constant 0 : i32
      %dma_start3A_1616 = tpu.memref_slice %arg11[%add3A_1598, %dma_start3A_1615] : memref<256x64xf32, #tpu.memory_space<vmem>> -> memref<1x64xf32, #tpu.memory_space<vmem>>
      %dma_start3A_1617 = arith.constant 0 : i32
      %dma_start3A_1618 = tpu.memref_slice %arg5[%squeeze3A_1613, %dma_start3A_1617] : memref<1000000x64xf32, #tpu.memory_space<hbm>> -> memref<1x64xf32, #tpu.memory_space<hbm>>
      %dma_start3A_1619 = tpu.memref_slice %arg13[%dma_start3A_1614] : memref<8x!tpu.dma_semaphore, #tpu.memory_space<semaphore_mem>> -> memref<1x!tpu.dma_semaphore, #tpu.memory_space<semaphore_mem>>
      %dma_start3A_1620 = tpu.memref_squeeze %dma_start3A_1619 : memref<1x!tpu.dma_semaphore, #tpu.memory_space<semaphore_mem>> -> memref<!tpu.dma_semaphore, #tpu.memory_space<semaphore_mem>>
      %dma_start3A_1621 = arith.constant 0 : i32
      %dma_start3A_1622 = tpu.memref_slice %arg11[%add3A_1598, %dma_start3A_1621] : memref<256x64xf32, #tpu.memory_space<vmem>> -> memref<1x64xf32, #tpu.memory_space<vmem>>
      %dma_start3A_1623 = arith.constant 0 : i32
      %dma_start3A_1624 = tpu.memref_slice %arg5[%squeeze3A_1613, %dma_start3A_1623] : memref<1000000x64xf32, #tpu.memory_space<hbm>> -> memref<1x64xf32, #tpu.memory_space<hbm>>
      tpu.enqueue_dma source(%dma_start3A_1624 : memref<1x64xf32, #tpu.memory_space<hbm>>) target(%dma_start3A_1622 : memref<1x64xf32, #tpu.memory_space<vmem>>) target_semaphore(%dma_start3A_1620 : memref<!tpu.dma_semaphore, #tpu.memory_space<semaphore_mem>>)
    }
    %scan3A_272 = arith.constant 31 : i32
    %dma_wait3A_273 = arith.constant 0 : i32
    %dma_wait3A_274 = arith.constant 0 : i32
    %dma_wait3A_275 = arith.constant 0 : i32
    %dma_wait3A_276 = tpu.memref_slice %arg10[%dma_wait3A_274, %dma_wait3A_275] : memref<256x64xf32, #tpu.memory_space<vmem>> -> memref<1x64xf32, #tpu.memory_space<vmem>>
    %dma_wait3A_277 = arith.constant 0 : i32
    %dma_wait3A_278 = arith.constant 0 : i32
    %dma_wait3A_279 = tpu.memref_slice %arg4[%dma_wait3A_277, %dma_wait3A_278] : memref<1000000x64xf32, #tpu.memory_space<hbm>> -> memref<1x64xf32, #tpu.memory_space<hbm>>
    %dma_wait3A_280 = tpu.memref_slice %arg12[%dma_wait3A_273] : memref<8x!tpu.dma_semaphore, #tpu.memory_space<semaphore_mem>> -> memref<1x!tpu.dma_semaphore, #tpu.memory_space<semaphore_mem>>
    %dma_wait3A_281 = tpu.memref_squeeze %dma_wait3A_280 : memref<1x!tpu.dma_semaphore, #tpu.memory_space<semaphore_mem>> -> memref<!tpu.dma_semaphore, #tpu.memory_space<semaphore_mem>>
    %dma_wait3A_282 = arith.constant 0 : i32
    %dma_wait3A_283 = arith.constant 0 : i32
    %dma_wait3A_284 = tpu.memref_slice %arg10[%dma_wait3A_282, %dma_wait3A_283] : memref<256x64xf32, #tpu.memory_space<vmem>> -> memref<1x64xf32, #tpu.memory_space<vmem>>
    %dma_wait3A_285 = arith.constant 0 : i32
    %dma_wait3A_286 = arith.constant 0 : i32
    %dma_wait3A_287 = tpu.memref_slice %arg4[%dma_wait3A_285, %dma_wait3A_286] : memref<1000000x64xf32, #tpu.memory_space<hbm>> -> memref<1x64xf32, #tpu.memory_space<hbm>>
    tpu.wait_dma2 semaphore(%dma_wait3A_281 : memref<!tpu.dma_semaphore, #tpu.memory_space<semaphore_mem>>) src(%dma_wait3A_287 : memref<1x64xf32, #tpu.memory_space<hbm>>) dst(%dma_wait3A_284 : memref<1x64xf32, #tpu.memory_space<vmem>>)
    %dma_wait3A_288 = arith.constant 0 : i32
    %dma_wait3A_289 = arith.constant 0 : i32
    %dma_wait3A_290 = arith.constant 0 : i32
    %dma_wait3A_291 = tpu.memref_slice %arg11[%dma_wait3A_289, %dma_wait3A_290] : memref<256x64xf32, #tpu.memory_space<vmem>> -> memref<1x64xf32, #tpu.memory_space<vmem>>
    %dma_wait3A_292 = arith.constant 0 : i32
    %dma_wait3A_293 = arith.constant 0 : i32
    %dma_wait3A_294 = tpu.memref_slice %arg5[%dma_wait3A_292, %dma_wait3A_293] : memref<1000000x64xf32, #tpu.memory_space<hbm>> -> memref<1x64xf32, #tpu.memory_space<hbm>>
    %dma_wait3A_295 = tpu.memref_slice %arg13[%dma_wait3A_288] : memref<8x!tpu.dma_semaphore, #tpu.memory_space<semaphore_mem>> -> memref<1x!tpu.dma_semaphore, #tpu.memory_space<semaphore_mem>>
    %dma_wait3A_296 = tpu.memref_squeeze %dma_wait3A_295 : memref<1x!tpu.dma_semaphore, #tpu.memory_space<semaphore_mem>> -> memref<!tpu.dma_semaphore, #tpu.memory_space<semaphore_mem>>
    %dma_wait3A_297 = arith.constant 0 : i32
    %dma_wait3A_298 = arith.constant 0 : i32
    %dma_wait3A_299 = tpu.memref_slice %arg11[%dma_wait3A_297, %dma_wait3A_298] : memref<256x64xf32, #tpu.memory_space<vmem>> -> memref<1x64xf32, #tpu.memory_space<vmem>>
    %dma_wait3A_300 = arith.constant 0 : i32
    %dma_wait3A_301 = arith.constant 0 : i32
    %dma_wait3A_302 = tpu.memref_slice %arg5[%dma_wait3A_300, %dma_wait3A_301] : memref<1000000x64xf32, #tpu.memory_space<hbm>> -> memref<1x64xf32, #tpu.memory_space<hbm>>
    tpu.wait_dma2 semaphore(%dma_wait3A_296 : memref<!tpu.dma_semaphore, #tpu.memory_space<semaphore_mem>>) src(%dma_wait3A_302 : memref<1x64xf32, #tpu.memory_space<hbm>>) dst(%dma_wait3A_299 : memref<1x64xf32, #tpu.memory_space<vmem>>)
    %dma_wait3A_303 = arith.constant 1 : i32
    %dma_wait3A_304 = arith.constant 0 : i32
    %dma_wait3A_305 = arith.constant 0 : i32
    %dma_wait3A_306 = tpu.memref_slice %arg10[%dma_wait3A_304, %dma_wait3A_305] : memref<256x64xf32, #tpu.memory_space<vmem>> -> memref<1x64xf32, #tpu.memory_space<vmem>>
    %dma_wait3A_307 = arith.constant 0 : i32
    %dma_wait3A_308 = arith.constant 0 : i32
    %dma_wait3A_309 = tpu.memref_slice %arg4[%dma_wait3A_307, %dma_wait3A_308] : memref<1000000x64xf32, #tpu.memory_space<hbm>> -> memref<1x64xf32, #tpu.memory_space<hbm>>
    %dma_wait3A_310 = tpu.memref_slice %arg12[%dma_wait3A_303] : memref<8x!tpu.dma_semaphore, #tpu.memory_space<semaphore_mem>> -> memref<1x!tpu.dma_semaphore, #tpu.memory_space<semaphore_mem>>
    %dma_wait3A_311 = tpu.memref_squeeze %dma_wait3A_310 : memref<1x!tpu.dma_semaphore, #tpu.memory_space<semaphore_mem>> -> memref<!tpu.dma_semaphore, #tpu.memory_space<semaphore_mem>>
    %dma_wait3A_312 = arith.constant 0 : i32
    %dma_wait3A_313 = arith.constant 0 : i32
    %dma_wait3A_314 = tpu.memref_slice %arg10[%dma_wait3A_312, %dma_wait3A_313] : memref<256x64xf32, #tpu.memory_space<vmem>> -> memref<1x64xf32, #tpu.memory_space<vmem>>
    %dma_wait3A_315 = arith.constant 0 : i32
    %dma_wait3A_316 = arith.constant 0 : i32
    %dma_wait3A_317 = tpu.memref_slice %arg4[%dma_wait3A_315, %dma_wait3A_316] : memref<1000000x64xf32, #tpu.memory_space<hbm>> -> memref<1x64xf32, #tpu.memory_space<hbm>>
    tpu.wait_dma2 semaphore(%dma_wait3A_311 : memref<!tpu.dma_semaphore, #tpu.memory_space<semaphore_mem>>) src(%dma_wait3A_317 : memref<1x64xf32, #tpu.memory_space<hbm>>) dst(%dma_wait3A_314 : memref<1x64xf32, #tpu.memory_space<vmem>>)
    %dma_wait3A_318 = arith.constant 1 : i32
    %dma_wait3A_319 = arith.constant 0 : i32
    %dma_wait3A_320 = arith.constant 0 : i32
    %dma_wait3A_321 = tpu.memref_slice %arg11[%dma_wait3A_319, %dma_wait3A_320] : memref<256x64xf32, #tpu.memory_space<vmem>> -> memref<1x64xf32, #tpu.memory_space<vmem>>
    %dma_wait3A_322 = arith.constant 0 : i32
    %dma_wait3A_323 = arith.constant 0 : i32
    %dma_wait3A_324 = tpu.memref_slice %arg5[%dma_wait3A_322, %dma_wait3A_323] : memref<1000000x64xf32, #tpu.memory_space<hbm>> -> memref<1x64xf32, #tpu.memory_space<hbm>>
    %dma_wait3A_325 = tpu.memref_slice %arg13[%dma_wait3A_318] : memref<8x!tpu.dma_semaphore, #tpu.memory_space<semaphore_mem>> -> memref<1x!tpu.dma_semaphore, #tpu.memory_space<semaphore_mem>>
    %dma_wait3A_326 = tpu.memref_squeeze %dma_wait3A_325 : memref<1x!tpu.dma_semaphore, #tpu.memory_space<semaphore_mem>> -> memref<!tpu.dma_semaphore, #tpu.memory_space<semaphore_mem>>
    %dma_wait3A_327 = arith.constant 0 : i32
    %dma_wait3A_328 = arith.constant 0 : i32
    %dma_wait3A_329 = tpu.memref_slice %arg11[%dma_wait3A_327, %dma_wait3A_328] : memref<256x64xf32, #tpu.memory_space<vmem>> -> memref<1x64xf32, #tpu.memory_space<vmem>>
    %dma_wait3A_330 = arith.constant 0 : i32
    %dma_wait3A_331 = arith.constant 0 : i32
    %dma_wait3A_332 = tpu.memref_slice %arg5[%dma_wait3A_330, %dma_wait3A_331] : memref<1000000x64xf32, #tpu.memory_space<hbm>> -> memref<1x64xf32, #tpu.memory_space<hbm>>
    tpu.wait_dma2 semaphore(%dma_wait3A_326 : memref<!tpu.dma_semaphore, #tpu.memory_space<semaphore_mem>>) src(%dma_wait3A_332 : memref<1x64xf32, #tpu.memory_space<hbm>>) dst(%dma_wait3A_329 : memref<1x64xf32, #tpu.memory_space<vmem>>)
    %dma_wait3A_333 = arith.constant 2 : i32
    %dma_wait3A_334 = arith.constant 0 : i32
    %dma_wait3A_335 = arith.constant 0 : i32
    %dma_wait3A_336 = tpu.memref_slice %arg10[%dma_wait3A_334, %dma_wait3A_335] : memref<256x64xf32, #tpu.memory_space<vmem>> -> memref<1x64xf32, #tpu.memory_space<vmem>>
    %dma_wait3A_337 = arith.constant 0 : i32
    %dma_wait3A_338 = arith.constant 0 : i32
    %dma_wait3A_339 = tpu.memref_slice %arg4[%dma_wait3A_337, %dma_wait3A_338] : memref<1000000x64xf32, #tpu.memory_space<hbm>> -> memref<1x64xf32, #tpu.memory_space<hbm>>
    %dma_wait3A_340 = tpu.memref_slice %arg12[%dma_wait3A_333] : memref<8x!tpu.dma_semaphore, #tpu.memory_space<semaphore_mem>> -> memref<1x!tpu.dma_semaphore, #tpu.memory_space<semaphore_mem>>
    %dma_wait3A_341 = tpu.memref_squeeze %dma_wait3A_340 : memref<1x!tpu.dma_semaphore, #tpu.memory_space<semaphore_mem>> -> memref<!tpu.dma_semaphore, #tpu.memory_space<semaphore_mem>>
    %dma_wait3A_342 = arith.constant 0 : i32
    %dma_wait3A_343 = arith.constant 0 : i32
    %dma_wait3A_344 = tpu.memref_slice %arg10[%dma_wait3A_342, %dma_wait3A_343] : memref<256x64xf32, #tpu.memory_space<vmem>> -> memref<1x64xf32, #tpu.memory_space<vmem>>
    %dma_wait3A_345 = arith.constant 0 : i32
    %dma_wait3A_346 = arith.constant 0 : i32
    %dma_wait3A_347 = tpu.memref_slice %arg4[%dma_wait3A_345, %dma_wait3A_346] : memref<1000000x64xf32, #tpu.memory_space<hbm>> -> memref<1x64xf32, #tpu.memory_space<hbm>>
    tpu.wait_dma2 semaphore(%dma_wait3A_341 : memref<!tpu.dma_semaphore, #tpu.memory_space<semaphore_mem>>) src(%dma_wait3A_347 : memref<1x64xf32, #tpu.memory_space<hbm>>) dst(%dma_wait3A_344 : memref<1x64xf32, #tpu.memory_space<vmem>>)
    %dma_wait3A_348 = arith.constant 2 : i32
    %dma_wait3A_349 = arith.constant 0 : i32
    %dma_wait3A_350 = arith.constant 0 : i32
    %dma_wait3A_351 = tpu.memref_slice %arg11[%dma_wait3A_349, %dma_wait3A_350] : memref<256x64xf32, #tpu.memory_space<vmem>> -> memref<1x64xf32, #tpu.memory_space<vmem>>
    %dma_wait3A_352 = arith.constant 0 : i32
    %dma_wait3A_353 = arith.constant 0 : i32
    %dma_wait3A_354 = tpu.memref_slice %arg5[%dma_wait3A_352, %dma_wait3A_353] : memref<1000000x64xf32, #tpu.memory_space<hbm>> -> memref<1x64xf32, #tpu.memory_space<hbm>>
    %dma_wait3A_355 = tpu.memref_slice %arg13[%dma_wait3A_348] : memref<8x!tpu.dma_semaphore, #tpu.memory_space<semaphore_mem>> -> memref<1x!tpu.dma_semaphore, #tpu.memory_space<semaphore_mem>>
    %dma_wait3A_356 = tpu.memref_squeeze %dma_wait3A_355 : memref<1x!tpu.dma_semaphore, #tpu.memory_space<semaphore_mem>> -> memref<!tpu.dma_semaphore, #tpu.memory_space<semaphore_mem>>
    %dma_wait3A_357 = arith.constant 0 : i32
    %dma_wait3A_358 = arith.constant 0 : i32
    %dma_wait3A_359 = tpu.memref_slice %arg11[%dma_wait3A_357, %dma_wait3A_358] : memref<256x64xf32, #tpu.memory_space<vmem>> -> memref<1x64xf32, #tpu.memory_space<vmem>>
    %dma_wait3A_360 = arith.constant 0 : i32
    %dma_wait3A_361 = arith.constant 0 : i32
    %dma_wait3A_362 = tpu.memref_slice %arg5[%dma_wait3A_360, %dma_wait3A_361] : memref<1000000x64xf32, #tpu.memory_space<hbm>> -> memref<1x64xf32, #tpu.memory_space<hbm>>
    tpu.wait_dma2 semaphore(%dma_wait3A_356 : memref<!tpu.dma_semaphore, #tpu.memory_space<semaphore_mem>>) src(%dma_wait3A_362 : memref<1x64xf32, #tpu.memory_space<hbm>>) dst(%dma_wait3A_359 : memref<1x64xf32, #tpu.memory_space<vmem>>)
    %dma_wait3A_363 = arith.constant 3 : i32
    %dma_wait3A_364 = arith.constant 0 : i32
    %dma_wait3A_365 = arith.constant 0 : i32
    %dma_wait3A_366 = tpu.memref_slice %arg10[%dma_wait3A_364, %dma_wait3A_365] : memref<256x64xf32, #tpu.memory_space<vmem>> -> memref<1x64xf32, #tpu.memory_space<vmem>>
    %dma_wait3A_367 = arith.constant 0 : i32
    %dma_wait3A_368 = arith.constant 0 : i32
    %dma_wait3A_369 = tpu.memref_slice %arg4[%dma_wait3A_367, %dma_wait3A_368] : memref<1000000x64xf32, #tpu.memory_space<hbm>> -> memref<1x64xf32, #tpu.memory_space<hbm>>
    %dma_wait3A_370 = tpu.memref_slice %arg12[%dma_wait3A_363] : memref<8x!tpu.dma_semaphore, #tpu.memory_space<semaphore_mem>> -> memref<1x!tpu.dma_semaphore, #tpu.memory_space<semaphore_mem>>
    %dma_wait3A_371 = tpu.memref_squeeze %dma_wait3A_370 : memref<1x!tpu.dma_semaphore, #tpu.memory_space<semaphore_mem>> -> memref<!tpu.dma_semaphore, #tpu.memory_space<semaphore_mem>>
    %dma_wait3A_372 = arith.constant 0 : i32
    %dma_wait3A_373 = arith.constant 0 : i32
    %dma_wait3A_374 = tpu.memref_slice %arg10[%dma_wait3A_372, %dma_wait3A_373] : memref<256x64xf32, #tpu.memory_space<vmem>> -> memref<1x64xf32, #tpu.memory_space<vmem>>
    %dma_wait3A_375 = arith.constant 0 : i32
    %dma_wait3A_376 = arith.constant 0 : i32
    %dma_wait3A_377 = tpu.memref_slice %arg4[%dma_wait3A_375, %dma_wait3A_376] : memref<1000000x64xf32, #tpu.memory_space<hbm>> -> memref<1x64xf32, #tpu.memory_space<hbm>>
    tpu.wait_dma2 semaphore(%dma_wait3A_371 : memref<!tpu.dma_semaphore, #tpu.memory_space<semaphore_mem>>) src(%dma_wait3A_377 : memref<1x64xf32, #tpu.memory_space<hbm>>) dst(%dma_wait3A_374 : memref<1x64xf32, #tpu.memory_space<vmem>>)
    %dma_wait3A_378 = arith.constant 3 : i32
    %dma_wait3A_379 = arith.constant 0 : i32
    %dma_wait3A_380 = arith.constant 0 : i32
    %dma_wait3A_381 = tpu.memref_slice %arg11[%dma_wait3A_379, %dma_wait3A_380] : memref<256x64xf32, #tpu.memory_space<vmem>> -> memref<1x64xf32, #tpu.memory_space<vmem>>
    %dma_wait3A_382 = arith.constant 0 : i32
    %dma_wait3A_383 = arith.constant 0 : i32
    %dma_wait3A_384 = tpu.memref_slice %arg5[%dma_wait3A_382, %dma_wait3A_383] : memref<1000000x64xf32, #tpu.memory_space<hbm>> -> memref<1x64xf32, #tpu.memory_space<hbm>>
    %dma_wait3A_385 = tpu.memref_slice %arg13[%dma_wait3A_378] : memref<8x!tpu.dma_semaphore, #tpu.memory_space<semaphore_mem>> -> memref<1x!tpu.dma_semaphore, #tpu.memory_space<semaphore_mem>>
    %dma_wait3A_386 = tpu.memref_squeeze %dma_wait3A_385 : memref<1x!tpu.dma_semaphore, #tpu.memory_space<semaphore_mem>> -> memref<!tpu.dma_semaphore, #tpu.memory_space<semaphore_mem>>
    %dma_wait3A_387 = arith.constant 0 : i32
    %dma_wait3A_388 = arith.constant 0 : i32
    %dma_wait3A_389 = tpu.memref_slice %arg11[%dma_wait3A_387, %dma_wait3A_388] : memref<256x64xf32, #tpu.memory_space<vmem>> -> memref<1x64xf32, #tpu.memory_space<vmem>>
    %dma_wait3A_390 = arith.constant 0 : i32
    %dma_wait3A_391 = arith.constant 0 : i32
    %dma_wait3A_392 = tpu.memref_slice %arg5[%dma_wait3A_390, %dma_wait3A_391] : memref<1000000x64xf32, #tpu.memory_space<hbm>> -> memref<1x64xf32, #tpu.memory_space<hbm>>
    tpu.wait_dma2 semaphore(%dma_wait3A_386 : memref<!tpu.dma_semaphore, #tpu.memory_space<semaphore_mem>>) src(%dma_wait3A_392 : memref<1x64xf32, #tpu.memory_space<hbm>>) dst(%dma_wait3A_389 : memref<1x64xf32, #tpu.memory_space<vmem>>)
    %dma_wait3A_393 = arith.constant 4 : i32
    %dma_wait3A_394 = arith.constant 0 : i32
    %dma_wait3A_395 = arith.constant 0 : i32
    %dma_wait3A_396 = tpu.memref_slice %arg10[%dma_wait3A_394, %dma_wait3A_395] : memref<256x64xf32, #tpu.memory_space<vmem>> -> memref<1x64xf32, #tpu.memory_space<vmem>>
    %dma_wait3A_397 = arith.constant 0 : i32
    %dma_wait3A_398 = arith.constant 0 : i32
    %dma_wait3A_399 = tpu.memref_slice %arg4[%dma_wait3A_397, %dma_wait3A_398] : memref<1000000x64xf32, #tpu.memory_space<hbm>> -> memref<1x64xf32, #tpu.memory_space<hbm>>
    %dma_wait3A_400 = tpu.memref_slice %arg12[%dma_wait3A_393] : memref<8x!tpu.dma_semaphore, #tpu.memory_space<semaphore_mem>> -> memref<1x!tpu.dma_semaphore, #tpu.memory_space<semaphore_mem>>
    %dma_wait3A_401 = tpu.memref_squeeze %dma_wait3A_400 : memref<1x!tpu.dma_semaphore, #tpu.memory_space<semaphore_mem>> -> memref<!tpu.dma_semaphore, #tpu.memory_space<semaphore_mem>>
    %dma_wait3A_402 = arith.constant 0 : i32
    %dma_wait3A_403 = arith.constant 0 : i32
    %dma_wait3A_404 = tpu.memref_slice %arg10[%dma_wait3A_402, %dma_wait3A_403] : memref<256x64xf32, #tpu.memory_space<vmem>> -> memref<1x64xf32, #tpu.memory_space<vmem>>
    %dma_wait3A_405 = arith.constant 0 : i32
    %dma_wait3A_406 = arith.constant 0 : i32
    %dma_wait3A_407 = tpu.memref_slice %arg4[%dma_wait3A_405, %dma_wait3A_406] : memref<1000000x64xf32, #tpu.memory_space<hbm>> -> memref<1x64xf32, #tpu.memory_space<hbm>>
    tpu.wait_dma2 semaphore(%dma_wait3A_401 : memref<!tpu.dma_semaphore, #tpu.memory_space<semaphore_mem>>) src(%dma_wait3A_407 : memref<1x64xf32, #tpu.memory_space<hbm>>) dst(%dma_wait3A_404 : memref<1x64xf32, #tpu.memory_space<vmem>>)
    %dma_wait3A_408 = arith.constant 4 : i32
    %dma_wait3A_409 = arith.constant 0 : i32
    %dma_wait3A_410 = arith.constant 0 : i32
    %dma_wait3A_411 = tpu.memref_slice %arg11[%dma_wait3A_409, %dma_wait3A_410] : memref<256x64xf32, #tpu.memory_space<vmem>> -> memref<1x64xf32, #tpu.memory_space<vmem>>
    %dma_wait3A_412 = arith.constant 0 : i32
    %dma_wait3A_413 = arith.constant 0 : i32
    %dma_wait3A_414 = tpu.memref_slice %arg5[%dma_wait3A_412, %dma_wait3A_413] : memref<1000000x64xf32, #tpu.memory_space<hbm>> -> memref<1x64xf32, #tpu.memory_space<hbm>>
    %dma_wait3A_415 = tpu.memref_slice %arg13[%dma_wait3A_408] : memref<8x!tpu.dma_semaphore, #tpu.memory_space<semaphore_mem>> -> memref<1x!tpu.dma_semaphore, #tpu.memory_space<semaphore_mem>>
    %dma_wait3A_416 = tpu.memref_squeeze %dma_wait3A_415 : memref<1x!tpu.dma_semaphore, #tpu.memory_space<semaphore_mem>> -> memref<!tpu.dma_semaphore, #tpu.memory_space<semaphore_mem>>
    %dma_wait3A_417 = arith.constant 0 : i32
    %dma_wait3A_418 = arith.constant 0 : i32
    %dma_wait3A_419 = tpu.memref_slice %arg11[%dma_wait3A_417, %dma_wait3A_418] : memref<256x64xf32, #tpu.memory_space<vmem>> -> memref<1x64xf32, #tpu.memory_space<vmem>>
    %dma_wait3A_420 = arith.constant 0 : i32
    %dma_wait3A_421 = arith.constant 0 : i32
    %dma_wait3A_422 = tpu.memref_slice %arg5[%dma_wait3A_420, %dma_wait3A_421] : memref<1000000x64xf32, #tpu.memory_space<hbm>> -> memref<1x64xf32, #tpu.memory_space<hbm>>
    tpu.wait_dma2 semaphore(%dma_wait3A_416 : memref<!tpu.dma_semaphore, #tpu.memory_space<semaphore_mem>>) src(%dma_wait3A_422 : memref<1x64xf32, #tpu.memory_space<hbm>>) dst(%dma_wait3A_419 : memref<1x64xf32, #tpu.memory_space<vmem>>)
    %dma_wait3A_423 = arith.constant 5 : i32
    %dma_wait3A_424 = arith.constant 0 : i32
    %dma_wait3A_425 = arith.constant 0 : i32
    %dma_wait3A_426 = tpu.memref_slice %arg10[%dma_wait3A_424, %dma_wait3A_425] : memref<256x64xf32, #tpu.memory_space<vmem>> -> memref<1x64xf32, #tpu.memory_space<vmem>>
    %dma_wait3A_427 = arith.constant 0 : i32
    %dma_wait3A_428 = arith.constant 0 : i32
    %dma_wait3A_429 = tpu.memref_slice %arg4[%dma_wait3A_427, %dma_wait3A_428] : memref<1000000x64xf32, #tpu.memory_space<hbm>> -> memref<1x64xf32, #tpu.memory_space<hbm>>
    %dma_wait3A_430 = tpu.memref_slice %arg12[%dma_wait3A_423] : memref<8x!tpu.dma_semaphore, #tpu.memory_space<semaphore_mem>> -> memref<1x!tpu.dma_semaphore, #tpu.memory_space<semaphore_mem>>
    %dma_wait3A_431 = tpu.memref_squeeze %dma_wait3A_430 : memref<1x!tpu.dma_semaphore, #tpu.memory_space<semaphore_mem>> -> memref<!tpu.dma_semaphore, #tpu.memory_space<semaphore_mem>>
    %dma_wait3A_432 = arith.constant 0 : i32
    %dma_wait3A_433 = arith.constant 0 : i32
    %dma_wait3A_434 = tpu.memref_slice %arg10[%dma_wait3A_432, %dma_wait3A_433] : memref<256x64xf32, #tpu.memory_space<vmem>> -> memref<1x64xf32, #tpu.memory_space<vmem>>
    %dma_wait3A_435 = arith.constant 0 : i32
    %dma_wait3A_436 = arith.constant 0 : i32
    %dma_wait3A_437 = tpu.memref_slice %arg4[%dma_wait3A_435, %dma_wait3A_436] : memref<1000000x64xf32, #tpu.memory_space<hbm>> -> memref<1x64xf32, #tpu.memory_space<hbm>>
    tpu.wait_dma2 semaphore(%dma_wait3A_431 : memref<!tpu.dma_semaphore, #tpu.memory_space<semaphore_mem>>) src(%dma_wait3A_437 : memref<1x64xf32, #tpu.memory_space<hbm>>) dst(%dma_wait3A_434 : memref<1x64xf32, #tpu.memory_space<vmem>>)
    %dma_wait3A_438 = arith.constant 5 : i32
    %dma_wait3A_439 = arith.constant 0 : i32
    %dma_wait3A_440 = arith.constant 0 : i32
    %dma_wait3A_441 = tpu.memref_slice %arg11[%dma_wait3A_439, %dma_wait3A_440] : memref<256x64xf32, #tpu.memory_space<vmem>> -> memref<1x64xf32, #tpu.memory_space<vmem>>
    %dma_wait3A_442 = arith.constant 0 : i32
    %dma_wait3A_443 = arith.constant 0 : i32
    %dma_wait3A_444 = tpu.memref_slice %arg5[%dma_wait3A_442, %dma_wait3A_443] : memref<1000000x64xf32, #tpu.memory_space<hbm>> -> memref<1x64xf32, #tpu.memory_space<hbm>>
    %dma_wait3A_445 = tpu.memref_slice %arg13[%dma_wait3A_438] : memref<8x!tpu.dma_semaphore, #tpu.memory_space<semaphore_mem>> -> memref<1x!tpu.dma_semaphore, #tpu.memory_space<semaphore_mem>>
    %dma_wait3A_446 = tpu.memref_squeeze %dma_wait3A_445 : memref<1x!tpu.dma_semaphore, #tpu.memory_space<semaphore_mem>> -> memref<!tpu.dma_semaphore, #tpu.memory_space<semaphore_mem>>
    %dma_wait3A_447 = arith.constant 0 : i32
    %dma_wait3A_448 = arith.constant 0 : i32
    %dma_wait3A_449 = tpu.memref_slice %arg11[%dma_wait3A_447, %dma_wait3A_448] : memref<256x64xf32, #tpu.memory_space<vmem>> -> memref<1x64xf32, #tpu.memory_space<vmem>>
    %dma_wait3A_450 = arith.constant 0 : i32
    %dma_wait3A_451 = arith.constant 0 : i32
    %dma_wait3A_452 = tpu.memref_slice %arg5[%dma_wait3A_450, %dma_wait3A_451] : memref<1000000x64xf32, #tpu.memory_space<hbm>> -> memref<1x64xf32, #tpu.memory_space<hbm>>
    tpu.wait_dma2 semaphore(%dma_wait3A_446 : memref<!tpu.dma_semaphore, #tpu.memory_space<semaphore_mem>>) src(%dma_wait3A_452 : memref<1x64xf32, #tpu.memory_space<hbm>>) dst(%dma_wait3A_449 : memref<1x64xf32, #tpu.memory_space<vmem>>)
    %dma_wait3A_453 = arith.constant 6 : i32
    %dma_wait3A_454 = arith.constant 0 : i32
    %dma_wait3A_455 = arith.constant 0 : i32
    %dma_wait3A_456 = tpu.memref_slice %arg10[%dma_wait3A_454, %dma_wait3A_455] : memref<256x64xf32, #tpu.memory_space<vmem>> -> memref<1x64xf32, #tpu.memory_space<vmem>>
    %dma_wait3A_457 = arith.constant 0 : i32
    %dma_wait3A_458 = arith.constant 0 : i32
    %dma_wait3A_459 = tpu.memref_slice %arg4[%dma_wait3A_457, %dma_wait3A_458] : memref<1000000x64xf32, #tpu.memory_space<hbm>> -> memref<1x64xf32, #tpu.memory_space<hbm>>
    %dma_wait3A_460 = tpu.memref_slice %arg12[%dma_wait3A_453] : memref<8x!tpu.dma_semaphore, #tpu.memory_space<semaphore_mem>> -> memref<1x!tpu.dma_semaphore, #tpu.memory_space<semaphore_mem>>
    %dma_wait3A_461 = tpu.memref_squeeze %dma_wait3A_460 : memref<1x!tpu.dma_semaphore, #tpu.memory_space<semaphore_mem>> -> memref<!tpu.dma_semaphore, #tpu.memory_space<semaphore_mem>>
    %dma_wait3A_462 = arith.constant 0 : i32
    %dma_wait3A_463 = arith.constant 0 : i32
    %dma_wait3A_464 = tpu.memref_slice %arg10[%dma_wait3A_462, %dma_wait3A_463] : memref<256x64xf32, #tpu.memory_space<vmem>> -> memref<1x64xf32, #tpu.memory_space<vmem>>
    %dma_wait3A_465 = arith.constant 0 : i32
    %dma_wait3A_466 = arith.constant 0 : i32
    %dma_wait3A_467 = tpu.memref_slice %arg4[%dma_wait3A_465, %dma_wait3A_466] : memref<1000000x64xf32, #tpu.memory_space<hbm>> -> memref<1x64xf32, #tpu.memory_space<hbm>>
    tpu.wait_dma2 semaphore(%dma_wait3A_461 : memref<!tpu.dma_semaphore, #tpu.memory_space<semaphore_mem>>) src(%dma_wait3A_467 : memref<1x64xf32, #tpu.memory_space<hbm>>) dst(%dma_wait3A_464 : memref<1x64xf32, #tpu.memory_space<vmem>>)
    %dma_wait3A_468 = arith.constant 6 : i32
    %dma_wait3A_469 = arith.constant 0 : i32
    %dma_wait3A_470 = arith.constant 0 : i32
    %dma_wait3A_471 = tpu.memref_slice %arg11[%dma_wait3A_469, %dma_wait3A_470] : memref<256x64xf32, #tpu.memory_space<vmem>> -> memref<1x64xf32, #tpu.memory_space<vmem>>
    %dma_wait3A_472 = arith.constant 0 : i32
    %dma_wait3A_473 = arith.constant 0 : i32
    %dma_wait3A_474 = tpu.memref_slice %arg5[%dma_wait3A_472, %dma_wait3A_473] : memref<1000000x64xf32, #tpu.memory_space<hbm>> -> memref<1x64xf32, #tpu.memory_space<hbm>>
    %dma_wait3A_475 = tpu.memref_slice %arg13[%dma_wait3A_468] : memref<8x!tpu.dma_semaphore, #tpu.memory_space<semaphore_mem>> -> memref<1x!tpu.dma_semaphore, #tpu.memory_space<semaphore_mem>>
    %dma_wait3A_476 = tpu.memref_squeeze %dma_wait3A_475 : memref<1x!tpu.dma_semaphore, #tpu.memory_space<semaphore_mem>> -> memref<!tpu.dma_semaphore, #tpu.memory_space<semaphore_mem>>
    %dma_wait3A_477 = arith.constant 0 : i32
    %dma_wait3A_478 = arith.constant 0 : i32
    %dma_wait3A_479 = tpu.memref_slice %arg11[%dma_wait3A_477, %dma_wait3A_478] : memref<256x64xf32, #tpu.memory_space<vmem>> -> memref<1x64xf32, #tpu.memory_space<vmem>>
    %dma_wait3A_480 = arith.constant 0 : i32
    %dma_wait3A_481 = arith.constant 0 : i32
    %dma_wait3A_482 = tpu.memref_slice %arg5[%dma_wait3A_480, %dma_wait3A_481] : memref<1000000x64xf32, #tpu.memory_space<hbm>> -> memref<1x64xf32, #tpu.memory_space<hbm>>
    tpu.wait_dma2 semaphore(%dma_wait3A_476 : memref<!tpu.dma_semaphore, #tpu.memory_space<semaphore_mem>>) src(%dma_wait3A_482 : memref<1x64xf32, #tpu.memory_space<hbm>>) dst(%dma_wait3A_479 : memref<1x64xf32, #tpu.memory_space<vmem>>)
    %dma_wait3A_483 = arith.constant 7 : i32
    %dma_wait3A_484 = arith.constant 0 : i32
    %dma_wait3A_485 = arith.constant 0 : i32
    %dma_wait3A_486 = tpu.memref_slice %arg10[%dma_wait3A_484, %dma_wait3A_485] : memref<256x64xf32, #tpu.memory_space<vmem>> -> memref<1x64xf32, #tpu.memory_space<vmem>>
    %dma_wait3A_487 = arith.constant 0 : i32
    %dma_wait3A_488 = arith.constant 0 : i32
    %dma_wait3A_489 = tpu.memref_slice %arg4[%dma_wait3A_487, %dma_wait3A_488] : memref<1000000x64xf32, #tpu.memory_space<hbm>> -> memref<1x64xf32, #tpu.memory_space<hbm>>
    %dma_wait3A_490 = tpu.memref_slice %arg12[%dma_wait3A_483] : memref<8x!tpu.dma_semaphore, #tpu.memory_space<semaphore_mem>> -> memref<1x!tpu.dma_semaphore, #tpu.memory_space<semaphore_mem>>
    %dma_wait3A_491 = tpu.memref_squeeze %dma_wait3A_490 : memref<1x!tpu.dma_semaphore, #tpu.memory_space<semaphore_mem>> -> memref<!tpu.dma_semaphore, #tpu.memory_space<semaphore_mem>>
    %dma_wait3A_492 = arith.constant 0 : i32
    %dma_wait3A_493 = arith.constant 0 : i32
    %dma_wait3A_494 = tpu.memref_slice %arg10[%dma_wait3A_492, %dma_wait3A_493] : memref<256x64xf32, #tpu.memory_space<vmem>> -> memref<1x64xf32, #tpu.memory_space<vmem>>
    %dma_wait3A_495 = arith.constant 0 : i32
    %dma_wait3A_496 = arith.constant 0 : i32
    %dma_wait3A_497 = tpu.memref_slice %arg4[%dma_wait3A_495, %dma_wait3A_496] : memref<1000000x64xf32, #tpu.memory_space<hbm>> -> memref<1x64xf32, #tpu.memory_space<hbm>>
    tpu.wait_dma2 semaphore(%dma_wait3A_491 : memref<!tpu.dma_semaphore, #tpu.memory_space<semaphore_mem>>) src(%dma_wait3A_497 : memref<1x64xf32, #tpu.memory_space<hbm>>) dst(%dma_wait3A_494 : memref<1x64xf32, #tpu.memory_space<vmem>>)
    %dma_wait3A_498 = arith.constant 7 : i32
    %dma_wait3A_499 = arith.constant 0 : i32
    %dma_wait3A_500 = arith.constant 0 : i32
    %dma_wait3A_501 = tpu.memref_slice %arg11[%dma_wait3A_499, %dma_wait3A_500] : memref<256x64xf32, #tpu.memory_space<vmem>> -> memref<1x64xf32, #tpu.memory_space<vmem>>
    %dma_wait3A_502 = arith.constant 0 : i32
    %dma_wait3A_503 = arith.constant 0 : i32
    %dma_wait3A_504 = tpu.memref_slice %arg5[%dma_wait3A_502, %dma_wait3A_503] : memref<1000000x64xf32, #tpu.memory_space<hbm>> -> memref<1x64xf32, #tpu.memory_space<hbm>>
    %dma_wait3A_505 = tpu.memref_slice %arg13[%dma_wait3A_498] : memref<8x!tpu.dma_semaphore, #tpu.memory_space<semaphore_mem>> -> memref<1x!tpu.dma_semaphore, #tpu.memory_space<semaphore_mem>>
    %dma_wait3A_506 = tpu.memref_squeeze %dma_wait3A_505 : memref<1x!tpu.dma_semaphore, #tpu.memory_space<semaphore_mem>> -> memref<!tpu.dma_semaphore, #tpu.memory_space<semaphore_mem>>
    %dma_wait3A_507 = arith.constant 0 : i32
    %dma_wait3A_508 = arith.constant 0 : i32
    %dma_wait3A_509 = tpu.memref_slice %arg11[%dma_wait3A_507, %dma_wait3A_508] : memref<256x64xf32, #tpu.memory_space<vmem>> -> memref<1x64xf32, #tpu.memory_space<vmem>>
    %dma_wait3A_510 = arith.constant 0 : i32
    %dma_wait3A_511 = arith.constant 0 : i32
    %dma_wait3A_512 = tpu.memref_slice %arg5[%dma_wait3A_510, %dma_wait3A_511] : memref<1000000x64xf32, #tpu.memory_space<hbm>> -> memref<1x64xf32, #tpu.memory_space<hbm>>
    tpu.wait_dma2 semaphore(%dma_wait3A_506 : memref<!tpu.dma_semaphore, #tpu.memory_space<semaphore_mem>>) src(%dma_wait3A_512 : memref<1x64xf32, #tpu.memory_space<hbm>>) dst(%dma_wait3A_509 : memref<1x64xf32, #tpu.memory_space<vmem>>)
    %add3A_513 = arith.constant 0 : i32
    %add3A_514 = arith.addi %mul3A_2, %add3A_513 : i32
    "tpu.region"() ({
      %run_scoped3A = tpu.sem_alloc : memref<!tpu.dma_semaphore, #tpu.memory_space<semaphore_mem>>
      %dma_start3A_1013 = arith.constant 0 : i32
      %dma_start3A_1014 = tpu.memref_slice %arg6[%add3A_514, %dma_start3A_1013] : memref<16384x64xf32, #tpu.memory_space<hbm>> -> memref<256x64xf32, #tpu.memory_space<hbm>>
      %dma_start3A_1015 = arith.constant 0 : i32
      %dma_start3A_1016 = tpu.memref_slice %arg6[%add3A_514, %dma_start3A_1015] : memref<16384x64xf32, #tpu.memory_space<hbm>> -> memref<256x64xf32, #tpu.memory_space<hbm>>
      tpu.enqueue_dma source(%arg10 : memref<256x64xf32, #tpu.memory_space<vmem>>) target(%dma_start3A_1016 : memref<256x64xf32, #tpu.memory_space<hbm>>) target_semaphore(%run_scoped3A : memref<!tpu.dma_semaphore, #tpu.memory_space<semaphore_mem>>)
      %dma_wait3A_1017 = arith.constant 0 : i32
      %dma_wait3A_1018 = tpu.memref_slice %arg6[%add3A_514, %dma_wait3A_1017] : memref<16384x64xf32, #tpu.memory_space<hbm>> -> memref<256x64xf32, #tpu.memory_space<hbm>>
      %dma_wait3A_1019 = arith.constant 0 : i32
      %dma_wait3A_1020 = tpu.memref_slice %arg6[%add3A_514, %dma_wait3A_1019] : memref<16384x64xf32, #tpu.memory_space<hbm>> -> memref<256x64xf32, #tpu.memory_space<hbm>>
      tpu.wait_dma2 semaphore(%run_scoped3A : memref<!tpu.dma_semaphore, #tpu.memory_space<semaphore_mem>>) src(%arg10 : memref<256x64xf32, #tpu.memory_space<vmem>>) dst(%dma_wait3A_1020 : memref<256x64xf32, #tpu.memory_space<hbm>>)
      tpu.yield
    }) : () -> ()
    %add3A_515 = arith.constant 0 : i32
    %add3A_516 = arith.addi %mul3A_2, %add3A_515 : i32
    "tpu.region"() ({
      %run_scoped3A = tpu.sem_alloc : memref<!tpu.dma_semaphore, #tpu.memory_space<semaphore_mem>>
      %dma_start3A_1013 = arith.constant 0 : i32
      %dma_start3A_1014 = tpu.memref_slice %arg7[%add3A_516, %dma_start3A_1013] : memref<16384x64xf32, #tpu.memory_space<hbm>> -> memref<256x64xf32, #tpu.memory_space<hbm>>
      %dma_start3A_1015 = arith.constant 0 : i32
      %dma_start3A_1016 = tpu.memref_slice %arg7[%add3A_516, %dma_start3A_1015] : memref<16384x64xf32, #tpu.memory_space<hbm>> -> memref<256x64xf32, #tpu.memory_space<hbm>>
      tpu.enqueue_dma source(%arg11 : memref<256x64xf32, #tpu.memory_space<vmem>>) target(%dma_start3A_1016 : memref<256x64xf32, #tpu.memory_space<hbm>>) target_semaphore(%run_scoped3A : memref<!tpu.dma_semaphore, #tpu.memory_space<semaphore_mem>>)
      %dma_wait3A_1017 = arith.constant 0 : i32
      %dma_wait3A_1018 = tpu.memref_slice %arg7[%add3A_516, %dma_wait3A_1017] : memref<16384x64xf32, #tpu.memory_space<hbm>> -> memref<256x64xf32, #tpu.memory_space<hbm>>
      %dma_wait3A_1019 = arith.constant 0 : i32
      %dma_wait3A_1020 = tpu.memref_slice %arg7[%add3A_516, %dma_wait3A_1019] : memref<16384x64xf32, #tpu.memory_space<hbm>> -> memref<256x64xf32, #tpu.memory_space<hbm>>
      tpu.wait_dma2 semaphore(%run_scoped3A : memref<!tpu.dma_semaphore, #tpu.memory_space<semaphore_mem>>) src(%arg11 : memref<256x64xf32, #tpu.memory_space<vmem>>) dst(%dma_wait3A_1020 : memref<256x64xf32, #tpu.memory_space<hbm>>)
      tpu.yield
    }) : () -> ()
    %get3A_517 = arith.constant 256 : index
    %get3A_518 = tpu.vector_load %arg8[%get3A_517] {strides = array<i32>} : memref<528xi32, #tpu.memory_space<vmem>>, vector<16xi32>,
    %get3A_519 = vector.shape_cast %get3A_518 : vector<16xi32> to vector<16xi32>
    %get3A_520 = arith.constant 256 : index
    %get3A_521 = tpu.vector_load %arg9[%get3A_520] {strides = array<i32>} : memref<528xi32, #tpu.memory_space<vmem>>, vector<16xi32>,
    %get3A_522 = vector.shape_cast %get3A_521 : vector<16xi32> to vector<16xi32>
    %slice3A_523 = vector.extract_strided_slice %get3A_519 {offsets = [0], sizes = [1], strides = [1]} : vector<16xi32> to vector<1xi32>
    %squeeze3A_524 = vector.extract %slice3A_523[0] : i32 from vector<1xi32>
    %dma_start3A_525 = arith.constant 0 : i32
    %dma_start3A_526 = arith.constant 0 : i32
    %dma_start3A_527 = arith.constant 0 : i32
    %dma_start3A_528 = tpu.memref_slice %arg10[%dma_start3A_526, %dma_start3A_527] : memref<256x64xf32, #tpu.memory_space<vmem>> -> memref<1x64xf32, #tpu.memory_space<vmem>>
    %dma_start3A_529 = arith.constant 0 : i32
    %dma_start3A_530 = tpu.memref_slice %arg4[%squeeze3A_524, %dma_start3A_529] : memref<1000000x64xf32, #tpu.memory_space<hbm>> -> memref<1x64xf32, #tpu.memory_space<hbm>>
    %dma_start3A_531 = tpu.memref_slice %arg12[%dma_start3A_525] : memref<8x!tpu.dma_semaphore, #tpu.memory_space<semaphore_mem>> -> memref<1x!tpu.dma_semaphore, #tpu.memory_space<semaphore_mem>>
    %dma_start3A_532 = tpu.memref_squeeze %dma_start3A_531 : memref<1x!tpu.dma_semaphore, #tpu.memory_space<semaphore_mem>> -> memref<!tpu.dma_semaphore, #tpu.memory_space<semaphore_mem>>
    %dma_start3A_533 = arith.constant 0 : i32
    %dma_start3A_534 = arith.constant 0 : i32
    %dma_start3A_535 = tpu.memref_slice %arg10[%dma_start3A_533, %dma_start3A_534] : memref<256x64xf32, #tpu.memory_space<vmem>> -> memref<1x64xf32, #tpu.memory_space<vmem>>
    %dma_start3A_536 = arith.constant 0 : i32
    %dma_start3A_537 = tpu.memref_slice %arg4[%squeeze3A_524, %dma_start3A_536] : memref<1000000x64xf32, #tpu.memory_space<hbm>> -> memref<1x64xf32, #tpu.memory_space<hbm>>
    tpu.enqueue_dma source(%dma_start3A_537 : memref<1x64xf32, #tpu.memory_space<hbm>>) target(%dma_start3A_535 : memref<1x64xf32, #tpu.memory_space<vmem>>) target_semaphore(%dma_start3A_532 : memref<!tpu.dma_semaphore, #tpu.memory_space<semaphore_mem>>)
    %slice3A_538 = vector.extract_strided_slice %get3A_522 {offsets = [0], sizes = [1], strides = [1]} : vector<16xi32> to vector<1xi32>
    %squeeze3A_539 = vector.extract %slice3A_538[0] : i32 from vector<1xi32>
    %dma_start3A_540 = arith.constant 0 : i32
    %dma_start3A_541 = arith.constant 0 : i32
    %dma_start3A_542 = arith.constant 0 : i32
    %dma_start3A_543 = tpu.memref_slice %arg11[%dma_start3A_541, %dma_start3A_542] : memref<256x64xf32, #tpu.memory_space<vmem>> -> memref<1x64xf32, #tpu.memory_space<vmem>>
    %dma_start3A_544 = arith.constant 0 : i32
    %dma_start3A_545 = tpu.memref_slice %arg5[%squeeze3A_539, %dma_start3A_544] : memref<1000000x64xf32, #tpu.memory_space<hbm>> -> memref<1x64xf32, #tpu.memory_space<hbm>>
    %dma_start3A_546 = tpu.memref_slice %arg13[%dma_start3A_540] : memref<8x!tpu.dma_semaphore, #tpu.memory_space<semaphore_mem>> -> memref<1x!tpu.dma_semaphore, #tpu.memory_space<semaphore_mem>>
    %dma_start3A_547 = tpu.memref_squeeze %dma_start3A_546 : memref<1x!tpu.dma_semaphore, #tpu.memory_space<semaphore_mem>> -> memref<!tpu.dma_semaphore, #tpu.memory_space<semaphore_mem>>
    %dma_start3A_548 = arith.constant 0 : i32
    %dma_start3A_549 = arith.constant 0 : i32
    %dma_start3A_550 = tpu.memref_slice %arg11[%dma_start3A_548, %dma_start3A_549] : memref<256x64xf32, #tpu.memory_space<vmem>> -> memref<1x64xf32, #tpu.memory_space<vmem>>
    %dma_start3A_551 = arith.constant 0 : i32
    %dma_start3A_552 = tpu.memref_slice %arg5[%squeeze3A_539, %dma_start3A_551] : memref<1000000x64xf32, #tpu.memory_space<hbm>> -> memref<1x64xf32, #tpu.memory_space<hbm>>
    tpu.enqueue_dma source(%dma_start3A_552 : memref<1x64xf32, #tpu.memory_space<hbm>>) target(%dma_start3A_550 : memref<1x64xf32, #tpu.memory_space<vmem>>) target_semaphore(%dma_start3A_547 : memref<!tpu.dma_semaphore, #tpu.memory_space<semaphore_mem>>)
    %slice3A_553 = vector.extract_strided_slice %get3A_519 {offsets = [1], sizes = [1], strides = [1]} : vector<16xi32> to vector<1xi32>
    %squeeze3A_554 = vector.extract %slice3A_553[0] : i32 from vector<1xi32>
    %dma_start3A_555 = arith.constant 1 : i32
    %dma_start3A_556 = arith.constant 1 : i32
    %dma_start3A_557 = arith.constant 0 : i32
    %dma_start3A_558 = tpu.memref_slice %arg10[%dma_start3A_556, %dma_start3A_557] : memref<256x64xf32, #tpu.memory_space<vmem>> -> memref<1x64xf32, #tpu.memory_space<vmem>>
    %dma_start3A_559 = arith.constant 0 : i32
    %dma_start3A_560 = tpu.memref_slice %arg4[%squeeze3A_554, %dma_start3A_559] : memref<1000000x64xf32, #tpu.memory_space<hbm>> -> memref<1x64xf32, #tpu.memory_space<hbm>>
    %dma_start3A_561 = tpu.memref_slice %arg12[%dma_start3A_555] : memref<8x!tpu.dma_semaphore, #tpu.memory_space<semaphore_mem>> -> memref<1x!tpu.dma_semaphore, #tpu.memory_space<semaphore_mem>>
    %dma_start3A_562 = tpu.memref_squeeze %dma_start3A_561 : memref<1x!tpu.dma_semaphore, #tpu.memory_space<semaphore_mem>> -> memref<!tpu.dma_semaphore, #tpu.memory_space<semaphore_mem>>
    %dma_start3A_563 = arith.constant 1 : i32
    %dma_start3A_564 = arith.constant 0 : i32
    %dma_start3A_565 = tpu.memref_slice %arg10[%dma_start3A_563, %dma_start3A_564] : memref<256x64xf32, #tpu.memory_space<vmem>> -> memref<1x64xf32, #tpu.memory_space<vmem>>
    %dma_start3A_566 = arith.constant 0 : i32
    %dma_start3A_567 = tpu.memref_slice %arg4[%squeeze3A_554, %dma_start3A_566] : memref<1000000x64xf32, #tpu.memory_space<hbm>> -> memref<1x64xf32, #tpu.memory_space<hbm>>
    tpu.enqueue_dma source(%dma_start3A_567 : memref<1x64xf32, #tpu.memory_space<hbm>>) target(%dma_start3A_565 : memref<1x64xf32, #tpu.memory_space<vmem>>) target_semaphore(%dma_start3A_562 : memref<!tpu.dma_semaphore, #tpu.memory_space<semaphore_mem>>)
    %slice3A_568 = vector.extract_strided_slice %get3A_522 {offsets = [1], sizes = [1], strides = [1]} : vector<16xi32> to vector<1xi32>
    %squeeze3A_569 = vector.extract %slice3A_568[0] : i32 from vector<1xi32>
    %dma_start3A_570 = arith.constant 1 : i32
    %dma_start3A_571 = arith.constant 1 : i32
    %dma_start3A_572 = arith.constant 0 : i32
    %dma_start3A_573 = tpu.memref_slice %arg11[%dma_start3A_571, %dma_start3A_572] : memref<256x64xf32, #tpu.memory_space<vmem>> -> memref<1x64xf32, #tpu.memory_space<vmem>>
    %dma_start3A_574 = arith.constant 0 : i32
    %dma_start3A_575 = tpu.memref_slice %arg5[%squeeze3A_569, %dma_start3A_574] : memref<1000000x64xf32, #tpu.memory_space<hbm>> -> memref<1x64xf32, #tpu.memory_space<hbm>>
    %dma_start3A_576 = tpu.memref_slice %arg13[%dma_start3A_570] : memref<8x!tpu.dma_semaphore, #tpu.memory_space<semaphore_mem>> -> memref<1x!tpu.dma_semaphore, #tpu.memory_space<semaphore_mem>>
    %dma_start3A_577 = tpu.memref_squeeze %dma_start3A_576 : memref<1x!tpu.dma_semaphore, #tpu.memory_space<semaphore_mem>> -> memref<!tpu.dma_semaphore, #tpu.memory_space<semaphore_mem>>
    %dma_start3A_578 = arith.constant 1 : i32
    %dma_start3A_579 = arith.constant 0 : i32
    %dma_start3A_580 = tpu.memref_slice %arg11[%dma_start3A_578, %dma_start3A_579] : memref<256x64xf32, #tpu.memory_space<vmem>> -> memref<1x64xf32, #tpu.memory_space<vmem>>
    %dma_start3A_581 = arith.constant 0 : i32
    %dma_start3A_582 = tpu.memref_slice %arg5[%squeeze3A_569, %dma_start3A_581] : memref<1000000x64xf32, #tpu.memory_space<hbm>> -> memref<1x64xf32, #tpu.memory_space<hbm>>
    tpu.enqueue_dma source(%dma_start3A_582 : memref<1x64xf32, #tpu.memory_space<hbm>>) target(%dma_start3A_580 : memref<1x64xf32, #tpu.memory_space<vmem>>) target_semaphore(%dma_start3A_577 : memref<!tpu.dma_semaphore, #tpu.memory_space<semaphore_mem>>)
    %slice3A_583 = vector.extract_strided_slice %get3A_519 {offsets = [2], sizes = [1], strides = [1]} : vector<16xi32> to vector<1xi32>
    %squeeze3A_584 = vector.extract %slice3A_583[0] : i32 from vector<1xi32>
    %dma_start3A_585 = arith.constant 2 : i32
    %dma_start3A_586 = arith.constant 2 : i32
    %dma_start3A_587 = arith.constant 0 : i32
    %dma_start3A_588 = tpu.memref_slice %arg10[%dma_start3A_586, %dma_start3A_587] : memref<256x64xf32, #tpu.memory_space<vmem>> -> memref<1x64xf32, #tpu.memory_space<vmem>>
    %dma_start3A_589 = arith.constant 0 : i32
    %dma_start3A_590 = tpu.memref_slice %arg4[%squeeze3A_584, %dma_start3A_589] : memref<1000000x64xf32, #tpu.memory_space<hbm>> -> memref<1x64xf32, #tpu.memory_space<hbm>>
    %dma_start3A_591 = tpu.memref_slice %arg12[%dma_start3A_585] : memref<8x!tpu.dma_semaphore, #tpu.memory_space<semaphore_mem>> -> memref<1x!tpu.dma_semaphore, #tpu.memory_space<semaphore_mem>>
    %dma_start3A_592 = tpu.memref_squeeze %dma_start3A_591 : memref<1x!tpu.dma_semaphore, #tpu.memory_space<semaphore_mem>> -> memref<!tpu.dma_semaphore, #tpu.memory_space<semaphore_mem>>
    %dma_start3A_593 = arith.constant 2 : i32
    %dma_start3A_594 = arith.constant 0 : i32
    %dma_start3A_595 = tpu.memref_slice %arg10[%dma_start3A_593, %dma_start3A_594] : memref<256x64xf32, #tpu.memory_space<vmem>> -> memref<1x64xf32, #tpu.memory_space<vmem>>
    %dma_start3A_596 = arith.constant 0 : i32
    %dma_start3A_597 = tpu.memref_slice %arg4[%squeeze3A_584, %dma_start3A_596] : memref<1000000x64xf32, #tpu.memory_space<hbm>> -> memref<1x64xf32, #tpu.memory_space<hbm>>
    tpu.enqueue_dma source(%dma_start3A_597 : memref<1x64xf32, #tpu.memory_space<hbm>>) target(%dma_start3A_595 : memref<1x64xf32, #tpu.memory_space<vmem>>) target_semaphore(%dma_start3A_592 : memref<!tpu.dma_semaphore, #tpu.memory_space<semaphore_mem>>)
    %slice3A_598 = vector.extract_strided_slice %get3A_522 {offsets = [2], sizes = [1], strides = [1]} : vector<16xi32> to vector<1xi32>
    %squeeze3A_599 = vector.extract %slice3A_598[0] : i32 from vector<1xi32>
    %dma_start3A_600 = arith.constant 2 : i32
    %dma_start3A_601 = arith.constant 2 : i32
    %dma_start3A_602 = arith.constant 0 : i32
    %dma_start3A_603 = tpu.memref_slice %arg11[%dma_start3A_601, %dma_start3A_602] : memref<256x64xf32, #tpu.memory_space<vmem>> -> memref<1x64xf32, #tpu.memory_space<vmem>>
    %dma_start3A_604 = arith.constant 0 : i32
    %dma_start3A_605 = tpu.memref_slice %arg5[%squeeze3A_599, %dma_start3A_604] : memref<1000000x64xf32, #tpu.memory_space<hbm>> -> memref<1x64xf32, #tpu.memory_space<hbm>>
    %dma_start3A_606 = tpu.memref_slice %arg13[%dma_start3A_600] : memref<8x!tpu.dma_semaphore, #tpu.memory_space<semaphore_mem>> -> memref<1x!tpu.dma_semaphore, #tpu.memory_space<semaphore_mem>>
    %dma_start3A_607 = tpu.memref_squeeze %dma_start3A_606 : memref<1x!tpu.dma_semaphore, #tpu.memory_space<semaphore_mem>> -> memref<!tpu.dma_semaphore, #tpu.memory_space<semaphore_mem>>
    %dma_start3A_608 = arith.constant 2 : i32
    %dma_start3A_609 = arith.constant 0 : i32
    %dma_start3A_610 = tpu.memref_slice %arg11[%dma_start3A_608, %dma_start3A_609] : memref<256x64xf32, #tpu.memory_space<vmem>> -> memref<1x64xf32, #tpu.memory_space<vmem>>
    %dma_start3A_611 = arith.constant 0 : i32
    %dma_start3A_612 = tpu.memref_slice %arg5[%squeeze3A_599, %dma_start3A_611] : memref<1000000x64xf32, #tpu.memory_space<hbm>> -> memref<1x64xf32, #tpu.memory_space<hbm>>
    tpu.enqueue_dma source(%dma_start3A_612 : memref<1x64xf32, #tpu.memory_space<hbm>>) target(%dma_start3A_610 : memref<1x64xf32, #tpu.memory_space<vmem>>) target_semaphore(%dma_start3A_607 : memref<!tpu.dma_semaphore, #tpu.memory_space<semaphore_mem>>)
    %slice3A_613 = vector.extract_strided_slice %get3A_519 {offsets = [3], sizes = [1], strides = [1]} : vector<16xi32> to vector<1xi32>
    %squeeze3A_614 = vector.extract %slice3A_613[0] : i32 from vector<1xi32>
    %dma_start3A_615 = arith.constant 3 : i32
    %dma_start3A_616 = arith.constant 3 : i32
    %dma_start3A_617 = arith.constant 0 : i32
    %dma_start3A_618 = tpu.memref_slice %arg10[%dma_start3A_616, %dma_start3A_617] : memref<256x64xf32, #tpu.memory_space<vmem>> -> memref<1x64xf32, #tpu.memory_space<vmem>>
    %dma_start3A_619 = arith.constant 0 : i32
    %dma_start3A_620 = tpu.memref_slice %arg4[%squeeze3A_614, %dma_start3A_619] : memref<1000000x64xf32, #tpu.memory_space<hbm>> -> memref<1x64xf32, #tpu.memory_space<hbm>>
    %dma_start3A_621 = tpu.memref_slice %arg12[%dma_start3A_615] : memref<8x!tpu.dma_semaphore, #tpu.memory_space<semaphore_mem>> -> memref<1x!tpu.dma_semaphore, #tpu.memory_space<semaphore_mem>>
    %dma_start3A_622 = tpu.memref_squeeze %dma_start3A_621 : memref<1x!tpu.dma_semaphore, #tpu.memory_space<semaphore_mem>> -> memref<!tpu.dma_semaphore, #tpu.memory_space<semaphore_mem>>
    %dma_start3A_623 = arith.constant 3 : i32
    %dma_start3A_624 = arith.constant 0 : i32
    %dma_start3A_625 = tpu.memref_slice %arg10[%dma_start3A_623, %dma_start3A_624] : memref<256x64xf32, #tpu.memory_space<vmem>> -> memref<1x64xf32, #tpu.memory_space<vmem>>
    %dma_start3A_626 = arith.constant 0 : i32
    %dma_start3A_627 = tpu.memref_slice %arg4[%squeeze3A_614, %dma_start3A_626] : memref<1000000x64xf32, #tpu.memory_space<hbm>> -> memref<1x64xf32, #tpu.memory_space<hbm>>
    tpu.enqueue_dma source(%dma_start3A_627 : memref<1x64xf32, #tpu.memory_space<hbm>>) target(%dma_start3A_625 : memref<1x64xf32, #tpu.memory_space<vmem>>) target_semaphore(%dma_start3A_622 : memref<!tpu.dma_semaphore, #tpu.memory_space<semaphore_mem>>)
    %slice3A_628 = vector.extract_strided_slice %get3A_522 {offsets = [3], sizes = [1], strides = [1]} : vector<16xi32> to vector<1xi32>
    %squeeze3A_629 = vector.extract %slice3A_628[0] : i32 from vector<1xi32>
    %dma_start3A_630 = arith.constant 3 : i32
    %dma_start3A_631 = arith.constant 3 : i32
    %dma_start3A_632 = arith.constant 0 : i32
    %dma_start3A_633 = tpu.memref_slice %arg11[%dma_start3A_631, %dma_start3A_632] : memref<256x64xf32, #tpu.memory_space<vmem>> -> memref<1x64xf32, #tpu.memory_space<vmem>>
    %dma_start3A_634 = arith.constant 0 : i32
    %dma_start3A_635 = tpu.memref_slice %arg5[%squeeze3A_629, %dma_start3A_634] : memref<1000000x64xf32, #tpu.memory_space<hbm>> -> memref<1x64xf32, #tpu.memory_space<hbm>>
    %dma_start3A_636 = tpu.memref_slice %arg13[%dma_start3A_630] : memref<8x!tpu.dma_semaphore, #tpu.memory_space<semaphore_mem>> -> memref<1x!tpu.dma_semaphore, #tpu.memory_space<semaphore_mem>>
    %dma_start3A_637 = tpu.memref_squeeze %dma_start3A_636 : memref<1x!tpu.dma_semaphore, #tpu.memory_space<semaphore_mem>> -> memref<!tpu.dma_semaphore, #tpu.memory_space<semaphore_mem>>
    %dma_start3A_638 = arith.constant 3 : i32
    %dma_start3A_639 = arith.constant 0 : i32
    %dma_start3A_640 = tpu.memref_slice %arg11[%dma_start3A_638, %dma_start3A_639] : memref<256x64xf32, #tpu.memory_space<vmem>> -> memref<1x64xf32, #tpu.memory_space<vmem>>
    %dma_start3A_641 = arith.constant 0 : i32
    %dma_start3A_642 = tpu.memref_slice %arg5[%squeeze3A_629, %dma_start3A_641] : memref<1000000x64xf32, #tpu.memory_space<hbm>> -> memref<1x64xf32, #tpu.memory_space<hbm>>
    tpu.enqueue_dma source(%dma_start3A_642 : memref<1x64xf32, #tpu.memory_space<hbm>>) target(%dma_start3A_640 : memref<1x64xf32, #tpu.memory_space<vmem>>) target_semaphore(%dma_start3A_637 : memref<!tpu.dma_semaphore, #tpu.memory_space<semaphore_mem>>)
    %slice3A_643 = vector.extract_strided_slice %get3A_519 {offsets = [4], sizes = [1], strides = [1]} : vector<16xi32> to vector<1xi32>
    %squeeze3A_644 = vector.extract %slice3A_643[0] : i32 from vector<1xi32>
    %dma_start3A_645 = arith.constant 4 : i32
    %dma_start3A_646 = arith.constant 4 : i32
    %dma_start3A_647 = arith.constant 0 : i32
    %dma_start3A_648 = tpu.memref_slice %arg10[%dma_start3A_646, %dma_start3A_647] : memref<256x64xf32, #tpu.memory_space<vmem>> -> memref<1x64xf32, #tpu.memory_space<vmem>>
    %dma_start3A_649 = arith.constant 0 : i32
    %dma_start3A_650 = tpu.memref_slice %arg4[%squeeze3A_644, %dma_start3A_649] : memref<1000000x64xf32, #tpu.memory_space<hbm>> -> memref<1x64xf32, #tpu.memory_space<hbm>>
    %dma_start3A_651 = tpu.memref_slice %arg12[%dma_start3A_645] : memref<8x!tpu.dma_semaphore, #tpu.memory_space<semaphore_mem>> -> memref<1x!tpu.dma_semaphore, #tpu.memory_space<semaphore_mem>>
    %dma_start3A_652 = tpu.memref_squeeze %dma_start3A_651 : memref<1x!tpu.dma_semaphore, #tpu.memory_space<semaphore_mem>> -> memref<!tpu.dma_semaphore, #tpu.memory_space<semaphore_mem>>
    %dma_start3A_653 = arith.constant 4 : i32
    %dma_start3A_654 = arith.constant 0 : i32
    %dma_start3A_655 = tpu.memref_slice %arg10[%dma_start3A_653, %dma_start3A_654] : memref<256x64xf32, #tpu.memory_space<vmem>> -> memref<1x64xf32, #tpu.memory_space<vmem>>
    %dma_start3A_656 = arith.constant 0 : i32
    %dma_start3A_657 = tpu.memref_slice %arg4[%squeeze3A_644, %dma_start3A_656] : memref<1000000x64xf32, #tpu.memory_space<hbm>> -> memref<1x64xf32, #tpu.memory_space<hbm>>
    tpu.enqueue_dma source(%dma_start3A_657 : memref<1x64xf32, #tpu.memory_space<hbm>>) target(%dma_start3A_655 : memref<1x64xf32, #tpu.memory_space<vmem>>) target_semaphore(%dma_start3A_652 : memref<!tpu.dma_semaphore, #tpu.memory_space<semaphore_mem>>)
    %slice3A_658 = vector.extract_strided_slice %get3A_522 {offsets = [4], sizes = [1], strides = [1]} : vector<16xi32> to vector<1xi32>
    %squeeze3A_659 = vector.extract %slice3A_658[0] : i32 from vector<1xi32>
    %dma_start3A_660 = arith.constant 4 : i32
    %dma_start3A_661 = arith.constant 4 : i32
    %dma_start3A_662 = arith.constant 0 : i32
    %dma_start3A_663 = tpu.memref_slice %arg11[%dma_start3A_661, %dma_start3A_662] : memref<256x64xf32, #tpu.memory_space<vmem>> -> memref<1x64xf32, #tpu.memory_space<vmem>>
    %dma_start3A_664 = arith.constant 0 : i32
    %dma_start3A_665 = tpu.memref_slice %arg5[%squeeze3A_659, %dma_start3A_664] : memref<1000000x64xf32, #tpu.memory_space<hbm>> -> memref<1x64xf32, #tpu.memory_space<hbm>>
    %dma_start3A_666 = tpu.memref_slice %arg13[%dma_start3A_660] : memref<8x!tpu.dma_semaphore, #tpu.memory_space<semaphore_mem>> -> memref<1x!tpu.dma_semaphore, #tpu.memory_space<semaphore_mem>>
    %dma_start3A_667 = tpu.memref_squeeze %dma_start3A_666 : memref<1x!tpu.dma_semaphore, #tpu.memory_space<semaphore_mem>> -> memref<!tpu.dma_semaphore, #tpu.memory_space<semaphore_mem>>
    %dma_start3A_668 = arith.constant 4 : i32
    %dma_start3A_669 = arith.constant 0 : i32
    %dma_start3A_670 = tpu.memref_slice %arg11[%dma_start3A_668, %dma_start3A_669] : memref<256x64xf32, #tpu.memory_space<vmem>> -> memref<1x64xf32, #tpu.memory_space<vmem>>
    %dma_start3A_671 = arith.constant 0 : i32
    %dma_start3A_672 = tpu.memref_slice %arg5[%squeeze3A_659, %dma_start3A_671] : memref<1000000x64xf32, #tpu.memory_space<hbm>> -> memref<1x64xf32, #tpu.memory_space<hbm>>
    tpu.enqueue_dma source(%dma_start3A_672 : memref<1x64xf32, #tpu.memory_space<hbm>>) target(%dma_start3A_670 : memref<1x64xf32, #tpu.memory_space<vmem>>) target_semaphore(%dma_start3A_667 : memref<!tpu.dma_semaphore, #tpu.memory_space<semaphore_mem>>)
    %slice3A_673 = vector.extract_strided_slice %get3A_519 {offsets = [5], sizes = [1], strides = [1]} : vector<16xi32> to vector<1xi32>
    %squeeze3A_674 = vector.extract %slice3A_673[0] : i32 from vector<1xi32>
    %dma_start3A_675 = arith.constant 5 : i32
    %dma_start3A_676 = arith.constant 5 : i32
    %dma_start3A_677 = arith.constant 0 : i32
    %dma_start3A_678 = tpu.memref_slice %arg10[%dma_start3A_676, %dma_start3A_677] : memref<256x64xf32, #tpu.memory_space<vmem>> -> memref<1x64xf32, #tpu.memory_space<vmem>>
    %dma_start3A_679 = arith.constant 0 : i32
    %dma_start3A_680 = tpu.memref_slice %arg4[%squeeze3A_674, %dma_start3A_679] : memref<1000000x64xf32, #tpu.memory_space<hbm>> -> memref<1x64xf32, #tpu.memory_space<hbm>>
    %dma_start3A_681 = tpu.memref_slice %arg12[%dma_start3A_675] : memref<8x!tpu.dma_semaphore, #tpu.memory_space<semaphore_mem>> -> memref<1x!tpu.dma_semaphore, #tpu.memory_space<semaphore_mem>>
    %dma_start3A_682 = tpu.memref_squeeze %dma_start3A_681 : memref<1x!tpu.dma_semaphore, #tpu.memory_space<semaphore_mem>> -> memref<!tpu.dma_semaphore, #tpu.memory_space<semaphore_mem>>
    %dma_start3A_683 = arith.constant 5 : i32
    %dma_start3A_684 = arith.constant 0 : i32
    %dma_start3A_685 = tpu.memref_slice %arg10[%dma_start3A_683, %dma_start3A_684] : memref<256x64xf32, #tpu.memory_space<vmem>> -> memref<1x64xf32, #tpu.memory_space<vmem>>
    %dma_start3A_686 = arith.constant 0 : i32
    %dma_start3A_687 = tpu.memref_slice %arg4[%squeeze3A_674, %dma_start3A_686] : memref<1000000x64xf32, #tpu.memory_space<hbm>> -> memref<1x64xf32, #tpu.memory_space<hbm>>
    tpu.enqueue_dma source(%dma_start3A_687 : memref<1x64xf32, #tpu.memory_space<hbm>>) target(%dma_start3A_685 : memref<1x64xf32, #tpu.memory_space<vmem>>) target_semaphore(%dma_start3A_682 : memref<!tpu.dma_semaphore, #tpu.memory_space<semaphore_mem>>)
    %slice3A_688 = vector.extract_strided_slice %get3A_522 {offsets = [5], sizes = [1], strides = [1]} : vector<16xi32> to vector<1xi32>
    %squeeze3A_689 = vector.extract %slice3A_688[0] : i32 from vector<1xi32>
    %dma_start3A_690 = arith.constant 5 : i32
    %dma_start3A_691 = arith.constant 5 : i32
    %dma_start3A_692 = arith.constant 0 : i32
    %dma_start3A_693 = tpu.memref_slice %arg11[%dma_start3A_691, %dma_start3A_692] : memref<256x64xf32, #tpu.memory_space<vmem>> -> memref<1x64xf32, #tpu.memory_space<vmem>>
    %dma_start3A_694 = arith.constant 0 : i32
    %dma_start3A_695 = tpu.memref_slice %arg5[%squeeze3A_689, %dma_start3A_694] : memref<1000000x64xf32, #tpu.memory_space<hbm>> -> memref<1x64xf32, #tpu.memory_space<hbm>>
    %dma_start3A_696 = tpu.memref_slice %arg13[%dma_start3A_690] : memref<8x!tpu.dma_semaphore, #tpu.memory_space<semaphore_mem>> -> memref<1x!tpu.dma_semaphore, #tpu.memory_space<semaphore_mem>>
    %dma_start3A_697 = tpu.memref_squeeze %dma_start3A_696 : memref<1x!tpu.dma_semaphore, #tpu.memory_space<semaphore_mem>> -> memref<!tpu.dma_semaphore, #tpu.memory_space<semaphore_mem>>
    %dma_start3A_698 = arith.constant 5 : i32
    %dma_start3A_699 = arith.constant 0 : i32
    %dma_start3A_700 = tpu.memref_slice %arg11[%dma_start3A_698, %dma_start3A_699] : memref<256x64xf32, #tpu.memory_space<vmem>> -> memref<1x64xf32, #tpu.memory_space<vmem>>
    %dma_start3A_701 = arith.constant 0 : i32
    %dma_start3A_702 = tpu.memref_slice %arg5[%squeeze3A_689, %dma_start3A_701] : memref<1000000x64xf32, #tpu.memory_space<hbm>> -> memref<1x64xf32, #tpu.memory_space<hbm>>
    tpu.enqueue_dma source(%dma_start3A_702 : memref<1x64xf32, #tpu.memory_space<hbm>>) target(%dma_start3A_700 : memref<1x64xf32, #tpu.memory_space<vmem>>) target_semaphore(%dma_start3A_697 : memref<!tpu.dma_semaphore, #tpu.memory_space<semaphore_mem>>)
    %slice3A_703 = vector.extract_strided_slice %get3A_519 {offsets = [6], sizes = [1], strides = [1]} : vector<16xi32> to vector<1xi32>
    %squeeze3A_704 = vector.extract %slice3A_703[0] : i32 from vector<1xi32>
    %dma_start3A_705 = arith.constant 6 : i32
    %dma_start3A_706 = arith.constant 6 : i32
    %dma_start3A_707 = arith.constant 0 : i32
    %dma_start3A_708 = tpu.memref_slice %arg10[%dma_start3A_706, %dma_start3A_707] : memref<256x64xf32, #tpu.memory_space<vmem>> -> memref<1x64xf32, #tpu.memory_space<vmem>>
    %dma_start3A_709 = arith.constant 0 : i32
    %dma_start3A_710 = tpu.memref_slice %arg4[%squeeze3A_704, %dma_start3A_709] : memref<1000000x64xf32, #tpu.memory_space<hbm>> -> memref<1x64xf32, #tpu.memory_space<hbm>>
    %dma_start3A_711 = tpu.memref_slice %arg12[%dma_start3A_705] : memref<8x!tpu.dma_semaphore, #tpu.memory_space<semaphore_mem>> -> memref<1x!tpu.dma_semaphore, #tpu.memory_space<semaphore_mem>>
    %dma_start3A_712 = tpu.memref_squeeze %dma_start3A_711 : memref<1x!tpu.dma_semaphore, #tpu.memory_space<semaphore_mem>> -> memref<!tpu.dma_semaphore, #tpu.memory_space<semaphore_mem>>
    %dma_start3A_713 = arith.constant 6 : i32
    %dma_start3A_714 = arith.constant 0 : i32
    %dma_start3A_715 = tpu.memref_slice %arg10[%dma_start3A_713, %dma_start3A_714] : memref<256x64xf32, #tpu.memory_space<vmem>> -> memref<1x64xf32, #tpu.memory_space<vmem>>
    %dma_start3A_716 = arith.constant 0 : i32
    %dma_start3A_717 = tpu.memref_slice %arg4[%squeeze3A_704, %dma_start3A_716] : memref<1000000x64xf32, #tpu.memory_space<hbm>> -> memref<1x64xf32, #tpu.memory_space<hbm>>
    tpu.enqueue_dma source(%dma_start3A_717 : memref<1x64xf32, #tpu.memory_space<hbm>>) target(%dma_start3A_715 : memref<1x64xf32, #tpu.memory_space<vmem>>) target_semaphore(%dma_start3A_712 : memref<!tpu.dma_semaphore, #tpu.memory_space<semaphore_mem>>)
    %slice3A_718 = vector.extract_strided_slice %get3A_522 {offsets = [6], sizes = [1], strides = [1]} : vector<16xi32> to vector<1xi32>
    %squeeze3A_719 = vector.extract %slice3A_718[0] : i32 from vector<1xi32>
    %dma_start3A_720 = arith.constant 6 : i32
    %dma_start3A_721 = arith.constant 6 : i32
    %dma_start3A_722 = arith.constant 0 : i32
    %dma_start3A_723 = tpu.memref_slice %arg11[%dma_start3A_721, %dma_start3A_722] : memref<256x64xf32, #tpu.memory_space<vmem>> -> memref<1x64xf32, #tpu.memory_space<vmem>>
    %dma_start3A_724 = arith.constant 0 : i32
    %dma_start3A_725 = tpu.memref_slice %arg5[%squeeze3A_719, %dma_start3A_724] : memref<1000000x64xf32, #tpu.memory_space<hbm>> -> memref<1x64xf32, #tpu.memory_space<hbm>>
    %dma_start3A_726 = tpu.memref_slice %arg13[%dma_start3A_720] : memref<8x!tpu.dma_semaphore, #tpu.memory_space<semaphore_mem>> -> memref<1x!tpu.dma_semaphore, #tpu.memory_space<semaphore_mem>>
    %dma_start3A_727 = tpu.memref_squeeze %dma_start3A_726 : memref<1x!tpu.dma_semaphore, #tpu.memory_space<semaphore_mem>> -> memref<!tpu.dma_semaphore, #tpu.memory_space<semaphore_mem>>
    %dma_start3A_728 = arith.constant 6 : i32
    %dma_start3A_729 = arith.constant 0 : i32
    %dma_start3A_730 = tpu.memref_slice %arg11[%dma_start3A_728, %dma_start3A_729] : memref<256x64xf32, #tpu.memory_space<vmem>> -> memref<1x64xf32, #tpu.memory_space<vmem>>
    %dma_start3A_731 = arith.constant 0 : i32
    %dma_start3A_732 = tpu.memref_slice %arg5[%squeeze3A_719, %dma_start3A_731] : memref<1000000x64xf32, #tpu.memory_space<hbm>> -> memref<1x64xf32, #tpu.memory_space<hbm>>
    tpu.enqueue_dma source(%dma_start3A_732 : memref<1x64xf32, #tpu.memory_space<hbm>>) target(%dma_start3A_730 : memref<1x64xf32, #tpu.memory_space<vmem>>) target_semaphore(%dma_start3A_727 : memref<!tpu.dma_semaphore, #tpu.memory_space<semaphore_mem>>)
    %slice3A_733 = vector.extract_strided_slice %get3A_519 {offsets = [7], sizes = [1], strides = [1]} : vector<16xi32> to vector<1xi32>
    %squeeze3A_734 = vector.extract %slice3A_733[0] : i32 from vector<1xi32>
    %dma_start3A_735 = arith.constant 7 : i32
    %dma_start3A_736 = arith.constant 7 : i32
    %dma_start3A_737 = arith.constant 0 : i32
    %dma_start3A_738 = tpu.memref_slice %arg10[%dma_start3A_736, %dma_start3A_737] : memref<256x64xf32, #tpu.memory_space<vmem>> -> memref<1x64xf32, #tpu.memory_space<vmem>>
    %dma_start3A_739 = arith.constant 0 : i32
    %dma_start3A_740 = tpu.memref_slice %arg4[%squeeze3A_734, %dma_start3A_739] : memref<1000000x64xf32, #tpu.memory_space<hbm>> -> memref<1x64xf32, #tpu.memory_space<hbm>>
    %dma_start3A_741 = tpu.memref_slice %arg12[%dma_start3A_735] : memref<8x!tpu.dma_semaphore, #tpu.memory_space<semaphore_mem>> -> memref<1x!tpu.dma_semaphore, #tpu.memory_space<semaphore_mem>>
    %dma_start3A_742 = tpu.memref_squeeze %dma_start3A_741 : memref<1x!tpu.dma_semaphore, #tpu.memory_space<semaphore_mem>> -> memref<!tpu.dma_semaphore, #tpu.memory_space<semaphore_mem>>
    %dma_start3A_743 = arith.constant 7 : i32
    %dma_start3A_744 = arith.constant 0 : i32
    %dma_start3A_745 = tpu.memref_slice %arg10[%dma_start3A_743, %dma_start3A_744] : memref<256x64xf32, #tpu.memory_space<vmem>> -> memref<1x64xf32, #tpu.memory_space<vmem>>
    %dma_start3A_746 = arith.constant 0 : i32
    %dma_start3A_747 = tpu.memref_slice %arg4[%squeeze3A_734, %dma_start3A_746] : memref<1000000x64xf32, #tpu.memory_space<hbm>> -> memref<1x64xf32, #tpu.memory_space<hbm>>
    tpu.enqueue_dma source(%dma_start3A_747 : memref<1x64xf32, #tpu.memory_space<hbm>>) target(%dma_start3A_745 : memref<1x64xf32, #tpu.memory_space<vmem>>) target_semaphore(%dma_start3A_742 : memref<!tpu.dma_semaphore, #tpu.memory_space<semaphore_mem>>)
    %slice3A_748 = vector.extract_strided_slice %get3A_522 {offsets = [7], sizes = [1], strides = [1]} : vector<16xi32> to vector<1xi32>
    %squeeze3A_749 = vector.extract %slice3A_748[0] : i32 from vector<1xi32>
    %dma_start3A_750 = arith.constant 7 : i32
    %dma_start3A_751 = arith.constant 7 : i32
    %dma_start3A_752 = arith.constant 0 : i32
    %dma_start3A_753 = tpu.memref_slice %arg11[%dma_start3A_751, %dma_start3A_752] : memref<256x64xf32, #tpu.memory_space<vmem>> -> memref<1x64xf32, #tpu.memory_space<vmem>>
    %dma_start3A_754 = arith.constant 0 : i32
    %dma_start3A_755 = tpu.memref_slice %arg5[%squeeze3A_749, %dma_start3A_754] : memref<1000000x64xf32, #tpu.memory_space<hbm>> -> memref<1x64xf32, #tpu.memory_space<hbm>>
    %dma_start3A_756 = tpu.memref_slice %arg13[%dma_start3A_750] : memref<8x!tpu.dma_semaphore, #tpu.memory_space<semaphore_mem>> -> memref<1x!tpu.dma_semaphore, #tpu.memory_space<semaphore_mem>>
    %dma_start3A_757 = tpu.memref_squeeze %dma_start3A_756 : memref<1x!tpu.dma_semaphore, #tpu.memory_space<semaphore_mem>> -> memref<!tpu.dma_semaphore, #tpu.memory_space<semaphore_mem>>
    %dma_start3A_758 = arith.constant 7 : i32
    %dma_start3A_759 = arith.constant 0 : i32
    %dma_start3A_760 = tpu.memref_slice %arg11[%dma_start3A_758, %dma_start3A_759] : memref<256x64xf32, #tpu.memory_space<vmem>> -> memref<1x64xf32, #tpu.memory_space<vmem>>
    %dma_start3A_761 = arith.constant 0 : i32
    %dma_start3A_762 = tpu.memref_slice %arg5[%squeeze3A_749, %dma_start3A_761] : memref<1000000x64xf32, #tpu.memory_space<hbm>> -> memref<1x64xf32, #tpu.memory_space<hbm>>
    tpu.enqueue_dma source(%dma_start3A_762 : memref<1x64xf32, #tpu.memory_space<hbm>>) target(%dma_start3A_760 : memref<1x64xf32, #tpu.memory_space<vmem>>) target_semaphore(%dma_start3A_757 : memref<!tpu.dma_semaphore, #tpu.memory_space<semaphore_mem>>)
    %scan3A_763 = arith.constant 0 : i32
    %scan3A_764 = arith.constant 33 : i32
    %scan3A_765 = arith.constant 31 : i32
    %scan3A_766 = arith.addi %scan3A_764, %scan3A_765 : i32
    %scan3A_767 = arith.constant 1 : i32
    scf.for %scan3A_1013 = %scan3A_764 to %scan3A_766 step %scan3A_767  : i32 {
      %dma_wait3A_1014 = arith.constant 0 : i32
      %dma_wait3A_1015 = arith.constant 0 : i32
      %dma_wait3A_1016 = arith.constant 0 : i32
      %dma_wait3A_1017 = tpu.memref_slice %arg10[%dma_wait3A_1015, %dma_wait3A_1016] : memref<256x64xf32, #tpu.memory_space<vmem>> -> memref<1x64xf32, #tpu.memory_space<vmem>>
      %dma_wait3A_1018 = arith.constant 0 : i32
      %dma_wait3A_1019 = arith.constant 0 : i32
      %dma_wait3A_1020 = tpu.memref_slice %arg4[%dma_wait3A_1018, %dma_wait3A_1019] : memref<1000000x64xf32, #tpu.memory_space<hbm>> -> memref<1x64xf32, #tpu.memory_space<hbm>>
      %dma_wait3A_1021 = tpu.memref_slice %arg12[%dma_wait3A_1014] : memref<8x!tpu.dma_semaphore, #tpu.memory_space<semaphore_mem>> -> memref<1x!tpu.dma_semaphore, #tpu.memory_space<semaphore_mem>>
      %dma_wait3A_1022 = tpu.memref_squeeze %dma_wait3A_1021 : memref<1x!tpu.dma_semaphore, #tpu.memory_space<semaphore_mem>> -> memref<!tpu.dma_semaphore, #tpu.memory_space<semaphore_mem>>
      %dma_wait3A_1023 = arith.constant 0 : i32
      %dma_wait3A_1024 = arith.constant 0 : i32
      %dma_wait3A_1025 = tpu.memref_slice %arg10[%dma_wait3A_1023, %dma_wait3A_1024] : memref<256x64xf32, #tpu.memory_space<vmem>> -> memref<1x64xf32, #tpu.memory_space<vmem>>
      %dma_wait3A_1026 = arith.constant 0 : i32
      %dma_wait3A_1027 = arith.constant 0 : i32
      %dma_wait3A_1028 = tpu.memref_slice %arg4[%dma_wait3A_1026, %dma_wait3A_1027] : memref<1000000x64xf32, #tpu.memory_space<hbm>> -> memref<1x64xf32, #tpu.memory_space<hbm>>
      tpu.wait_dma2 semaphore(%dma_wait3A_1022 : memref<!tpu.dma_semaphore, #tpu.memory_space<semaphore_mem>>) src(%dma_wait3A_1028 : memref<1x64xf32, #tpu.memory_space<hbm>>) dst(%dma_wait3A_1025 : memref<1x64xf32, #tpu.memory_space<vmem>>)
      %dma_wait3A_1029 = arith.constant 0 : i32
      %dma_wait3A_1030 = arith.constant 0 : i32
      %dma_wait3A_1031 = arith.constant 0 : i32
      %dma_wait3A_1032 = tpu.memref_slice %arg11[%dma_wait3A_1030, %dma_wait3A_1031] : memref<256x64xf32, #tpu.memory_space<vmem>> -> memref<1x64xf32, #tpu.memory_space<vmem>>
      %dma_wait3A_1033 = arith.constant 0 : i32
      %dma_wait3A_1034 = arith.constant 0 : i32
      %dma_wait3A_1035 = tpu.memref_slice %arg5[%dma_wait3A_1033, %dma_wait3A_1034] : memref<1000000x64xf32, #tpu.memory_space<hbm>> -> memref<1x64xf32, #tpu.memory_space<hbm>>
      %dma_wait3A_1036 = tpu.memref_slice %arg13[%dma_wait3A_1029] : memref<8x!tpu.dma_semaphore, #tpu.memory_space<semaphore_mem>> -> memref<1x!tpu.dma_semaphore, #tpu.memory_space<semaphore_mem>>
      %dma_wait3A_1037 = tpu.memref_squeeze %dma_wait3A_1036 : memref<1x!tpu.dma_semaphore, #tpu.memory_space<semaphore_mem>> -> memref<!tpu.dma_semaphore, #tpu.memory_space<semaphore_mem>>
      %dma_wait3A_1038 = arith.constant 0 : i32
      %dma_wait3A_1039 = arith.constant 0 : i32
      %dma_wait3A_1040 = tpu.memref_slice %arg11[%dma_wait3A_1038, %dma_wait3A_1039] : memref<256x64xf32, #tpu.memory_space<vmem>> -> memref<1x64xf32, #tpu.memory_space<vmem>>
      %dma_wait3A_1041 = arith.constant 0 : i32
      %dma_wait3A_1042 = arith.constant 0 : i32
      %dma_wait3A_1043 = tpu.memref_slice %arg5[%dma_wait3A_1041, %dma_wait3A_1042] : memref<1000000x64xf32, #tpu.memory_space<hbm>> -> memref<1x64xf32, #tpu.memory_space<hbm>>
      tpu.wait_dma2 semaphore(%dma_wait3A_1037 : memref<!tpu.dma_semaphore, #tpu.memory_space<semaphore_mem>>) src(%dma_wait3A_1043 : memref<1x64xf32, #tpu.memory_space<hbm>>) dst(%dma_wait3A_1040 : memref<1x64xf32, #tpu.memory_space<vmem>>)
      %dma_wait3A_1044 = arith.constant 1 : i32
      %dma_wait3A_1045 = arith.constant 0 : i32
      %dma_wait3A_1046 = arith.constant 0 : i32
      %dma_wait3A_1047 = tpu.memref_slice %arg10[%dma_wait3A_1045, %dma_wait3A_1046] : memref<256x64xf32, #tpu.memory_space<vmem>> -> memref<1x64xf32, #tpu.memory_space<vmem>>
      %dma_wait3A_1048 = arith.constant 0 : i32
      %dma_wait3A_1049 = arith.constant 0 : i32
      %dma_wait3A_1050 = tpu.memref_slice %arg4[%dma_wait3A_1048, %dma_wait3A_1049] : memref<1000000x64xf32, #tpu.memory_space<hbm>> -> memref<1x64xf32, #tpu.memory_space<hbm>>
      %dma_wait3A_1051 = tpu.memref_slice %arg12[%dma_wait3A_1044] : memref<8x!tpu.dma_semaphore, #tpu.memory_space<semaphore_mem>> -> memref<1x!tpu.dma_semaphore, #tpu.memory_space<semaphore_mem>>
      %dma_wait3A_1052 = tpu.memref_squeeze %dma_wait3A_1051 : memref<1x!tpu.dma_semaphore, #tpu.memory_space<semaphore_mem>> -> memref<!tpu.dma_semaphore, #tpu.memory_space<semaphore_mem>>
      %dma_wait3A_1053 = arith.constant 0 : i32
      %dma_wait3A_1054 = arith.constant 0 : i32
      %dma_wait3A_1055 = tpu.memref_slice %arg10[%dma_wait3A_1053, %dma_wait3A_1054] : memref<256x64xf32, #tpu.memory_space<vmem>> -> memref<1x64xf32, #tpu.memory_space<vmem>>
      %dma_wait3A_1056 = arith.constant 0 : i32
      %dma_wait3A_1057 = arith.constant 0 : i32
      %dma_wait3A_1058 = tpu.memref_slice %arg4[%dma_wait3A_1056, %dma_wait3A_1057] : memref<1000000x64xf32, #tpu.memory_space<hbm>> -> memref<1x64xf32, #tpu.memory_space<hbm>>
      tpu.wait_dma2 semaphore(%dma_wait3A_1052 : memref<!tpu.dma_semaphore, #tpu.memory_space<semaphore_mem>>) src(%dma_wait3A_1058 : memref<1x64xf32, #tpu.memory_space<hbm>>) dst(%dma_wait3A_1055 : memref<1x64xf32, #tpu.memory_space<vmem>>)
      %dma_wait3A_1059 = arith.constant 1 : i32
      %dma_wait3A_1060 = arith.constant 0 : i32
      %dma_wait3A_1061 = arith.constant 0 : i32
      %dma_wait3A_1062 = tpu.memref_slice %arg11[%dma_wait3A_1060, %dma_wait3A_1061] : memref<256x64xf32, #tpu.memory_space<vmem>> -> memref<1x64xf32, #tpu.memory_space<vmem>>
      %dma_wait3A_1063 = arith.constant 0 : i32
      %dma_wait3A_1064 = arith.constant 0 : i32
      %dma_wait3A_1065 = tpu.memref_slice %arg5[%dma_wait3A_1063, %dma_wait3A_1064] : memref<1000000x64xf32, #tpu.memory_space<hbm>> -> memref<1x64xf32, #tpu.memory_space<hbm>>
      %dma_wait3A_1066 = tpu.memref_slice %arg13[%dma_wait3A_1059] : memref<8x!tpu.dma_semaphore, #tpu.memory_space<semaphore_mem>> -> memref<1x!tpu.dma_semaphore, #tpu.memory_space<semaphore_mem>>
      %dma_wait3A_1067 = tpu.memref_squeeze %dma_wait3A_1066 : memref<1x!tpu.dma_semaphore, #tpu.memory_space<semaphore_mem>> -> memref<!tpu.dma_semaphore, #tpu.memory_space<semaphore_mem>>
      %dma_wait3A_1068 = arith.constant 0 : i32
      %dma_wait3A_1069 = arith.constant 0 : i32
      %dma_wait3A_1070 = tpu.memref_slice %arg11[%dma_wait3A_1068, %dma_wait3A_1069] : memref<256x64xf32, #tpu.memory_space<vmem>> -> memref<1x64xf32, #tpu.memory_space<vmem>>
      %dma_wait3A_1071 = arith.constant 0 : i32
      %dma_wait3A_1072 = arith.constant 0 : i32
      %dma_wait3A_1073 = tpu.memref_slice %arg5[%dma_wait3A_1071, %dma_wait3A_1072] : memref<1000000x64xf32, #tpu.memory_space<hbm>> -> memref<1x64xf32, #tpu.memory_space<hbm>>
      tpu.wait_dma2 semaphore(%dma_wait3A_1067 : memref<!tpu.dma_semaphore, #tpu.memory_space<semaphore_mem>>) src(%dma_wait3A_1073 : memref<1x64xf32, #tpu.memory_space<hbm>>) dst(%dma_wait3A_1070 : memref<1x64xf32, #tpu.memory_space<vmem>>)
      %dma_wait3A_1074 = arith.constant 2 : i32
      %dma_wait3A_1075 = arith.constant 0 : i32
      %dma_wait3A_1076 = arith.constant 0 : i32
      %dma_wait3A_1077 = tpu.memref_slice %arg10[%dma_wait3A_1075, %dma_wait3A_1076] : memref<256x64xf32, #tpu.memory_space<vmem>> -> memref<1x64xf32, #tpu.memory_space<vmem>>
      %dma_wait3A_1078 = arith.constant 0 : i32
      %dma_wait3A_1079 = arith.constant 0 : i32
      %dma_wait3A_1080 = tpu.memref_slice %arg4[%dma_wait3A_1078, %dma_wait3A_1079] : memref<1000000x64xf32, #tpu.memory_space<hbm>> -> memref<1x64xf32, #tpu.memory_space<hbm>>
      %dma_wait3A_1081 = tpu.memref_slice %arg12[%dma_wait3A_1074] : memref<8x!tpu.dma_semaphore, #tpu.memory_space<semaphore_mem>> -> memref<1x!tpu.dma_semaphore, #tpu.memory_space<semaphore_mem>>
      %dma_wait3A_1082 = tpu.memref_squeeze %dma_wait3A_1081 : memref<1x!tpu.dma_semaphore, #tpu.memory_space<semaphore_mem>> -> memref<!tpu.dma_semaphore, #tpu.memory_space<semaphore_mem>>
      %dma_wait3A_1083 = arith.constant 0 : i32
      %dma_wait3A_1084 = arith.constant 0 : i32
      %dma_wait3A_1085 = tpu.memref_slice %arg10[%dma_wait3A_1083, %dma_wait3A_1084] : memref<256x64xf32, #tpu.memory_space<vmem>> -> memref<1x64xf32, #tpu.memory_space<vmem>>
      %dma_wait3A_1086 = arith.constant 0 : i32
      %dma_wait3A_1087 = arith.constant 0 : i32
      %dma_wait3A_1088 = tpu.memref_slice %arg4[%dma_wait3A_1086, %dma_wait3A_1087] : memref<1000000x64xf32, #tpu.memory_space<hbm>> -> memref<1x64xf32, #tpu.memory_space<hbm>>
      tpu.wait_dma2 semaphore(%dma_wait3A_1082 : memref<!tpu.dma_semaphore, #tpu.memory_space<semaphore_mem>>) src(%dma_wait3A_1088 : memref<1x64xf32, #tpu.memory_space<hbm>>) dst(%dma_wait3A_1085 : memref<1x64xf32, #tpu.memory_space<vmem>>)
      %dma_wait3A_1089 = arith.constant 2 : i32
      %dma_wait3A_1090 = arith.constant 0 : i32
      %dma_wait3A_1091 = arith.constant 0 : i32
      %dma_wait3A_1092 = tpu.memref_slice %arg11[%dma_wait3A_1090, %dma_wait3A_1091] : memref<256x64xf32, #tpu.memory_space<vmem>> -> memref<1x64xf32, #tpu.memory_space<vmem>>
      %dma_wait3A_1093 = arith.constant 0 : i32
      %dma_wait3A_1094 = arith.constant 0 : i32
      %dma_wait3A_1095 = tpu.memref_slice %arg5[%dma_wait3A_1093, %dma_wait3A_1094] : memref<1000000x64xf32, #tpu.memory_space<hbm>> -> memref<1x64xf32, #tpu.memory_space<hbm>>
      %dma_wait3A_1096 = tpu.memref_slice %arg13[%dma_wait3A_1089] : memref<8x!tpu.dma_semaphore, #tpu.memory_space<semaphore_mem>> -> memref<1x!tpu.dma_semaphore, #tpu.memory_space<semaphore_mem>>
      %dma_wait3A_1097 = tpu.memref_squeeze %dma_wait3A_1096 : memref<1x!tpu.dma_semaphore, #tpu.memory_space<semaphore_mem>> -> memref<!tpu.dma_semaphore, #tpu.memory_space<semaphore_mem>>
      %dma_wait3A_1098 = arith.constant 0 : i32
      %dma_wait3A_1099 = arith.constant 0 : i32
      %dma_wait3A_1100 = tpu.memref_slice %arg11[%dma_wait3A_1098, %dma_wait3A_1099] : memref<256x64xf32, #tpu.memory_space<vmem>> -> memref<1x64xf32, #tpu.memory_space<vmem>>
      %dma_wait3A_1101 = arith.constant 0 : i32
      %dma_wait3A_1102 = arith.constant 0 : i32
      %dma_wait3A_1103 = tpu.memref_slice %arg5[%dma_wait3A_1101, %dma_wait3A_1102] : memref<1000000x64xf32, #tpu.memory_space<hbm>> -> memref<1x64xf32, #tpu.memory_space<hbm>>
      tpu.wait_dma2 semaphore(%dma_wait3A_1097 : memref<!tpu.dma_semaphore, #tpu.memory_space<semaphore_mem>>) src(%dma_wait3A_1103 : memref<1x64xf32, #tpu.memory_space<hbm>>) dst(%dma_wait3A_1100 : memref<1x64xf32, #tpu.memory_space<vmem>>)
      %dma_wait3A_1104 = arith.constant 3 : i32
      %dma_wait3A_1105 = arith.constant 0 : i32
      %dma_wait3A_1106 = arith.constant 0 : i32
      %dma_wait3A_1107 = tpu.memref_slice %arg10[%dma_wait3A_1105, %dma_wait3A_1106] : memref<256x64xf32, #tpu.memory_space<vmem>> -> memref<1x64xf32, #tpu.memory_space<vmem>>
      %dma_wait3A_1108 = arith.constant 0 : i32
      %dma_wait3A_1109 = arith.constant 0 : i32
      %dma_wait3A_1110 = tpu.memref_slice %arg4[%dma_wait3A_1108, %dma_wait3A_1109] : memref<1000000x64xf32, #tpu.memory_space<hbm>> -> memref<1x64xf32, #tpu.memory_space<hbm>>
      %dma_wait3A_1111 = tpu.memref_slice %arg12[%dma_wait3A_1104] : memref<8x!tpu.dma_semaphore, #tpu.memory_space<semaphore_mem>> -> memref<1x!tpu.dma_semaphore, #tpu.memory_space<semaphore_mem>>
      %dma_wait3A_1112 = tpu.memref_squeeze %dma_wait3A_1111 : memref<1x!tpu.dma_semaphore, #tpu.memory_space<semaphore_mem>> -> memref<!tpu.dma_semaphore, #tpu.memory_space<semaphore_mem>>
      %dma_wait3A_1113 = arith.constant 0 : i32
      %dma_wait3A_1114 = arith.constant 0 : i32
      %dma_wait3A_1115 = tpu.memref_slice %arg10[%dma_wait3A_1113, %dma_wait3A_1114] : memref<256x64xf32, #tpu.memory_space<vmem>> -> memref<1x64xf32, #tpu.memory_space<vmem>>
      %dma_wait3A_1116 = arith.constant 0 : i32
      %dma_wait3A_1117 = arith.constant 0 : i32
      %dma_wait3A_1118 = tpu.memref_slice %arg4[%dma_wait3A_1116, %dma_wait3A_1117] : memref<1000000x64xf32, #tpu.memory_space<hbm>> -> memref<1x64xf32, #tpu.memory_space<hbm>>
      tpu.wait_dma2 semaphore(%dma_wait3A_1112 : memref<!tpu.dma_semaphore, #tpu.memory_space<semaphore_mem>>) src(%dma_wait3A_1118 : memref<1x64xf32, #tpu.memory_space<hbm>>) dst(%dma_wait3A_1115 : memref<1x64xf32, #tpu.memory_space<vmem>>)
      %dma_wait3A_1119 = arith.constant 3 : i32
      %dma_wait3A_1120 = arith.constant 0 : i32
      %dma_wait3A_1121 = arith.constant 0 : i32
      %dma_wait3A_1122 = tpu.memref_slice %arg11[%dma_wait3A_1120, %dma_wait3A_1121] : memref<256x64xf32, #tpu.memory_space<vmem>> -> memref<1x64xf32, #tpu.memory_space<vmem>>
      %dma_wait3A_1123 = arith.constant 0 : i32
      %dma_wait3A_1124 = arith.constant 0 : i32
      %dma_wait3A_1125 = tpu.memref_slice %arg5[%dma_wait3A_1123, %dma_wait3A_1124] : memref<1000000x64xf32, #tpu.memory_space<hbm>> -> memref<1x64xf32, #tpu.memory_space<hbm>>
      %dma_wait3A_1126 = tpu.memref_slice %arg13[%dma_wait3A_1119] : memref<8x!tpu.dma_semaphore, #tpu.memory_space<semaphore_mem>> -> memref<1x!tpu.dma_semaphore, #tpu.memory_space<semaphore_mem>>
      %dma_wait3A_1127 = tpu.memref_squeeze %dma_wait3A_1126 : memref<1x!tpu.dma_semaphore, #tpu.memory_space<semaphore_mem>> -> memref<!tpu.dma_semaphore, #tpu.memory_space<semaphore_mem>>
      %dma_wait3A_1128 = arith.constant 0 : i32
      %dma_wait3A_1129 = arith.constant 0 : i32
      %dma_wait3A_1130 = tpu.memref_slice %arg11[%dma_wait3A_1128, %dma_wait3A_1129] : memref<256x64xf32, #tpu.memory_space<vmem>> -> memref<1x64xf32, #tpu.memory_space<vmem>>
      %dma_wait3A_1131 = arith.constant 0 : i32
      %dma_wait3A_1132 = arith.constant 0 : i32
      %dma_wait3A_1133 = tpu.memref_slice %arg5[%dma_wait3A_1131, %dma_wait3A_1132] : memref<1000000x64xf32, #tpu.memory_space<hbm>> -> memref<1x64xf32, #tpu.memory_space<hbm>>
      tpu.wait_dma2 semaphore(%dma_wait3A_1127 : memref<!tpu.dma_semaphore, #tpu.memory_space<semaphore_mem>>) src(%dma_wait3A_1133 : memref<1x64xf32, #tpu.memory_space<hbm>>) dst(%dma_wait3A_1130 : memref<1x64xf32, #tpu.memory_space<vmem>>)
      %dma_wait3A_1134 = arith.constant 4 : i32
      %dma_wait3A_1135 = arith.constant 0 : i32
      %dma_wait3A_1136 = arith.constant 0 : i32
      %dma_wait3A_1137 = tpu.memref_slice %arg10[%dma_wait3A_1135, %dma_wait3A_1136] : memref<256x64xf32, #tpu.memory_space<vmem>> -> memref<1x64xf32, #tpu.memory_space<vmem>>
      %dma_wait3A_1138 = arith.constant 0 : i32
      %dma_wait3A_1139 = arith.constant 0 : i32
      %dma_wait3A_1140 = tpu.memref_slice %arg4[%dma_wait3A_1138, %dma_wait3A_1139] : memref<1000000x64xf32, #tpu.memory_space<hbm>> -> memref<1x64xf32, #tpu.memory_space<hbm>>
      %dma_wait3A_1141 = tpu.memref_slice %arg12[%dma_wait3A_1134] : memref<8x!tpu.dma_semaphore, #tpu.memory_space<semaphore_mem>> -> memref<1x!tpu.dma_semaphore, #tpu.memory_space<semaphore_mem>>
      %dma_wait3A_1142 = tpu.memref_squeeze %dma_wait3A_1141 : memref<1x!tpu.dma_semaphore, #tpu.memory_space<semaphore_mem>> -> memref<!tpu.dma_semaphore, #tpu.memory_space<semaphore_mem>>
      %dma_wait3A_1143 = arith.constant 0 : i32
      %dma_wait3A_1144 = arith.constant 0 : i32
      %dma_wait3A_1145 = tpu.memref_slice %arg10[%dma_wait3A_1143, %dma_wait3A_1144] : memref<256x64xf32, #tpu.memory_space<vmem>> -> memref<1x64xf32, #tpu.memory_space<vmem>>
      %dma_wait3A_1146 = arith.constant 0 : i32
      %dma_wait3A_1147 = arith.constant 0 : i32
      %dma_wait3A_1148 = tpu.memref_slice %arg4[%dma_wait3A_1146, %dma_wait3A_1147] : memref<1000000x64xf32, #tpu.memory_space<hbm>> -> memref<1x64xf32, #tpu.memory_space<hbm>>
      tpu.wait_dma2 semaphore(%dma_wait3A_1142 : memref<!tpu.dma_semaphore, #tpu.memory_space<semaphore_mem>>) src(%dma_wait3A_1148 : memref<1x64xf32, #tpu.memory_space<hbm>>) dst(%dma_wait3A_1145 : memref<1x64xf32, #tpu.memory_space<vmem>>)
      %dma_wait3A_1149 = arith.constant 4 : i32
      %dma_wait3A_1150 = arith.constant 0 : i32
      %dma_wait3A_1151 = arith.constant 0 : i32
      %dma_wait3A_1152 = tpu.memref_slice %arg11[%dma_wait3A_1150, %dma_wait3A_1151] : memref<256x64xf32, #tpu.memory_space<vmem>> -> memref<1x64xf32, #tpu.memory_space<vmem>>
      %dma_wait3A_1153 = arith.constant 0 : i32
      %dma_wait3A_1154 = arith.constant 0 : i32
      %dma_wait3A_1155 = tpu.memref_slice %arg5[%dma_wait3A_1153, %dma_wait3A_1154] : memref<1000000x64xf32, #tpu.memory_space<hbm>> -> memref<1x64xf32, #tpu.memory_space<hbm>>
      %dma_wait3A_1156 = tpu.memref_slice %arg13[%dma_wait3A_1149] : memref<8x!tpu.dma_semaphore, #tpu.memory_space<semaphore_mem>> -> memref<1x!tpu.dma_semaphore, #tpu.memory_space<semaphore_mem>>
      %dma_wait3A_1157 = tpu.memref_squeeze %dma_wait3A_1156 : memref<1x!tpu.dma_semaphore, #tpu.memory_space<semaphore_mem>> -> memref<!tpu.dma_semaphore, #tpu.memory_space<semaphore_mem>>
      %dma_wait3A_1158 = arith.constant 0 : i32
      %dma_wait3A_1159 = arith.constant 0 : i32
      %dma_wait3A_1160 = tpu.memref_slice %arg11[%dma_wait3A_1158, %dma_wait3A_1159] : memref<256x64xf32, #tpu.memory_space<vmem>> -> memref<1x64xf32, #tpu.memory_space<vmem>>
      %dma_wait3A_1161 = arith.constant 0 : i32
      %dma_wait3A_1162 = arith.constant 0 : i32
      %dma_wait3A_1163 = tpu.memref_slice %arg5[%dma_wait3A_1161, %dma_wait3A_1162] : memref<1000000x64xf32, #tpu.memory_space<hbm>> -> memref<1x64xf32, #tpu.memory_space<hbm>>
      tpu.wait_dma2 semaphore(%dma_wait3A_1157 : memref<!tpu.dma_semaphore, #tpu.memory_space<semaphore_mem>>) src(%dma_wait3A_1163 : memref<1x64xf32, #tpu.memory_space<hbm>>) dst(%dma_wait3A_1160 : memref<1x64xf32, #tpu.memory_space<vmem>>)
      %dma_wait3A_1164 = arith.constant 5 : i32
      %dma_wait3A_1165 = arith.constant 0 : i32
      %dma_wait3A_1166 = arith.constant 0 : i32
      %dma_wait3A_1167 = tpu.memref_slice %arg10[%dma_wait3A_1165, %dma_wait3A_1166] : memref<256x64xf32, #tpu.memory_space<vmem>> -> memref<1x64xf32, #tpu.memory_space<vmem>>
      %dma_wait3A_1168 = arith.constant 0 : i32
      %dma_wait3A_1169 = arith.constant 0 : i32
      %dma_wait3A_1170 = tpu.memref_slice %arg4[%dma_wait3A_1168, %dma_wait3A_1169] : memref<1000000x64xf32, #tpu.memory_space<hbm>> -> memref<1x64xf32, #tpu.memory_space<hbm>>
      %dma_wait3A_1171 = tpu.memref_slice %arg12[%dma_wait3A_1164] : memref<8x!tpu.dma_semaphore, #tpu.memory_space<semaphore_mem>> -> memref<1x!tpu.dma_semaphore, #tpu.memory_space<semaphore_mem>>
      %dma_wait3A_1172 = tpu.memref_squeeze %dma_wait3A_1171 : memref<1x!tpu.dma_semaphore, #tpu.memory_space<semaphore_mem>> -> memref<!tpu.dma_semaphore, #tpu.memory_space<semaphore_mem>>
      %dma_wait3A_1173 = arith.constant 0 : i32
      %dma_wait3A_1174 = arith.constant 0 : i32
      %dma_wait3A_1175 = tpu.memref_slice %arg10[%dma_wait3A_1173, %dma_wait3A_1174] : memref<256x64xf32, #tpu.memory_space<vmem>> -> memref<1x64xf32, #tpu.memory_space<vmem>>
      %dma_wait3A_1176 = arith.constant 0 : i32
      %dma_wait3A_1177 = arith.constant 0 : i32
      %dma_wait3A_1178 = tpu.memref_slice %arg4[%dma_wait3A_1176, %dma_wait3A_1177] : memref<1000000x64xf32, #tpu.memory_space<hbm>> -> memref<1x64xf32, #tpu.memory_space<hbm>>
      tpu.wait_dma2 semaphore(%dma_wait3A_1172 : memref<!tpu.dma_semaphore, #tpu.memory_space<semaphore_mem>>) src(%dma_wait3A_1178 : memref<1x64xf32, #tpu.memory_space<hbm>>) dst(%dma_wait3A_1175 : memref<1x64xf32, #tpu.memory_space<vmem>>)
      %dma_wait3A_1179 = arith.constant 5 : i32
      %dma_wait3A_1180 = arith.constant 0 : i32
      %dma_wait3A_1181 = arith.constant 0 : i32
      %dma_wait3A_1182 = tpu.memref_slice %arg11[%dma_wait3A_1180, %dma_wait3A_1181] : memref<256x64xf32, #tpu.memory_space<vmem>> -> memref<1x64xf32, #tpu.memory_space<vmem>>
      %dma_wait3A_1183 = arith.constant 0 : i32
      %dma_wait3A_1184 = arith.constant 0 : i32
      %dma_wait3A_1185 = tpu.memref_slice %arg5[%dma_wait3A_1183, %dma_wait3A_1184] : memref<1000000x64xf32, #tpu.memory_space<hbm>> -> memref<1x64xf32, #tpu.memory_space<hbm>>
      %dma_wait3A_1186 = tpu.memref_slice %arg13[%dma_wait3A_1179] : memref<8x!tpu.dma_semaphore, #tpu.memory_space<semaphore_mem>> -> memref<1x!tpu.dma_semaphore, #tpu.memory_space<semaphore_mem>>
      %dma_wait3A_1187 = tpu.memref_squeeze %dma_wait3A_1186 : memref<1x!tpu.dma_semaphore, #tpu.memory_space<semaphore_mem>> -> memref<!tpu.dma_semaphore, #tpu.memory_space<semaphore_mem>>
      %dma_wait3A_1188 = arith.constant 0 : i32
      %dma_wait3A_1189 = arith.constant 0 : i32
      %dma_wait3A_1190 = tpu.memref_slice %arg11[%dma_wait3A_1188, %dma_wait3A_1189] : memref<256x64xf32, #tpu.memory_space<vmem>> -> memref<1x64xf32, #tpu.memory_space<vmem>>
      %dma_wait3A_1191 = arith.constant 0 : i32
      %dma_wait3A_1192 = arith.constant 0 : i32
      %dma_wait3A_1193 = tpu.memref_slice %arg5[%dma_wait3A_1191, %dma_wait3A_1192] : memref<1000000x64xf32, #tpu.memory_space<hbm>> -> memref<1x64xf32, #tpu.memory_space<hbm>>
      tpu.wait_dma2 semaphore(%dma_wait3A_1187 : memref<!tpu.dma_semaphore, #tpu.memory_space<semaphore_mem>>) src(%dma_wait3A_1193 : memref<1x64xf32, #tpu.memory_space<hbm>>) dst(%dma_wait3A_1190 : memref<1x64xf32, #tpu.memory_space<vmem>>)
      %dma_wait3A_1194 = arith.constant 6 : i32
      %dma_wait3A_1195 = arith.constant 0 : i32
      %dma_wait3A_1196 = arith.constant 0 : i32
      %dma_wait3A_1197 = tpu.memref_slice %arg10[%dma_wait3A_1195, %dma_wait3A_1196] : memref<256x64xf32, #tpu.memory_space<vmem>> -> memref<1x64xf32, #tpu.memory_space<vmem>>
      %dma_wait3A_1198 = arith.constant 0 : i32
      %dma_wait3A_1199 = arith.constant 0 : i32
      %dma_wait3A_1200 = tpu.memref_slice %arg4[%dma_wait3A_1198, %dma_wait3A_1199] : memref<1000000x64xf32, #tpu.memory_space<hbm>> -> memref<1x64xf32, #tpu.memory_space<hbm>>
      %dma_wait3A_1201 = tpu.memref_slice %arg12[%dma_wait3A_1194] : memref<8x!tpu.dma_semaphore, #tpu.memory_space<semaphore_mem>> -> memref<1x!tpu.dma_semaphore, #tpu.memory_space<semaphore_mem>>
      %dma_wait3A_1202 = tpu.memref_squeeze %dma_wait3A_1201 : memref<1x!tpu.dma_semaphore, #tpu.memory_space<semaphore_mem>> -> memref<!tpu.dma_semaphore, #tpu.memory_space<semaphore_mem>>
      %dma_wait3A_1203 = arith.constant 0 : i32
      %dma_wait3A_1204 = arith.constant 0 : i32
      %dma_wait3A_1205 = tpu.memref_slice %arg10[%dma_wait3A_1203, %dma_wait3A_1204] : memref<256x64xf32, #tpu.memory_space<vmem>> -> memref<1x64xf32, #tpu.memory_space<vmem>>
      %dma_wait3A_1206 = arith.constant 0 : i32
      %dma_wait3A_1207 = arith.constant 0 : i32
      %dma_wait3A_1208 = tpu.memref_slice %arg4[%dma_wait3A_1206, %dma_wait3A_1207] : memref<1000000x64xf32, #tpu.memory_space<hbm>> -> memref<1x64xf32, #tpu.memory_space<hbm>>
      tpu.wait_dma2 semaphore(%dma_wait3A_1202 : memref<!tpu.dma_semaphore, #tpu.memory_space<semaphore_mem>>) src(%dma_wait3A_1208 : memref<1x64xf32, #tpu.memory_space<hbm>>) dst(%dma_wait3A_1205 : memref<1x64xf32, #tpu.memory_space<vmem>>)
      %dma_wait3A_1209 = arith.constant 6 : i32
      %dma_wait3A_1210 = arith.constant 0 : i32
      %dma_wait3A_1211 = arith.constant 0 : i32
      %dma_wait3A_1212 = tpu.memref_slice %arg11[%dma_wait3A_1210, %dma_wait3A_1211] : memref<256x64xf32, #tpu.memory_space<vmem>> -> memref<1x64xf32, #tpu.memory_space<vmem>>
      %dma_wait3A_1213 = arith.constant 0 : i32
      %dma_wait3A_1214 = arith.constant 0 : i32
      %dma_wait3A_1215 = tpu.memref_slice %arg5[%dma_wait3A_1213, %dma_wait3A_1214] : memref<1000000x64xf32, #tpu.memory_space<hbm>> -> memref<1x64xf32, #tpu.memory_space<hbm>>
      %dma_wait3A_1216 = tpu.memref_slice %arg13[%dma_wait3A_1209] : memref<8x!tpu.dma_semaphore, #tpu.memory_space<semaphore_mem>> -> memref<1x!tpu.dma_semaphore, #tpu.memory_space<semaphore_mem>>
      %dma_wait3A_1217 = tpu.memref_squeeze %dma_wait3A_1216 : memref<1x!tpu.dma_semaphore, #tpu.memory_space<semaphore_mem>> -> memref<!tpu.dma_semaphore, #tpu.memory_space<semaphore_mem>>
      %dma_wait3A_1218 = arith.constant 0 : i32
      %dma_wait3A_1219 = arith.constant 0 : i32
      %dma_wait3A_1220 = tpu.memref_slice %arg11[%dma_wait3A_1218, %dma_wait3A_1219] : memref<256x64xf32, #tpu.memory_space<vmem>> -> memref<1x64xf32, #tpu.memory_space<vmem>>
      %dma_wait3A_1221 = arith.constant 0 : i32
      %dma_wait3A_1222 = arith.constant 0 : i32
      %dma_wait3A_1223 = tpu.memref_slice %arg5[%dma_wait3A_1221, %dma_wait3A_1222] : memref<1000000x64xf32, #tpu.memory_space<hbm>> -> memref<1x64xf32, #tpu.memory_space<hbm>>
      tpu.wait_dma2 semaphore(%dma_wait3A_1217 : memref<!tpu.dma_semaphore, #tpu.memory_space<semaphore_mem>>) src(%dma_wait3A_1223 : memref<1x64xf32, #tpu.memory_space<hbm>>) dst(%dma_wait3A_1220 : memref<1x64xf32, #tpu.memory_space<vmem>>)
      %dma_wait3A_1224 = arith.constant 7 : i32
      %dma_wait3A_1225 = arith.constant 0 : i32
      %dma_wait3A_1226 = arith.constant 0 : i32
      %dma_wait3A_1227 = tpu.memref_slice %arg10[%dma_wait3A_1225, %dma_wait3A_1226] : memref<256x64xf32, #tpu.memory_space<vmem>> -> memref<1x64xf32, #tpu.memory_space<vmem>>
      %dma_wait3A_1228 = arith.constant 0 : i32
      %dma_wait3A_1229 = arith.constant 0 : i32
      %dma_wait3A_1230 = tpu.memref_slice %arg4[%dma_wait3A_1228, %dma_wait3A_1229] : memref<1000000x64xf32, #tpu.memory_space<hbm>> -> memref<1x64xf32, #tpu.memory_space<hbm>>
      %dma_wait3A_1231 = tpu.memref_slice %arg12[%dma_wait3A_1224] : memref<8x!tpu.dma_semaphore, #tpu.memory_space<semaphore_mem>> -> memref<1x!tpu.dma_semaphore, #tpu.memory_space<semaphore_mem>>
      %dma_wait3A_1232 = tpu.memref_squeeze %dma_wait3A_1231 : memref<1x!tpu.dma_semaphore, #tpu.memory_space<semaphore_mem>> -> memref<!tpu.dma_semaphore, #tpu.memory_space<semaphore_mem>>
      %dma_wait3A_1233 = arith.constant 0 : i32
      %dma_wait3A_1234 = arith.constant 0 : i32
      %dma_wait3A_1235 = tpu.memref_slice %arg10[%dma_wait3A_1233, %dma_wait3A_1234] : memref<256x64xf32, #tpu.memory_space<vmem>> -> memref<1x64xf32, #tpu.memory_space<vmem>>
      %dma_wait3A_1236 = arith.constant 0 : i32
      %dma_wait3A_1237 = arith.constant 0 : i32
      %dma_wait3A_1238 = tpu.memref_slice %arg4[%dma_wait3A_1236, %dma_wait3A_1237] : memref<1000000x64xf32, #tpu.memory_space<hbm>> -> memref<1x64xf32, #tpu.memory_space<hbm>>
      tpu.wait_dma2 semaphore(%dma_wait3A_1232 : memref<!tpu.dma_semaphore, #tpu.memory_space<semaphore_mem>>) src(%dma_wait3A_1238 : memref<1x64xf32, #tpu.memory_space<hbm>>) dst(%dma_wait3A_1235 : memref<1x64xf32, #tpu.memory_space<vmem>>)
      %dma_wait3A_1239 = arith.constant 7 : i32
      %dma_wait3A_1240 = arith.constant 0 : i32
      %dma_wait3A_1241 = arith.constant 0 : i32
      %dma_wait3A_1242 = tpu.memref_slice %arg11[%dma_wait3A_1240, %dma_wait3A_1241] : memref<256x64xf32, #tpu.memory_space<vmem>> -> memref<1x64xf32, #tpu.memory_space<vmem>>
      %dma_wait3A_1243 = arith.constant 0 : i32
      %dma_wait3A_1244 = arith.constant 0 : i32
      %dma_wait3A_1245 = tpu.memref_slice %arg5[%dma_wait3A_1243, %dma_wait3A_1244] : memref<1000000x64xf32, #tpu.memory_space<hbm>> -> memref<1x64xf32, #tpu.memory_space<hbm>>
      %dma_wait3A_1246 = tpu.memref_slice %arg13[%dma_wait3A_1239] : memref<8x!tpu.dma_semaphore, #tpu.memory_space<semaphore_mem>> -> memref<1x!tpu.dma_semaphore, #tpu.memory_space<semaphore_mem>>
      %dma_wait3A_1247 = tpu.memref_squeeze %dma_wait3A_1246 : memref<1x!tpu.dma_semaphore, #tpu.memory_space<semaphore_mem>> -> memref<!tpu.dma_semaphore, #tpu.memory_space<semaphore_mem>>
      %dma_wait3A_1248 = arith.constant 0 : i32
      %dma_wait3A_1249 = arith.constant 0 : i32
      %dma_wait3A_1250 = tpu.memref_slice %arg11[%dma_wait3A_1248, %dma_wait3A_1249] : memref<256x64xf32, #tpu.memory_space<vmem>> -> memref<1x64xf32, #tpu.memory_space<vmem>>
      %dma_wait3A_1251 = arith.constant 0 : i32
      %dma_wait3A_1252 = arith.constant 0 : i32
      %dma_wait3A_1253 = tpu.memref_slice %arg5[%dma_wait3A_1251, %dma_wait3A_1252] : memref<1000000x64xf32, #tpu.memory_space<hbm>> -> memref<1x64xf32, #tpu.memory_space<hbm>>
      tpu.wait_dma2 semaphore(%dma_wait3A_1247 : memref<!tpu.dma_semaphore, #tpu.memory_space<semaphore_mem>>) src(%dma_wait3A_1253 : memref<1x64xf32, #tpu.memory_space<hbm>>) dst(%dma_wait3A_1250 : memref<1x64xf32, #tpu.memory_space<vmem>>)
      %mul3A_1254 = arith.constant 8 : i32
      %mul3A_1255 = arith.muli %scan3A_1013, %mul3A_1254 : i32
      %get3A_1256 = arith.index_cast %mul3A_1255 : i32 to index
      %get3A_1257 = tpu.vector_load %arg8[%get3A_1256] {strides = array<i32>} : memref<528xi32, #tpu.memory_space<vmem>>, vector<16xi32>,
      %get3A_1258 = vector.shape_cast %get3A_1257 : vector<16xi32> to vector<16xi32>
      %mul3A_1259 = arith.constant 8 : i32
      %mul3A_1260 = arith.muli %scan3A_1013, %mul3A_1259 : i32
      %get3A_1261 = arith.index_cast %mul3A_1260 : i32 to index
      %get3A_1262 = tpu.vector_load %arg9[%get3A_1261] {strides = array<i32>} : memref<528xi32, #tpu.memory_space<vmem>>, vector<16xi32>,
      %get3A_1263 = vector.shape_cast %get3A_1262 : vector<16xi32> to vector<16xi32>
      %jit3A = arith.constant 32 : i32
      %eq3A = arith.constant 0 : i32
      %eq3A_1264 = arith.cmpi eq, %jit3A, %eq3A : i32
      %jit3A_1265 = arith.constant 1 : i32
      %select_n3A = arith.select %eq3A_1264, %jit3A_1265, %jit3A : i32
      %rem3A = arith.remsi %scan3A_1013, %select_n3A : i32
      %ne3A = arith.constant 0 : i32
      %ne3A_1266 = arith.cmpi ne, %rem3A, %ne3A : i32
      %lt3A = arith.constant 0 : i32
      %lt3A_1267 = arith.cmpi slt, %rem3A, %lt3A : i32
      %lt3A_1268 = arith.constant 0 : i32
      %lt3A_1269 = arith.cmpi slt, %select_n3A, %lt3A_1268 : i32
      %ne3A_1270 = arith.xori %lt3A_1267, %lt3A_1269 : i1
      %and3A = arith.andi %ne3A_1270, %ne3A_1266 : i1
      %add3A_1271 = arith.addi %rem3A, %select_n3A : i32
      %select_n3A_1272 = arith.select %and3A, %add3A_1271, %rem3A : i32
      %mul3A_1273 = arith.constant 8 : i32
      %mul3A_1274 = arith.muli %select_n3A_1272, %mul3A_1273 : i32
      %add3A_1275 = arith.constant 0 : i32
      %add3A_1276 = arith.addi %mul3A_1274, %add3A_1275 : i32
      %slice3A_1277 = vector.extract_strided_slice %get3A_1258 {offsets = [0], sizes = [1], strides = [1]} : vector<16xi32> to vector<1xi32>
      %squeeze3A_1278 = vector.extract %slice3A_1277[0] : i32 from vector<1xi32>
      %dma_start3A_1279 = arith.constant 0 : i32
      %dma_start3A_1280 = arith.constant 0 : i32
      %dma_start3A_1281 = tpu.memref_slice %arg10[%add3A_1276, %dma_start3A_1280] : memref<256x64xf32, #tpu.memory_space<vmem>> -> memref<1x64xf32, #tpu.memory_space<vmem>>
      %dma_start3A_1282 = arith.constant 0 : i32
      %dma_start3A_1283 = tpu.memref_slice %arg4[%squeeze3A_1278, %dma_start3A_1282] : memref<1000000x64xf32, #tpu.memory_space<hbm>> -> memref<1x64xf32, #tpu.memory_space<hbm>>
      %dma_start3A_1284 = tpu.memref_slice %arg12[%dma_start3A_1279] : memref<8x!tpu.dma_semaphore, #tpu.memory_space<semaphore_mem>> -> memref<1x!tpu.dma_semaphore, #tpu.memory_space<semaphore_mem>>
      %dma_start3A_1285 = tpu.memref_squeeze %dma_start3A_1284 : memref<1x!tpu.dma_semaphore, #tpu.memory_space<semaphore_mem>> -> memref<!tpu.dma_semaphore, #tpu.memory_space<semaphore_mem>>
      %dma_start3A_1286 = arith.constant 0 : i32
      %dma_start3A_1287 = tpu.memref_slice %arg10[%add3A_1276, %dma_start3A_1286] : memref<256x64xf32, #tpu.memory_space<vmem>> -> memref<1x64xf32, #tpu.memory_space<vmem>>
      %dma_start3A_1288 = arith.constant 0 : i32
      %dma_start3A_1289 = tpu.memref_slice %arg4[%squeeze3A_1278, %dma_start3A_1288] : memref<1000000x64xf32, #tpu.memory_space<hbm>> -> memref<1x64xf32, #tpu.memory_space<hbm>>
      tpu.enqueue_dma source(%dma_start3A_1289 : memref<1x64xf32, #tpu.memory_space<hbm>>) target(%dma_start3A_1287 : memref<1x64xf32, #tpu.memory_space<vmem>>) target_semaphore(%dma_start3A_1285 : memref<!tpu.dma_semaphore, #tpu.memory_space<semaphore_mem>>)
      %slice3A_1290 = vector.extract_strided_slice %get3A_1263 {offsets = [0], sizes = [1], strides = [1]} : vector<16xi32> to vector<1xi32>
      %squeeze3A_1291 = vector.extract %slice3A_1290[0] : i32 from vector<1xi32>
      %dma_start3A_1292 = arith.constant 0 : i32
      %dma_start3A_1293 = arith.constant 0 : i32
      %dma_start3A_1294 = tpu.memref_slice %arg11[%add3A_1276, %dma_start3A_1293] : memref<256x64xf32, #tpu.memory_space<vmem>> -> memref<1x64xf32, #tpu.memory_space<vmem>>
      %dma_start3A_1295 = arith.constant 0 : i32
      %dma_start3A_1296 = tpu.memref_slice %arg5[%squeeze3A_1291, %dma_start3A_1295] : memref<1000000x64xf32, #tpu.memory_space<hbm>> -> memref<1x64xf32, #tpu.memory_space<hbm>>
      %dma_start3A_1297 = tpu.memref_slice %arg13[%dma_start3A_1292] : memref<8x!tpu.dma_semaphore, #tpu.memory_space<semaphore_mem>> -> memref<1x!tpu.dma_semaphore, #tpu.memory_space<semaphore_mem>>
      %dma_start3A_1298 = tpu.memref_squeeze %dma_start3A_1297 : memref<1x!tpu.dma_semaphore, #tpu.memory_space<semaphore_mem>> -> memref<!tpu.dma_semaphore, #tpu.memory_space<semaphore_mem>>
      %dma_start3A_1299 = arith.constant 0 : i32
      %dma_start3A_1300 = tpu.memref_slice %arg11[%add3A_1276, %dma_start3A_1299] : memref<256x64xf32, #tpu.memory_space<vmem>> -> memref<1x64xf32, #tpu.memory_space<vmem>>
      %dma_start3A_1301 = arith.constant 0 : i32
      %dma_start3A_1302 = tpu.memref_slice %arg5[%squeeze3A_1291, %dma_start3A_1301] : memref<1000000x64xf32, #tpu.memory_space<hbm>> -> memref<1x64xf32, #tpu.memory_space<hbm>>
      tpu.enqueue_dma source(%dma_start3A_1302 : memref<1x64xf32, #tpu.memory_space<hbm>>) target(%dma_start3A_1300 : memref<1x64xf32, #tpu.memory_space<vmem>>) target_semaphore(%dma_start3A_1298 : memref<!tpu.dma_semaphore, #tpu.memory_space<semaphore_mem>>)
      %jit3A_1303 = arith.constant 32 : i32
      %eq3A_1304 = arith.constant 0 : i32
      %eq3A_1305 = arith.cmpi eq, %jit3A_1303, %eq3A_1304 : i32
      %jit3A_1306 = arith.constant 1 : i32
      %select_n3A_1307 = arith.select %eq3A_1305, %jit3A_1306, %jit3A_1303 : i32
      %rem3A_1308 = arith.remsi %scan3A_1013, %select_n3A_1307 : i32
      %ne3A_1309 = arith.constant 0 : i32
      %ne3A_1310 = arith.cmpi ne, %rem3A_1308, %ne3A_1309 : i32
      %lt3A_1311 = arith.constant 0 : i32
      %lt3A_1312 = arith.cmpi slt, %rem3A_1308, %lt3A_1311 : i32
      %lt3A_1313 = arith.constant 0 : i32
      %lt3A_1314 = arith.cmpi slt, %select_n3A_1307, %lt3A_1313 : i32
      %ne3A_1315 = arith.xori %lt3A_1312, %lt3A_1314 : i1
      %and3A_1316 = arith.andi %ne3A_1315, %ne3A_1310 : i1
      %add3A_1317 = arith.addi %rem3A_1308, %select_n3A_1307 : i32
      %select_n3A_1318 = arith.select %and3A_1316, %add3A_1317, %rem3A_1308 : i32
      %mul3A_1319 = arith.constant 8 : i32
      %mul3A_1320 = arith.muli %select_n3A_1318, %mul3A_1319 : i32
      %add3A_1321 = arith.constant 1 : i32
      %add3A_1322 = arith.addi %mul3A_1320, %add3A_1321 : i32
      %slice3A_1323 = vector.extract_strided_slice %get3A_1258 {offsets = [1], sizes = [1], strides = [1]} : vector<16xi32> to vector<1xi32>
      %squeeze3A_1324 = vector.extract %slice3A_1323[0] : i32 from vector<1xi32>
      %dma_start3A_1325 = arith.constant 1 : i32
      %dma_start3A_1326 = arith.constant 0 : i32
      %dma_start3A_1327 = tpu.memref_slice %arg10[%add3A_1322, %dma_start3A_1326] : memref<256x64xf32, #tpu.memory_space<vmem>> -> memref<1x64xf32, #tpu.memory_space<vmem>>
      %dma_start3A_1328 = arith.constant 0 : i32
      %dma_start3A_1329 = tpu.memref_slice %arg4[%squeeze3A_1324, %dma_start3A_1328] : memref<1000000x64xf32, #tpu.memory_space<hbm>> -> memref<1x64xf32, #tpu.memory_space<hbm>>
      %dma_start3A_1330 = tpu.memref_slice %arg12[%dma_start3A_1325] : memref<8x!tpu.dma_semaphore, #tpu.memory_space<semaphore_mem>> -> memref<1x!tpu.dma_semaphore, #tpu.memory_space<semaphore_mem>>
      %dma_start3A_1331 = tpu.memref_squeeze %dma_start3A_1330 : memref<1x!tpu.dma_semaphore, #tpu.memory_space<semaphore_mem>> -> memref<!tpu.dma_semaphore, #tpu.memory_space<semaphore_mem>>
      %dma_start3A_1332 = arith.constant 0 : i32
      %dma_start3A_1333 = tpu.memref_slice %arg10[%add3A_1322, %dma_start3A_1332] : memref<256x64xf32, #tpu.memory_space<vmem>> -> memref<1x64xf32, #tpu.memory_space<vmem>>
      %dma_start3A_1334 = arith.constant 0 : i32
      %dma_start3A_1335 = tpu.memref_slice %arg4[%squeeze3A_1324, %dma_start3A_1334] : memref<1000000x64xf32, #tpu.memory_space<hbm>> -> memref<1x64xf32, #tpu.memory_space<hbm>>
      tpu.enqueue_dma source(%dma_start3A_1335 : memref<1x64xf32, #tpu.memory_space<hbm>>) target(%dma_start3A_1333 : memref<1x64xf32, #tpu.memory_space<vmem>>) target_semaphore(%dma_start3A_1331 : memref<!tpu.dma_semaphore, #tpu.memory_space<semaphore_mem>>)
      %slice3A_1336 = vector.extract_strided_slice %get3A_1263 {offsets = [1], sizes = [1], strides = [1]} : vector<16xi32> to vector<1xi32>
      %squeeze3A_1337 = vector.extract %slice3A_1336[0] : i32 from vector<1xi32>
      %dma_start3A_1338 = arith.constant 1 : i32
      %dma_start3A_1339 = arith.constant 0 : i32
      %dma_start3A_1340 = tpu.memref_slice %arg11[%add3A_1322, %dma_start3A_1339] : memref<256x64xf32, #tpu.memory_space<vmem>> -> memref<1x64xf32, #tpu.memory_space<vmem>>
      %dma_start3A_1341 = arith.constant 0 : i32
      %dma_start3A_1342 = tpu.memref_slice %arg5[%squeeze3A_1337, %dma_start3A_1341] : memref<1000000x64xf32, #tpu.memory_space<hbm>> -> memref<1x64xf32, #tpu.memory_space<hbm>>
      %dma_start3A_1343 = tpu.memref_slice %arg13[%dma_start3A_1338] : memref<8x!tpu.dma_semaphore, #tpu.memory_space<semaphore_mem>> -> memref<1x!tpu.dma_semaphore, #tpu.memory_space<semaphore_mem>>
      %dma_start3A_1344 = tpu.memref_squeeze %dma_start3A_1343 : memref<1x!tpu.dma_semaphore, #tpu.memory_space<semaphore_mem>> -> memref<!tpu.dma_semaphore, #tpu.memory_space<semaphore_mem>>
      %dma_start3A_1345 = arith.constant 0 : i32
      %dma_start3A_1346 = tpu.memref_slice %arg11[%add3A_1322, %dma_start3A_1345] : memref<256x64xf32, #tpu.memory_space<vmem>> -> memref<1x64xf32, #tpu.memory_space<vmem>>
      %dma_start3A_1347 = arith.constant 0 : i32
      %dma_start3A_1348 = tpu.memref_slice %arg5[%squeeze3A_1337, %dma_start3A_1347] : memref<1000000x64xf32, #tpu.memory_space<hbm>> -> memref<1x64xf32, #tpu.memory_space<hbm>>
      tpu.enqueue_dma source(%dma_start3A_1348 : memref<1x64xf32, #tpu.memory_space<hbm>>) target(%dma_start3A_1346 : memref<1x64xf32, #tpu.memory_space<vmem>>) target_semaphore(%dma_start3A_1344 : memref<!tpu.dma_semaphore, #tpu.memory_space<semaphore_mem>>)
      %jit3A_1349 = arith.constant 32 : i32
      %eq3A_1350 = arith.constant 0 : i32
      %eq3A_1351 = arith.cmpi eq, %jit3A_1349, %eq3A_1350 : i32
      %jit3A_1352 = arith.constant 1 : i32
      %select_n3A_1353 = arith.select %eq3A_1351, %jit3A_1352, %jit3A_1349 : i32
      %rem3A_1354 = arith.remsi %scan3A_1013, %select_n3A_1353 : i32
      %ne3A_1355 = arith.constant 0 : i32
      %ne3A_1356 = arith.cmpi ne, %rem3A_1354, %ne3A_1355 : i32
      %lt3A_1357 = arith.constant 0 : i32
      %lt3A_1358 = arith.cmpi slt, %rem3A_1354, %lt3A_1357 : i32
      %lt3A_1359 = arith.constant 0 : i32
      %lt3A_1360 = arith.cmpi slt, %select_n3A_1353, %lt3A_1359 : i32
      %ne3A_1361 = arith.xori %lt3A_1358, %lt3A_1360 : i1
      %and3A_1362 = arith.andi %ne3A_1361, %ne3A_1356 : i1
      %add3A_1363 = arith.addi %rem3A_1354, %select_n3A_1353 : i32
      %select_n3A_1364 = arith.select %and3A_1362, %add3A_1363, %rem3A_1354 : i32
      %mul3A_1365 = arith.constant 8 : i32
      %mul3A_1366 = arith.muli %select_n3A_1364, %mul3A_1365 : i32
      %add3A_1367 = arith.constant 2 : i32
      %add3A_1368 = arith.addi %mul3A_1366, %add3A_1367 : i32
      %slice3A_1369 = vector.extract_strided_slice %get3A_1258 {offsets = [2], sizes = [1], strides = [1]} : vector<16xi32> to vector<1xi32>
      %squeeze3A_1370 = vector.extract %slice3A_1369[0] : i32 from vector<1xi32>
      %dma_start3A_1371 = arith.constant 2 : i32
      %dma_start3A_1372 = arith.constant 0 : i32
      %dma_start3A_1373 = tpu.memref_slice %arg10[%add3A_1368, %dma_start3A_1372] : memref<256x64xf32, #tpu.memory_space<vmem>> -> memref<1x64xf32, #tpu.memory_space<vmem>>
      %dma_start3A_1374 = arith.constant 0 : i32
      %dma_start3A_1375 = tpu.memref_slice %arg4[%squeeze3A_1370, %dma_start3A_1374] : memref<1000000x64xf32, #tpu.memory_space<hbm>> -> memref<1x64xf32, #tpu.memory_space<hbm>>
      %dma_start3A_1376 = tpu.memref_slice %arg12[%dma_start3A_1371] : memref<8x!tpu.dma_semaphore, #tpu.memory_space<semaphore_mem>> -> memref<1x!tpu.dma_semaphore, #tpu.memory_space<semaphore_mem>>
      %dma_start3A_1377 = tpu.memref_squeeze %dma_start3A_1376 : memref<1x!tpu.dma_semaphore, #tpu.memory_space<semaphore_mem>> -> memref<!tpu.dma_semaphore, #tpu.memory_space<semaphore_mem>>
      %dma_start3A_1378 = arith.constant 0 : i32
      %dma_start3A_1379 = tpu.memref_slice %arg10[%add3A_1368, %dma_start3A_1378] : memref<256x64xf32, #tpu.memory_space<vmem>> -> memref<1x64xf32, #tpu.memory_space<vmem>>
      %dma_start3A_1380 = arith.constant 0 : i32
      %dma_start3A_1381 = tpu.memref_slice %arg4[%squeeze3A_1370, %dma_start3A_1380] : memref<1000000x64xf32, #tpu.memory_space<hbm>> -> memref<1x64xf32, #tpu.memory_space<hbm>>
      tpu.enqueue_dma source(%dma_start3A_1381 : memref<1x64xf32, #tpu.memory_space<hbm>>) target(%dma_start3A_1379 : memref<1x64xf32, #tpu.memory_space<vmem>>) target_semaphore(%dma_start3A_1377 : memref<!tpu.dma_semaphore, #tpu.memory_space<semaphore_mem>>)
      %slice3A_1382 = vector.extract_strided_slice %get3A_1263 {offsets = [2], sizes = [1], strides = [1]} : vector<16xi32> to vector<1xi32>
      %squeeze3A_1383 = vector.extract %slice3A_1382[0] : i32 from vector<1xi32>
      %dma_start3A_1384 = arith.constant 2 : i32
      %dma_start3A_1385 = arith.constant 0 : i32
      %dma_start3A_1386 = tpu.memref_slice %arg11[%add3A_1368, %dma_start3A_1385] : memref<256x64xf32, #tpu.memory_space<vmem>> -> memref<1x64xf32, #tpu.memory_space<vmem>>
      %dma_start3A_1387 = arith.constant 0 : i32
      %dma_start3A_1388 = tpu.memref_slice %arg5[%squeeze3A_1383, %dma_start3A_1387] : memref<1000000x64xf32, #tpu.memory_space<hbm>> -> memref<1x64xf32, #tpu.memory_space<hbm>>
      %dma_start3A_1389 = tpu.memref_slice %arg13[%dma_start3A_1384] : memref<8x!tpu.dma_semaphore, #tpu.memory_space<semaphore_mem>> -> memref<1x!tpu.dma_semaphore, #tpu.memory_space<semaphore_mem>>
      %dma_start3A_1390 = tpu.memref_squeeze %dma_start3A_1389 : memref<1x!tpu.dma_semaphore, #tpu.memory_space<semaphore_mem>> -> memref<!tpu.dma_semaphore, #tpu.memory_space<semaphore_mem>>
      %dma_start3A_1391 = arith.constant 0 : i32
      %dma_start3A_1392 = tpu.memref_slice %arg11[%add3A_1368, %dma_start3A_1391] : memref<256x64xf32, #tpu.memory_space<vmem>> -> memref<1x64xf32, #tpu.memory_space<vmem>>
      %dma_start3A_1393 = arith.constant 0 : i32
      %dma_start3A_1394 = tpu.memref_slice %arg5[%squeeze3A_1383, %dma_start3A_1393] : memref<1000000x64xf32, #tpu.memory_space<hbm>> -> memref<1x64xf32, #tpu.memory_space<hbm>>
      tpu.enqueue_dma source(%dma_start3A_1394 : memref<1x64xf32, #tpu.memory_space<hbm>>) target(%dma_start3A_1392 : memref<1x64xf32, #tpu.memory_space<vmem>>) target_semaphore(%dma_start3A_1390 : memref<!tpu.dma_semaphore, #tpu.memory_space<semaphore_mem>>)
      %jit3A_1395 = arith.constant 32 : i32
      %eq3A_1396 = arith.constant 0 : i32
      %eq3A_1397 = arith.cmpi eq, %jit3A_1395, %eq3A_1396 : i32
      %jit3A_1398 = arith.constant 1 : i32
      %select_n3A_1399 = arith.select %eq3A_1397, %jit3A_1398, %jit3A_1395 : i32
      %rem3A_1400 = arith.remsi %scan3A_1013, %select_n3A_1399 : i32
      %ne3A_1401 = arith.constant 0 : i32
      %ne3A_1402 = arith.cmpi ne, %rem3A_1400, %ne3A_1401 : i32
      %lt3A_1403 = arith.constant 0 : i32
      %lt3A_1404 = arith.cmpi slt, %rem3A_1400, %lt3A_1403 : i32
      %lt3A_1405 = arith.constant 0 : i32
      %lt3A_1406 = arith.cmpi slt, %select_n3A_1399, %lt3A_1405 : i32
      %ne3A_1407 = arith.xori %lt3A_1404, %lt3A_1406 : i1
      %and3A_1408 = arith.andi %ne3A_1407, %ne3A_1402 : i1
      %add3A_1409 = arith.addi %rem3A_1400, %select_n3A_1399 : i32
      %select_n3A_1410 = arith.select %and3A_1408, %add3A_1409, %rem3A_1400 : i32
      %mul3A_1411 = arith.constant 8 : i32
      %mul3A_1412 = arith.muli %select_n3A_1410, %mul3A_1411 : i32
      %add3A_1413 = arith.constant 3 : i32
      %add3A_1414 = arith.addi %mul3A_1412, %add3A_1413 : i32
      %slice3A_1415 = vector.extract_strided_slice %get3A_1258 {offsets = [3], sizes = [1], strides = [1]} : vector<16xi32> to vector<1xi32>
      %squeeze3A_1416 = vector.extract %slice3A_1415[0] : i32 from vector<1xi32>
      %dma_start3A_1417 = arith.constant 3 : i32
      %dma_start3A_1418 = arith.constant 0 : i32
      %dma_start3A_1419 = tpu.memref_slice %arg10[%add3A_1414, %dma_start3A_1418] : memref<256x64xf32, #tpu.memory_space<vmem>> -> memref<1x64xf32, #tpu.memory_space<vmem>>
      %dma_start3A_1420 = arith.constant 0 : i32
      %dma_start3A_1421 = tpu.memref_slice %arg4[%squeeze3A_1416, %dma_start3A_1420] : memref<1000000x64xf32, #tpu.memory_space<hbm>> -> memref<1x64xf32, #tpu.memory_space<hbm>>
      %dma_start3A_1422 = tpu.memref_slice %arg12[%dma_start3A_1417] : memref<8x!tpu.dma_semaphore, #tpu.memory_space<semaphore_mem>> -> memref<1x!tpu.dma_semaphore, #tpu.memory_space<semaphore_mem>>
      %dma_start3A_1423 = tpu.memref_squeeze %dma_start3A_1422 : memref<1x!tpu.dma_semaphore, #tpu.memory_space<semaphore_mem>> -> memref<!tpu.dma_semaphore, #tpu.memory_space<semaphore_mem>>
      %dma_start3A_1424 = arith.constant 0 : i32
      %dma_start3A_1425 = tpu.memref_slice %arg10[%add3A_1414, %dma_start3A_1424] : memref<256x64xf32, #tpu.memory_space<vmem>> -> memref<1x64xf32, #tpu.memory_space<vmem>>
      %dma_start3A_1426 = arith.constant 0 : i32
      %dma_start3A_1427 = tpu.memref_slice %arg4[%squeeze3A_1416, %dma_start3A_1426] : memref<1000000x64xf32, #tpu.memory_space<hbm>> -> memref<1x64xf32, #tpu.memory_space<hbm>>
      tpu.enqueue_dma source(%dma_start3A_1427 : memref<1x64xf32, #tpu.memory_space<hbm>>) target(%dma_start3A_1425 : memref<1x64xf32, #tpu.memory_space<vmem>>) target_semaphore(%dma_start3A_1423 : memref<!tpu.dma_semaphore, #tpu.memory_space<semaphore_mem>>)
      %slice3A_1428 = vector.extract_strided_slice %get3A_1263 {offsets = [3], sizes = [1], strides = [1]} : vector<16xi32> to vector<1xi32>
      %squeeze3A_1429 = vector.extract %slice3A_1428[0] : i32 from vector<1xi32>
      %dma_start3A_1430 = arith.constant 3 : i32
      %dma_start3A_1431 = arith.constant 0 : i32
      %dma_start3A_1432 = tpu.memref_slice %arg11[%add3A_1414, %dma_start3A_1431] : memref<256x64xf32, #tpu.memory_space<vmem>> -> memref<1x64xf32, #tpu.memory_space<vmem>>
      %dma_start3A_1433 = arith.constant 0 : i32
      %dma_start3A_1434 = tpu.memref_slice %arg5[%squeeze3A_1429, %dma_start3A_1433] : memref<1000000x64xf32, #tpu.memory_space<hbm>> -> memref<1x64xf32, #tpu.memory_space<hbm>>
      %dma_start3A_1435 = tpu.memref_slice %arg13[%dma_start3A_1430] : memref<8x!tpu.dma_semaphore, #tpu.memory_space<semaphore_mem>> -> memref<1x!tpu.dma_semaphore, #tpu.memory_space<semaphore_mem>>
      %dma_start3A_1436 = tpu.memref_squeeze %dma_start3A_1435 : memref<1x!tpu.dma_semaphore, #tpu.memory_space<semaphore_mem>> -> memref<!tpu.dma_semaphore, #tpu.memory_space<semaphore_mem>>
      %dma_start3A_1437 = arith.constant 0 : i32
      %dma_start3A_1438 = tpu.memref_slice %arg11[%add3A_1414, %dma_start3A_1437] : memref<256x64xf32, #tpu.memory_space<vmem>> -> memref<1x64xf32, #tpu.memory_space<vmem>>
      %dma_start3A_1439 = arith.constant 0 : i32
      %dma_start3A_1440 = tpu.memref_slice %arg5[%squeeze3A_1429, %dma_start3A_1439] : memref<1000000x64xf32, #tpu.memory_space<hbm>> -> memref<1x64xf32, #tpu.memory_space<hbm>>
      tpu.enqueue_dma source(%dma_start3A_1440 : memref<1x64xf32, #tpu.memory_space<hbm>>) target(%dma_start3A_1438 : memref<1x64xf32, #tpu.memory_space<vmem>>) target_semaphore(%dma_start3A_1436 : memref<!tpu.dma_semaphore, #tpu.memory_space<semaphore_mem>>)
      %jit3A_1441 = arith.constant 32 : i32
      %eq3A_1442 = arith.constant 0 : i32
      %eq3A_1443 = arith.cmpi eq, %jit3A_1441, %eq3A_1442 : i32
      %jit3A_1444 = arith.constant 1 : i32
      %select_n3A_1445 = arith.select %eq3A_1443, %jit3A_1444, %jit3A_1441 : i32
      %rem3A_1446 = arith.remsi %scan3A_1013, %select_n3A_1445 : i32
      %ne3A_1447 = arith.constant 0 : i32
      %ne3A_1448 = arith.cmpi ne, %rem3A_1446, %ne3A_1447 : i32
      %lt3A_1449 = arith.constant 0 : i32
      %lt3A_1450 = arith.cmpi slt, %rem3A_1446, %lt3A_1449 : i32
      %lt3A_1451 = arith.constant 0 : i32
      %lt3A_1452 = arith.cmpi slt, %select_n3A_1445, %lt3A_1451 : i32
      %ne3A_1453 = arith.xori %lt3A_1450, %lt3A_1452 : i1
      %and3A_1454 = arith.andi %ne3A_1453, %ne3A_1448 : i1
      %add3A_1455 = arith.addi %rem3A_1446, %select_n3A_1445 : i32
      %select_n3A_1456 = arith.select %and3A_1454, %add3A_1455, %rem3A_1446 : i32
      %mul3A_1457 = arith.constant 8 : i32
      %mul3A_1458 = arith.muli %select_n3A_1456, %mul3A_1457 : i32
      %add3A_1459 = arith.constant 4 : i32
      %add3A_1460 = arith.addi %mul3A_1458, %add3A_1459 : i32
      %slice3A_1461 = vector.extract_strided_slice %get3A_1258 {offsets = [4], sizes = [1], strides = [1]} : vector<16xi32> to vector<1xi32>
      %squeeze3A_1462 = vector.extract %slice3A_1461[0] : i32 from vector<1xi32>
      %dma_start3A_1463 = arith.constant 4 : i32
      %dma_start3A_1464 = arith.constant 0 : i32
      %dma_start3A_1465 = tpu.memref_slice %arg10[%add3A_1460, %dma_start3A_1464] : memref<256x64xf32, #tpu.memory_space<vmem>> -> memref<1x64xf32, #tpu.memory_space<vmem>>
      %dma_start3A_1466 = arith.constant 0 : i32
      %dma_start3A_1467 = tpu.memref_slice %arg4[%squeeze3A_1462, %dma_start3A_1466] : memref<1000000x64xf32, #tpu.memory_space<hbm>> -> memref<1x64xf32, #tpu.memory_space<hbm>>
      %dma_start3A_1468 = tpu.memref_slice %arg12[%dma_start3A_1463] : memref<8x!tpu.dma_semaphore, #tpu.memory_space<semaphore_mem>> -> memref<1x!tpu.dma_semaphore, #tpu.memory_space<semaphore_mem>>
      %dma_start3A_1469 = tpu.memref_squeeze %dma_start3A_1468 : memref<1x!tpu.dma_semaphore, #tpu.memory_space<semaphore_mem>> -> memref<!tpu.dma_semaphore, #tpu.memory_space<semaphore_mem>>
      %dma_start3A_1470 = arith.constant 0 : i32
      %dma_start3A_1471 = tpu.memref_slice %arg10[%add3A_1460, %dma_start3A_1470] : memref<256x64xf32, #tpu.memory_space<vmem>> -> memref<1x64xf32, #tpu.memory_space<vmem>>
      %dma_start3A_1472 = arith.constant 0 : i32
      %dma_start3A_1473 = tpu.memref_slice %arg4[%squeeze3A_1462, %dma_start3A_1472] : memref<1000000x64xf32, #tpu.memory_space<hbm>> -> memref<1x64xf32, #tpu.memory_space<hbm>>
      tpu.enqueue_dma source(%dma_start3A_1473 : memref<1x64xf32, #tpu.memory_space<hbm>>) target(%dma_start3A_1471 : memref<1x64xf32, #tpu.memory_space<vmem>>) target_semaphore(%dma_start3A_1469 : memref<!tpu.dma_semaphore, #tpu.memory_space<semaphore_mem>>)
      %slice3A_1474 = vector.extract_strided_slice %get3A_1263 {offsets = [4], sizes = [1], strides = [1]} : vector<16xi32> to vector<1xi32>
      %squeeze3A_1475 = vector.extract %slice3A_1474[0] : i32 from vector<1xi32>
      %dma_start3A_1476 = arith.constant 4 : i32
      %dma_start3A_1477 = arith.constant 0 : i32
      %dma_start3A_1478 = tpu.memref_slice %arg11[%add3A_1460, %dma_start3A_1477] : memref<256x64xf32, #tpu.memory_space<vmem>> -> memref<1x64xf32, #tpu.memory_space<vmem>>
      %dma_start3A_1479 = arith.constant 0 : i32
      %dma_start3A_1480 = tpu.memref_slice %arg5[%squeeze3A_1475, %dma_start3A_1479] : memref<1000000x64xf32, #tpu.memory_space<hbm>> -> memref<1x64xf32, #tpu.memory_space<hbm>>
      %dma_start3A_1481 = tpu.memref_slice %arg13[%dma_start3A_1476] : memref<8x!tpu.dma_semaphore, #tpu.memory_space<semaphore_mem>> -> memref<1x!tpu.dma_semaphore, #tpu.memory_space<semaphore_mem>>
      %dma_start3A_1482 = tpu.memref_squeeze %dma_start3A_1481 : memref<1x!tpu.dma_semaphore, #tpu.memory_space<semaphore_mem>> -> memref<!tpu.dma_semaphore, #tpu.memory_space<semaphore_mem>>
      %dma_start3A_1483 = arith.constant 0 : i32
      %dma_start3A_1484 = tpu.memref_slice %arg11[%add3A_1460, %dma_start3A_1483] : memref<256x64xf32, #tpu.memory_space<vmem>> -> memref<1x64xf32, #tpu.memory_space<vmem>>
      %dma_start3A_1485 = arith.constant 0 : i32
      %dma_start3A_1486 = tpu.memref_slice %arg5[%squeeze3A_1475, %dma_start3A_1485] : memref<1000000x64xf32, #tpu.memory_space<hbm>> -> memref<1x64xf32, #tpu.memory_space<hbm>>
      tpu.enqueue_dma source(%dma_start3A_1486 : memref<1x64xf32, #tpu.memory_space<hbm>>) target(%dma_start3A_1484 : memref<1x64xf32, #tpu.memory_space<vmem>>) target_semaphore(%dma_start3A_1482 : memref<!tpu.dma_semaphore, #tpu.memory_space<semaphore_mem>>)
      %jit3A_1487 = arith.constant 32 : i32
      %eq3A_1488 = arith.constant 0 : i32
      %eq3A_1489 = arith.cmpi eq, %jit3A_1487, %eq3A_1488 : i32
      %jit3A_1490 = arith.constant 1 : i32
      %select_n3A_1491 = arith.select %eq3A_1489, %jit3A_1490, %jit3A_1487 : i32
      %rem3A_1492 = arith.remsi %scan3A_1013, %select_n3A_1491 : i32
      %ne3A_1493 = arith.constant 0 : i32
      %ne3A_1494 = arith.cmpi ne, %rem3A_1492, %ne3A_1493 : i32
      %lt3A_1495 = arith.constant 0 : i32
      %lt3A_1496 = arith.cmpi slt, %rem3A_1492, %lt3A_1495 : i32
      %lt3A_1497 = arith.constant 0 : i32
      %lt3A_1498 = arith.cmpi slt, %select_n3A_1491, %lt3A_1497 : i32
      %ne3A_1499 = arith.xori %lt3A_1496, %lt3A_1498 : i1
      %and3A_1500 = arith.andi %ne3A_1499, %ne3A_1494 : i1
      %add3A_1501 = arith.addi %rem3A_1492, %select_n3A_1491 : i32
      %select_n3A_1502 = arith.select %and3A_1500, %add3A_1501, %rem3A_1492 : i32
      %mul3A_1503 = arith.constant 8 : i32
      %mul3A_1504 = arith.muli %select_n3A_1502, %mul3A_1503 : i32
      %add3A_1505 = arith.constant 5 : i32
      %add3A_1506 = arith.addi %mul3A_1504, %add3A_1505 : i32
      %slice3A_1507 = vector.extract_strided_slice %get3A_1258 {offsets = [5], sizes = [1], strides = [1]} : vector<16xi32> to vector<1xi32>
      %squeeze3A_1508 = vector.extract %slice3A_1507[0] : i32 from vector<1xi32>
      %dma_start3A_1509 = arith.constant 5 : i32
      %dma_start3A_1510 = arith.constant 0 : i32
      %dma_start3A_1511 = tpu.memref_slice %arg10[%add3A_1506, %dma_start3A_1510] : memref<256x64xf32, #tpu.memory_space<vmem>> -> memref<1x64xf32, #tpu.memory_space<vmem>>
      %dma_start3A_1512 = arith.constant 0 : i32
      %dma_start3A_1513 = tpu.memref_slice %arg4[%squeeze3A_1508, %dma_start3A_1512] : memref<1000000x64xf32, #tpu.memory_space<hbm>> -> memref<1x64xf32, #tpu.memory_space<hbm>>
      %dma_start3A_1514 = tpu.memref_slice %arg12[%dma_start3A_1509] : memref<8x!tpu.dma_semaphore, #tpu.memory_space<semaphore_mem>> -> memref<1x!tpu.dma_semaphore, #tpu.memory_space<semaphore_mem>>
      %dma_start3A_1515 = tpu.memref_squeeze %dma_start3A_1514 : memref<1x!tpu.dma_semaphore, #tpu.memory_space<semaphore_mem>> -> memref<!tpu.dma_semaphore, #tpu.memory_space<semaphore_mem>>
      %dma_start3A_1516 = arith.constant 0 : i32
      %dma_start3A_1517 = tpu.memref_slice %arg10[%add3A_1506, %dma_start3A_1516] : memref<256x64xf32, #tpu.memory_space<vmem>> -> memref<1x64xf32, #tpu.memory_space<vmem>>
      %dma_start3A_1518 = arith.constant 0 : i32
      %dma_start3A_1519 = tpu.memref_slice %arg4[%squeeze3A_1508, %dma_start3A_1518] : memref<1000000x64xf32, #tpu.memory_space<hbm>> -> memref<1x64xf32, #tpu.memory_space<hbm>>
      tpu.enqueue_dma source(%dma_start3A_1519 : memref<1x64xf32, #tpu.memory_space<hbm>>) target(%dma_start3A_1517 : memref<1x64xf32, #tpu.memory_space<vmem>>) target_semaphore(%dma_start3A_1515 : memref<!tpu.dma_semaphore, #tpu.memory_space<semaphore_mem>>)
      %slice3A_1520 = vector.extract_strided_slice %get3A_1263 {offsets = [5], sizes = [1], strides = [1]} : vector<16xi32> to vector<1xi32>
      %squeeze3A_1521 = vector.extract %slice3A_1520[0] : i32 from vector<1xi32>
      %dma_start3A_1522 = arith.constant 5 : i32
      %dma_start3A_1523 = arith.constant 0 : i32
      %dma_start3A_1524 = tpu.memref_slice %arg11[%add3A_1506, %dma_start3A_1523] : memref<256x64xf32, #tpu.memory_space<vmem>> -> memref<1x64xf32, #tpu.memory_space<vmem>>
      %dma_start3A_1525 = arith.constant 0 : i32
      %dma_start3A_1526 = tpu.memref_slice %arg5[%squeeze3A_1521, %dma_start3A_1525] : memref<1000000x64xf32, #tpu.memory_space<hbm>> -> memref<1x64xf32, #tpu.memory_space<hbm>>
      %dma_start3A_1527 = tpu.memref_slice %arg13[%dma_start3A_1522] : memref<8x!tpu.dma_semaphore, #tpu.memory_space<semaphore_mem>> -> memref<1x!tpu.dma_semaphore, #tpu.memory_space<semaphore_mem>>
      %dma_start3A_1528 = tpu.memref_squeeze %dma_start3A_1527 : memref<1x!tpu.dma_semaphore, #tpu.memory_space<semaphore_mem>> -> memref<!tpu.dma_semaphore, #tpu.memory_space<semaphore_mem>>
      %dma_start3A_1529 = arith.constant 0 : i32
      %dma_start3A_1530 = tpu.memref_slice %arg11[%add3A_1506, %dma_start3A_1529] : memref<256x64xf32, #tpu.memory_space<vmem>> -> memref<1x64xf32, #tpu.memory_space<vmem>>
      %dma_start3A_1531 = arith.constant 0 : i32
      %dma_start3A_1532 = tpu.memref_slice %arg5[%squeeze3A_1521, %dma_start3A_1531] : memref<1000000x64xf32, #tpu.memory_space<hbm>> -> memref<1x64xf32, #tpu.memory_space<hbm>>
      tpu.enqueue_dma source(%dma_start3A_1532 : memref<1x64xf32, #tpu.memory_space<hbm>>) target(%dma_start3A_1530 : memref<1x64xf32, #tpu.memory_space<vmem>>) target_semaphore(%dma_start3A_1528 : memref<!tpu.dma_semaphore, #tpu.memory_space<semaphore_mem>>)
      %jit3A_1533 = arith.constant 32 : i32
      %eq3A_1534 = arith.constant 0 : i32
      %eq3A_1535 = arith.cmpi eq, %jit3A_1533, %eq3A_1534 : i32
      %jit3A_1536 = arith.constant 1 : i32
      %select_n3A_1537 = arith.select %eq3A_1535, %jit3A_1536, %jit3A_1533 : i32
      %rem3A_1538 = arith.remsi %scan3A_1013, %select_n3A_1537 : i32
      %ne3A_1539 = arith.constant 0 : i32
      %ne3A_1540 = arith.cmpi ne, %rem3A_1538, %ne3A_1539 : i32
      %lt3A_1541 = arith.constant 0 : i32
      %lt3A_1542 = arith.cmpi slt, %rem3A_1538, %lt3A_1541 : i32
      %lt3A_1543 = arith.constant 0 : i32
      %lt3A_1544 = arith.cmpi slt, %select_n3A_1537, %lt3A_1543 : i32
      %ne3A_1545 = arith.xori %lt3A_1542, %lt3A_1544 : i1
      %and3A_1546 = arith.andi %ne3A_1545, %ne3A_1540 : i1
      %add3A_1547 = arith.addi %rem3A_1538, %select_n3A_1537 : i32
      %select_n3A_1548 = arith.select %and3A_1546, %add3A_1547, %rem3A_1538 : i32
      %mul3A_1549 = arith.constant 8 : i32
      %mul3A_1550 = arith.muli %select_n3A_1548, %mul3A_1549 : i32
      %add3A_1551 = arith.constant 6 : i32
      %add3A_1552 = arith.addi %mul3A_1550, %add3A_1551 : i32
      %slice3A_1553 = vector.extract_strided_slice %get3A_1258 {offsets = [6], sizes = [1], strides = [1]} : vector<16xi32> to vector<1xi32>
      %squeeze3A_1554 = vector.extract %slice3A_1553[0] : i32 from vector<1xi32>
      %dma_start3A_1555 = arith.constant 6 : i32
      %dma_start3A_1556 = arith.constant 0 : i32
      %dma_start3A_1557 = tpu.memref_slice %arg10[%add3A_1552, %dma_start3A_1556] : memref<256x64xf32, #tpu.memory_space<vmem>> -> memref<1x64xf32, #tpu.memory_space<vmem>>
      %dma_start3A_1558 = arith.constant 0 : i32
      %dma_start3A_1559 = tpu.memref_slice %arg4[%squeeze3A_1554, %dma_start3A_1558] : memref<1000000x64xf32, #tpu.memory_space<hbm>> -> memref<1x64xf32, #tpu.memory_space<hbm>>
      %dma_start3A_1560 = tpu.memref_slice %arg12[%dma_start3A_1555] : memref<8x!tpu.dma_semaphore, #tpu.memory_space<semaphore_mem>> -> memref<1x!tpu.dma_semaphore, #tpu.memory_space<semaphore_mem>>
      %dma_start3A_1561 = tpu.memref_squeeze %dma_start3A_1560 : memref<1x!tpu.dma_semaphore, #tpu.memory_space<semaphore_mem>> -> memref<!tpu.dma_semaphore, #tpu.memory_space<semaphore_mem>>
      %dma_start3A_1562 = arith.constant 0 : i32
      %dma_start3A_1563 = tpu.memref_slice %arg10[%add3A_1552, %dma_start3A_1562] : memref<256x64xf32, #tpu.memory_space<vmem>> -> memref<1x64xf32, #tpu.memory_space<vmem>>
      %dma_start3A_1564 = arith.constant 0 : i32
      %dma_start3A_1565 = tpu.memref_slice %arg4[%squeeze3A_1554, %dma_start3A_1564] : memref<1000000x64xf32, #tpu.memory_space<hbm>> -> memref<1x64xf32, #tpu.memory_space<hbm>>
      tpu.enqueue_dma source(%dma_start3A_1565 : memref<1x64xf32, #tpu.memory_space<hbm>>) target(%dma_start3A_1563 : memref<1x64xf32, #tpu.memory_space<vmem>>) target_semaphore(%dma_start3A_1561 : memref<!tpu.dma_semaphore, #tpu.memory_space<semaphore_mem>>)
      %slice3A_1566 = vector.extract_strided_slice %get3A_1263 {offsets = [6], sizes = [1], strides = [1]} : vector<16xi32> to vector<1xi32>
      %squeeze3A_1567 = vector.extract %slice3A_1566[0] : i32 from vector<1xi32>
      %dma_start3A_1568 = arith.constant 6 : i32
      %dma_start3A_1569 = arith.constant 0 : i32
      %dma_start3A_1570 = tpu.memref_slice %arg11[%add3A_1552, %dma_start3A_1569] : memref<256x64xf32, #tpu.memory_space<vmem>> -> memref<1x64xf32, #tpu.memory_space<vmem>>
      %dma_start3A_1571 = arith.constant 0 : i32
      %dma_start3A_1572 = tpu.memref_slice %arg5[%squeeze3A_1567, %dma_start3A_1571] : memref<1000000x64xf32, #tpu.memory_space<hbm>> -> memref<1x64xf32, #tpu.memory_space<hbm>>
      %dma_start3A_1573 = tpu.memref_slice %arg13[%dma_start3A_1568] : memref<8x!tpu.dma_semaphore, #tpu.memory_space<semaphore_mem>> -> memref<1x!tpu.dma_semaphore, #tpu.memory_space<semaphore_mem>>
      %dma_start3A_1574 = tpu.memref_squeeze %dma_start3A_1573 : memref<1x!tpu.dma_semaphore, #tpu.memory_space<semaphore_mem>> -> memref<!tpu.dma_semaphore, #tpu.memory_space<semaphore_mem>>
      %dma_start3A_1575 = arith.constant 0 : i32
      %dma_start3A_1576 = tpu.memref_slice %arg11[%add3A_1552, %dma_start3A_1575] : memref<256x64xf32, #tpu.memory_space<vmem>> -> memref<1x64xf32, #tpu.memory_space<vmem>>
      %dma_start3A_1577 = arith.constant 0 : i32
      %dma_start3A_1578 = tpu.memref_slice %arg5[%squeeze3A_1567, %dma_start3A_1577] : memref<1000000x64xf32, #tpu.memory_space<hbm>> -> memref<1x64xf32, #tpu.memory_space<hbm>>
      tpu.enqueue_dma source(%dma_start3A_1578 : memref<1x64xf32, #tpu.memory_space<hbm>>) target(%dma_start3A_1576 : memref<1x64xf32, #tpu.memory_space<vmem>>) target_semaphore(%dma_start3A_1574 : memref<!tpu.dma_semaphore, #tpu.memory_space<semaphore_mem>>)
      %jit3A_1579 = arith.constant 32 : i32
      %eq3A_1580 = arith.constant 0 : i32
      %eq3A_1581 = arith.cmpi eq, %jit3A_1579, %eq3A_1580 : i32
      %jit3A_1582 = arith.constant 1 : i32
      %select_n3A_1583 = arith.select %eq3A_1581, %jit3A_1582, %jit3A_1579 : i32
      %rem3A_1584 = arith.remsi %scan3A_1013, %select_n3A_1583 : i32
      %ne3A_1585 = arith.constant 0 : i32
      %ne3A_1586 = arith.cmpi ne, %rem3A_1584, %ne3A_1585 : i32
      %lt3A_1587 = arith.constant 0 : i32
      %lt3A_1588 = arith.cmpi slt, %rem3A_1584, %lt3A_1587 : i32
      %lt3A_1589 = arith.constant 0 : i32
      %lt3A_1590 = arith.cmpi slt, %select_n3A_1583, %lt3A_1589 : i32
      %ne3A_1591 = arith.xori %lt3A_1588, %lt3A_1590 : i1
      %and3A_1592 = arith.andi %ne3A_1591, %ne3A_1586 : i1
      %add3A_1593 = arith.addi %rem3A_1584, %select_n3A_1583 : i32
      %select_n3A_1594 = arith.select %and3A_1592, %add3A_1593, %rem3A_1584 : i32
      %mul3A_1595 = arith.constant 8 : i32
      %mul3A_1596 = arith.muli %select_n3A_1594, %mul3A_1595 : i32
      %add3A_1597 = arith.constant 7 : i32
      %add3A_1598 = arith.addi %mul3A_1596, %add3A_1597 : i32
      %slice3A_1599 = vector.extract_strided_slice %get3A_1258 {offsets = [7], sizes = [1], strides = [1]} : vector<16xi32> to vector<1xi32>
      %squeeze3A_1600 = vector.extract %slice3A_1599[0] : i32 from vector<1xi32>
      %dma_start3A_1601 = arith.constant 7 : i32
      %dma_start3A_1602 = arith.constant 0 : i32
      %dma_start3A_1603 = tpu.memref_slice %arg10[%add3A_1598, %dma_start3A_1602] : memref<256x64xf32, #tpu.memory_space<vmem>> -> memref<1x64xf32, #tpu.memory_space<vmem>>
      %dma_start3A_1604 = arith.constant 0 : i32
      %dma_start3A_1605 = tpu.memref_slice %arg4[%squeeze3A_1600, %dma_start3A_1604] : memref<1000000x64xf32, #tpu.memory_space<hbm>> -> memref<1x64xf32, #tpu.memory_space<hbm>>
      %dma_start3A_1606 = tpu.memref_slice %arg12[%dma_start3A_1601] : memref<8x!tpu.dma_semaphore, #tpu.memory_space<semaphore_mem>> -> memref<1x!tpu.dma_semaphore, #tpu.memory_space<semaphore_mem>>
      %dma_start3A_1607 = tpu.memref_squeeze %dma_start3A_1606 : memref<1x!tpu.dma_semaphore, #tpu.memory_space<semaphore_mem>> -> memref<!tpu.dma_semaphore, #tpu.memory_space<semaphore_mem>>
      %dma_start3A_1608 = arith.constant 0 : i32
      %dma_start3A_1609 = tpu.memref_slice %arg10[%add3A_1598, %dma_start3A_1608] : memref<256x64xf32, #tpu.memory_space<vmem>> -> memref<1x64xf32, #tpu.memory_space<vmem>>
      %dma_start3A_1610 = arith.constant 0 : i32
      %dma_start3A_1611 = tpu.memref_slice %arg4[%squeeze3A_1600, %dma_start3A_1610] : memref<1000000x64xf32, #tpu.memory_space<hbm>> -> memref<1x64xf32, #tpu.memory_space<hbm>>
      tpu.enqueue_dma source(%dma_start3A_1611 : memref<1x64xf32, #tpu.memory_space<hbm>>) target(%dma_start3A_1609 : memref<1x64xf32, #tpu.memory_space<vmem>>) target_semaphore(%dma_start3A_1607 : memref<!tpu.dma_semaphore, #tpu.memory_space<semaphore_mem>>)
      %slice3A_1612 = vector.extract_strided_slice %get3A_1263 {offsets = [7], sizes = [1], strides = [1]} : vector<16xi32> to vector<1xi32>
      %squeeze3A_1613 = vector.extract %slice3A_1612[0] : i32 from vector<1xi32>
      %dma_start3A_1614 = arith.constant 7 : i32
      %dma_start3A_1615 = arith.constant 0 : i32
      %dma_start3A_1616 = tpu.memref_slice %arg11[%add3A_1598, %dma_start3A_1615] : memref<256x64xf32, #tpu.memory_space<vmem>> -> memref<1x64xf32, #tpu.memory_space<vmem>>
      %dma_start3A_1617 = arith.constant 0 : i32
      %dma_start3A_1618 = tpu.memref_slice %arg5[%squeeze3A_1613, %dma_start3A_1617] : memref<1000000x64xf32, #tpu.memory_space<hbm>> -> memref<1x64xf32, #tpu.memory_space<hbm>>
      %dma_start3A_1619 = tpu.memref_slice %arg13[%dma_start3A_1614] : memref<8x!tpu.dma_semaphore, #tpu.memory_space<semaphore_mem>> -> memref<1x!tpu.dma_semaphore, #tpu.memory_space<semaphore_mem>>
      %dma_start3A_1620 = tpu.memref_squeeze %dma_start3A_1619 : memref<1x!tpu.dma_semaphore, #tpu.memory_space<semaphore_mem>> -> memref<!tpu.dma_semaphore, #tpu.memory_space<semaphore_mem>>
      %dma_start3A_1621 = arith.constant 0 : i32
      %dma_start3A_1622 = tpu.memref_slice %arg11[%add3A_1598, %dma_start3A_1621] : memref<256x64xf32, #tpu.memory_space<vmem>> -> memref<1x64xf32, #tpu.memory_space<vmem>>
      %dma_start3A_1623 = arith.constant 0 : i32
      %dma_start3A_1624 = tpu.memref_slice %arg5[%squeeze3A_1613, %dma_start3A_1623] : memref<1000000x64xf32, #tpu.memory_space<hbm>> -> memref<1x64xf32, #tpu.memory_space<hbm>>
      tpu.enqueue_dma source(%dma_start3A_1624 : memref<1x64xf32, #tpu.memory_space<hbm>>) target(%dma_start3A_1622 : memref<1x64xf32, #tpu.memory_space<vmem>>) target_semaphore(%dma_start3A_1620 : memref<!tpu.dma_semaphore, #tpu.memory_space<semaphore_mem>>)
    }
    %scan3A_768 = arith.constant 31 : i32
    %dma_wait3A_769 = arith.constant 0 : i32
    %dma_wait3A_770 = arith.constant 0 : i32
    %dma_wait3A_771 = arith.constant 0 : i32
    %dma_wait3A_772 = tpu.memref_slice %arg10[%dma_wait3A_770, %dma_wait3A_771] : memref<256x64xf32, #tpu.memory_space<vmem>> -> memref<1x64xf32, #tpu.memory_space<vmem>>
    %dma_wait3A_773 = arith.constant 0 : i32
    %dma_wait3A_774 = arith.constant 0 : i32
    %dma_wait3A_775 = tpu.memref_slice %arg4[%dma_wait3A_773, %dma_wait3A_774] : memref<1000000x64xf32, #tpu.memory_space<hbm>> -> memref<1x64xf32, #tpu.memory_space<hbm>>
    %dma_wait3A_776 = tpu.memref_slice %arg12[%dma_wait3A_769] : memref<8x!tpu.dma_semaphore, #tpu.memory_space<semaphore_mem>> -> memref<1x!tpu.dma_semaphore, #tpu.memory_space<semaphore_mem>>
    %dma_wait3A_777 = tpu.memref_squeeze %dma_wait3A_776 : memref<1x!tpu.dma_semaphore, #tpu.memory_space<semaphore_mem>> -> memref<!tpu.dma_semaphore, #tpu.memory_space<semaphore_mem>>
    %dma_wait3A_778 = arith.constant 0 : i32
    %dma_wait3A_779 = arith.constant 0 : i32
    %dma_wait3A_780 = tpu.memref_slice %arg10[%dma_wait3A_778, %dma_wait3A_779] : memref<256x64xf32, #tpu.memory_space<vmem>> -> memref<1x64xf32, #tpu.memory_space<vmem>>
    %dma_wait3A_781 = arith.constant 0 : i32
    %dma_wait3A_782 = arith.constant 0 : i32
    %dma_wait3A_783 = tpu.memref_slice %arg4[%dma_wait3A_781, %dma_wait3A_782] : memref<1000000x64xf32, #tpu.memory_space<hbm>> -> memref<1x64xf32, #tpu.memory_space<hbm>>
    tpu.wait_dma2 semaphore(%dma_wait3A_777 : memref<!tpu.dma_semaphore, #tpu.memory_space<semaphore_mem>>) src(%dma_wait3A_783 : memref<1x64xf32, #tpu.memory_space<hbm>>) dst(%dma_wait3A_780 : memref<1x64xf32, #tpu.memory_space<vmem>>)
    %dma_wait3A_784 = arith.constant 0 : i32
    %dma_wait3A_785 = arith.constant 0 : i32
    %dma_wait3A_786 = arith.constant 0 : i32
    %dma_wait3A_787 = tpu.memref_slice %arg11[%dma_wait3A_785, %dma_wait3A_786] : memref<256x64xf32, #tpu.memory_space<vmem>> -> memref<1x64xf32, #tpu.memory_space<vmem>>
    %dma_wait3A_788 = arith.constant 0 : i32
    %dma_wait3A_789 = arith.constant 0 : i32
    %dma_wait3A_790 = tpu.memref_slice %arg5[%dma_wait3A_788, %dma_wait3A_789] : memref<1000000x64xf32, #tpu.memory_space<hbm>> -> memref<1x64xf32, #tpu.memory_space<hbm>>
    %dma_wait3A_791 = tpu.memref_slice %arg13[%dma_wait3A_784] : memref<8x!tpu.dma_semaphore, #tpu.memory_space<semaphore_mem>> -> memref<1x!tpu.dma_semaphore, #tpu.memory_space<semaphore_mem>>
    %dma_wait3A_792 = tpu.memref_squeeze %dma_wait3A_791 : memref<1x!tpu.dma_semaphore, #tpu.memory_space<semaphore_mem>> -> memref<!tpu.dma_semaphore, #tpu.memory_space<semaphore_mem>>
    %dma_wait3A_793 = arith.constant 0 : i32
    %dma_wait3A_794 = arith.constant 0 : i32
    %dma_wait3A_795 = tpu.memref_slice %arg11[%dma_wait3A_793, %dma_wait3A_794] : memref<256x64xf32, #tpu.memory_space<vmem>> -> memref<1x64xf32, #tpu.memory_space<vmem>>
    %dma_wait3A_796 = arith.constant 0 : i32
    %dma_wait3A_797 = arith.constant 0 : i32
    %dma_wait3A_798 = tpu.memref_slice %arg5[%dma_wait3A_796, %dma_wait3A_797] : memref<1000000x64xf32, #tpu.memory_space<hbm>> -> memref<1x64xf32, #tpu.memory_space<hbm>>
    tpu.wait_dma2 semaphore(%dma_wait3A_792 : memref<!tpu.dma_semaphore, #tpu.memory_space<semaphore_mem>>) src(%dma_wait3A_798 : memref<1x64xf32, #tpu.memory_space<hbm>>) dst(%dma_wait3A_795 : memref<1x64xf32, #tpu.memory_space<vmem>>)
    %dma_wait3A_799 = arith.constant 1 : i32
    %dma_wait3A_800 = arith.constant 0 : i32
    %dma_wait3A_801 = arith.constant 0 : i32
    %dma_wait3A_802 = tpu.memref_slice %arg10[%dma_wait3A_800, %dma_wait3A_801] : memref<256x64xf32, #tpu.memory_space<vmem>> -> memref<1x64xf32, #tpu.memory_space<vmem>>
    %dma_wait3A_803 = arith.constant 0 : i32
    %dma_wait3A_804 = arith.constant 0 : i32
    %dma_wait3A_805 = tpu.memref_slice %arg4[%dma_wait3A_803, %dma_wait3A_804] : memref<1000000x64xf32, #tpu.memory_space<hbm>> -> memref<1x64xf32, #tpu.memory_space<hbm>>
    %dma_wait3A_806 = tpu.memref_slice %arg12[%dma_wait3A_799] : memref<8x!tpu.dma_semaphore, #tpu.memory_space<semaphore_mem>> -> memref<1x!tpu.dma_semaphore, #tpu.memory_space<semaphore_mem>>
    %dma_wait3A_807 = tpu.memref_squeeze %dma_wait3A_806 : memref<1x!tpu.dma_semaphore, #tpu.memory_space<semaphore_mem>> -> memref<!tpu.dma_semaphore, #tpu.memory_space<semaphore_mem>>
    %dma_wait3A_808 = arith.constant 0 : i32
    %dma_wait3A_809 = arith.constant 0 : i32
    %dma_wait3A_810 = tpu.memref_slice %arg10[%dma_wait3A_808, %dma_wait3A_809] : memref<256x64xf32, #tpu.memory_space<vmem>> -> memref<1x64xf32, #tpu.memory_space<vmem>>
    %dma_wait3A_811 = arith.constant 0 : i32
    %dma_wait3A_812 = arith.constant 0 : i32
    %dma_wait3A_813 = tpu.memref_slice %arg4[%dma_wait3A_811, %dma_wait3A_812] : memref<1000000x64xf32, #tpu.memory_space<hbm>> -> memref<1x64xf32, #tpu.memory_space<hbm>>
    tpu.wait_dma2 semaphore(%dma_wait3A_807 : memref<!tpu.dma_semaphore, #tpu.memory_space<semaphore_mem>>) src(%dma_wait3A_813 : memref<1x64xf32, #tpu.memory_space<hbm>>) dst(%dma_wait3A_810 : memref<1x64xf32, #tpu.memory_space<vmem>>)
    %dma_wait3A_814 = arith.constant 1 : i32
    %dma_wait3A_815 = arith.constant 0 : i32
    %dma_wait3A_816 = arith.constant 0 : i32
    %dma_wait3A_817 = tpu.memref_slice %arg11[%dma_wait3A_815, %dma_wait3A_816] : memref<256x64xf32, #tpu.memory_space<vmem>> -> memref<1x64xf32, #tpu.memory_space<vmem>>
    %dma_wait3A_818 = arith.constant 0 : i32
    %dma_wait3A_819 = arith.constant 0 : i32
    %dma_wait3A_820 = tpu.memref_slice %arg5[%dma_wait3A_818, %dma_wait3A_819] : memref<1000000x64xf32, #tpu.memory_space<hbm>> -> memref<1x64xf32, #tpu.memory_space<hbm>>
    %dma_wait3A_821 = tpu.memref_slice %arg13[%dma_wait3A_814] : memref<8x!tpu.dma_semaphore, #tpu.memory_space<semaphore_mem>> -> memref<1x!tpu.dma_semaphore, #tpu.memory_space<semaphore_mem>>
    %dma_wait3A_822 = tpu.memref_squeeze %dma_wait3A_821 : memref<1x!tpu.dma_semaphore, #tpu.memory_space<semaphore_mem>> -> memref<!tpu.dma_semaphore, #tpu.memory_space<semaphore_mem>>
    %dma_wait3A_823 = arith.constant 0 : i32
    %dma_wait3A_824 = arith.constant 0 : i32
    %dma_wait3A_825 = tpu.memref_slice %arg11[%dma_wait3A_823, %dma_wait3A_824] : memref<256x64xf32, #tpu.memory_space<vmem>> -> memref<1x64xf32, #tpu.memory_space<vmem>>
    %dma_wait3A_826 = arith.constant 0 : i32
    %dma_wait3A_827 = arith.constant 0 : i32
    %dma_wait3A_828 = tpu.memref_slice %arg5[%dma_wait3A_826, %dma_wait3A_827] : memref<1000000x64xf32, #tpu.memory_space<hbm>> -> memref<1x64xf32, #tpu.memory_space<hbm>>
    tpu.wait_dma2 semaphore(%dma_wait3A_822 : memref<!tpu.dma_semaphore, #tpu.memory_space<semaphore_mem>>) src(%dma_wait3A_828 : memref<1x64xf32, #tpu.memory_space<hbm>>) dst(%dma_wait3A_825 : memref<1x64xf32, #tpu.memory_space<vmem>>)
    %dma_wait3A_829 = arith.constant 2 : i32
    %dma_wait3A_830 = arith.constant 0 : i32
    %dma_wait3A_831 = arith.constant 0 : i32
    %dma_wait3A_832 = tpu.memref_slice %arg10[%dma_wait3A_830, %dma_wait3A_831] : memref<256x64xf32, #tpu.memory_space<vmem>> -> memref<1x64xf32, #tpu.memory_space<vmem>>
    %dma_wait3A_833 = arith.constant 0 : i32
    %dma_wait3A_834 = arith.constant 0 : i32
    %dma_wait3A_835 = tpu.memref_slice %arg4[%dma_wait3A_833, %dma_wait3A_834] : memref<1000000x64xf32, #tpu.memory_space<hbm>> -> memref<1x64xf32, #tpu.memory_space<hbm>>
    %dma_wait3A_836 = tpu.memref_slice %arg12[%dma_wait3A_829] : memref<8x!tpu.dma_semaphore, #tpu.memory_space<semaphore_mem>> -> memref<1x!tpu.dma_semaphore, #tpu.memory_space<semaphore_mem>>
    %dma_wait3A_837 = tpu.memref_squeeze %dma_wait3A_836 : memref<1x!tpu.dma_semaphore, #tpu.memory_space<semaphore_mem>> -> memref<!tpu.dma_semaphore, #tpu.memory_space<semaphore_mem>>
    %dma_wait3A_838 = arith.constant 0 : i32
    %dma_wait3A_839 = arith.constant 0 : i32
    %dma_wait3A_840 = tpu.memref_slice %arg10[%dma_wait3A_838, %dma_wait3A_839] : memref<256x64xf32, #tpu.memory_space<vmem>> -> memref<1x64xf32, #tpu.memory_space<vmem>>
    %dma_wait3A_841 = arith.constant 0 : i32
    %dma_wait3A_842 = arith.constant 0 : i32
    %dma_wait3A_843 = tpu.memref_slice %arg4[%dma_wait3A_841, %dma_wait3A_842] : memref<1000000x64xf32, #tpu.memory_space<hbm>> -> memref<1x64xf32, #tpu.memory_space<hbm>>
    tpu.wait_dma2 semaphore(%dma_wait3A_837 : memref<!tpu.dma_semaphore, #tpu.memory_space<semaphore_mem>>) src(%dma_wait3A_843 : memref<1x64xf32, #tpu.memory_space<hbm>>) dst(%dma_wait3A_840 : memref<1x64xf32, #tpu.memory_space<vmem>>)
    %dma_wait3A_844 = arith.constant 2 : i32
    %dma_wait3A_845 = arith.constant 0 : i32
    %dma_wait3A_846 = arith.constant 0 : i32
    %dma_wait3A_847 = tpu.memref_slice %arg11[%dma_wait3A_845, %dma_wait3A_846] : memref<256x64xf32, #tpu.memory_space<vmem>> -> memref<1x64xf32, #tpu.memory_space<vmem>>
    %dma_wait3A_848 = arith.constant 0 : i32
    %dma_wait3A_849 = arith.constant 0 : i32
    %dma_wait3A_850 = tpu.memref_slice %arg5[%dma_wait3A_848, %dma_wait3A_849] : memref<1000000x64xf32, #tpu.memory_space<hbm>> -> memref<1x64xf32, #tpu.memory_space<hbm>>
    %dma_wait3A_851 = tpu.memref_slice %arg13[%dma_wait3A_844] : memref<8x!tpu.dma_semaphore, #tpu.memory_space<semaphore_mem>> -> memref<1x!tpu.dma_semaphore, #tpu.memory_space<semaphore_mem>>
    %dma_wait3A_852 = tpu.memref_squeeze %dma_wait3A_851 : memref<1x!tpu.dma_semaphore, #tpu.memory_space<semaphore_mem>> -> memref<!tpu.dma_semaphore, #tpu.memory_space<semaphore_mem>>
    %dma_wait3A_853 = arith.constant 0 : i32
    %dma_wait3A_854 = arith.constant 0 : i32
    %dma_wait3A_855 = tpu.memref_slice %arg11[%dma_wait3A_853, %dma_wait3A_854] : memref<256x64xf32, #tpu.memory_space<vmem>> -> memref<1x64xf32, #tpu.memory_space<vmem>>
    %dma_wait3A_856 = arith.constant 0 : i32
    %dma_wait3A_857 = arith.constant 0 : i32
    %dma_wait3A_858 = tpu.memref_slice %arg5[%dma_wait3A_856, %dma_wait3A_857] : memref<1000000x64xf32, #tpu.memory_space<hbm>> -> memref<1x64xf32, #tpu.memory_space<hbm>>
    tpu.wait_dma2 semaphore(%dma_wait3A_852 : memref<!tpu.dma_semaphore, #tpu.memory_space<semaphore_mem>>) src(%dma_wait3A_858 : memref<1x64xf32, #tpu.memory_space<hbm>>) dst(%dma_wait3A_855 : memref<1x64xf32, #tpu.memory_space<vmem>>)
    %dma_wait3A_859 = arith.constant 3 : i32
    %dma_wait3A_860 = arith.constant 0 : i32
    %dma_wait3A_861 = arith.constant 0 : i32
    %dma_wait3A_862 = tpu.memref_slice %arg10[%dma_wait3A_860, %dma_wait3A_861] : memref<256x64xf32, #tpu.memory_space<vmem>> -> memref<1x64xf32, #tpu.memory_space<vmem>>
    %dma_wait3A_863 = arith.constant 0 : i32
    %dma_wait3A_864 = arith.constant 0 : i32
    %dma_wait3A_865 = tpu.memref_slice %arg4[%dma_wait3A_863, %dma_wait3A_864] : memref<1000000x64xf32, #tpu.memory_space<hbm>> -> memref<1x64xf32, #tpu.memory_space<hbm>>
    %dma_wait3A_866 = tpu.memref_slice %arg12[%dma_wait3A_859] : memref<8x!tpu.dma_semaphore, #tpu.memory_space<semaphore_mem>> -> memref<1x!tpu.dma_semaphore, #tpu.memory_space<semaphore_mem>>
    %dma_wait3A_867 = tpu.memref_squeeze %dma_wait3A_866 : memref<1x!tpu.dma_semaphore, #tpu.memory_space<semaphore_mem>> -> memref<!tpu.dma_semaphore, #tpu.memory_space<semaphore_mem>>
    %dma_wait3A_868 = arith.constant 0 : i32
    %dma_wait3A_869 = arith.constant 0 : i32
    %dma_wait3A_870 = tpu.memref_slice %arg10[%dma_wait3A_868, %dma_wait3A_869] : memref<256x64xf32, #tpu.memory_space<vmem>> -> memref<1x64xf32, #tpu.memory_space<vmem>>
    %dma_wait3A_871 = arith.constant 0 : i32
    %dma_wait3A_872 = arith.constant 0 : i32
    %dma_wait3A_873 = tpu.memref_slice %arg4[%dma_wait3A_871, %dma_wait3A_872] : memref<1000000x64xf32, #tpu.memory_space<hbm>> -> memref<1x64xf32, #tpu.memory_space<hbm>>
    tpu.wait_dma2 semaphore(%dma_wait3A_867 : memref<!tpu.dma_semaphore, #tpu.memory_space<semaphore_mem>>) src(%dma_wait3A_873 : memref<1x64xf32, #tpu.memory_space<hbm>>) dst(%dma_wait3A_870 : memref<1x64xf32, #tpu.memory_space<vmem>>)
    %dma_wait3A_874 = arith.constant 3 : i32
    %dma_wait3A_875 = arith.constant 0 : i32
    %dma_wait3A_876 = arith.constant 0 : i32
    %dma_wait3A_877 = tpu.memref_slice %arg11[%dma_wait3A_875, %dma_wait3A_876] : memref<256x64xf32, #tpu.memory_space<vmem>> -> memref<1x64xf32, #tpu.memory_space<vmem>>
    %dma_wait3A_878 = arith.constant 0 : i32
    %dma_wait3A_879 = arith.constant 0 : i32
    %dma_wait3A_880 = tpu.memref_slice %arg5[%dma_wait3A_878, %dma_wait3A_879] : memref<1000000x64xf32, #tpu.memory_space<hbm>> -> memref<1x64xf32, #tpu.memory_space<hbm>>
    %dma_wait3A_881 = tpu.memref_slice %arg13[%dma_wait3A_874] : memref<8x!tpu.dma_semaphore, #tpu.memory_space<semaphore_mem>> -> memref<1x!tpu.dma_semaphore, #tpu.memory_space<semaphore_mem>>
    %dma_wait3A_882 = tpu.memref_squeeze %dma_wait3A_881 : memref<1x!tpu.dma_semaphore, #tpu.memory_space<semaphore_mem>> -> memref<!tpu.dma_semaphore, #tpu.memory_space<semaphore_mem>>
    %dma_wait3A_883 = arith.constant 0 : i32
    %dma_wait3A_884 = arith.constant 0 : i32
    %dma_wait3A_885 = tpu.memref_slice %arg11[%dma_wait3A_883, %dma_wait3A_884] : memref<256x64xf32, #tpu.memory_space<vmem>> -> memref<1x64xf32, #tpu.memory_space<vmem>>
    %dma_wait3A_886 = arith.constant 0 : i32
    %dma_wait3A_887 = arith.constant 0 : i32
    %dma_wait3A_888 = tpu.memref_slice %arg5[%dma_wait3A_886, %dma_wait3A_887] : memref<1000000x64xf32, #tpu.memory_space<hbm>> -> memref<1x64xf32, #tpu.memory_space<hbm>>
    tpu.wait_dma2 semaphore(%dma_wait3A_882 : memref<!tpu.dma_semaphore, #tpu.memory_space<semaphore_mem>>) src(%dma_wait3A_888 : memref<1x64xf32, #tpu.memory_space<hbm>>) dst(%dma_wait3A_885 : memref<1x64xf32, #tpu.memory_space<vmem>>)
    %dma_wait3A_889 = arith.constant 4 : i32
    %dma_wait3A_890 = arith.constant 0 : i32
    %dma_wait3A_891 = arith.constant 0 : i32
    %dma_wait3A_892 = tpu.memref_slice %arg10[%dma_wait3A_890, %dma_wait3A_891] : memref<256x64xf32, #tpu.memory_space<vmem>> -> memref<1x64xf32, #tpu.memory_space<vmem>>
    %dma_wait3A_893 = arith.constant 0 : i32
    %dma_wait3A_894 = arith.constant 0 : i32
    %dma_wait3A_895 = tpu.memref_slice %arg4[%dma_wait3A_893, %dma_wait3A_894] : memref<1000000x64xf32, #tpu.memory_space<hbm>> -> memref<1x64xf32, #tpu.memory_space<hbm>>
    %dma_wait3A_896 = tpu.memref_slice %arg12[%dma_wait3A_889] : memref<8x!tpu.dma_semaphore, #tpu.memory_space<semaphore_mem>> -> memref<1x!tpu.dma_semaphore, #tpu.memory_space<semaphore_mem>>
    %dma_wait3A_897 = tpu.memref_squeeze %dma_wait3A_896 : memref<1x!tpu.dma_semaphore, #tpu.memory_space<semaphore_mem>> -> memref<!tpu.dma_semaphore, #tpu.memory_space<semaphore_mem>>
    %dma_wait3A_898 = arith.constant 0 : i32
    %dma_wait3A_899 = arith.constant 0 : i32
    %dma_wait3A_900 = tpu.memref_slice %arg10[%dma_wait3A_898, %dma_wait3A_899] : memref<256x64xf32, #tpu.memory_space<vmem>> -> memref<1x64xf32, #tpu.memory_space<vmem>>
    %dma_wait3A_901 = arith.constant 0 : i32
    %dma_wait3A_902 = arith.constant 0 : i32
    %dma_wait3A_903 = tpu.memref_slice %arg4[%dma_wait3A_901, %dma_wait3A_902] : memref<1000000x64xf32, #tpu.memory_space<hbm>> -> memref<1x64xf32, #tpu.memory_space<hbm>>
    tpu.wait_dma2 semaphore(%dma_wait3A_897 : memref<!tpu.dma_semaphore, #tpu.memory_space<semaphore_mem>>) src(%dma_wait3A_903 : memref<1x64xf32, #tpu.memory_space<hbm>>) dst(%dma_wait3A_900 : memref<1x64xf32, #tpu.memory_space<vmem>>)
    %dma_wait3A_904 = arith.constant 4 : i32
    %dma_wait3A_905 = arith.constant 0 : i32
    %dma_wait3A_906 = arith.constant 0 : i32
    %dma_wait3A_907 = tpu.memref_slice %arg11[%dma_wait3A_905, %dma_wait3A_906] : memref<256x64xf32, #tpu.memory_space<vmem>> -> memref<1x64xf32, #tpu.memory_space<vmem>>
    %dma_wait3A_908 = arith.constant 0 : i32
    %dma_wait3A_909 = arith.constant 0 : i32
    %dma_wait3A_910 = tpu.memref_slice %arg5[%dma_wait3A_908, %dma_wait3A_909] : memref<1000000x64xf32, #tpu.memory_space<hbm>> -> memref<1x64xf32, #tpu.memory_space<hbm>>
    %dma_wait3A_911 = tpu.memref_slice %arg13[%dma_wait3A_904] : memref<8x!tpu.dma_semaphore, #tpu.memory_space<semaphore_mem>> -> memref<1x!tpu.dma_semaphore, #tpu.memory_space<semaphore_mem>>
    %dma_wait3A_912 = tpu.memref_squeeze %dma_wait3A_911 : memref<1x!tpu.dma_semaphore, #tpu.memory_space<semaphore_mem>> -> memref<!tpu.dma_semaphore, #tpu.memory_space<semaphore_mem>>
    %dma_wait3A_913 = arith.constant 0 : i32
    %dma_wait3A_914 = arith.constant 0 : i32
    %dma_wait3A_915 = tpu.memref_slice %arg11[%dma_wait3A_913, %dma_wait3A_914] : memref<256x64xf32, #tpu.memory_space<vmem>> -> memref<1x64xf32, #tpu.memory_space<vmem>>
    %dma_wait3A_916 = arith.constant 0 : i32
    %dma_wait3A_917 = arith.constant 0 : i32
    %dma_wait3A_918 = tpu.memref_slice %arg5[%dma_wait3A_916, %dma_wait3A_917] : memref<1000000x64xf32, #tpu.memory_space<hbm>> -> memref<1x64xf32, #tpu.memory_space<hbm>>
    tpu.wait_dma2 semaphore(%dma_wait3A_912 : memref<!tpu.dma_semaphore, #tpu.memory_space<semaphore_mem>>) src(%dma_wait3A_918 : memref<1x64xf32, #tpu.memory_space<hbm>>) dst(%dma_wait3A_915 : memref<1x64xf32, #tpu.memory_space<vmem>>)
    %dma_wait3A_919 = arith.constant 5 : i32
    %dma_wait3A_920 = arith.constant 0 : i32
    %dma_wait3A_921 = arith.constant 0 : i32
    %dma_wait3A_922 = tpu.memref_slice %arg10[%dma_wait3A_920, %dma_wait3A_921] : memref<256x64xf32, #tpu.memory_space<vmem>> -> memref<1x64xf32, #tpu.memory_space<vmem>>
    %dma_wait3A_923 = arith.constant 0 : i32
    %dma_wait3A_924 = arith.constant 0 : i32
    %dma_wait3A_925 = tpu.memref_slice %arg4[%dma_wait3A_923, %dma_wait3A_924] : memref<1000000x64xf32, #tpu.memory_space<hbm>> -> memref<1x64xf32, #tpu.memory_space<hbm>>
    %dma_wait3A_926 = tpu.memref_slice %arg12[%dma_wait3A_919] : memref<8x!tpu.dma_semaphore, #tpu.memory_space<semaphore_mem>> -> memref<1x!tpu.dma_semaphore, #tpu.memory_space<semaphore_mem>>
    %dma_wait3A_927 = tpu.memref_squeeze %dma_wait3A_926 : memref<1x!tpu.dma_semaphore, #tpu.memory_space<semaphore_mem>> -> memref<!tpu.dma_semaphore, #tpu.memory_space<semaphore_mem>>
    %dma_wait3A_928 = arith.constant 0 : i32
    %dma_wait3A_929 = arith.constant 0 : i32
    %dma_wait3A_930 = tpu.memref_slice %arg10[%dma_wait3A_928, %dma_wait3A_929] : memref<256x64xf32, #tpu.memory_space<vmem>> -> memref<1x64xf32, #tpu.memory_space<vmem>>
    %dma_wait3A_931 = arith.constant 0 : i32
    %dma_wait3A_932 = arith.constant 0 : i32
    %dma_wait3A_933 = tpu.memref_slice %arg4[%dma_wait3A_931, %dma_wait3A_932] : memref<1000000x64xf32, #tpu.memory_space<hbm>> -> memref<1x64xf32, #tpu.memory_space<hbm>>
    tpu.wait_dma2 semaphore(%dma_wait3A_927 : memref<!tpu.dma_semaphore, #tpu.memory_space<semaphore_mem>>) src(%dma_wait3A_933 : memref<1x64xf32, #tpu.memory_space<hbm>>) dst(%dma_wait3A_930 : memref<1x64xf32, #tpu.memory_space<vmem>>)
    %dma_wait3A_934 = arith.constant 5 : i32
    %dma_wait3A_935 = arith.constant 0 : i32
    %dma_wait3A_936 = arith.constant 0 : i32
    %dma_wait3A_937 = tpu.memref_slice %arg11[%dma_wait3A_935, %dma_wait3A_936] : memref<256x64xf32, #tpu.memory_space<vmem>> -> memref<1x64xf32, #tpu.memory_space<vmem>>
    %dma_wait3A_938 = arith.constant 0 : i32
    %dma_wait3A_939 = arith.constant 0 : i32
    %dma_wait3A_940 = tpu.memref_slice %arg5[%dma_wait3A_938, %dma_wait3A_939] : memref<1000000x64xf32, #tpu.memory_space<hbm>> -> memref<1x64xf32, #tpu.memory_space<hbm>>
    %dma_wait3A_941 = tpu.memref_slice %arg13[%dma_wait3A_934] : memref<8x!tpu.dma_semaphore, #tpu.memory_space<semaphore_mem>> -> memref<1x!tpu.dma_semaphore, #tpu.memory_space<semaphore_mem>>
    %dma_wait3A_942 = tpu.memref_squeeze %dma_wait3A_941 : memref<1x!tpu.dma_semaphore, #tpu.memory_space<semaphore_mem>> -> memref<!tpu.dma_semaphore, #tpu.memory_space<semaphore_mem>>
    %dma_wait3A_943 = arith.constant 0 : i32
    %dma_wait3A_944 = arith.constant 0 : i32
    %dma_wait3A_945 = tpu.memref_slice %arg11[%dma_wait3A_943, %dma_wait3A_944] : memref<256x64xf32, #tpu.memory_space<vmem>> -> memref<1x64xf32, #tpu.memory_space<vmem>>
    %dma_wait3A_946 = arith.constant 0 : i32
    %dma_wait3A_947 = arith.constant 0 : i32
    %dma_wait3A_948 = tpu.memref_slice %arg5[%dma_wait3A_946, %dma_wait3A_947] : memref<1000000x64xf32, #tpu.memory_space<hbm>> -> memref<1x64xf32, #tpu.memory_space<hbm>>
    tpu.wait_dma2 semaphore(%dma_wait3A_942 : memref<!tpu.dma_semaphore, #tpu.memory_space<semaphore_mem>>) src(%dma_wait3A_948 : memref<1x64xf32, #tpu.memory_space<hbm>>) dst(%dma_wait3A_945 : memref<1x64xf32, #tpu.memory_space<vmem>>)
    %dma_wait3A_949 = arith.constant 6 : i32
    %dma_wait3A_950 = arith.constant 0 : i32
    %dma_wait3A_951 = arith.constant 0 : i32
    %dma_wait3A_952 = tpu.memref_slice %arg10[%dma_wait3A_950, %dma_wait3A_951] : memref<256x64xf32, #tpu.memory_space<vmem>> -> memref<1x64xf32, #tpu.memory_space<vmem>>
    %dma_wait3A_953 = arith.constant 0 : i32
    %dma_wait3A_954 = arith.constant 0 : i32
    %dma_wait3A_955 = tpu.memref_slice %arg4[%dma_wait3A_953, %dma_wait3A_954] : memref<1000000x64xf32, #tpu.memory_space<hbm>> -> memref<1x64xf32, #tpu.memory_space<hbm>>
    %dma_wait3A_956 = tpu.memref_slice %arg12[%dma_wait3A_949] : memref<8x!tpu.dma_semaphore, #tpu.memory_space<semaphore_mem>> -> memref<1x!tpu.dma_semaphore, #tpu.memory_space<semaphore_mem>>
    %dma_wait3A_957 = tpu.memref_squeeze %dma_wait3A_956 : memref<1x!tpu.dma_semaphore, #tpu.memory_space<semaphore_mem>> -> memref<!tpu.dma_semaphore, #tpu.memory_space<semaphore_mem>>
    %dma_wait3A_958 = arith.constant 0 : i32
    %dma_wait3A_959 = arith.constant 0 : i32
    %dma_wait3A_960 = tpu.memref_slice %arg10[%dma_wait3A_958, %dma_wait3A_959] : memref<256x64xf32, #tpu.memory_space<vmem>> -> memref<1x64xf32, #tpu.memory_space<vmem>>
    %dma_wait3A_961 = arith.constant 0 : i32
    %dma_wait3A_962 = arith.constant 0 : i32
    %dma_wait3A_963 = tpu.memref_slice %arg4[%dma_wait3A_961, %dma_wait3A_962] : memref<1000000x64xf32, #tpu.memory_space<hbm>> -> memref<1x64xf32, #tpu.memory_space<hbm>>
    tpu.wait_dma2 semaphore(%dma_wait3A_957 : memref<!tpu.dma_semaphore, #tpu.memory_space<semaphore_mem>>) src(%dma_wait3A_963 : memref<1x64xf32, #tpu.memory_space<hbm>>) dst(%dma_wait3A_960 : memref<1x64xf32, #tpu.memory_space<vmem>>)
    %dma_wait3A_964 = arith.constant 6 : i32
    %dma_wait3A_965 = arith.constant 0 : i32
    %dma_wait3A_966 = arith.constant 0 : i32
    %dma_wait3A_967 = tpu.memref_slice %arg11[%dma_wait3A_965, %dma_wait3A_966] : memref<256x64xf32, #tpu.memory_space<vmem>> -> memref<1x64xf32, #tpu.memory_space<vmem>>
    %dma_wait3A_968 = arith.constant 0 : i32
    %dma_wait3A_969 = arith.constant 0 : i32
    %dma_wait3A_970 = tpu.memref_slice %arg5[%dma_wait3A_968, %dma_wait3A_969] : memref<1000000x64xf32, #tpu.memory_space<hbm>> -> memref<1x64xf32, #tpu.memory_space<hbm>>
    %dma_wait3A_971 = tpu.memref_slice %arg13[%dma_wait3A_964] : memref<8x!tpu.dma_semaphore, #tpu.memory_space<semaphore_mem>> -> memref<1x!tpu.dma_semaphore, #tpu.memory_space<semaphore_mem>>
    %dma_wait3A_972 = tpu.memref_squeeze %dma_wait3A_971 : memref<1x!tpu.dma_semaphore, #tpu.memory_space<semaphore_mem>> -> memref<!tpu.dma_semaphore, #tpu.memory_space<semaphore_mem>>
    %dma_wait3A_973 = arith.constant 0 : i32
    %dma_wait3A_974 = arith.constant 0 : i32
    %dma_wait3A_975 = tpu.memref_slice %arg11[%dma_wait3A_973, %dma_wait3A_974] : memref<256x64xf32, #tpu.memory_space<vmem>> -> memref<1x64xf32, #tpu.memory_space<vmem>>
    %dma_wait3A_976 = arith.constant 0 : i32
    %dma_wait3A_977 = arith.constant 0 : i32
    %dma_wait3A_978 = tpu.memref_slice %arg5[%dma_wait3A_976, %dma_wait3A_977] : memref<1000000x64xf32, #tpu.memory_space<hbm>> -> memref<1x64xf32, #tpu.memory_space<hbm>>
    tpu.wait_dma2 semaphore(%dma_wait3A_972 : memref<!tpu.dma_semaphore, #tpu.memory_space<semaphore_mem>>) src(%dma_wait3A_978 : memref<1x64xf32, #tpu.memory_space<hbm>>) dst(%dma_wait3A_975 : memref<1x64xf32, #tpu.memory_space<vmem>>)
    %dma_wait3A_979 = arith.constant 7 : i32
    %dma_wait3A_980 = arith.constant 0 : i32
    %dma_wait3A_981 = arith.constant 0 : i32
    %dma_wait3A_982 = tpu.memref_slice %arg10[%dma_wait3A_980, %dma_wait3A_981] : memref<256x64xf32, #tpu.memory_space<vmem>> -> memref<1x64xf32, #tpu.memory_space<vmem>>
    %dma_wait3A_983 = arith.constant 0 : i32
    %dma_wait3A_984 = arith.constant 0 : i32
    %dma_wait3A_985 = tpu.memref_slice %arg4[%dma_wait3A_983, %dma_wait3A_984] : memref<1000000x64xf32, #tpu.memory_space<hbm>> -> memref<1x64xf32, #tpu.memory_space<hbm>>
    %dma_wait3A_986 = tpu.memref_slice %arg12[%dma_wait3A_979] : memref<8x!tpu.dma_semaphore, #tpu.memory_space<semaphore_mem>> -> memref<1x!tpu.dma_semaphore, #tpu.memory_space<semaphore_mem>>
    %dma_wait3A_987 = tpu.memref_squeeze %dma_wait3A_986 : memref<1x!tpu.dma_semaphore, #tpu.memory_space<semaphore_mem>> -> memref<!tpu.dma_semaphore, #tpu.memory_space<semaphore_mem>>
    %dma_wait3A_988 = arith.constant 0 : i32
    %dma_wait3A_989 = arith.constant 0 : i32
    %dma_wait3A_990 = tpu.memref_slice %arg10[%dma_wait3A_988, %dma_wait3A_989] : memref<256x64xf32, #tpu.memory_space<vmem>> -> memref<1x64xf32, #tpu.memory_space<vmem>>
    %dma_wait3A_991 = arith.constant 0 : i32
    %dma_wait3A_992 = arith.constant 0 : i32
    %dma_wait3A_993 = tpu.memref_slice %arg4[%dma_wait3A_991, %dma_wait3A_992] : memref<1000000x64xf32, #tpu.memory_space<hbm>> -> memref<1x64xf32, #tpu.memory_space<hbm>>
    tpu.wait_dma2 semaphore(%dma_wait3A_987 : memref<!tpu.dma_semaphore, #tpu.memory_space<semaphore_mem>>) src(%dma_wait3A_993 : memref<1x64xf32, #tpu.memory_space<hbm>>) dst(%dma_wait3A_990 : memref<1x64xf32, #tpu.memory_space<vmem>>)
    %dma_wait3A_994 = arith.constant 7 : i32
    %dma_wait3A_995 = arith.constant 0 : i32
    %dma_wait3A_996 = arith.constant 0 : i32
    %dma_wait3A_997 = tpu.memref_slice %arg11[%dma_wait3A_995, %dma_wait3A_996] : memref<256x64xf32, #tpu.memory_space<vmem>> -> memref<1x64xf32, #tpu.memory_space<vmem>>
    %dma_wait3A_998 = arith.constant 0 : i32
    %dma_wait3A_999 = arith.constant 0 : i32
    %dma_wait3A_1000 = tpu.memref_slice %arg5[%dma_wait3A_998, %dma_wait3A_999] : memref<1000000x64xf32, #tpu.memory_space<hbm>> -> memref<1x64xf32, #tpu.memory_space<hbm>>
    %dma_wait3A_1001 = tpu.memref_slice %arg13[%dma_wait3A_994] : memref<8x!tpu.dma_semaphore, #tpu.memory_space<semaphore_mem>> -> memref<1x!tpu.dma_semaphore, #tpu.memory_space<semaphore_mem>>
    %dma_wait3A_1002 = tpu.memref_squeeze %dma_wait3A_1001 : memref<1x!tpu.dma_semaphore, #tpu.memory_space<semaphore_mem>> -> memref<!tpu.dma_semaphore, #tpu.memory_space<semaphore_mem>>
    %dma_wait3A_1003 = arith.constant 0 : i32
    %dma_wait3A_1004 = arith.constant 0 : i32
    %dma_wait3A_1005 = tpu.memref_slice %arg11[%dma_wait3A_1003, %dma_wait3A_1004] : memref<256x64xf32, #tpu.memory_space<vmem>> -> memref<1x64xf32, #tpu.memory_space<vmem>>
    %dma_wait3A_1006 = arith.constant 0 : i32
    %dma_wait3A_1007 = arith.constant 0 : i32
    %dma_wait3A_1008 = tpu.memref_slice %arg5[%dma_wait3A_1006, %dma_wait3A_1007] : memref<1000000x64xf32, #tpu.memory_space<hbm>> -> memref<1x64xf32, #tpu.memory_space<hbm>>
    tpu.wait_dma2 semaphore(%dma_wait3A_1002 : memref<!tpu.dma_semaphore, #tpu.memory_space<semaphore_mem>>) src(%dma_wait3A_1008 : memref<1x64xf32, #tpu.memory_space<hbm>>) dst(%dma_wait3A_1005 : memref<1x64xf32, #tpu.memory_space<vmem>>)
    %add3A_1009 = arith.constant 256 : i32
    %add3A_1010 = arith.addi %mul3A_2, %add3A_1009 : i32
    "tpu.region"() ({
      %run_scoped3A = tpu.sem_alloc : memref<!tpu.dma_semaphore, #tpu.memory_space<semaphore_mem>>
      %dma_start3A_1013 = arith.constant 0 : i32
      %dma_start3A_1014 = tpu.memref_slice %arg6[%add3A_1010, %dma_start3A_1013] : memref<16384x64xf32, #tpu.memory_space<hbm>> -> memref<256x64xf32, #tpu.memory_space<hbm>>
      %dma_start3A_1015 = arith.constant 0 : i32
      %dma_start3A_1016 = tpu.memref_slice %arg6[%add3A_1010, %dma_start3A_1015] : memref<16384x64xf32, #tpu.memory_space<hbm>> -> memref<256x64xf32, #tpu.memory_space<hbm>>
      tpu.enqueue_dma source(%arg10 : memref<256x64xf32, #tpu.memory_space<vmem>>) target(%dma_start3A_1016 : memref<256x64xf32, #tpu.memory_space<hbm>>) target_semaphore(%run_scoped3A : memref<!tpu.dma_semaphore, #tpu.memory_space<semaphore_mem>>)
      %dma_wait3A_1017 = arith.constant 0 : i32
      %dma_wait3A_1018 = tpu.memref_slice %arg6[%add3A_1010, %dma_wait3A_1017] : memref<16384x64xf32, #tpu.memory_space<hbm>> -> memref<256x64xf32, #tpu.memory_space<hbm>>
      %dma_wait3A_1019 = arith.constant 0 : i32
      %dma_wait3A_1020 = tpu.memref_slice %arg6[%add3A_1010, %dma_wait3A_1019] : memref<16384x64xf32, #tpu.memory_space<hbm>> -> memref<256x64xf32, #tpu.memory_space<hbm>>
      tpu.wait_dma2 semaphore(%run_scoped3A : memref<!tpu.dma_semaphore, #tpu.memory_space<semaphore_mem>>) src(%arg10 : memref<256x64xf32, #tpu.memory_space<vmem>>) dst(%dma_wait3A_1020 : memref<256x64xf32, #tpu.memory_space<hbm>>)
      tpu.yield
    }) : () -> ()
    %add3A_1011 = arith.constant 256 : i32
    %add3A_1012 = arith.addi %mul3A_2, %add3A_1011 : i32
    "tpu.region"() ({
      %run_scoped3A = tpu.sem_alloc : memref<!tpu.dma_semaphore, #tpu.memory_space<semaphore_mem>>
      %dma_start3A_1013 = arith.constant 0 : i32
      %dma_start3A_1014 = tpu.memref_slice %arg7[%add3A_1012, %dma_start3A_1013] : memref<16384x64xf32, #tpu.memory_space<hbm>> -> memref<256x64xf32, #tpu.memory_space<hbm>>
      %dma_start3A_1015 = arith.constant 0 : i32
      %dma_start3A_1016 = tpu.memref_slice %arg7[%add3A_1012, %dma_start3A_1015] : memref<16384x64xf32, #tpu.memory_space<hbm>> -> memref<256x64xf32, #tpu.memory_space<hbm>>
      tpu.enqueue_dma source(%arg11 : memref<256x64xf32, #tpu.memory_space<vmem>>) target(%dma_start3A_1016 : memref<256x64xf32, #tpu.memory_space<hbm>>) target_semaphore(%run_scoped3A : memref<!tpu.dma_semaphore, #tpu.memory_space<semaphore_mem>>)
      %dma_wait3A_1017 = arith.constant 0 : i32
      %dma_wait3A_1018 = tpu.memref_slice %arg7[%add3A_1012, %dma_wait3A_1017] : memref<16384x64xf32, #tpu.memory_space<hbm>> -> memref<256x64xf32, #tpu.memory_space<hbm>>
      %dma_wait3A_1019 = arith.constant 0 : i32
      %dma_wait3A_1020 = tpu.memref_slice %arg7[%add3A_1012, %dma_wait3A_1019] : memref<16384x64xf32, #tpu.memory_space<hbm>> -> memref<256x64xf32, #tpu.memory_space<hbm>>
      tpu.wait_dma2 semaphore(%run_scoped3A : memref<!tpu.dma_semaphore, #tpu.memory_space<semaphore_mem>>) src(%arg11 : memref<256x64xf32, #tpu.memory_space<vmem>>) dst(%dma_wait3A_1020 : memref<256x64xf32, #tpu.memory_space<hbm>>)
      tpu.yield
    }) : () -> ()
    return
  }
}

module attributes {stable_mosaic.version = 14 : i64} {
  func.func @_mlp_body(%arg0: i32, %arg1: memref<2048x64xf32, #tpu.memory_space<vmem>>, %arg2: memref<2048x64xf32, #tpu.memory_space<vmem>>, %arg3: memref<64x128xf32, #tpu.memory_space<vmem>>, %arg4: memref<64x128xf32, #tpu.memory_space<vmem>>, %arg5: memref<1x128xf32, #tpu.memory_space<vmem>>, %arg6: memref<128x1xf32, #tpu.memory_space<vmem>>, %arg7: memref<1x1xf32, #tpu.memory_space<vmem>>, %arg8: memref<2048x1xf32, #tpu.memory_space<vmem>>) attributes {dimension_semantics = [#tpu.dimension_semantics<arbitrary>], iteration_bounds = array<i64: 8>, scalar_prefetch = 0 : i64, scratch_operands = 0 : i64, tpu.core_type = #tpu.core_type<tc>, window_params = [{transform_indices = @transform_0, window_bounds = array<i64: 2048, 64>}, {transform_indices = @transform_1, window_bounds = array<i64: 2048, 64>}, {pipeline_mode = #tpu.pipeline_mode<synchronous>, transform_indices = @transform_2, window_bounds = array<i64: 64, 128>}, {pipeline_mode = #tpu.pipeline_mode<synchronous>, transform_indices = @transform_3, window_bounds = array<i64: 64, 128>}, {pipeline_mode = #tpu.pipeline_mode<synchronous>, transform_indices = @transform_4, window_bounds = array<i64: 1, 128>}, {pipeline_mode = #tpu.pipeline_mode<synchronous>, transform_indices = @transform_5, window_bounds = array<i64: 128, 1>}, {pipeline_mode = #tpu.pipeline_mode<synchronous>, transform_indices = @transform_6, window_bounds = array<i64: 1, 1>}, {transform_indices = @transform_7, window_bounds = array<i64: 2048, 1>}]} {
    %get3A = arith.constant 0 : index
    %get3A_0 = arith.constant 0 : index
    %get3A_1 = vector.load %arg1[%get3A, %get3A_0] : memref<2048x64xf32, #tpu.memory_space<vmem>>, vector<2048x64xf32>
    %get3A_2 = arith.constant 0 : index
    %get3A_3 = arith.constant 0 : index
    %get3A_4 = vector.load %arg3[%get3A_2, %get3A_3] : memref<64x128xf32, #tpu.memory_space<vmem>>, vector<64x128xf32>
    %dot_general3A = arith.constant dense<0.000000e+00> : vector<2048x128xf32>
    %dot_general3A_5 = tpu.matmul %get3A_1, %get3A_4, %dot_general3A {dimension_numbers = #tpu.dot_dimension_numbers<[1], [0], [0], [1], [0, 0, 1, 1], [], []>, transpose_lhs_hint = false} : vector<2048x64xf32>, vector<64x128xf32>, vector<2048x128xf32> -> vector<2048x128xf32>
    %get3A_6 = arith.constant 0 : index
    %get3A_7 = arith.constant 0 : index
    %get3A_8 = vector.load %arg2[%get3A_6, %get3A_7] : memref<2048x64xf32, #tpu.memory_space<vmem>>, vector<2048x64xf32>
    %get3A_9 = arith.constant 0 : index
    %get3A_10 = arith.constant 0 : index
    %get3A_11 = vector.load %arg4[%get3A_9, %get3A_10] : memref<64x128xf32, #tpu.memory_space<vmem>>, vector<64x128xf32>
    %dot_general3A_12 = arith.constant dense<0.000000e+00> : vector<2048x128xf32>
    %dot_general3A_13 = tpu.matmul %get3A_8, %get3A_11, %dot_general3A_12 {dimension_numbers = #tpu.dot_dimension_numbers<[1], [0], [0], [1], [0, 0, 1, 1], [], []>, transpose_lhs_hint = false} : vector<2048x64xf32>, vector<64x128xf32>, vector<2048x128xf32> -> vector<2048x128xf32>
    %add3A = arith.addf %dot_general3A_5, %dot_general3A_13 : vector<2048x128xf32>
    %get3A_14 = arith.constant 0 : index
    %get3A_15 = arith.constant 0 : index
    %get3A_16 = vector.load %arg5[%get3A_14, %get3A_15] : memref<1x128xf32, #tpu.memory_space<vmem>>, vector<1x128xf32>
    %add3A_17 = vector.broadcast %get3A_16 : vector<1x128xf32> to vector<2048x128xf32>
    %add3A_18 = arith.addf %add3A, %add3A_17 : vector<2048x128xf32>
    %max3A = arith.constant 0.000000e+00 : f32
    %max3A_19 = vector.broadcast %max3A : f32 to vector<2048x128xf32>
    %max3A_20 = arith.maximumf %add3A_18, %max3A_19 : vector<2048x128xf32>
    %get3A_21 = arith.constant 0 : index
    %get3A_22 = arith.constant 0 : index
    %get3A_23 = vector.load %arg6[%get3A_21, %get3A_22] : memref<128x1xf32, #tpu.memory_space<vmem>>, vector<128x1xf32>
    %dot_general3A_24 = arith.constant dense<0.000000e+00> : vector<2048x1xf32>
    %dot_general3A_25 = tpu.matmul %max3A_20, %get3A_23, %dot_general3A_24 {dimension_numbers = #tpu.dot_dimension_numbers<[1], [0], [0], [1], [0, 0, 1, 1], [], []>, transpose_lhs_hint = false} : vector<2048x128xf32>, vector<128x1xf32>, vector<2048x1xf32> -> vector<2048x1xf32>
    %get3A_26 = arith.constant 0 : index
    %get3A_27 = arith.constant 0 : index
    %get3A_28 = vector.load %arg7[%get3A_26, %get3A_27] : memref<1x1xf32, #tpu.memory_space<vmem>>, vector<1x1xf32>
    %add3A_29 = vector.broadcast %get3A_28 : vector<1x1xf32> to vector<2048x1xf32>
    %add3A_30 = arith.addf %dot_general3A_25, %add3A_29 : vector<2048x1xf32>
    %logistic3A = arith.negf %add3A_30 : vector<2048x1xf32>
    %logistic3A_31 = math.exp %logistic3A : vector<2048x1xf32>
    %logistic3A_32 = arith.constant 1.000000e+00 : f32
    %logistic3A_33 = vector.broadcast %logistic3A_32 : f32 to vector<2048x1xf32>
    %logistic3A_34 = arith.addf %logistic3A_33, %logistic3A_31 : vector<2048x1xf32>
    %logistic3A_35 = arith.divf %logistic3A_33, %logistic3A_34 : vector<2048x1xf32>
    %mul3A = arith.constant 4.000000e+00 : f32
    %mul3A_36 = vector.broadcast %mul3A : f32 to vector<2048x1xf32>
    %mul3A_37 = arith.mulf %logistic3A_35, %mul3A_36 : vector<2048x1xf32>
    %add3A_38 = arith.constant 1.000000e+00 : f32
    %add3A_39 = vector.broadcast %add3A_38 : f32 to vector<2048x1xf32>
    %add3A_40 = arith.addf %mul3A_37, %add3A_39 : vector<2048x1xf32>
    %swap3A = arith.constant 0 : index
    %swap3A_41 = arith.constant 0 : index
    %swap3A_42 = vector.load %arg8[%swap3A, %swap3A_41] : memref<2048x1xf32, #tpu.memory_space<vmem>>, vector<2048x1xf32>
    tpu.vector_store %arg8[%swap3A, %swap3A_41], %add3A_40 {strides = array<i32>} : memref<2048x1xf32, #tpu.memory_space<vmem>>, vector<2048x1xf32>,
    return
  }
  func.func @transform_0(%arg0: i32) -> (i32, i32) {
    %c0_i32 = arith.constant 0 : i32
    %c0_i32_0 = arith.constant 0 : i32
    return %arg0, %c0_i32 : i32, i32
  }
  func.func @transform_1(%arg0: i32) -> (i32, i32) {
    %c0_i32 = arith.constant 0 : i32
    %c0_i32_0 = arith.constant 0 : i32
    return %arg0, %c0_i32 : i32, i32
  }
  func.func @transform_2(%arg0: i32) -> (i32, i32) {
    %c0_i32 = arith.constant 0 : i32
    %c0_i32_0 = arith.constant 0 : i32
    %c0_i32_1 = arith.constant 0 : i32
    return %c0_i32, %c0_i32_0 : i32, i32
  }
  func.func @transform_3(%arg0: i32) -> (i32, i32) {
    %c0_i32 = arith.constant 0 : i32
    %c0_i32_0 = arith.constant 0 : i32
    %c0_i32_1 = arith.constant 0 : i32
    return %c0_i32, %c0_i32_0 : i32, i32
  }
  func.func @transform_4(%arg0: i32) -> (i32, i32) {
    %c0_i32 = arith.constant 0 : i32
    %c0_i32_0 = arith.constant 0 : i32
    %c0_i32_1 = arith.constant 0 : i32
    return %c0_i32, %c0_i32_0 : i32, i32
  }
  func.func @transform_5(%arg0: i32) -> (i32, i32) {
    %c0_i32 = arith.constant 0 : i32
    %c0_i32_0 = arith.constant 0 : i32
    %c0_i32_1 = arith.constant 0 : i32
    return %c0_i32, %c0_i32_0 : i32, i32
  }
  func.func @transform_6(%arg0: i32) -> (i32, i32) {
    %c0_i32 = arith.constant 0 : i32
    %c0_i32_0 = arith.constant 0 : i32
    %c0_i32_1 = arith.constant 0 : i32
    return %c0_i32, %c0_i32_0 : i32, i32
  }
  func.func @transform_7(%arg0: i32) -> (i32, i32) {
    %c0_i32 = arith.constant 0 : i32
    %c0_i32_0 = arith.constant 0 : i32
    return %arg0, %c0_i32 : i32, i32
  }
}

</mosaic_0001>

<sc_bundles>
// kernel: kernel.4.cloned.1.call-start
scs
__scs_entry_jumppad:
0x0: {  	(pc) =	sbr.rel $0x88, $3  }
0x1: {  	(tag) =	ssettag $0x0;
	lr =	simm.s32 $0x1  }
0x2: {  	[smem:$0x3F99] =	sst lr;
	_ =	strace $0xD0000000  }
0x3: {  	_ = 	snop  }
0x4: {  	_ = 	snop  }
0x5: {  	_ = 	snop  }
0x6: {  	_ = 	snop  }
0x7: {  	_ = 	snop  }
__scs_overlays_trampoline_lowered:
0x8: {  	[smem:$0x3FA8] =	sst s0  }
0x9: {  	[smem:$0x3FA9] =	sst s1  }
0xa: {  	[smem:$0x3FAA] =	sst s2  }
0xb: {  	[smem:$0x3FAB] =	sst s3  }
0xc: {  	[smem:$0x3FAC] =	sst s4  }
0xd: {  	[smem:$0x3FAD] =	sst s5  }
0xe: {  	[smem:$0x3FAE] =	sst s6  }
0xf: {  	[smem:$0x3FAF] =	sst s7  }
0x10: {  	[smem:$0x3FB0] =	sst s8  }
0x11: {  	[smem:$0x3FB1] =	sst s9;
	s0 =	simm.s32 @!p0 $0x0  }
0x12: {  	s1 =	sld [smem:$0x3F97];
	s0 =	simm.s32 @p0 $0x1  }
0x13: {  	[smem:$0x3FB2] =	sst s0;
	s0 =	simm.s32 @!p1 $0x0  }
0x14: {  	s2 =	sld [smem:$0x3F96];
	s0 =	simm.s32 @p1 $0x1  }
0x15: {  	[smem:$0x3FB3] =	sst s0;
	s0 =	simm.s32 @!p2 $0x0  }
0x16: {  	s3 =	sld [smem:$0x3FDB];
	s0 =	simm.s32 @p2 $0x1  }
0x17: {  	s4 =	simm.s32 $0x1BF5;
	[smem:$0x3FB5] =	sst s0  }
0x18: {  	s0 =	sld [smem:$0x3F98];
	_ =	swait.ge [sflag:s4], $0x0  }
0x19: {  	s7 =	sld [smem:$0x3F99]  }
0x1a: {  	s8 =	sadd.s32 $0xFFFFE003, lr  }
0x1b: {  	s9 =	sadd.s32 $0xFFFFFEF7, lr;
	s5 =	simm.s32 $0xFFFFFFFF;
	p2 =	slt.u32 s8, $0xFFFFF086  }
0x1c: {  	p1 =	slt.u32 s9, $0xF7A;
	s5 =	simm.s32 @!p2 $0x0  }
0x1d: {  	s5 =	simm.s32 @p1 $0x1;
	p0 =	seq.s32 s7, s2  }
0x1e: {  	s7 =	smul.u32 @!p0 $0xF7A, s2;
	p2 =	seq.s32 @!p0 s5, $0x0  }
0x1f: {  	s9 =	smul.u32 $0xF7A, s1;
	s8 =	simm.s32 @!p0 $0x1BF5;
	p2 =	por !p2, p0  }
0x20: {  	[sflag:s8] =	ssyncset.s32 @!p0 $0xFFFFF086;
	s6 =	sadd.s32 @!p0 s3, s7;
	s7 =	simm.s32 @!p0 $0x108  }
0x21: {  	s3 =	sadd.s32 s3, s9;
	s6 =	sadd.s32 @!p0 $0x88, s6;
	s7 =	simm.s32 @p2 $0x1082  }
0x22: {  	[simem:s7], [sflag:s8] =	dma.local @!p0 [hbm:s6], $0xF7A  }
0x23: {  	s9 =	sor.u32 $0xD0000000, s2;
	s6 =	simm.s32 $0x108;
	_ =	swait.ge @!p0 [sflag:s8], $0x0  }
0x24: {  	s3 =	sadd.s32 $0x88, s3;
	s6 =	simm.s32 @!p1 $0x1082;
	[sflag:s4] =	ssyncset.s32 $0xFFFFF086  }
0x25: {  	[simem:s6], [sflag:s4] =	dma.local [hbm:s3], $0xF7A  }
0x26: {  	[smem:$0x3F99] =	sst s1;
	(tag) =	ssettag s2;
	_ =	strace s9  }
0x27: {  	s1 =	sld [smem:$0x3FA9]  }
0x28: {  	s2 =	sld [smem:$0x3FAA]  }
0x29: {  	s4 =	sld [smem:$0x3FAC]  }
0x2a: {  	p0 =	seq.s32 s5, $0x0;
	s5 =	sld [smem:$0x3FAD]  }
0x2b: {  	s6 =	sld [smem:$0x3FAE]  }
0x2c: {  	s7 =	sld [smem:$0x3FAF]  }
0x2d: {  	s3 =	simm.s32 $0x108;
	s8 =	sld [smem:$0x3FB0]  }
0x2e: {  	s3 =	simm.s32 @!p0 $0x1082;
	s9 =	sld [smem:$0x3FB1]  }
0x2f: {  	lr =	sadd.s32 s0, s3;
	s0 =	sld [smem:$0x3FA8]  }
0x30: {  	s3 =	sld [smem:$0x3FAB]  }
0x31: {  	[smem:$0x3FB4] =	sst s10  }
0x32: {  	s10 =	sld [smem:$0x3FB2];
	_ =	sdelay $0x3  }
0x33: {  	p0 =	seq.s32 s10, $0x1;
	s10 =	sld [smem:$0x3FB4];
	_ =	sdelay $0x3  }
0x34: {  	[smem:$0x3FB4] =	sst s10  }
0x35: {  	s10 =	sld [smem:$0x3FB3];
	_ =	sdelay $0x3  }
0x36: {  	p1 =	seq.s32 s10, $0x1;
	s10 =	sld [smem:$0x3FB4];
	_ =	sdelay $0x3  }
0x37: {  	[smem:$0x3FB4] =	sst s10  }
0x38: {  	s10 =	sld [smem:$0x3FB5]  }
0x39: {  	_ = 	snop;
	(pc) =	sbr.ind lr, $3  }
0x3a: {  	_ = 	snop  }
0x3b: {  	_ = 	snop  }
0x3c: {  	p2 =	seq.s32 s10, $0x1;
	s10 =	sld [smem:$0x3FB4]  }
0x3d: {  	_ =	shalt  }
0x3e: {  	_ =	shalt  }
0x3f: {  	_ =	shalt  }
0x40: {  	_ =	shalt  }
0x41: {  	_ =	shalt  }
0x42: {  	_ =	shalt  }
0x43: {  	_ =	shalt  }
0x44: {  	_ =	shalt  }
0x45: {  	_ =	shalt  }
0x46: {  	_ =	shalt  }
0x47: {  	_ =	shalt  }
0x48: {  	_ =	shalt  }
0x49: {  	_ =	shalt  }
0x4a: {  	_ =	shalt  }
0x4b: {  	_ =	shalt  }
0x4c: {  	_ =	shalt  }
0x4d: {  	_ =	shalt  }
0x4e: {  	_ =	shalt  }
0x4f: {  	_ =	shalt  }
0x50: {  	_ =	shalt  }
0x51: {  	_ =	shalt  }
0x52: {  	_ =	shalt  }
0x53: {  	_ =	shalt  }
0x54: {  	_ =	shalt  }
0x55: {  	_ =	shalt  }
0x56: {  	_ =	shalt  }
0x57: {  	_ =	shalt  }
0x58: {  	_ =	shalt  }
0x59: {  	_ =	shalt  }
0x5a: {  	_ =	shalt  }
0x5b: {  	_ =	shalt  }
0x5c: {  	_ =	shalt  }
0x5d: {  	_ =	shalt  }
0x5e: {  	_ =	shalt  }
0x5f: {  	_ =	shalt  }
0x60: {  	_ =	shalt  }
0x61: {  	_ =	shalt  }
0x62: {  	_ =	shalt  }
0x63: {  	_ =	shalt  }
0x64: {  	_ =	shalt  }
0x65: {  	_ =	shalt  }
0x66: {  	_ =	shalt  }
0x67: {  	_ =	shalt  }
0x68: {  	_ =	shalt  }
0x69: {  	_ =	shalt  }
0x6a: {  	_ =	shalt  }
0x6b: {  	_ =	shalt  }
0x6c: {  	_ =	shalt  }
0x6d: {  	_ =	shalt  }
0x6e: {  	_ =	shalt  }
0x6f: {  	_ =	shalt  }
0x70: {  	_ =	shalt  }
0x71: {  	_ =	shalt  }
0x72: {  	_ =	shalt  }
0x73: {  	_ =	shalt  }
0x74: {  	_ =	shalt  }
0x75: {  	_ =	shalt  }
0x76: {  	_ =	shalt  }
0x77: {  	_ =	shalt  }
0x78: {  	_ =	shalt  }
0x79: {  	_ =	shalt  }
0x7a: {  	_ =	shalt  }
0x7b: {  	_ =	shalt  }
0x7c: {  	_ =	shalt  }
0x7d: {  	_ =	shalt  }
0x7e: {  	_ =	shalt  }
0x7f: {  	_ =	shalt  }
0x80: {  	_ =	shalt  }
0x81: {  	_ =	shalt  }
0x82: {  	_ =	shalt  }
0x83: {  	_ =	shalt  }
0x84: {  	_ =	shalt  }
0x85: {  	_ =	shalt  }
0x86: {  	_ =	shalt  }
0x87: {  	_ =	shalt  }
.Lfunc_end0:
.L_simem_size_0:
called_computation_lowered:
.L_overlay_start_0:
0x88: {  	s2 =	sld [smem:$0x3FD9]  }
0x89: {  	s3 =	sld [smem:$0x3FFE];
	_ =	sdelay $0x1  }
0x8a: {  	s1 =	srdreg.scid  }
0x8b: {  	s0 =	sand.u32 $0x1, s1  }
0x8c: {  	s17 =	sshll.u32 s0, $0xA;
	s2 =	sadd.s32 s3, s2  }
0x8d: {  	s2 =	sadd.s32 s2, s17  }
0x8e: {  	[smem:$0x3FC0] =	sst s2  }
0x8f: {  	_ = 	snop  }
0x90: {  	s2 =	sld [smem:$0x3FC9]  }
0x91: {  	s18 =	sld [smem:$0x3FC8];
	(tm) =	ssettm $0x1  }
0x92: {  	s4 =	sld [smem:$0x3FFB];
	_ =	sdelay $0x3  }
0x93: {  	_ =	strace s4  }
0x94: {  	s4 =	sld [smem:$0x3FFC];
	_ =	sdelay $0x3  }
0x95: {  	_ =	strace s4  }
0x96: {  	s4 =	sld [smem:$0x3FFD];
	_ =	sdelay $0x3  }
0x97: {  	_ =	strace s4  }
0x98: {  	_ =	strace $0x8FFFFFFF  }
0x99: {  	s19 =	sld [smem:$0x3FDB];
	_ =	sdelay $0x1  }
0x9a: {  	s5 =	simm.s32 $_scs_section_size  }
0x9b: {  	s6 =	simm.s32 $_size__tile_overlayer_lowered;
	s7 =	simm.s32 $_tile_overlayer_lowered  }
0x9c: {  	s22 =	simm.s32 $0x1BFF;
	s21 =	sshll.u32 s7, $0x1;
	s4 =	sadd.s32 s5, s19  }
0x9d: {  	s8 =	simm.s32 $0x0;
	s20 =	sshll.u32 s6, $0x1;
	s6 =	sadd.s32 s21, s4  }
0x9e: {  	[timem:s8], [sflag:s22] =	dma.local [hbm:s6], s20  }
0x9f: {  	_ =	swait.ge [sflag:s22], s20  }
0xa0: {  	s5 =	ssub.s32 $0x0, s20;
	[sflag:s22] =	ssyncset.done $0x0  }
0xa1: {  	[sflag:s22] =	ssyncadd.s32 s5;
	_ =	sdelay $0x1  }
0xa2: {  	s23 =	simm.s32 $0x1B8B  }
0xa3: {  	_ =	swait.ge [sflag:s23], $0x1  }
0xa4: {  	[sflag:s23] =	ssyncset.done $0x0  }
0xa5: {  	s25 =	simm.s32 $0x1B8E;
	s24 =	sld [smem:$0x3FFE];
	[sflag:s23] =	ssyncadd.s32 $0xFFFFFFFF  }
0xa6: {  	s26 =	simm.s32 $execute0_lowered;
	[smem:$0x3FD2] =	sst s25  }
0xa7: {  	s6 =	sshll.u32 s26, $0x1;
	_ =	strace $0x80000046;
	[dreg:$0x1] =	wrdreg $0xFFFFFFFF  }
0xa8: {  	s28 =	simm.s32 $_size_execute0_lowered;
	s4 =	sadd.s32 s4, s6;
	[dreg:$0x0] =	wrdreg $0x0  }
0xa9: {  	s6 =	sshll.u32 s28, $0x1;
	[dreg:$0x2] =	wrdreg s4  }
0xaa: {  	[dreg:$0x3] =	wrdreg s6  }
0xab: {  	[dreg:$0x4] =	wrdreg $0xC0  }
0xac: {  	_ =	task [dreg:s8], $0x5FFFF  }
0xad: {  	[dreg:$0x1] =	wrdreg $0xFFFFFFFF  }
0xae: {  	[dreg:$0x0] =	wrdreg $0x60  }
0xaf: {  	[dreg:$0x2] =	wrdreg s2  }
0xb0: {  	[dreg:$0x3] =	wrdreg s18  }
0xb1: {  	[dreg:$0x4] =	wrdreg s24  }
0xb2: {  	[dreg:$0x5] =	wrdreg $0x9  }
0xb3: {  	_ =	task.clear_ibuf [dreg:s8], $0x6FFFF;
	_ =	strace $0x90000046  }
0xb4: {  	s29 =	simm.s32 $0x9;
	_ =	strace $0x80000048  }
0xb5: {  	_ =	swait.ge [sflag:s29], $0x1  }
0xb6: {  	[sflag:s29] =	ssyncadd.s32 $0xFFFFFFFF  }
0xb7: {  	_ =	strace $0x90000048  }
0xb8: {  	_ =	sfence  }
0xb9: {  	s30 =	sld [smem:$0x0];
	_ =	sdelay $0x2  }
0xba: {  	s31 =	sshll.u32 s1, $0xD;
	s1 =	sshrl.u32 s1, $0x2  }
0xbb: {  	s3 =	sand.u32 $0x4000, s31;
	s1 =	sadd.s32 s1, s30  }
0xbc: {  	s0 =	sor.u32 s3, s0;
	s1 =	sshll.u32 s1, $0x11  }
0xbd: {  	s0 =	sor.u32 s1, s0  }
0xbe: {  	s0 =	sadd.s32 $0x8F2B, s0  }
0xbf: {  	[sflag:s0] =	ssyncadd.remote.s32 $0x1  }
0xc0: {  	_ =	sfence.sel $0xFFFF  }
0xc1: {  	[dreg:$0x0] =	wrdreg $0xFFFFFFFF;
	(pc) =	sbr.abs _section_cstart, $3  }
0xc2: {  	[dreg:$0x1] =	wrdreg $0xFFFFFFFF  }
0xc3: {  	_ =	task.clear_ibuf [dreg:s8], $0x2FFFF;
	_ =	strace $0x9FFFFFFF  }
0xc4: {  	(tm) =	ssettm $0x7FFFFFFF  }
0xc5: {  	_ =	shalt  }
tec
execute0_lowered:
.L_overlay_start_1:
0x0: {  	(tag) =	ssettag $0x1  }
0x1: {  	s0 =	rddreg [dreg:$0x0]  }
0x2: {  	s2 =	rddreg [dreg:$0x1]  }
0x3: {  	s5 =	rddreg [dreg:$0x2];
	s1 =	simm.s32 $0x0  }
0x4: {  	s6 =	srdreg.scid;
	s8 =	stileid.u32;
	s21 =	simm.s32 $0xD  }
0x5: {  	s22 =	simm.s32 $0xE;
	s23 =	simm.s32 $0xF;
	s24 =	simm.s32 $0x8  }
0x6: {  	[smem:$0x7FF] =	sst s1;
	s3 =	sadd.s32 $0x1200, s5;
	s6 =	sand.u32 $0x1, s6  }
0x7: {  	s8 =	sshll.u32 s8, $0xA;
	s7 =	ssub.s32 $0x2, s6;
	s6 =	sshll.u32 s6, $0x9  }
0x8: {  	s4 =	sadd.s32 $0xF43600, s5;
	s9 =	sadd.s32 $0x1E85A00, s5;
	s6 =	sor.u32 s6, s8  }
0x9: {  	s5 =	sadd.s32 $0x1EC5A00, s5;
	s10 =	sshrl.u32 s7, $0x1;
	s8 =	sshrl.u32 s6, $0x3  }
0xa: {  	_ =	strace $0x80000047;
	s7 =	ssub.s32 s7, s10;
	s0 =	sadd.s32 s0, s8  }
0xb: {  	s26 =	sshll.u32 s6, $0x4;
	s25 =	sadd.s32 s2, s8;
	[dreg:$0x4] =	wrdreg s0  }
0xc: {  	s10 =	simm.s32 $0x8500;
	s28 =	sadd.s32 s9, s26;
	[dreg:$0x5] =	wrdreg s25  }
0xd: {  	s6 =	simm.s32 $0x7;
	s29 =	sadd.s32 s5, s26;
	[dreg:$0x6] =	wrdreg s28  }
0xe: {  	s31 =	smax.u32 s7, $0x1;
	[dreg:$0x7] =	wrdreg s29;
	s0 =	sor.u32 $0x1000, s26  }
0xf: {  	s7 =	simm.s32 $0x10;
	[dreg:$0xa] =	wrdreg s31;
	s30 =	sadd.s32 s9, s0  }
0x10: {  	s8 =	simm.s32 $0x0;
	s0 =	sadd.s32 s5, s0;
	[dreg:$0x8] =	wrdreg s30  }
0x11: {  	s9 =	simm.s32 $0x500;
	s5 =	simm.s32 $0x6;
	[dreg:$0x9] =	wrdreg s0  }
.LBB2_1:
0x12: {  	[dreg:$0xb] =	wrdreg s8  }
0x13: {  	s0 =	rddreg [dreg:$0x4]  }
0x14: {  	[tilespmem:s1], [sflag:$0x11] =	stream.linear.gather [hbm4b:s0+s1], $0x200, $0x38;
	[tilespmem:$0x10500] =	vst v63  }
0x15: {  	s14 =	rddreg [dreg:$0x5];
	s2 =	simm.s32 $0x280;
	s15 =	simm.s32 $0x11  }
0x16: {  	[tilespmem:s2], [sflag:$0x11] =	stream.linear.gather [hbm4b:s14+s1], $0x200, $0x38;
	[tilespmem:$0x10500] =	vst v63  }
0x17: {  	_ =	swait.ge [sflag:s15], $0x200  }
0x18: {  	[sflag:s15] =	ssyncset.done $0x0  }
0x19: {  	[sflag:s15] =	ssyncadd.s32 $0xFFFFFE00  }
0x1a: {  	_ =	swait.ge [sflag:s15], $0x200  }
0x1b: {  	[sflag:s15] =	ssyncset.done $0x0  }
0x1c: {  	[sflag:s15] =	ssyncadd.s32 $0xFFFFFE00  }
0x1d: {  	v0 =	vld [tilespmem:$0x0];
	_ =	sdelay $0x1  }
0x1e: {  	v1 =	vld [tilespmem:$0x280];
	_ =	sdelay $0x2  }
0x1f: {  	v0 =	vshll.u32 v0, $0x4  }
0x20: {  	(v2sf) =	vpush v0, $0x0  }
0x21: {  	v1 =	vshll.u32 v1, $0x4  }
0x22: {  	(v2sf) =	vpush v1, $0x0;
	_ =	sdelay $0x2  }
0x23: {  	(v2sf) =	vpush v0, $0x1;
	_ =	sdelay $0x1  }
0x24: {  	(v2sf) =	vpush v1, $0x1  }
0x25: {  	(v2sf) =	vpush v0, $0x2;
	_ =	sdelay $0x1  }
0x26: {  	(v2sf) =	vpush v1, $0x2  }
0x27: {  	(v2sf) =	vpush v0, $0x3;
	_ =	sdelay $0x2  }
0x28: {  	(v2sf) =	vpush v1, $0x3  }
0x29: {  	s16 =	spop (v2sf)  }
0x2a: {  	s8 =	sand.u32 $0x1FFFFFF0, s16  }
0x2b: {  	s17 =	spop (v2sf);
	s8 =	sadd.s32 s3, s8  }
0x2c: {  	[tilespmem:s9], [sflag:$0x1] =	stream.linear.gather [hbm4b:s8+s1], $0x80, $0x38;
	[tilespmem:$0x10500] =	vst v63  }
0x2d: {  	s8 =	sand.u32 $0x1FFFFFF0, s17  }
0x2e: {  	s18 =	spop (v2sf);
	s8 =	sadd.s32 s4, s8  }
0x2f: {  	[tilespmem:s10], [sflag:$0x9] =	stream.linear.gather [hbm4b:s8+s1], $0x80, $0x38;
	[tilespmem:$0x10500] =	vst v63  }
0x30: {  	s20 =	spop (v2sf);
	s8 =	sand.u32 $0x1FFFFFF0, s18  }
0x31: {  	s19 =	simm.s32 $0x580;
	s26 =	spop (v2sf);
	(v2sf) =	vpush v0, $0x4;
	s8 =	sadd.s32 s3, s8  }
0x32: {  	[tilespmem:s19], [sflag:$0x2] =	stream.linear.gather [hbm4b:s8+s1], $0x80, $0x38;
	[tilespmem:$0x10500] =	vst v63  }
0x33: {  	s2 =	spop (v2sf);
	(v2sf) =	vpush v1, $0x4;
	s8 =	sand.u32 $0x1FFFFFF0, s20  }
0x34: {  	s25 =	simm.s32 $0x8580;
	s10 =	spop (v2sf);
	s8 =	sadd.s32 s4, s8  }
0x35: {  	(v2sf) =	vpush v0, $0x5;
	[tilespmem:s25], [sflag:$0xA] =	stream.linear.gather [hbm4b:s8+s1], $0x80, $0x38;
	[tilespmem:$0x10500] =	vst v63  }
0x36: {  	s8 =	sand.u32 $0x1FFFFFF0, s26  }
0x37: {  	s31 =	simm.s32 $0x600;
	s12 =	spop (v2sf);
	s8 =	sadd.s32 s3, s8  }
0x38: {  	(v2sf) =	vpush v1, $0x5;
	[tilespmem:s31], [sflag:$0x3] =	stream.linear.gather [hbm4b:s8+s1], $0x80, $0x38;
	[tilespmem:$0x10500] =	vst v63  }
0x39: {  	s8 =	sand.u32 $0x1FFFFFF0, s2  }
0x3a: {  	s9 =	simm.s32 $0x8600;
	s8 =	sadd.s32 s4, s8  }
0x3b: {  	[tilespmem:s9], [sflag:$0xB] =	stream.linear.gather [hbm4b:s8+s1], $0x80, $0x38;
	[tilespmem:$0x10500] =	vst v63  }
0x3c: {  	s8 =	sand.u32 $0x1FFFFFF0, s10  }
0x3d: {  	s11 =	simm.s32 $0x680;
	s8 =	sadd.s32 s3, s8  }
0x3e: {  	[tilespmem:s11], [sflag:$0x4] =	stream.linear.gather [hbm4b:s8+s1], $0x80, $0x38;
	[tilespmem:$0x10500] =	vst v63  }
0x3f: {  	s8 =	sand.u32 $0x1FFFFFF0, s12  }
0x40: {  	s13 =	simm.s32 $0x8680;
	s8 =	sadd.s32 s4, s8;
	s14 =	spop (v2sf);
	(v2sf) =	vpush v0, $0x6  }
0x41: {  	[tilespmem:s13], [sflag:$0xC] =	stream.linear.gather [hbm4b:s8+s1], $0x80, $0x38;
	[tilespmem:$0x10500] =	vst v63  }
0x42: {  	s16 =	spop (v2sf);
	(v2sf) =	vpush v1, $0x6  }
0x43: {  	s8 =	sand.u32 $0x1FFFFFF0, s14  }
0x44: {  	s15 =	simm.s32 $0x700;
	s8 =	sadd.s32 s3, s8;
	s18 =	spop (v2sf)  }
0x45: {  	(v2sf) =	vpush v0, $0x7;
	[tilespmem:s15], [sflag:$0x5] =	stream.linear.gather [hbm4b:s8+s1], $0x80, $0x38;
	[tilespmem:$0x10500] =	vst v63  }
0x46: {  	s8 =	sand.u32 $0x1FFFFFF0, s16  }
0x47: {  	s17 =	simm.s32 $0x8700;
	s20 =	spop (v2sf);
	s8 =	sadd.s32 s4, s8  }
0x48: {  	(v2sf) =	vpush v1, $0x7;
	[tilespmem:s17], [sflag:$0xD] =	stream.linear.gather [hbm4b:s8+s1], $0x80, $0x38;
	[tilespmem:$0x10500] =	vst v63  }
0x49: {  	s8 =	sand.u32 $0x1FFFFFF0, s18  }
0x4a: {  	s19 =	simm.s32 $0x780;
	s8 =	sadd.s32 s3, s8  }
0x4b: {  	[tilespmem:s19], [sflag:$0x6] =	stream.linear.gather [hbm4b:s8+s1], $0x80, $0x38;
	[tilespmem:$0x10500] =	vst v63  }
0x4c: {  	s8 =	sand.u32 $0x1FFFFFF0, s20  }
0x4d: {  	s25 =	simm.s32 $0x8780;
	s8 =	sadd.s32 s4, s8  }
0x4e: {  	[tilespmem:s25], [sflag:$0xE] =	stream.linear.gather [hbm4b:s8+s1], $0x80, $0x38;
	[tilespmem:$0x10500] =	vst v63  }
0x4f: {  	s26 =	spop (v2sf)  }
0x50: {  	s8 =	sand.u32 $0x1FFFFFF0, s26  }
0x51: {  	s31 =	simm.s32 $0x800;
	s2 =	spop (v2sf);
	s8 =	sadd.s32 s3, s8  }
0x52: {  	[tilespmem:s31], [sflag:$0x7] =	stream.linear.gather [hbm4b:s8+s1], $0x80, $0x38;
	[tilespmem:$0x10500] =	vst v63  }
0x53: {  	s8 =	sand.u32 $0x1FFFFFF0, s2  }
0x54: {  	s9 =	simm.s32 $0x8800;
	s10 =	spop (v2sf);
	s8 =	sadd.s32 s4, s8  }
0x55: {  	[tilespmem:s9], [sflag:$0xF] =	stream.linear.gather [hbm4b:s8+s1], $0x80, $0x38;
	[tilespmem:$0x10500] =	vst v63  }
0x56: {  	s8 =	sand.u32 $0x1FFFFFF0, s10  }
0x57: {  	s11 =	simm.s32 $0x880;
	s12 =	spop (v2sf);
	s8 =	sadd.s32 s3, s8  }
0x58: {  	[tilespmem:s11], [sflag:$0x8] =	stream.linear.gather [hbm4b:s8+s1], $0x80, $0x38;
	[tilespmem:$0x10500] =	vst v63  }
0x59: {  	s8 =	sand.u32 $0x1FFFFFF0, s12  }
0x5a: {  	s13 =	simm.s32 $0x8880;
	s14 =	simm.s32 $0x1;
	s8 =	sadd.s32 s4, s8  }
0x5b: {  	[tilespmem:s13], [sflag:$0x10] =	stream.linear.gather [hbm4b:s8+s1], $0x80, $0x38;
	[tilespmem:$0x10500] =	vst v63  }
0x5c: {  	_ =	swait.ge [sflag:s14], $0x80  }
0x5d: {  	[sflag:s14] =	ssyncset.done $0x0  }
0x5e: {  	s15 =	simm.s32 $0x9;
	[sflag:s14] =	ssyncadd.s32 $0xFFFFFF80  }
0x5f: {  	_ =	swait.ge [sflag:s15], $0x80  }
0x60: {  	[sflag:s15] =	ssyncset.done $0x0  }
0x61: {  	s16 =	simm.s32 $0x2;
	[sflag:s15] =	ssyncadd.s32 $0xFFFFFF80  }
0x62: {  	_ =	swait.ge [sflag:s16], $0x80  }
0x63: {  	[sflag:s16] =	ssyncset.done $0x0  }
0x64: {  	s17 =	simm.s32 $0xA;
	[sflag:s16] =	ssyncadd.s32 $0xFFFFFF80  }
0x65: {  	_ =	swait.ge [sflag:s17], $0x80  }
0x66: {  	[sflag:s17] =	ssyncset.done $0x0  }
0x67: {  	s18 =	simm.s32 $0x3;
	[sflag:s17] =	ssyncadd.s32 $0xFFFFFF80  }
0x68: {  	_ =	swait.ge [sflag:s18], $0x80  }
0x69: {  	[sflag:s18] =	ssyncset.done $0x0  }
0x6a: {  	s19 =	simm.s32 $0xB;
	[sflag:s18] =	ssyncadd.s32 $0xFFFFFF80  }
0x6b: {  	_ =	swait.ge [sflag:s19], $0x80  }
0x6c: {  	[sflag:s19] =	ssyncset.done $0x0  }
0x6d: {  	s20 =	simm.s32 $0x4;
	[sflag:s19] =	ssyncadd.s32 $0xFFFFFF80  }
0x6e: {  	_ =	swait.ge [sflag:s20], $0x80  }
0x6f: {  	[sflag:s20] =	ssyncset.done $0x0  }
0x70: {  	s25 =	simm.s32 $0xC;
	[sflag:s20] =	ssyncadd.s32 $0xFFFFFF80  }
0x71: {  	_ =	swait.ge [sflag:s25], $0x80  }
0x72: {  	[sflag:s25] =	ssyncset.done $0x0  }
0x73: {  	s26 =	simm.s32 $0x5;
	[sflag:s25] =	ssyncadd.s32 $0xFFFFFF80  }
0x74: {  	_ =	swait.ge [sflag:s26], $0x80  }
0x75: {  	[sflag:s26] =	ssyncset.done $0x0  }
0x76: {  	[sflag:s26] =	ssyncadd.s32 $0xFFFFFF80  }
0x77: {  	_ =	swait.ge [sflag:s21], $0x80  }
0x78: {  	[sflag:s21] =	ssyncset.done $0x0  }
0x79: {  	[sflag:s21] =	ssyncadd.s32 $0xFFFFFF80  }
0x7a: {  	_ =	swait.ge [sflag:s5], $0x80  }
0x7b: {  	[sflag:s5] =	ssyncset.done $0x0  }
0x7c: {  	[sflag:s5] =	ssyncadd.s32 $0xFFFFFF80  }
0x7d: {  	_ =	swait.ge [sflag:s22], $0x80  }
0x7e: {  	[sflag:s22] =	ssyncset.done $0x0  }
0x7f: {  	[sflag:s22] =	ssyncadd.s32 $0xFFFFFF80  }
0x80: {  	_ =	swait.ge [sflag:s6], $0x80  }
0x81: {  	[sflag:s6] =	ssyncset.done $0x0  }
0x82: {  	[sflag:s6] =	ssyncadd.s32 $0xFFFFFF80  }
0x83: {  	_ =	swait.ge [sflag:s23], $0x80  }
0x84: {  	[sflag:s23] =	ssyncset.done $0x0  }
0x85: {  	[sflag:s23] =	ssyncadd.s32 $0xFFFFFF80  }
0x86: {  	_ =	swait.ge [sflag:s24], $0x80  }
0x87: {  	[sflag:s24] =	ssyncset.done $0x0  }
0x88: {  	[sflag:s24] =	ssyncadd.s32 $0xFFFFFF80  }
0x89: {  	_ =	swait.ge [sflag:s7], $0x80  }
0x8a: {  	[sflag:s7] =	ssyncset.done $0x0  }
0x8b: {  	s31 =	simm.s32 $0x288;
	[sflag:s7] =	ssyncadd.s32 $0xFFFFFF80  }
0x8c: {  	v62 =	vld [tilespmem:s31+$0x0]  }
0x8d: {  	v63 =	vld [tilespmem:s24+$0x0];
	_ =	sdelay $0x3  }
0x8e: {  	v0 =	vshll.u32 v62, $0x4  }
0x8f: {  	v1 =	vshll.u32 v63, $0x4;
	(v2sf) =	vpush v0, $0x0  }
0x90: {  	(v2sf) =	vpush v1, $0x0  }
0x91: {  	(v2sf) =	vpush v1, $0x1  }
0x92: {  	(v2sf) =	vpush v0, $0x1;
	_ =	sdelay $0x1  }
0x93: {  	(v2sf) =	vpush v1, $0x2;
	_ =	sdelay $0x2  }
0x94: {  	(v2sf) =	vpush v0, $0x2;
	_ =	sdelay $0x1  }
0x95: {  	(v2sf) =	vpush v1, $0x3;
	_ =	sdelay $0x1  }
0x96: {  	s28 =	simm.s32 $0x10;
	(v2sf) =	vpush v0, $0x3  }
0x97: {  	s30 =	simm.s32 $0x8C00;
	s29 =	simm.s32 $0xC00;
	s10 =	simm.s32 $0x0  }
0x98: {  	s9 =	simm.s32 $0x290;
	s11 =	simm.s32 $0x8900;
	s14 =	simm.s32 $0xA00  }
0x99: {  	s15 =	simm.s32 $0x900;
	s18 =	simm.s32 $0x980;
	s0 =	spop (v2sf)  }
0x9a: {  	s19 =	simm.s32 $0x8980;
	s26 =	simm.s32 $0x1000;
	(v2sf) =	vpush v1, $0x4;
	s13 =	spop (v2sf)  }
0x9b: {  	s31 =	simm.s32 $0x8A00;
	s13 =	sand.u32 $0x1FFFFFF0, s13;
	s25 =	spop (v2sf)  }
0x9c: {  	s8 =	sand.u32 $0x1FFFFFF0, s0;
	(v2sf) =	vpush v0, $0x4;
	s13 =	sadd.s32 s3, s13;
	s2 =	spop (v2sf)  }
0x9d: {  	(v2sf) =	vpush v1, $0x5;
	[tilespmem:s15], [sflag:$0x1] =	stream.linear.gather [hbm4b:s13+s1], $0x80, $0x38;
	[tilespmem:$0x10500] =	vst v63  }
0x9e: {  	s8 =	sadd.s32 s4, s8;
	s12 =	sand.u32 $0x1FFFFFF0, s25;
	s17 =	spop (v2sf)  }
0x9f: {  	s13 =	simm.s32 $0xB80;
	s16 =	sand.u32 $0x1FFFFFF0, s2;
	s15 =	sand.u32 $0x1FFFFFF0, s17  }
0xa0: {  	[tilespmem:s11], [sflag:$0x9] =	stream.linear.gather [hbm4b:s8+s1], $0x80, $0x38;
	[tilespmem:$0x10500] =	vst v63  }
0xa1: {  	(v2sf) =	vpush v0, $0x5;
	s20 =	spop (v2sf);
	s8 =	sadd.s32 s3, s12;
	s11 =	sadd.s32 s4, s16  }
0xa2: {  	[tilespmem:s18], [sflag:$0x2] =	stream.linear.gather [hbm4b:s8+s1], $0x80, $0x38;
	[tilespmem:$0x10500] =	vst v63  }
0xa3: {  	(v2sf) =	vpush v1, $0x6;
	s0 =	sadd.s32 s3, s15;
	s2 =	sand.u32 $0x1FFFFFF0, s20;
	s12 =	spop (v2sf)  }
0xa4: {  	[tilespmem:s19], [sflag:$0xA] =	stream.linear.gather [hbm4b:s11+s1], $0x80, $0x38;
	[tilespmem:$0x10500] =	vst v63  }
0xa5: {  	(v2sf) =	vpush v0, $0x6;
	s16 =	simm.s32 $0xA80;
	s15 =	sadd.s32 s4, s2;
	s17 =	spop (v2sf)  }
0xa6: {  	[tilespmem:s14], [sflag:$0x3] =	stream.linear.gather [hbm4b:s0+s1], $0x80, $0x38;
	[tilespmem:$0x10500] =	vst v63  }
0xa7: {  	(v2sf) =	vpush v1, $0x7;
	s11 =	simm.s32 $0xB00;
	s19 =	simm.s32 $0x8A80;
	s14 =	sand.u32 $0x1FFFFFF0, s12  }
0xa8: {  	[tilespmem:s31], [sflag:$0xB] =	stream.linear.gather [hbm4b:s15+s1], $0x80, $0x38;
	[tilespmem:$0x10500] =	vst v63  }
0xa9: {  	s14 =	sadd.s32 s3, s14;
	s15 =	sand.u32 $0x1FFFFFF0, s17;
	s18 =	spop (v2sf)  }
0xaa: {  	(v2sf) =	vpush v0, $0x7;
	[tilespmem:s16], [sflag:$0x4] =	stream.linear.gather [hbm4b:s14+s1], $0x80, $0x38;
	[tilespmem:$0x10500] =	vst v63  }
0xab: {  	s12 =	simm.s32 $0x8B00;
	s20 =	sadd.s32 s4, s15;
	s0 =	spop (v2sf)  }
0xac: {  	s31 =	sand.u32 $0x1FFFFFF0, s18;
	s8 =	sand.u32 $0x1FFFFFF0, s0;
	s15 =	spop (v2sf)  }
0xad: {  	[tilespmem:s19], [sflag:$0xC] =	stream.linear.gather [hbm4b:s20+s1], $0x80, $0x38;
	[tilespmem:$0x10500] =	vst v63  }
0xae: {  	s2 =	sadd.s32 s3, s31;
	s8 =	sadd.s32 s4, s8;
	s14 =	sand.u32 $0x1FFFFFF0, s15  }
0xaf: {  	[tilespmem:s11], [sflag:$0x5] =	stream.linear.gather [hbm4b:s2+s1], $0x80, $0x38;
	[tilespmem:$0x10500] =	vst v63  }
0xb0: {  	s19 =	simm.s32 $0x8B80;
	s16 =	spop (v2sf);
	s17 =	sadd.s32 s3, s14  }
0xb1: {  	[tilespmem:s12], [sflag:$0xD] =	stream.linear.gather [hbm4b:s8+s1], $0x80, $0x38;
	[tilespmem:$0x10500] =	vst v63  }
0xb2: {  	s11 =	simm.s32 $0x8C80;
	s18 =	sand.u32 $0x1FFFFFF0, s16;
	s20 =	spop (v2sf)  }
0xb3: {  	[tilespmem:s13], [sflag:$0x6] =	stream.linear.gather [hbm4b:s17+s1], $0x80, $0x38;
	[tilespmem:$0x10500] =	vst v63  }
0xb4: {  	s14 =	sadd.s32 s4, s18;
	s25 =	sand.u32 $0x1FFFFFF0, s20;
	s31 =	spop (v2sf)  }
0xb5: {  	[tilespmem:s19], [sflag:$0xE] =	stream.linear.gather [hbm4b:s14+s1], $0x80, $0x38;
	[tilespmem:$0x10500] =	vst v63  }
0xb6: {  	s8 =	sand.u32 $0x1FFFFFF0, s31;
	s13 =	spop (v2sf);
	s14 =	sadd.s32 s3, s25  }
.LBB2_2:
0xb7: {  	[tilespmem:s29], [sflag:$0x7] =	stream.linear.gather [hbm4b:s14+s1], $0x80, $0x38;
	[tilespmem:$0x10500] =	vst v63  }
0xb8: {  	s29 =	smov.u32 s26;
	s8 =	sadd.s32 s4, s8  }
0xb9: {  	s13 =	sand.u32 $0x1FFFFFF0, s13;
	p0 =	sne.s32 s26, $0x1E000;
	s14 =	spop (v2sf)  }
0xba: {  	[tilespmem:s30], [sflag:$0xF] =	stream.linear.gather [hbm4b:s8+s1], $0x80, $0x38;
	[tilespmem:$0x10500] =	vst v63  }
0xbb: {  	s8 =	sadd.s32 $0xC80, s10;
	s10 =	sadd.s32 s3, s13;
	s13 =	sand.u32 $0x1FFFFFF0, s14  }
0xbc: {  	[tilespmem:s8], [sflag:$0x8] =	stream.linear.gather [hbm4b:s10+s1], $0x80, $0x38;
	[tilespmem:$0x10500] =	vst v63  }
0xbd: {  	s26 =	sadd.s32 $0x1000, s26;
	s0 =	simm.s32 $0x1;
	s8 =	sadd.s32 s4, s13  }
0xbe: {  	[tilespmem:s11], [sflag:$0x10] =	stream.linear.gather [hbm4b:s8+s1], $0x80, $0x38;
	[tilespmem:$0x10500] =	vst v63  }
0xbf: {  	_ =	swait.ge [sflag:s0], $0x80  }
0xc0: {  	[sflag:s0] =	ssyncset.done $0x0  }
0xc1: {  	[sflag:s0] =	ssyncadd.s32 $0xFFFFFF80;
	s0 =	simm.s32 $0x9  }
0xc2: {  	_ =	swait.ge [sflag:s0], $0x80  }
0xc3: {  	[sflag:s0] =	ssyncset.done $0x0  }
0xc4: {  	[sflag:s0] =	ssyncadd.s32 $0xFFFFFF80;
	s0 =	simm.s32 $0x2  }
0xc5: {  	_ =	swait.ge [sflag:s0], $0x80  }
0xc6: {  	[sflag:s0] =	ssyncset.done $0x0  }
0xc7: {  	[sflag:s0] =	ssyncadd.s32 $0xFFFFFF80;
	s0 =	simm.s32 $0xA  }
0xc8: {  	_ =	swait.ge [sflag:s0], $0x80  }
0xc9: {  	[sflag:s0] =	ssyncset.done $0x0  }
0xca: {  	[sflag:s0] =	ssyncadd.s32 $0xFFFFFF80;
	s0 =	simm.s32 $0x3  }
0xcb: {  	_ =	swait.ge [sflag:s0], $0x80  }
0xcc: {  	[sflag:s0] =	ssyncset.done $0x0  }
0xcd: {  	[sflag:s0] =	ssyncadd.s32 $0xFFFFFF80;
	s0 =	simm.s32 $0xB  }
0xce: {  	_ =	swait.ge [sflag:s0], $0x80  }
0xcf: {  	[sflag:s0] =	ssyncset.done $0x0  }
0xd0: {  	[sflag:s0] =	ssyncadd.s32 $0xFFFFFF80;
	s0 =	simm.s32 $0x4  }
0xd1: {  	_ =	swait.ge [sflag:s0], $0x80  }
0xd2: {  	[sflag:s0] =	ssyncset.done $0x0  }
0xd3: {  	[sflag:s0] =	ssyncadd.s32 $0xFFFFFF80;
	s0 =	simm.s32 $0xC  }
0xd4: {  	_ =	swait.ge [sflag:s0], $0x80  }
0xd5: {  	[sflag:s0] =	ssyncset.done $0x0  }
0xd6: {  	[sflag:s0] =	ssyncadd.s32 $0xFFFFFF80;
	s0 =	simm.s32 $0x5  }
0xd7: {  	_ =	swait.ge [sflag:s0], $0x80  }
0xd8: {  	[sflag:s0] =	ssyncset.done $0x0  }
0xd9: {  	[sflag:s0] =	ssyncadd.s32 $0xFFFFFF80  }
0xda: {  	_ =	swait.ge [sflag:s21], $0x80  }
0xdb: {  	[sflag:s21] =	ssyncset.done $0x0  }
0xdc: {  	[sflag:s21] =	ssyncadd.s32 $0xFFFFFF80  }
0xdd: {  	_ =	swait.ge [sflag:s5], $0x80  }
0xde: {  	[sflag:s5] =	ssyncset.done $0x0  }
0xdf: {  	[sflag:s5] =	ssyncadd.s32 $0xFFFFFF80  }
0xe0: {  	_ =	swait.ge [sflag:s22], $0x80  }
0xe1: {  	[sflag:s22] =	ssyncset.done $0x0  }
0xe2: {  	[sflag:s22] =	ssyncadd.s32 $0xFFFFFF80  }
0xe3: {  	_ =	swait.ge [sflag:s6], $0x80  }
0xe4: {  	[sflag:s6] =	ssyncset.done $0x0  }
0xe5: {  	[sflag:s6] =	ssyncadd.s32 $0xFFFFFF80  }
0xe6: {  	_ =	swait.ge [sflag:s23], $0x80  }
0xe7: {  	[sflag:s23] =	ssyncset.done $0x0  }
0xe8: {  	[sflag:s23] =	ssyncadd.s32 $0xFFFFFF80  }
0xe9: {  	_ =	swait.ge [sflag:s24], $0x80  }
0xea: {  	[sflag:s24] =	ssyncset.done $0x0  }
0xeb: {  	[sflag:s24] =	ssyncadd.s32 $0xFFFFFF80  }
0xec: {  	_ =	swait.ge [sflag:s7], $0x80  }
0xed: {  	[sflag:s7] =	ssyncset.done $0x0  }
0xee: {  	[sflag:s7] =	ssyncadd.s32 $0xFFFFFF80  }
0xef: {  	v0 =	vld [tilespmem:s9+$0x0]  }
0xf0: {  	v1 =	vld [tilespmem:s28+$0x0];
	_ =	sdelay $0x3  }
0xf1: {  	v0 =	vshll.u32 v0, $0x4  }
0xf2: {  	v1 =	vshll.u32 v1, $0x4;
	(v2sf) =	vpush v0, $0x0  }
0xf3: {  	(v2sf) =	vpush v1, $0x0  }
0xf4: {  	(v2sf) =	vpush v1, $0x1  }
0xf5: {  	(v2sf) =	vpush v0, $0x1;
	_ =	sdelay $0x1  }
0xf6: {  	(v2sf) =	vpush v1, $0x2;
	_ =	sdelay $0x3  }
0xf7: {  	(v2sf) =	vpush v0, $0x2;
	_ =	sdelay $0x1  }
0xf8: {  	s10 =	sshra.s32 s29, $0x2;
	s9 =	sadd.s32 $0x8, s9;
	s28 =	sadd.s32 $0x8, s28;
	(v2sf) =	vpush v1, $0x3  }
0xf9: {  	s2 =	sadd.s32 $0xA00, s10;
	s14 =	sadd.s32 $0xB80, s10;
	s0 =	sadd.s32 $0x8900, s10  }
0xfa: {  	s12 =	sadd.s32 $0x900, s10;
	s16 =	sadd.s32 $0x8A00, s10;
	s13 =	sadd.s32 $0xB00, s10;
	(v2sf) =	vpush v0, $0x3  }
0xfb: {  	s31 =	sadd.s32 $0xA80, s10;
	s30 =	sadd.s32 $0x8C00, s10;
	s8 =	sadd.s32 $0x8A80, s10  }
0xfc: {  	s25 =	sadd.s32 $0x8B00, s10;
	s11 =	sadd.s32 $0x8C80, s10;
	s15 =	spop (v2sf);
	(v2sf) =	vpush v1, $0x4  }
0xfd: {  	s17 =	sand.u32 $0x1FFFFFF0, s15;
	s15 =	sadd.s32 $0x8B80, s10;
	s29 =	spop (v2sf)  }
0xfe: {  	s18 =	sand.u32 $0x1FFFFFF0, s29;
	s29 =	sadd.s32 $0xC00, s10;
	s19 =	spop (v2sf);
	(v2sf) =	vpush v0, $0x4  }
0xff: {  	s18 =	sadd.s32 s3, s18;
	s19 =	sand.u32 $0x1FFFFFF0, s19;
	s20 =	spop (v2sf)  }
0x100: {  	[tilespmem:s12], [sflag:$0x1] =	stream.linear.gather [hbm4b:s18+s1], $0x80, $0x38;
	(v2sf) =	vpush v1, $0x5;
	[tilespmem:$0x10500] =	vst v63  }
0x101: {  	s12 =	sadd.s32 s4, s17;
	s17 =	sand.u32 $0x1FFFFFF0, s20;
	s18 =	spop (v2sf)  }
0x102: {  	[tilespmem:s0], [sflag:$0x9] =	stream.linear.gather [hbm4b:s12+s1], $0x80, $0x38;
	(v2sf) =	vpush v0, $0x5;
	[tilespmem:$0x10500] =	vst v63  }
0x103: {  	s0 =	sadd.s32 $0x980, s10;
	s12 =	sadd.s32 s3, s19;
	s18 =	sand.u32 $0x1FFFFFF0, s18  }
0x104: {  	[tilespmem:s0], [sflag:$0x2] =	stream.linear.gather [hbm4b:s12+s1], $0x80, $0x38;
	(v2sf) =	vpush v1, $0x6;
	[tilespmem:$0x10500] =	vst v63  }
0x105: {  	s0 =	sadd.s32 $0x8980, s10;
	s12 =	sadd.s32 s4, s17;
	s17 =	spop (v2sf)  }
0x106: {  	[tilespmem:s0], [sflag:$0xA] =	stream.linear.gather [hbm4b:s12+s1], $0x80, $0x38;
	(v2sf) =	vpush v0, $0x6;
	[tilespmem:$0x10500] =	vst v63  }
0x107: {  	s0 =	sadd.s32 s3, s18;
	s12 =	sand.u32 $0x1FFFFFF0, s17;
	s17 =	spop (v2sf)  }
0x108: {  	[tilespmem:s2], [sflag:$0x3] =	stream.linear.gather [hbm4b:s0+s1], $0x80, $0x38;
	(v2sf) =	vpush v1, $0x7;
	[tilespmem:$0x10500] =	vst v63  }
0x109: {  	s0 =	sadd.s32 s4, s12;
	s2 =	sand.u32 $0x1FFFFFF0, s17;
	s12 =	spop (v2sf)  }
0x10a: {  	[tilespmem:s16], [sflag:$0xB] =	stream.linear.gather [hbm4b:s0+s1], $0x80, $0x38;
	(v2sf) =	vpush v0, $0x7;
	[tilespmem:$0x10500] =	vst v63  }
0x10b: {  	s0 =	sadd.s32 s3, s2;
	s2 =	sand.u32 $0x1FFFFFF0, s12;
	s12 =	spop (v2sf)  }
0x10c: {  	[tilespmem:s31], [sflag:$0x4] =	stream.linear.gather [hbm4b:s0+s1], $0x80, $0x38;
	[tilespmem:$0x10500] =	vst v63  }
0x10d: {  	s0 =	sadd.s32 s4, s2;
	s2 =	sand.u32 $0x1FFFFFF0, s12;
	s12 =	spop (v2sf)  }
0x10e: {  	[tilespmem:s8], [sflag:$0xC] =	stream.linear.gather [hbm4b:s0+s1], $0x80, $0x38;
	[tilespmem:$0x10500] =	vst v63  }
0x10f: {  	s0 =	sadd.s32 s3, s2;
	s2 =	sand.u32 $0x1FFFFFF0, s12;
	s8 =	spop (v2sf)  }
0x110: {  	[tilespmem:s13], [sflag:$0x5] =	stream.linear.gather [hbm4b:s0+s1], $0x80, $0x38;
	[tilespmem:$0x10500] =	vst v63  }
0x111: {  	s0 =	sadd.s32 s4, s2;
	s2 =	sand.u32 $0x1FFFFFF0, s8;
	s8 =	spop (v2sf)  }
0x112: {  	[tilespmem:s25], [sflag:$0xD] =	stream.linear.gather [hbm4b:s0+s1], $0x80, $0x38;
	[tilespmem:$0x10500] =	vst v63  }
0x113: {  	s0 =	sadd.s32 s3, s2  }
.Ltmp0:
0x114: {  	s2 =	sand.u32 $0x1FFFFFF0, s8;
	s8 =	spop (v2sf);
	(pc) =	sbr.rel @p0 .LBB2_2-.Ltmp0, $4  }
0x115: {  	[tilespmem:s14], [sflag:$0x6] =	stream.linear.gather [hbm4b:s0+s1], $0x80, $0x38;
	[tilespmem:$0x10500] =	vst v63  }
0x116: {  	s0 =	sadd.s32 s4, s2;
	s2 =	sand.u32 $0x1FFFFFF0, s8;
	s8 =	spop (v2sf)  }
0x117: {  	[tilespmem:s15], [sflag:$0xE] =	stream.linear.gather [hbm4b:s0+s1], $0x80, $0x38;
	[tilespmem:$0x10500] =	vst v63  }
0x118: {  	s14 =	sadd.s32 s3, s2;
	s8 =	sand.u32 $0x1FFFFFF0, s8;
	s13 =	spop (v2sf)  }
0x119: {  	[tilespmem:s29], [sflag:$0x7] =	stream.linear.gather [hbm4b:s14+s1], $0x80, $0x38;
	[tilespmem:$0x10500] =	vst v63  }
0x11a: {  	s0 =	sadd.s32 s4, s8;
	s2 =	sand.u32 $0x1FFFFFF0, s13;
	s17 =	spop (v2sf)  }
0x11b: {  	[tilespmem:s30], [sflag:$0xF] =	stream.linear.gather [hbm4b:s0+s1], $0x80, $0x38;
	[tilespmem:$0x10500] =	vst v63  }
0x11c: {  	s18 =	sadd.s32 $0xC80, s10;
	s2 =	sadd.s32 s3, s2;
	s8 =	sand.u32 $0x1FFFFFF0, s17  }
0x11d: {  	[tilespmem:s18], [sflag:$0x8] =	stream.linear.gather [hbm4b:s2+s1], $0x80, $0x38;
	[tilespmem:$0x10500] =	vst v63  }
0x11e: {  	s10 =	simm.s32 $0x1;
	s19 =	sadd.s32 s4, s8  }
0x11f: {  	[tilespmem:s11], [sflag:$0x10] =	stream.linear.gather [hbm4b:s19+s1], $0x80, $0x38;
	[tilespmem:$0x10500] =	vst v63  }
0x120: {  	_ =	swait.ge [sflag:s10], $0x80  }
0x121: {  	[sflag:s10] =	ssyncset.done $0x0  }
0x122: {  	s11 =	simm.s32 $0x9;
	[sflag:s10] =	ssyncadd.s32 $0xFFFFFF80  }
0x123: {  	_ =	swait.ge [sflag:s11], $0x80  }
0x124: {  	[sflag:s11] =	ssyncset.done $0x0  }
0x125: {  	s12 =	simm.s32 $0x2;
	[sflag:s11] =	ssyncadd.s32 $0xFFFFFF80  }
0x126: {  	_ =	swait.ge [sflag:s12], $0x80  }
0x127: {  	[sflag:s12] =	ssyncset.done $0x0  }
0x128: {  	s13 =	simm.s32 $0xA;
	[sflag:s12] =	ssyncadd.s32 $0xFFFFFF80  }
0x129: {  	_ =	swait.ge [sflag:s13], $0x80  }
0x12a: {  	[sflag:s13] =	ssyncset.done $0x0  }
0x12b: {  	s14 =	simm.s32 $0x3;
	[sflag:s13] =	ssyncadd.s32 $0xFFFFFF80  }
0x12c: {  	_ =	swait.ge [sflag:s14], $0x80  }
0x12d: {  	[sflag:s14] =	ssyncset.done $0x0  }
0x12e: {  	s15 =	simm.s32 $0xB;
	[sflag:s14] =	ssyncadd.s32 $0xFFFFFF80  }
0x12f: {  	_ =	swait.ge [sflag:s15], $0x80  }
0x130: {  	[sflag:s15] =	ssyncset.done $0x0  }
0x131: {  	s16 =	simm.s32 $0x4;
	[sflag:s15] =	ssyncadd.s32 $0xFFFFFF80  }
0x132: {  	_ =	swait.ge [sflag:s16], $0x80  }
0x133: {  	[sflag:s16] =	ssyncset.done $0x0  }
0x134: {  	s17 =	simm.s32 $0xC;
	[sflag:s16] =	ssyncadd.s32 $0xFFFFFF80  }
0x135: {  	_ =	swait.ge [sflag:s17], $0x80  }
0x136: {  	[sflag:s17] =	ssyncset.done $0x0  }
0x137: {  	s18 =	simm.s32 $0x5;
	[sflag:s17] =	ssyncadd.s32 $0xFFFFFF80  }
0x138: {  	_ =	swait.ge [sflag:s18], $0x80  }
0x139: {  	[sflag:s18] =	ssyncset.done $0x0  }
0x13a: {  	[sflag:s18] =	ssyncadd.s32 $0xFFFFFF80  }
0x13b: {  	_ =	swait.ge [sflag:s21], $0x80  }
0x13c: {  	[sflag:s21] =	ssyncset.done $0x0  }
0x13d: {  	[sflag:s21] =	ssyncadd.s32 $0xFFFFFF80  }
0x13e: {  	_ =	swait.ge [sflag:s5], $0x80  }
0x13f: {  	[sflag:s5] =	ssyncset.done $0x0  }
0x140: {  	[sflag:s5] =	ssyncadd.s32 $0xFFFFFF80  }
0x141: {  	_ =	swait.ge [sflag:s22], $0x80  }
0x142: {  	[sflag:s22] =	ssyncset.done $0x0  }
0x143: {  	[sflag:s22] =	ssyncadd.s32 $0xFFFFFF80  }
0x144: {  	_ =	swait.ge [sflag:s6], $0x80  }
0x145: {  	[sflag:s6] =	ssyncset.done $0x0  }
0x146: {  	[sflag:s6] =	ssyncadd.s32 $0xFFFFFF80  }
0x147: {  	_ =	swait.ge [sflag:s23], $0x80  }
0x148: {  	[sflag:s23] =	ssyncset.done $0x0  }
0x149: {  	[sflag:s23] =	ssyncadd.s32 $0xFFFFFF80  }
0x14a: {  	_ =	swait.ge [sflag:s24], $0x80  }
0x14b: {  	[sflag:s24] =	ssyncset.done $0x0  }
0x14c: {  	[sflag:s24] =	ssyncadd.s32 $0xFFFFFF80  }
0x14d: {  	_ =	swait.ge [sflag:s7], $0x80  }
0x14e: {  	s9 =	simm.s32 $0x0;
	s25 =	simm.s32 $0x500;
	[sflag:s7] =	ssyncset.done $0x0  }
0x14f: {  	s19 =	simm.s32 $0x12;
	s20 =	rddreg [dreg:$0x6];
	[sflag:s7] =	ssyncadd.s32 $0xFFFFFF80  }
0x150: {  	[hbm4b:s20+s9] =	stream.linear.scatter [tilespmem:s25], [sflag:$0x12], $0x8000, $0x38;
	[tilespmem:$0x10500] =	vst v63  }
0x151: {  	_ =	swait.ge [sflag:s19], $0x8000  }
0x152: {  	[sflag:s19] =	ssyncset.done $0x0  }
0x153: {  	s31 =	simm.s32 $0x8500;
	s26 =	rddreg [dreg:$0x7];
	[sflag:s19] =	ssyncadd.s32 $0xFFFF8000  }
0x154: {  	[hbm4b:s26+s9] =	stream.linear.scatter [tilespmem:s31], [sflag:$0x12], $0x8000, $0x38;
	[tilespmem:$0x10500] =	vst v63  }
0x155: {  	_ =	swait.ge [sflag:s19], $0x8000  }
0x156: {  	[sflag:s19] =	ssyncset.done $0x0  }
0x157: {  	[sflag:s19] =	ssyncadd.s32 $0xFFFF8000  }
0x158: {  	v0 =	vld [tilespmem:$0x100];
	_ =	sdelay $0x3  }
0x159: {  	v1 =	vld [tilespmem:$0x380]  }
0x15a: {  	v0 =	vshll.u32 v0, $0x4  }
0x15b: {  	(v2sf) =	vpush v0, $0x0;
	_ =	sdelay $0x2  }
0x15c: {  	v1 =	vshll.u32 v1, $0x4  }
0x15d: {  	(v2sf) =	vpush v1, $0x0;
	_ =	sdelay $0x1  }
0x15e: {  	(v2sf) =	vpush v0, $0x1;
	_ =	sdelay $0x1  }
0x15f: {  	(v2sf) =	vpush v1, $0x1  }
0x160: {  	(v2sf) =	vpush v0, $0x2;
	_ =	sdelay $0x2  }
0x161: {  	(v2sf) =	vpush v1, $0x2;
	_ =	sdelay $0x1  }
0x162: {  	(v2sf) =	vpush v0, $0x3  }
0x163: {  	s20 =	spop (v2sf)  }
0x164: {  	s0 =	sand.u32 $0x1FFFFFF0, s20  }
0x165: {  	s0 =	sadd.s32 s3, s0  }
0x166: {  	[tilespmem:s25], [sflag:$0x1] =	stream.linear.gather [hbm4b:s0+s9], $0x80, $0x38;
	[tilespmem:$0x10500] =	vst v63  }
0x167: {  	s25 =	spop (v2sf)  }
0x168: {  	(v2sf) =	vpush v1, $0x3;
	s0 =	sand.u32 $0x1FFFFFF0, s25  }
0x169: {  	s26 =	spop (v2sf);
	s0 =	sadd.s32 s4, s0  }
0x16a: {  	[tilespmem:s31], [sflag:$0x9] =	stream.linear.gather [hbm4b:s0+s9], $0x80, $0x38;
	[tilespmem:$0x10500] =	vst v63  }
0x16b: {  	s8 =	spop (v2sf);
	s0 =	sand.u32 $0x1FFFFFF0, s26  }
0x16c: {  	s31 =	simm.s32 $0x580;
	s20 =	spop (v2sf);
	s0 =	sadd.s32 s3, s0  }
0x16d: {  	(v2sf) =	vpush v0, $0x4;
	[tilespmem:s31], [sflag:$0x2] =	stream.linear.gather [hbm4b:s0+s9], $0x80, $0x38;
	[tilespmem:$0x10500] =	vst v63  }
0x16e: {  	s0 =	sand.u32 $0x1FFFFFF0, s8  }
0x16f: {  	s19 =	simm.s32 $0x8580;
	s26 =	spop (v2sf);
	(v2sf) =	vpush v1, $0x4;
	s0 =	sadd.s32 s4, s0  }
0x170: {  	[tilespmem:s19], [sflag:$0xA] =	stream.linear.gather [hbm4b:s0+s9], $0x80, $0x38;
	[tilespmem:$0x10500] =	vst v63  }
0x171: {  	s8 =	spop (v2sf);
	(v2sf) =	vpush v0, $0x5;
	s0 =	sand.u32 $0x1FFFFFF0, s20  }
0x172: {  	s25 =	simm.s32 $0x600;
	s0 =	sadd.s32 s3, s0  }
0x173: {  	[tilespmem:s25], [sflag:$0x3] =	stream.linear.gather [hbm4b:s0+s9], $0x80, $0x38;
	[tilespmem:$0x10500] =	vst v63  }
0x174: {  	s0 =	sand.u32 $0x1FFFFFF0, s26  }
0x175: {  	s31 =	simm.s32 $0x8600;
	s0 =	sadd.s32 s4, s0  }
0x176: {  	[tilespmem:s31], [sflag:$0xB] =	stream.linear.gather [hbm4b:s0+s9], $0x80, $0x38;
	[tilespmem:$0x10500] =	vst v63  }
0x177: {  	s20 =	spop (v2sf);
	(v2sf) =	vpush v1, $0x5  }
0x178: {  	s0 =	sand.u32 $0x1FFFFFF0, s8  }
0x179: {  	s19 =	simm.s32 $0x680;
	s0 =	sadd.s32 s3, s0  }
0x17a: {  	[tilespmem:s19], [sflag:$0x4] =	stream.linear.gather [hbm4b:s0+s9], $0x80, $0x38;
	[tilespmem:$0x10500] =	vst v63  }
0x17b: {  	s0 =	sand.u32 $0x1FFFFFF0, s20  }
0x17c: {  	s25 =	simm.s32 $0x8680;
	s0 =	sadd.s32 s4, s0;
	s26 =	spop (v2sf);
	(v2sf) =	vpush v0, $0x6  }
0x17d: {  	[tilespmem:s25], [sflag:$0xC] =	stream.linear.gather [hbm4b:s0+s9], $0x80, $0x38;
	[tilespmem:$0x10500] =	vst v63  }
0x17e: {  	s8 =	spop (v2sf);
	(v2sf) =	vpush v1, $0x6  }
0x17f: {  	s0 =	sand.u32 $0x1FFFFFF0, s26  }
0x180: {  	s31 =	simm.s32 $0x700;
	s0 =	sadd.s32 s3, s0;
	s20 =	spop (v2sf)  }
0x181: {  	(v2sf) =	vpush v0, $0x7;
	[tilespmem:s31], [sflag:$0x5] =	stream.linear.gather [hbm4b:s0+s9], $0x80, $0x38;
	[tilespmem:$0x10500] =	vst v63  }
0x182: {  	s0 =	sand.u32 $0x1FFFFFF0, s8  }
0x183: {  	s19 =	simm.s32 $0x8700;
	s0 =	sadd.s32 s4, s0  }
0x184: {  	[tilespmem:s19], [sflag:$0xD] =	stream.linear.gather [hbm4b:s0+s9], $0x80, $0x38;
	[tilespmem:$0x10500] =	vst v63  }
0x185: {  	s0 =	sand.u32 $0x1FFFFFF0, s20  }
0x186: {  	s25 =	simm.s32 $0x780;
	s0 =	sadd.s32 s3, s0;
	s26 =	spop (v2sf);
	(v2sf) =	vpush v1, $0x7  }
0x187: {  	[tilespmem:s25], [sflag:$0x6] =	stream.linear.gather [hbm4b:s0+s9], $0x80, $0x38;
	[tilespmem:$0x10500] =	vst v63  }
0x188: {  	s0 =	sand.u32 $0x1FFFFFF0, s26  }
0x189: {  	s31 =	simm.s32 $0x8780;
	s0 =	sadd.s32 s4, s0  }
0x18a: {  	[tilespmem:s31], [sflag:$0xE] =	stream.linear.gather [hbm4b:s0+s9], $0x80, $0x38;
	[tilespmem:$0x10500] =	vst v63  }
0x18b: {  	s8 =	spop (v2sf)  }
0x18c: {  	s0 =	sand.u32 $0x1FFFFFF0, s8  }
0x18d: {  	s19 =	simm.s32 $0x800;
	s20 =	spop (v2sf);
	s0 =	sadd.s32 s3, s0  }
0x18e: {  	[tilespmem:s19], [sflag:$0x7] =	stream.linear.gather [hbm4b:s0+s9], $0x80, $0x38;
	[tilespmem:$0x10500] =	vst v63  }
0x18f: {  	s0 =	sand.u32 $0x1FFFFFF0, s20  }
0x190: {  	s25 =	simm.s32 $0x8800;
	s26 =	spop (v2sf);
	s0 =	sadd.s32 s4, s0  }
0x191: {  	[tilespmem:s25], [sflag:$0xF] =	stream.linear.gather [hbm4b:s0+s9], $0x80, $0x38;
	[tilespmem:$0x10500] =	vst v63  }
0x192: {  	s0 =	sand.u32 $0x1FFFFFF0, s26  }
0x193: {  	s31 =	simm.s32 $0x880;
	s0 =	sadd.s32 s3, s0  }
0x194: {  	[tilespmem:s31], [sflag:$0x8] =	stream.linear.gather [hbm4b:s0+s9], $0x80, $0x38;
	[tilespmem:$0x10500] =	vst v63  }
0x195: {  	s2 =	spop (v2sf)  }
0x196: {  	s0 =	sand.u32 $0x1FFFFFF0, s2  }
0x197: {  	s8 =	simm.s32 $0x8880;
	s0 =	sadd.s32 s4, s0  }
0x198: {  	[tilespmem:s8], [sflag:$0x10] =	stream.linear.gather [hbm4b:s0+s9], $0x80, $0x38;
	[tilespmem:$0x10500] =	vst v63  }
0x199: {  	_ =	swait.ge [sflag:s10], $0x80  }
0x19a: {  	[sflag:s10] =	ssyncset.done $0x0  }
0x19b: {  	[sflag:s10] =	ssyncadd.s32 $0xFFFFFF80  }
0x19c: {  	_ =	swait.ge [sflag:s11], $0x80  }
0x19d: {  	[sflag:s11] =	ssyncset.done $0x0  }
0x19e: {  	[sflag:s11] =	ssyncadd.s32 $0xFFFFFF80  }
0x19f: {  	_ =	swait.ge [sflag:s12], $0x80  }
0x1a0: {  	[sflag:s12] =	ssyncset.done $0x0  }
0x1a1: {  	[sflag:s12] =	ssyncadd.s32 $0xFFFFFF80  }
0x1a2: {  	_ =	swait.ge [sflag:s13], $0x80  }
0x1a3: {  	[sflag:s13] =	ssyncset.done $0x0  }
0x1a4: {  	[sflag:s13] =	ssyncadd.s32 $0xFFFFFF80  }
0x1a5: {  	_ =	swait.ge [sflag:s14], $0x80  }
0x1a6: {  	[sflag:s14] =	ssyncset.done $0x0  }
0x1a7: {  	[sflag:s14] =	ssyncadd.s32 $0xFFFFFF80  }
0x1a8: {  	_ =	swait.ge [sflag:s15], $0x80  }
0x1a9: {  	[sflag:s15] =	ssyncset.done $0x0  }
0x1aa: {  	[sflag:s15] =	ssyncadd.s32 $0xFFFFFF80  }
0x1ab: {  	_ =	swait.ge [sflag:s16], $0x80  }
0x1ac: {  	[sflag:s16] =	ssyncset.done $0x0  }
0x1ad: {  	[sflag:s16] =	ssyncadd.s32 $0xFFFFFF80  }
0x1ae: {  	_ =	swait.ge [sflag:s17], $0x80  }
0x1af: {  	[sflag:s17] =	ssyncset.done $0x0  }
0x1b0: {  	[sflag:s17] =	ssyncadd.s32 $0xFFFFFF80  }
0x1b1: {  	_ =	swait.ge [sflag:s18], $0x80  }
0x1b2: {  	[sflag:s18] =	ssyncset.done $0x0  }
0x1b3: {  	[sflag:s18] =	ssyncadd.s32 $0xFFFFFF80  }
0x1b4: {  	_ =	swait.ge [sflag:s21], $0x80  }
0x1b5: {  	[sflag:s21] =	ssyncset.done $0x0  }
0x1b6: {  	[sflag:s21] =	ssyncadd.s32 $0xFFFFFF80  }
0x1b7: {  	_ =	swait.ge [sflag:s5], $0x80  }
0x1b8: {  	[sflag:s5] =	ssyncset.done $0x0  }
0x1b9: {  	[sflag:s5] =	ssyncadd.s32 $0xFFFFFF80  }
0x1ba: {  	_ =	swait.ge [sflag:s22], $0x80  }
0x1bb: {  	[sflag:s22] =	ssyncset.done $0x0  }
0x1bc: {  	[sflag:s22] =	ssyncadd.s32 $0xFFFFFF80  }
0x1bd: {  	_ =	swait.ge [sflag:s6], $0x80  }
0x1be: {  	[sflag:s6] =	ssyncset.done $0x0  }
0x1bf: {  	[sflag:s6] =	ssyncadd.s32 $0xFFFFFF80  }
0x1c0: {  	_ =	swait.ge [sflag:s23], $0x80  }
0x1c1: {  	[sflag:s23] =	ssyncset.done $0x0  }
0x1c2: {  	[sflag:s23] =	ssyncadd.s32 $0xFFFFFF80  }
0x1c3: {  	_ =	swait.ge [sflag:s24], $0x80  }
0x1c4: {  	[sflag:s24] =	ssyncset.done $0x0  }
0x1c5: {  	[sflag:s24] =	ssyncadd.s32 $0xFFFFFF80  }
0x1c6: {  	_ =	swait.ge [sflag:s7], $0x80  }
0x1c7: {  	[sflag:s7] =	ssyncset.done $0x0  }
0x1c8: {  	s19 =	simm.s32 $0x388;
	[sflag:s7] =	ssyncadd.s32 $0xFFFFFF80  }
0x1c9: {  	s20 =	simm.s32 $0x108;
	v62 =	vld [tilespmem:s19+$0x0]  }
0x1ca: {  	v63 =	vld [tilespmem:s20+$0x0];
	_ =	sdelay $0x3  }
0x1cb: {  	v0 =	vshll.u32 v62, $0x4  }
0x1cc: {  	v1 =	vshll.u32 v63, $0x4;
	(v2sf) =	vpush v0, $0x0  }
0x1cd: {  	(v2sf) =	vpush v1, $0x0  }
0x1ce: {  	(v2sf) =	vpush v1, $0x1  }
0x1cf: {  	(v2sf) =	vpush v0, $0x1;
	_ =	sdelay $0x1  }
0x1d0: {  	(v2sf) =	vpush v1, $0x2;
	_ =	sdelay $0x2  }
0x1d1: {  	(v2sf) =	vpush v0, $0x2;
	_ =	sdelay $0x1  }
0x1d2: {  	(v2sf) =	vpush v1, $0x3;
	_ =	sdelay $0x1  }
0x1d3: {  	s28 =	simm.s32 $0x110;
	(v2sf) =	vpush v0, $0x3  }
0x1d4: {  	s29 =	simm.s32 $0xC00;
	s30 =	simm.s32 $0x8C00;
	s26 =	simm.s32 $0x1000  }
0x1d5: {  	s31 =	simm.s32 $0x8900;
	s9 =	simm.s32 $0x390;
	s10 =	simm.s32 $0x0  }
0x1d6: {  	s11 =	simm.s32 $0xA00;
	s13 =	simm.s32 $0x900;
	s25 =	spop (v2sf)  }
0x1d7: {  	s19 =	simm.s32 $0x980;
	s20 =	simm.s32 $0x8980;
	(v2sf) =	vpush v1, $0x4;
	s12 =	spop (v2sf)  }
0x1d8: {  	s0 =	sand.u32 $0x1FFFFFF0, s25;
	s8 =	sand.u32 $0x1FFFFFF0, s12;
	s14 =	spop (v2sf)  }
0x1d9: {  	(v2sf) =	vpush v0, $0x4;
	s0 =	sadd.s32 s4, s0;
	s8 =	sadd.s32 s3, s8;
	s15 =	spop (v2sf)  }
0x1da: {  	[tilespmem:s13], [sflag:$0x1] =	stream.linear.gather [hbm4b:s8+s1], $0x80, $0x38;
	[tilespmem:$0x10500] =	vst v63  }
0x1db: {  	s16 =	sand.u32 $0x1FFFFFF0, s14;
	s14 =	simm.s32 $0xB00;
	s18 =	spop (v2sf)  }
0x1dc: {  	s8 =	simm.s32 $0xB80;
	s17 =	sand.u32 $0x1FFFFFF0, s15;
	s12 =	sand.u32 $0x1FFFFFF0, s18  }
0x1dd: {  	(v2sf) =	vpush v1, $0x5;
	[tilespmem:s31], [sflag:$0x9] =	stream.linear.gather [hbm4b:s0+s1], $0x80, $0x38;
	[tilespmem:$0x10500] =	vst v63  }
0x1de: {  	(v2sf) =	vpush v0, $0x5;
	s2 =	sadd.s32 s4, s17;
	s25 =	spop (v2sf);
	s0 =	sadd.s32 s3, s16  }
0x1df: {  	[tilespmem:s19], [sflag:$0x2] =	stream.linear.gather [hbm4b:s0+s1], $0x80, $0x38;
	[tilespmem:$0x10500] =	vst v63  }
0x1e0: {  	(v2sf) =	vpush v1, $0x6;
	s31 =	simm.s32 $0x8A00;
	s12 =	sadd.s32 s3, s12;
	s15 =	spop (v2sf)  }
0x1e1: {  	(v2sf) =	vpush v0, $0x6;
	[tilespmem:s20], [sflag:$0xA] =	stream.linear.gather [hbm4b:s2+s1], $0x80, $0x38;
	[tilespmem:$0x10500] =	vst v63  }
0x1e2: {  	s13 =	sand.u32 $0x1FFFFFF0, s25;
	s16 =	simm.s32 $0xA80;
	s17 =	spop (v2sf)  }
0x1e3: {  	(v2sf) =	vpush v1, $0x7;
	[tilespmem:s11], [sflag:$0x3] =	stream.linear.gather [hbm4b:s12+s1], $0x80, $0x38;
	[tilespmem:$0x10500] =	vst v63  }
0x1e4: {  	s19 =	simm.s32 $0x8A80;
	s12 =	sadd.s32 s4, s13;
	s11 =	sand.u32 $0x1FFFFFF0, s15  }
0x1e5: {  	[tilespmem:s31], [sflag:$0xB] =	stream.linear.gather [hbm4b:s12+s1], $0x80, $0x38;
	[tilespmem:$0x10500] =	vst v63  }
0x1e6: {  	s11 =	sadd.s32 s3, s11;
	s12 =	sand.u32 $0x1FFFFFF0, s17;
	s18 =	spop (v2sf)  }
0x1e7: {  	(v2sf) =	vpush v0, $0x7;
	[tilespmem:s16], [sflag:$0x4] =	stream.linear.gather [hbm4b:s11+s1], $0x80, $0x38;
	[tilespmem:$0x10500] =	vst v63  }
0x1e8: {  	s20 =	sadd.s32 s4, s12;
	s25 =	sand.u32 $0x1FFFFFF0, s18;
	s31 =	spop (v2sf)  }
0x1e9: {  	[tilespmem:s19], [sflag:$0xC] =	stream.linear.gather [hbm4b:s20+s1], $0x80, $0x38;
	[tilespmem:$0x10500] =	vst v63  }
0x1ea: {  	s13 =	simm.s32 $0x8B00;
	s12 =	sadd.s32 s3, s25;
	s0 =	sand.u32 $0x1FFFFFF0, s31  }
0x1eb: {  	[tilespmem:s14], [sflag:$0x5] =	stream.linear.gather [hbm4b:s12+s1], $0x80, $0x38;
	[tilespmem:$0x10500] =	vst v63  }
0x1ec: {  	s11 =	simm.s32 $0x8C80;
	s0 =	sadd.s32 s4, s0;
	s14 =	spop (v2sf)  }
0x1ed: {  	s19 =	simm.s32 $0x8B80;
	s15 =	sand.u32 $0x1FFFFFF0, s14;
	s16 =	spop (v2sf)  }
0x1ee: {  	[tilespmem:s13], [sflag:$0xD] =	stream.linear.gather [hbm4b:s0+s1], $0x80, $0x38;
	[tilespmem:$0x10500] =	vst v63  }
0x1ef: {  	s17 =	sadd.s32 s3, s15;
	s18 =	sand.u32 $0x1FFFFFF0, s16;
	s20 =	spop (v2sf)  }
0x1f0: {  	s2 =	sadd.s32 s4, s18;
	s25 =	sand.u32 $0x1FFFFFF0, s20;
	s31 =	spop (v2sf)  }
0x1f1: {  	[tilespmem:s8], [sflag:$0x6] =	stream.linear.gather [hbm4b:s17+s1], $0x80, $0x38;
	[tilespmem:$0x10500] =	vst v63  }
0x1f2: {  	s14 =	sadd.s32 s3, s25;
	s13 =	sand.u32 $0x1FFFFFF0, s31;
	s8 =	spop (v2sf)  }
0x1f3: {  	[tilespmem:s19], [sflag:$0xE] =	stream.linear.gather [hbm4b:s2+s1], $0x80, $0x38;
	[tilespmem:$0x10500] =	vst v63  }
.LBB2_4:
0x1f4: {  	[tilespmem:s29], [sflag:$0x7] =	stream.linear.gather [hbm4b:s14+s1], $0x80, $0x38;
	[tilespmem:$0x10500] =	vst v63  }
0x1f5: {  	s29 =	smov.u32 s26  }
0x1f6: {  	s0 =	sadd.s32 s4, s13;
	s2 =	sand.u32 $0x1FFFFFF0, s8;
	s8 =	spop (v2sf)  }
0x1f7: {  	[tilespmem:s30], [sflag:$0xF] =	stream.linear.gather [hbm4b:s0+s1], $0x80, $0x38;
	[tilespmem:$0x10500] =	vst v63  }
0x1f8: {  	s2 =	sadd.s32 s3, s2;
	s0 =	sadd.s32 $0xC80, s10;
	s8 =	sand.u32 $0x1FFFFFF0, s8  }
0x1f9: {  	[tilespmem:s0], [sflag:$0x8] =	stream.linear.gather [hbm4b:s2+s1], $0x80, $0x38;
	[tilespmem:$0x10500] =	vst v63  }
0x1fa: {  	p0 =	sne.s32 s26, $0x1E000;
	s26 =	sadd.s32 $0x1000, s26;
	s0 =	sadd.s32 s4, s8  }
0x1fb: {  	[tilespmem:s11], [sflag:$0x10] =	stream.linear.gather [hbm4b:s0+s1], $0x80, $0x38;
	[tilespmem:$0x10500] =	vst v63  }
0x1fc: {  	s0 =	simm.s32 $0x1  }
0x1fd: {  	_ =	swait.ge [sflag:s0], $0x80  }
0x1fe: {  	[sflag:s0] =	ssyncset.done $0x0  }
0x1ff: {  	[sflag:s0] =	ssyncadd.s32 $0xFFFFFF80;
	s0 =	simm.s32 $0x9  }
0x200: {  	_ =	swait.ge [sflag:s0], $0x80  }
0x201: {  	[sflag:s0] =	ssyncset.done $0x0  }
0x202: {  	[sflag:s0] =	ssyncadd.s32 $0xFFFFFF80;
	s0 =	simm.s32 $0x2  }
0x203: {  	_ =	swait.ge [sflag:s0], $0x80  }
0x204: {  	[sflag:s0] =	ssyncset.done $0x0  }
0x205: {  	[sflag:s0] =	ssyncadd.s32 $0xFFFFFF80;
	s0 =	simm.s32 $0xA  }
0x206: {  	_ =	swait.ge [sflag:s0], $0x80  }
0x207: {  	[sflag:s0] =	ssyncset.done $0x0  }
0x208: {  	[sflag:s0] =	ssyncadd.s32 $0xFFFFFF80;
	s0 =	simm.s32 $0x3  }
0x209: {  	_ =	swait.ge [sflag:s0], $0x80  }
0x20a: {  	[sflag:s0] =	ssyncset.done $0x0  }
0x20b: {  	[sflag:s0] =	ssyncadd.s32 $0xFFFFFF80;
	s0 =	simm.s32 $0xB  }
0x20c: {  	_ =	swait.ge [sflag:s0], $0x80  }
0x20d: {  	[sflag:s0] =	ssyncset.done $0x0  }
0x20e: {  	[sflag:s0] =	ssyncadd.s32 $0xFFFFFF80;
	s0 =	simm.s32 $0x4  }
0x20f: {  	_ =	swait.ge [sflag:s0], $0x80  }
0x210: {  	[sflag:s0] =	ssyncset.done $0x0  }
0x211: {  	[sflag:s0] =	ssyncadd.s32 $0xFFFFFF80;
	s0 =	simm.s32 $0xC  }
0x212: {  	_ =	swait.ge [sflag:s0], $0x80  }
0x213: {  	[sflag:s0] =	ssyncset.done $0x0  }
0x214: {  	[sflag:s0] =	ssyncadd.s32 $0xFFFFFF80;
	s0 =	simm.s32 $0x5  }
0x215: {  	_ =	swait.ge [sflag:s0], $0x80  }
0x216: {  	[sflag:s0] =	ssyncset.done $0x0  }
0x217: {  	[sflag:s0] =	ssyncadd.s32 $0xFFFFFF80  }
0x218: {  	_ =	swait.ge [sflag:s21], $0x80  }
0x219: {  	[sflag:s21] =	ssyncset.done $0x0  }
0x21a: {  	[sflag:s21] =	ssyncadd.s32 $0xFFFFFF80  }
0x21b: {  	_ =	swait.ge [sflag:s5], $0x80  }
0x21c: {  	[sflag:s5] =	ssyncset.done $0x0  }
0x21d: {  	[sflag:s5] =	ssyncadd.s32 $0xFFFFFF80  }
0x21e: {  	_ =	swait.ge [sflag:s22], $0x80  }
0x21f: {  	[sflag:s22] =	ssyncset.done $0x0  }
0x220: {  	[sflag:s22] =	ssyncadd.s32 $0xFFFFFF80  }
0x221: {  	_ =	swait.ge [sflag:s6], $0x80  }
0x222: {  	[sflag:s6] =	ssyncset.done $0x0  }
0x223: {  	[sflag:s6] =	ssyncadd.s32 $0xFFFFFF80  }
0x224: {  	_ =	swait.ge [sflag:s23], $0x80  }
0x225: {  	[sflag:s23] =	ssyncset.done $0x0  }
0x226: {  	[sflag:s23] =	ssyncadd.s32 $0xFFFFFF80  }
0x227: {  	_ =	swait.ge [sflag:s24], $0x80  }
0x228: {  	[sflag:s24] =	ssyncset.done $0x0  }
0x229: {  	[sflag:s24] =	ssyncadd.s32 $0xFFFFFF80  }
0x22a: {  	_ =	swait.ge [sflag:s7], $0x80  }
0x22b: {  	[sflag:s7] =	ssyncset.done $0x0  }
0x22c: {  	[sflag:s7] =	ssyncadd.s32 $0xFFFFFF80  }
0x22d: {  	v0 =	vld [tilespmem:s9+$0x0]  }
0x22e: {  	v1 =	vld [tilespmem:s28+$0x0];
	_ =	sdelay $0x3  }
0x22f: {  	v0 =	vshll.u32 v0, $0x4  }
0x230: {  	v1 =	vshll.u32 v1, $0x4;
	(v2sf) =	vpush v0, $0x0  }
0x231: {  	(v2sf) =	vpush v1, $0x0  }
0x232: {  	(v2sf) =	vpush v1, $0x1  }
0x233: {  	(v2sf) =	vpush v0, $0x1;
	_ =	sdelay $0x1  }
0x234: {  	(v2sf) =	vpush v1, $0x2;
	_ =	sdelay $0x3  }
0x235: {  	(v2sf) =	vpush v0, $0x2;
	_ =	sdelay $0x1  }
0x236: {  	s10 =	sshra.s32 s29, $0x2;
	s9 =	sadd.s32 $0x8, s9;
	s28 =	sadd.s32 $0x8, s28;
	(v2sf) =	vpush v1, $0x3  }
0x237: {  	s14 =	sadd.s32 $0xB80, s10;
	s2 =	sadd.s32 $0xA00, s10;
	s0 =	sadd.s32 $0x8900, s10  }
0x238: {  	s12 =	sadd.s32 $0x900, s10;
	s16 =	sadd.s32 $0x8A00, s10;
	s13 =	sadd.s32 $0xB00, s10;
	(v2sf) =	vpush v0, $0x3  }
0x239: {  	s31 =	sadd.s32 $0xA80, s10;
	s30 =	sadd.s32 $0x8C00, s10;
	s8 =	sadd.s32 $0x8A80, s10  }
0x23a: {  	s25 =	sadd.s32 $0x8B00, s10;
	s11 =	sadd.s32 $0x8C80, s10;
	s15 =	spop (v2sf);
	(v2sf) =	vpush v1, $0x4  }
0x23b: {  	s17 =	sand.u32 $0x1FFFFFF0, s15;
	s15 =	sadd.s32 $0x8B80, s10;
	s18 =	spop (v2sf)  }
0x23c: {  	s29 =	sadd.s32 $0xC00, s10;
	s18 =	sand.u32 $0x1FFFFFF0, s18;
	s19 =	spop (v2sf);
	(v2sf) =	vpush v0, $0x4  }
0x23d: {  	s18 =	sadd.s32 s3, s18;
	s19 =	sand.u32 $0x1FFFFFF0, s19;
	s20 =	spop (v2sf)  }
0x23e: {  	[tilespmem:s12], [sflag:$0x1] =	stream.linear.gather [hbm4b:s18+s1], $0x80, $0x38;
	(v2sf) =	vpush v1, $0x5;
	[tilespmem:$0x10500] =	vst v63  }
0x23f: {  	s12 =	sadd.s32 s4, s17;
	s17 =	sand.u32 $0x1FFFFFF0, s20;
	s18 =	spop (v2sf)  }
0x240: {  	[tilespmem:s0], [sflag:$0x9] =	stream.linear.gather [hbm4b:s12+s1], $0x80, $0x38;
	(v2sf) =	vpush v0, $0x5;
	[tilespmem:$0x10500] =	vst v63  }
0x241: {  	s0 =	sadd.s32 $0x980, s10;
	s12 =	sadd.s32 s3, s19;
	s18 =	sand.u32 $0x1FFFFFF0, s18  }
0x242: {  	[tilespmem:s0], [sflag:$0x2] =	stream.linear.gather [hbm4b:s12+s1], $0x80, $0x38;
	(v2sf) =	vpush v1, $0x6;
	[tilespmem:$0x10500] =	vst v63  }
0x243: {  	s0 =	sadd.s32 $0x8980, s10;
	s12 =	sadd.s32 s4, s17;
	s17 =	spop (v2sf)  }
0x244: {  	[tilespmem:s0], [sflag:$0xA] =	stream.linear.gather [hbm4b:s12+s1], $0x80, $0x38;
	(v2sf) =	vpush v0, $0x6;
	[tilespmem:$0x10500] =	vst v63  }
0x245: {  	s0 =	sadd.s32 s3, s18;
	s12 =	sand.u32 $0x1FFFFFF0, s17;
	s17 =	spop (v2sf)  }
0x246: {  	[tilespmem:s2], [sflag:$0x3] =	stream.linear.gather [hbm4b:s0+s1], $0x80, $0x38;
	(v2sf) =	vpush v1, $0x7;
	[tilespmem:$0x10500] =	vst v63  }
0x247: {  	s0 =	sadd.s32 s4, s12;
	s2 =	sand.u32 $0x1FFFFFF0, s17;
	s12 =	spop (v2sf)  }
0x248: {  	[tilespmem:s16], [sflag:$0xB] =	stream.linear.gather [hbm4b:s0+s1], $0x80, $0x38;
	(v2sf) =	vpush v0, $0x7;
	[tilespmem:$0x10500] =	vst v63  }
0x249: {  	s0 =	sadd.s32 s3, s2;
	s2 =	sand.u32 $0x1FFFFFF0, s12;
	s12 =	spop (v2sf)  }
0x24a: {  	[tilespmem:s31], [sflag:$0x4] =	stream.linear.gather [hbm4b:s0+s1], $0x80, $0x38;
	[tilespmem:$0x10500] =	vst v63  }
0x24b: {  	s0 =	sadd.s32 s4, s2;
	s2 =	sand.u32 $0x1FFFFFF0, s12;
	s12 =	spop (v2sf)  }
0x24c: {  	[tilespmem:s8], [sflag:$0xC] =	stream.linear.gather [hbm4b:s0+s1], $0x80, $0x38;
	[tilespmem:$0x10500] =	vst v63  }
0x24d: {  	s0 =	sadd.s32 s3, s2;
	s2 =	sand.u32 $0x1FFFFFF0, s12;
	s8 =	spop (v2sf)  }
0x24e: {  	[tilespmem:s13], [sflag:$0x5] =	stream.linear.gather [hbm4b:s0+s1], $0x80, $0x38;
	[tilespmem:$0x10500] =	vst v63  }
0x24f: {  	s0 =	sadd.s32 s4, s2;
	s2 =	sand.u32 $0x1FFFFFF0, s8;
	s8 =	spop (v2sf)  }
0x250: {  	[tilespmem:s25], [sflag:$0xD] =	stream.linear.gather [hbm4b:s0+s1], $0x80, $0x38;
	[tilespmem:$0x10500] =	vst v63  }
0x251: {  	s0 =	sadd.s32 s3, s2  }
.Ltmp1:
0x252: {  	s2 =	sand.u32 $0x1FFFFFF0, s8;
	s8 =	spop (v2sf);
	(pc) =	sbr.rel @p0 .LBB2_4-.Ltmp1, $4  }
0x253: {  	[tilespmem:s14], [sflag:$0x6] =	stream.linear.gather [hbm4b:s0+s1], $0x80, $0x38;
	[tilespmem:$0x10500] =	vst v63  }
0x254: {  	s0 =	sadd.s32 s4, s2;
	s2 =	sand.u32 $0x1FFFFFF0, s8;
	s8 =	spop (v2sf)  }
0x255: {  	[tilespmem:s15], [sflag:$0xE] =	stream.linear.gather [hbm4b:s0+s1], $0x80, $0x38;
	[tilespmem:$0x10500] =	vst v63  }
0x256: {  	s14 =	sadd.s32 s3, s2;
	s13 =	sand.u32 $0x1FFFFFF0, s8;
	s8 =	spop (v2sf)  }
0x257: {  	[tilespmem:s29], [sflag:$0x7] =	stream.linear.gather [hbm4b:s14+s1], $0x80, $0x38;
	[tilespmem:$0x10500] =	vst v63  }
0x258: {  	s0 =	sadd.s32 s4, s13;
	s9 =	sand.u32 $0x1FFFFFF0, s8  }
0x259: {  	[tilespmem:s30], [sflag:$0xF] =	stream.linear.gather [hbm4b:s0+s1], $0x80, $0x38;
	[tilespmem:$0x10500] =	vst v63  }
0x25a: {  	s2 =	sadd.s32 $0xC80, s10;
	s12 =	spop (v2sf);
	s0 =	sadd.s32 s3, s9  }
0x25b: {  	[tilespmem:s2], [sflag:$0x8] =	stream.linear.gather [hbm4b:s0+s1], $0x80, $0x38;
	[tilespmem:$0x10500] =	vst v63  }
0x25c: {  	s0 =	sand.u32 $0x1FFFFFF0, s12  }
0x25d: {  	s13 =	simm.s32 $0x1;
	s0 =	sadd.s32 s4, s0  }
0x25e: {  	[tilespmem:s11], [sflag:$0x10] =	stream.linear.gather [hbm4b:s0+s1], $0x80, $0x38;
	[tilespmem:$0x10500] =	vst v63  }
0x25f: {  	_ =	swait.ge [sflag:s13], $0x80  }
0x260: {  	[sflag:s13] =	ssyncset.done $0x0  }
0x261: {  	s14 =	simm.s32 $0x9;
	[sflag:s13] =	ssyncadd.s32 $0xFFFFFF80  }
0x262: {  	_ =	swait.ge [sflag:s14], $0x80  }
0x263: {  	[sflag:s14] =	ssyncset.done $0x0  }
0x264: {  	s15 =	simm.s32 $0x2;
	[sflag:s14] =	ssyncadd.s32 $0xFFFFFF80  }
0x265: {  	_ =	swait.ge [sflag:s15], $0x80  }
0x266: {  	[sflag:s15] =	ssyncset.done $0x0  }
0x267: {  	s16 =	simm.s32 $0xA;
	[sflag:s15] =	ssyncadd.s32 $0xFFFFFF80  }
0x268: {  	_ =	swait.ge [sflag:s16], $0x80  }
0x269: {  	[sflag:s16] =	ssyncset.done $0x0  }
0x26a: {  	s17 =	simm.s32 $0x3;
	[sflag:s16] =	ssyncadd.s32 $0xFFFFFF80  }
0x26b: {  	_ =	swait.ge [sflag:s17], $0x80  }
0x26c: {  	[sflag:s17] =	ssyncset.done $0x0  }
0x26d: {  	s18 =	simm.s32 $0xB;
	[sflag:s17] =	ssyncadd.s32 $0xFFFFFF80  }
0x26e: {  	_ =	swait.ge [sflag:s18], $0x80  }
0x26f: {  	[sflag:s18] =	ssyncset.done $0x0  }
0x270: {  	s19 =	simm.s32 $0x4;
	[sflag:s18] =	ssyncadd.s32 $0xFFFFFF80  }
0x271: {  	_ =	swait.ge [sflag:s19], $0x80  }
0x272: {  	[sflag:s19] =	ssyncset.done $0x0  }
0x273: {  	s20 =	simm.s32 $0xC;
	[sflag:s19] =	ssyncadd.s32 $0xFFFFFF80  }
0x274: {  	_ =	swait.ge [sflag:s20], $0x80  }
0x275: {  	[sflag:s20] =	ssyncset.done $0x0  }
0x276: {  	s25 =	simm.s32 $0x5;
	[sflag:s20] =	ssyncadd.s32 $0xFFFFFF80  }
0x277: {  	_ =	swait.ge [sflag:s25], $0x80  }
0x278: {  	[sflag:s25] =	ssyncset.done $0x0  }
0x279: {  	[sflag:s25] =	ssyncadd.s32 $0xFFFFFF80  }
0x27a: {  	_ =	swait.ge [sflag:s21], $0x80  }
0x27b: {  	[sflag:s21] =	ssyncset.done $0x0  }
0x27c: {  	[sflag:s21] =	ssyncadd.s32 $0xFFFFFF80  }
0x27d: {  	_ =	swait.ge [sflag:s5], $0x80  }
0x27e: {  	[sflag:s5] =	ssyncset.done $0x0  }
0x27f: {  	[sflag:s5] =	ssyncadd.s32 $0xFFFFFF80  }
0x280: {  	_ =	swait.ge [sflag:s22], $0x80  }
0x281: {  	[sflag:s22] =	ssyncset.done $0x0  }
0x282: {  	[sflag:s22] =	ssyncadd.s32 $0xFFFFFF80  }
0x283: {  	_ =	swait.ge [sflag:s6], $0x80  }
0x284: {  	[sflag:s6] =	ssyncset.done $0x0  }
0x285: {  	[sflag:s6] =	ssyncadd.s32 $0xFFFFFF80  }
0x286: {  	_ =	swait.ge [sflag:s23], $0x80  }
0x287: {  	[sflag:s23] =	ssyncset.done $0x0  }
0x288: {  	[sflag:s23] =	ssyncadd.s32 $0xFFFFFF80  }
0x289: {  	_ =	swait.ge [sflag:s24], $0x80  }
0x28a: {  	[sflag:s24] =	ssyncset.done $0x0  }
0x28b: {  	[sflag:s24] =	ssyncadd.s32 $0xFFFFFF80  }
0x28c: {  	_ =	swait.ge [sflag:s7], $0x80  }
0x28d: {  	s28 =	simm.s32 $0x12;
	[sflag:s7] =	ssyncset.done $0x0  }
0x28e: {  	s9 =	simm.s32 $0x500;
	s26 =	rddreg [dreg:$0x8];
	[sflag:s7] =	ssyncadd.s32 $0xFFFFFF80  }
0x28f: {  	[hbm4b:s26+s1] =	stream.linear.scatter [tilespmem:s9], [sflag:$0x12], $0x8000, $0x38;
	[tilespmem:$0x10500] =	vst v63  }
0x290: {  	_ =	swait.ge [sflag:s28], $0x8000  }
0x291: {  	[sflag:s28] =	ssyncset.done $0x0  }
0x292: {  	s10 =	simm.s32 $0x8500;
	s29 =	rddreg [dreg:$0x9];
	[sflag:s28] =	ssyncadd.s32 $0xFFFF8000  }
0x293: {  	[hbm4b:s29+s1] =	stream.linear.scatter [tilespmem:s10], [sflag:$0x12], $0x8000, $0x38;
	[tilespmem:$0x10500] =	vst v63  }
0x294: {  	_ =	swait.ge [sflag:s28], $0x8000  }
0x295: {  	s30 =	rddreg [dreg:$0xb]  }
0x296: {  	s31 =	rddreg [dreg:$0xa];
	s8 =	sadd.s32 $0x1, s30  }
0x297: {  	p0 =	sne.s32 s8, s31  }
.Ltmp2:
0x298: {  	_ = 	snop;
	(pc) =	sbr.rel @p0 .LBB2_1-.Ltmp2, $3  }
0x299: {  	_ =	sdelay $0x1  }
0x29a: {  	[sflag:s28] =	ssyncset.done $0x0  }
0x29b: {  	[sflag:s28] =	ssyncadd.s32 $0xFFFF8000  }
0x29c: {  	_ =	sfence.sel $0x180000  }
0x29d: {  	[bflag:$0x0] =	sbarrier.arrive $0xFFFF  }
0x29e: {  	_ =	strace $0x90000047  }
0x29f: {  	s0 =	stileid.u32;
	[bflag:$0x2] =	sbarrier.arrive $0xFFFF  }
0x2a0: {  	p0 =	sne.s32 s0, $0x0;
	s0 =	rddreg [dreg:$0x3]  }
0x2a1: {  	s0 =	sadd.s32 @!p0 $0x100000, s0  }
0x2a2: {  	[sflag:s0] =	ssyncadd.tile.s32 @!p0 $0x1;
	_ =	shalt  }
.Lfunc_end2:
_tile_overlayer_lowered:
.L_overlay_start_2:
0x2a3: {  	(tag) =	ssettag $0x2  }
0x2a4: {  	s0 =	rddreg [dreg:$0x0];
	s2 =	stileid.u32  }
0x2a5: {  	s1 =	rddreg [dreg:$0x1];
	p0 =	sne.s32 s2, $0x0  }
0x2a6: {  	s3 =	rddreg [dreg:$0x2];
	[bflag:$0x3] =	sbarrier.arrive $0xFFFF;
	s2 =	simm.s32 @!p0 $0x1C12  }
0x2a7: {  	[timem:s3], [sflag:s2] =	dma.local @!p0 [hbm:s0], s1  }
0x2a8: {  	s0 =	simm.s32 @!p0 $0x12  }
0x2a9: {  	_ =	swait.ge @!p0 [sflag:s0], s1  }
0x2aa: {  	s1 =	ssub.s32 @!p0 $0x0, s1;
	[sflag:s0] =	ssyncset.done @!p0 $0x0  }
0x2ab: {  	[sflag:s0] =	ssyncadd.s32 @!p0 s1  }
0x2ac: {  	[bflag:$0x3] =	sbarrier.arrive $0xFFFF  }
0x2ad: {  	_ =	shalt  }

</sc_bundles>
